<compile_context>
chip_gen: v7x
topology: tpu7x:2x2x1
jax: 0.10.2.dev20260603
libtpu: 0.0.44.dev20260713+nightly
codegen_flags: <defaults>
</compile_context>

<pallas_src>
import functools

import jax
import jax.numpy as jnp
from jax import lax
from jax.experimental import pallas as pl
from jax.experimental.pallas import tpu as pltpu
from jax.experimental.pallas import tpu_sc as plsc

N = 10000
E = 320000
D = 128
H = 128
EPS = 1e-5

NC = 2
NS = 16
NW = NC * NS

NPAD = 10240
ROWS_PER_TILE = NPAD // NS
CH = 96
NCHP = 105
EWP = NCHP * CH
EP = NW * EWP
NACC = 10112
ACC_ROWS_PER_TILE = NACC // NS

_mesh = plsc.VectorSubcoreMesh(core_axis_name="c", subcore_axis_name="s")


def _zero_vmem_2d(buf, rows, cols):
  z = jnp.zeros((16,), jnp.float32)
  npr = cols // 16

  def body(r, _):
    for c in range(npr):
      buf[r, pl.ds(c * 16, 16)] = z
    return 0

  lax.fori_loop(0, rows, body, 0)


def _zero_vmem_1d(buf, n):
  z = jnp.zeros((16,), jnp.float32)

  def body(t, _):
    for c in range(8):
      buf[pl.ds(t * 128 + c * 16, 16)] = z
    return 0

  lax.fori_loop(0, n // 128, body, 0)


@functools.partial(
    pl.kernel,
    out_type=jax.ShapeDtypeStruct((2, NW, NPAD), jnp.float32),
    mesh=_mesh,
    scratch_types=[
        pltpu.VMEM((NPAD,), jnp.float32),
        pltpu.VMEM((NPAD,), jnp.float32),
        pltpu.VMEM((NCHP, 2, CH), jnp.int32),
    ],
    compiler_params=pltpu.CompilerParams(needs_layout_passes=False),
)
def _deg_kernel(eidx_hbm, out_hbm, h_out, h_in, ibuf):
  cid = lax.axis_index("c")
  sid = lax.axis_index("s")
  wid = cid * NS + sid

  pltpu.sync_copy(eidx_hbm.at[wid], ibuf)
  _zero_vmem_1d(h_out, NPAD)
  _zero_vmem_1d(h_in, NPAD)

  ones = jnp.ones((16,), jnp.float32)

  def body(j, _):
    for g in range(CH // 16):
      si = ibuf[j, 0, pl.ds(g * 16, 16)]
      plsc.addupdate_scatter(h_out, [si], ones)
      di = ibuf[j, 1, pl.ds(g * 16, 16)]
      plsc.addupdate_scatter(h_in, [di], ones)
    return 0

  lax.fori_loop(0, NCHP, body, 0)

  pltpu.sync_copy(h_out, out_hbm.at[0, wid])
  pltpu.sync_copy(h_in, out_hbm.at[1, wid])


@functools.partial(
    pl.kernel,
    out_type=jax.ShapeDtypeStruct((NC, NPAD, H), jnp.float32),
    mesh=_mesh,
    scratch_types=[
        pltpu.VMEM_SHARED((NACC, H), jnp.float32),
        pltpu.VMEM((CH,), jnp.int32),
        pltpu.VMEM((CH,), jnp.int32),
        pltpu.VMEM((CH,), jnp.int32),
        pltpu.VMEM((CH,), jnp.int32),
        pltpu.VMEM((CH,), jnp.int32),
        pltpu.VMEM((CH,), jnp.int32),
        pltpu.VMEM((CH, H), jnp.float32),
        pltpu.VMEM((CH, H), jnp.float32),
        pltpu.VMEM((CH, H), jnp.float32),
        pltpu.SemaphoreType.DMA,
        pltpu.SemaphoreType.DMA,
        pltpu.SemaphoreType.DMA,
        pltpu.SemaphoreType.DMA,
        pltpu.SemaphoreType.DMA,
        pltpu.SemaphoreType.DMA,
        pltpu.SemaphoreType.DMA,
        pltpu.SemaphoreType.DMA,
        pltpu.SemaphoreType.DMA,
        pltpu.SemaphoreType.DMA,
        pltpu.SemaphoreType.DMA,
        pltpu.SemaphoreType.DMA,
    ],
    compiler_params=pltpu.CompilerParams(needs_layout_passes=False),
)
def _msg_kernel(y_hbm, eidx_hbm, out_hbm, acc, gi0, gi1, gi2, si0, si1, si2,
                rows0, rows1, rows2, gs0, gs1, gs2, gis0, gis1, gis2,
                ss0, ss1, ss2, sis0, sis1, sis2):
  cid = lax.axis_index("c")
  sid = lax.axis_index("s")
  wid = cid * NS + sid

  _zero_vmem_2d(rows0, CH, H)
  for k in range((ACC_ROWS_PER_TILE + CH - 1) // CH):
    r0 = sid * ACC_ROWS_PER_TILE + k * CH
    nr = min(CH, ACC_ROWS_PER_TILE - k * CH)
    pltpu.sync_copy(rows0.at[pl.ds(0, nr)], acc.at[pl.ds(r0, nr)])
  plsc.subcore_barrier()

  gib = (gi0, gi1, gi2)
  sib = (si0, si1, si2)
  rows = (rows0, rows1, rows2)
  gsems = (gs0, gs1, gs2)
  gisems = (gis0, gis1, gis2)
  ssems = (ss0, ss1, ss2)
  sisems = (sis0, sis1, sis2)

  for p in range(3):
    pltpu.async_copy(eidx_hbm.at[wid, p, 0], gib[p], gisems[p])
  for p in range(2):
    pltpu.async_copy(eidx_hbm.at[wid, p, 1], sib[p], sisems[p])
  for p in range(2):
    pltpu.make_async_copy(eidx_hbm.at[wid, p, 0], gib[p], gisems[p]).wait()
    pltpu.async_copy(y_hbm.at[gib[p]], rows[p], gsems[p])

  def body(k, _):
    for t in range(3):
      j = 3 * k + t
      t2 = (t + 2) % 3
      pltpu.make_async_copy(y_hbm.at[gib[t]], rows[t], gsems[t]).wait()
      pltpu.make_async_copy(eidx_hbm.at[wid, j, 1], sib[t], sisems[t]).wait()
      pltpu.async_copy(rows[t], acc.at[sib[t]], ssems[t], add=True)

      @pl.when(j >= 1)
      def _():
        pltpu.make_async_copy(rows[t2], acc.at[sib[t2]], ssems[t2]).wait()

      @pl.when(j + 2 < NCHP)
      def _():
        pltpu.async_copy(eidx_hbm.at[wid, j + 2, 1], sib[t2], sisems[t2])
        pltpu.make_async_copy(eidx_hbm.at[wid, j + 2, 0], gib[t2],
                              gisems[t2]).wait()
        pltpu.async_copy(y_hbm.at[gib[t2]], rows[t2], gsems[t2])

      @pl.when(j + 3 < NCHP)
      def _():
        pltpu.async_copy(eidx_hbm.at[wid, j + 3, 0], gib[t], gisems[t])
    return 0

  lax.fori_loop(0, NCHP // 3, body, 0)

  tl = (NCHP - 1) % 3
  pltpu.make_async_copy(rows[tl], acc.at[sib[tl]], ssems[tl]).wait()
  plsc.subcore_barrier()
  r0 = sid * ACC_ROWS_PER_TILE
  pltpu.sync_copy(acc.at[pl.ds(r0, ACC_ROWS_PER_TILE)],
                  out_hbm.at[cid, pl.ds(r0, ACC_ROWS_PER_TILE)])


BR = 2048
GRID = NPAD // BR

_row_spec = pl.BlockSpec((BR, H), lambda i: (i, 0))
_deg_spec = pl.BlockSpec((2, NW, BR), lambda i: (0, 0, i))
_par_spec = pl.BlockSpec((NC, BR, H), lambda i: (0, i, 0))
_vec_spec = pl.BlockSpec((1, H), lambda i: (0, 0))
_mat_spec = pl.BlockSpec((H, H), lambda i: (0, 0))


def _deg_scales(deg_blk):
  dsum = jnp.sum(deg_blk, axis=1)
  dout = lax.rsqrt(jnp.maximum(dsum[0], 1.0))
  din = lax.rsqrt(jnp.maximum(dsum[1], 1.0))
  return dout, din


def _t1_body(h_ref, deg_ref, fg_ref, fb_ref, w_ref, b_ref, g0_ref, b0_ref,
             y_ref):
  dout, _ = _deg_scales(deg_ref[...])
  s = 1.0 / jnp.sqrt(1.0 + EPS)
  x = h_ref[...] * (fg_ref[...] * s) + fb_ref[...]
  x = jnp.maximum(jnp.dot(x, w_ref[...], preferred_element_type=jnp.float32)
                  + b_ref[...], 0.0)
  x = x * (g0_ref[...] * s) + b0_ref[...]
  y_ref[...] = x * dout[:, None]


def _t2_body(mp_ref, deg_ref, w_ref, b_ref, gn_ref, bn_ref, y_ref):
  dout, din = _deg_scales(deg_ref[...])
  s = 1.0 / jnp.sqrt(1.0 + EPS)
  m = (mp_ref[0] + mp_ref[1]) * din[:, None]
  x = jnp.maximum(jnp.dot(m, w_ref[...], preferred_element_type=jnp.float32)
                  + b_ref[...], 0.0)
  x = x * (gn_ref[...] * s) + bn_ref[...]
  y_ref[...] = x * dout[:, None]


def _t3_body(mp_ref, deg_ref, w_ref, b_ref, fcg_ref, fcb_ref, fcw_ref,
             fcb2_ref, hg_ref, hb_ref, out_ref, acc_ref):
  i = pl.program_id(0)
  _, din = _deg_scales(deg_ref[...])
  m = (mp_ref[0] + mp_ref[1]) * din[:, None]
  x = jnp.maximum(jnp.dot(m, w_ref[...], preferred_element_type=jnp.float32)
                  + b_ref[...], 0.0)
  row = i * BR + lax.broadcasted_iota(jnp.int32, (BR, 1), 0)
  x = jnp.where(row < N, x, 0.0)
  part = jnp.sum(x, axis=0, keepdims=True)

  @pl.when(i == 0)
  def _():
    acc_ref[...] = part

  @pl.when(i > 0)
  def _():
    acc_ref[...] = acc_ref[...] + part

  @pl.when(i == GRID - 1)
  def _():
    s = 1.0 / jnp.sqrt(1.0 + EPS)
    v = acc_ref[...] * (fcg_ref[...] * s) + fcb_ref[...]
    v = jnp.maximum(
        jnp.dot(v, fcw_ref[...], preferred_element_type=jnp.float32)
        + fcb2_ref[...], 0.0)
    out_ref[...] = v * (hg_ref[...] * s) + hb_ref[...]


def kernel(h, edge_index, bn_feat_g, bn_feat_b, W_feat, b_feat,
           conv0_bn_g, conv0_bn_b, conv0_W, conv0_b,
           conv1_bn_g, conv1_bn_b, conv1_W, conv1_b,
           conv2_bn_g, conv2_bn_b, conv2_W, conv2_b,
           fc0_bn_g, fc0_bn_b, fc0_W, fc0_b,
           bn_hid_g, bn_hid_b):
  pad_idx = (N + jnp.arange(EP - E, dtype=jnp.int32) % (NACC - N))
  pad_idx = jnp.broadcast_to(pad_idx, (2, EP - E))
  eidx = (jnp.concatenate([edge_index.astype(jnp.int32), pad_idx], axis=1)
          .reshape(2, NW, NCHP, CH).transpose(1, 2, 0, 3))
  h_pad = jnp.pad(h, ((0, NPAD - N), (0, 0)))

  deg = _deg_kernel(eidx)

  r2 = lambda a: a.reshape(1, H)

  y0 = pl.pallas_call(
      _t1_body,
      grid=(GRID,),
      in_specs=[_row_spec, _deg_spec, _vec_spec, _vec_spec, _mat_spec,
                _vec_spec, _vec_spec, _vec_spec],
      out_specs=_row_spec,
      out_shape=jax.ShapeDtypeStruct((NPAD, H), jnp.float32),
  )(h_pad, deg, r2(bn_feat_g), r2(bn_feat_b), W_feat, r2(b_feat),
    r2(conv0_bn_g), r2(conv0_bn_b))

  mp0 = _msg_kernel(y0, eidx)

  y1 = pl.pallas_call(
      _t2_body,
      grid=(GRID,),
      in_specs=[_par_spec, _deg_spec, _mat_spec, _vec_spec, _vec_spec,
                _vec_spec],
      out_specs=_row_spec,
      out_shape=jax.ShapeDtypeStruct((NPAD, H), jnp.float32),
  )(mp0, deg, conv0_W, r2(conv0_b), r2(conv1_bn_g), r2(conv1_bn_b))

  mp1 = _msg_kernel(y1, eidx)

  y2 = pl.pallas_call(
      _t2_body,
      grid=(GRID,),
      in_specs=[_par_spec, _deg_spec, _mat_spec, _vec_spec, _vec_spec,
                _vec_spec],
      out_specs=_row_spec,
      out_shape=jax.ShapeDtypeStruct((NPAD, H), jnp.float32),
  )(mp1, deg, conv1_W, r2(conv1_b), r2(conv2_bn_g), r2(conv2_bn_b))

  mp2 = _msg_kernel(y2, eidx)

  out = pl.pallas_call(
      _t3_body,
      grid=(GRID,),
      in_specs=[_par_spec, _deg_spec, _mat_spec, _vec_spec, _vec_spec,
                _vec_spec, _mat_spec, _vec_spec, _vec_spec, _vec_spec],
      out_specs=pl.BlockSpec((1, H), lambda i: (0, 0)),
      out_shape=jax.ShapeDtypeStruct((1, H), jnp.float32),
      scratch_shapes=[pltpu.VMEM((1, H), jnp.float32)],
  )(mp2, deg, conv2_W, r2(conv2_b), r2(fc0_bn_g), r2(fc0_bn_b), fc0_W,
    r2(fc0_b), r2(bn_hid_g), r2(bn_hid_b))

  return out

# --- scband reference (transcript-rebuilt; emitter-appended) ---
"""Pipeline reference for scband-res-gcn-59880434041371 (READ-ONLY COPY).

The authoritative reference and input builder live on the scoring server;
editing this copy changes nothing except your own understanding.
"""

import jax, jax.numpy as jnp
import numpy as np

N = 10000
E = 320000
D = 128
H = 128
EPS = 1e-5


def _bn(x, g, b):
    # eval-mode BatchNorm1d: running_mean=0, running_var=1
    return x * (g / jnp.sqrt(1.0 + EPS)) + b


def _gcn(x, src, dst, W, b):
    # DGL GraphConv with norm='both', allow_zero_in_degree=True
    deg_out = jnp.maximum(jnp.bincount(src, length=N), 1).astype(x.dtype)
    deg_in = jnp.maximum(jnp.bincount(dst, length=N), 1).astype(x.dtype)
    x = x * (deg_out ** -0.5)[:, None]
    m = jax.ops.segment_sum(x[src], dst, num_segments=N)
    m = m * (deg_in ** -0.5)[:, None]
    return m @ W + b


def setup_inputs(seed: int = 0):
    key = jax.random.key(seed)
    ks = jax.random.split(key, 16)
    inp = {}
    inp['h'] = jax.random.normal(ks[0], (N, D), dtype=jnp.float32)
    inp['edge_index'] = jax.random.randint(ks[1], (2, E), 0, N)
    inp['bn_feat_g'] = jnp.ones((D,), jnp.float32)
    inp['bn_feat_b'] = jnp.zeros((D,), jnp.float32)
    inp['W_feat'] = jax.random.normal(ks[2], (D, H), jnp.float32) * 0.05
    inp['b_feat'] = jnp.zeros((H,), jnp.float32)
    for i in range(3):
        inp['conv%d_bn_g' % i] = jnp.ones((H,), jnp.float32)
        inp['conv%d_bn_b' % i] = jnp.zeros((H,), jnp.float32)
        inp['conv%d_W' % i] = jax.random.normal(ks[3 + i], (H, H), jnp.float32) * 0.05
        inp['conv%d_b' % i] = jnp.zeros((H,), jnp.float32)
    inp['fc0_bn_g'] = jnp.ones((H,), jnp.float32)
    inp['fc0_bn_b'] = jnp.zeros((H,), jnp.float32)
    inp['fc0_W'] = jax.random.normal(ks[6], (H, H), jnp.float32) * 0.05
    inp['fc0_b'] = jnp.zeros((H,), jnp.float32)
    inp['bn_hid_g'] = jnp.ones((H,), jnp.float32)
    inp['bn_hid_b'] = jnp.zeros((H,), jnp.float32)
    return inp


def reference(h, edge_index, bn_feat_g, bn_feat_b, W_feat, b_feat,
              conv0_bn_g, conv0_bn_b, conv0_W, conv0_b,
              conv1_bn_g, conv1_bn_b, conv1_W, conv1_b,
              conv2_bn_g, conv2_bn_b, conv2_W, conv2_b,
              fc0_bn_g, fc0_bn_b, fc0_W, fc0_b,
              bn_hid_g, bn_hid_b):
    src, dst = edge_index[0], edge_index[1]
    x = _bn(h, bn_feat_g, bn_feat_b)
    x = jax.nn.relu(x @ W_feat + b_feat)
    convs = [(conv0_bn_g, conv0_bn_b, conv0_W, conv0_b),
             (conv1_bn_g, conv1_bn_b, conv1_W, conv1_b),
             (conv2_bn_g, conv2_bn_b, conv2_W, conv2_b)]
    for g, b, W, bb in convs:
        x_ = _bn(x, g, b)
        x_ = jax.nn.relu(_gcn(x_, src, dst, W, bb))
        x = x_  # residual=False
    x = jnp.sum(x, axis=0, keepdims=True)  # SumPooling over single graph -> [1, H]
    x = _bn(x, fc0_bn_g, fc0_bn_b)
    x = jax.nn.relu(x @ fc0_W + fc0_b)
    x = _bn(x, bn_hid_g, bn_hid_b)
    # dropout p=0.0, head=False, mlp=False -> return h
    return x

if __name__ == "__main__":
    import jax
    _d = setup_inputs()
    print(jax.jit(kernel)(*tuple(_d.values())))

</pallas_src>

<mosaic_0001>
#map = affine_map<(d0, d1) -> (0, 0)>
#map1 = affine_map<(d0, d1) -> (0, 0, 0, 0)>
#map2 = affine_map<(d0, d1) -> (0, 0, 0)>
module attributes {stable_mosaic.version = 14 : i64} {
  func.func @_msg_kernel(%arg0: i32, %arg1: i32, %arg2: memref<10240x128xf32, #tpu.memory_space<hbm>>, %arg3: memref<32x105x2x96xi32, #tpu.memory_space<hbm>>, %arg4: memref<2x10240x128xf32, #tpu.memory_space<hbm>>, %arg5: memref<10112x128xf32, #tpu.memory_space<vmem_shared>>, %arg6: memref<96xi32, #tpu.memory_space<vmem>>, %arg7: memref<96xi32, #tpu.memory_space<vmem>>, %arg8: memref<96xi32, #tpu.memory_space<vmem>>, %arg9: memref<96xi32, #tpu.memory_space<vmem>>, %arg10: memref<96xi32, #tpu.memory_space<vmem>>, %arg11: memref<96xi32, #tpu.memory_space<vmem>>, %arg12: memref<96x128xf32, #tpu.memory_space<vmem>>, %arg13: memref<96x128xf32, #tpu.memory_space<vmem>>, %arg14: memref<96x128xf32, #tpu.memory_space<vmem>>, %arg15: memref<!tpu.dma_semaphore, #tpu.memory_space<semaphore_mem>>, %arg16: memref<!tpu.dma_semaphore, #tpu.memory_space<semaphore_mem>>, %arg17: memref<!tpu.dma_semaphore, #tpu.memory_space<semaphore_mem>>, %arg18: memref<!tpu.dma_semaphore, #tpu.memory_space<semaphore_mem>>, %arg19: memref<!tpu.dma_semaphore, #tpu.memory_space<semaphore_mem>>, %arg20: memref<!tpu.dma_semaphore, #tpu.memory_space<semaphore_mem>>, %arg21: memref<!tpu.dma_semaphore, #tpu.memory_space<semaphore_mem>>, %arg22: memref<!tpu.dma_semaphore, #tpu.memory_space<semaphore_mem>>, %arg23: memref<!tpu.dma_semaphore, #tpu.memory_space<semaphore_mem>>, %arg24: memref<!tpu.dma_semaphore, #tpu.memory_space<semaphore_mem>>, %arg25: memref<!tpu.dma_semaphore, #tpu.memory_space<semaphore_mem>>, %arg26: memref<!tpu.dma_semaphore, #tpu.memory_space<semaphore_mem>>) attributes {dimension_semantics = [#tpu.dimension_semantics<core_parallel>, #tpu.dimension_semantics<subcore_parallel>], iteration_bounds = array<i64: 2, 16>, scalar_prefetch = 0 : i64, scratch_operands = 22 : i64, tpu.core_type = #tpu.core_type<sc_vector_subcore>, window_params = [{transform_indices = #map}, {transform_indices = #map1}, {transform_indices = #map2}]} {
    %mul3A = arith.constant 16 : i32
    %mul3A_0 = arith.muli %arg0, %mul3A : i32
    %add3A = arith.addi %mul3A_0, %arg1 : i32
    %broadcast_in_dim3A = arith.constant 0.000000e+00 : f32
    %broadcast_in_dim3A_1 = vector.broadcast %broadcast_in_dim3A : f32 to vector<16xf32>
    %scan3A = arith.constant 0 : i32
    %scan3A_2 = arith.constant 0 : i32
    %scan3A_3 = arith.constant 96 : i32
    %scan3A_4 = arith.addi %scan3A_2, %scan3A_3 : i32
    %scan3A_5 = arith.constant 1 : i32
    %scan3A_6 = scf.for %scan3A_109 = %scan3A_2 to %scan3A_4 step %scan3A_5 iter_args(%scan3A_110 = %scan3A) -> (i32)  : i32 {
      %swap3A = arith.index_cast %scan3A_109 : i32 to index
      %swap3A_111 = arith.constant 0 : index
      %swap3A_112 = tpu.vector_load %arg12[%swap3A, %swap3A_111] {strides = array<i32>} : memref<96x128xf32, #tpu.memory_space<vmem>>, vector<16xf32>,
      tpu.vector_store %arg12[%swap3A, %swap3A_111], %broadcast_in_dim3A_1 {strides = array<i32>} : memref<96x128xf32, #tpu.memory_space<vmem>>, vector<16xf32>,
      %swap3A_113 = arith.index_cast %scan3A_109 : i32 to index
      %swap3A_114 = arith.constant 16 : index
      %swap3A_115 = tpu.vector_load %arg12[%swap3A_113, %swap3A_114] {strides = array<i32>} : memref<96x128xf32, #tpu.memory_space<vmem>>, vector<16xf32>,
      tpu.vector_store %arg12[%swap3A_113, %swap3A_114], %broadcast_in_dim3A_1 {strides = array<i32>} : memref<96x128xf32, #tpu.memory_space<vmem>>, vector<16xf32>,
      %swap3A_116 = arith.index_cast %scan3A_109 : i32 to index
      %swap3A_117 = arith.constant 32 : index
      %swap3A_118 = tpu.vector_load %arg12[%swap3A_116, %swap3A_117] {strides = array<i32>} : memref<96x128xf32, #tpu.memory_space<vmem>>, vector<16xf32>,
      tpu.vector_store %arg12[%swap3A_116, %swap3A_117], %broadcast_in_dim3A_1 {strides = array<i32>} : memref<96x128xf32, #tpu.memory_space<vmem>>, vector<16xf32>,
      %swap3A_119 = arith.index_cast %scan3A_109 : i32 to index
      %swap3A_120 = arith.constant 48 : index
      %swap3A_121 = tpu.vector_load %arg12[%swap3A_119, %swap3A_120] {strides = array<i32>} : memref<96x128xf32, #tpu.memory_space<vmem>>, vector<16xf32>,
      tpu.vector_store %arg12[%swap3A_119, %swap3A_120], %broadcast_in_dim3A_1 {strides = array<i32>} : memref<96x128xf32, #tpu.memory_space<vmem>>, vector<16xf32>,
      %swap3A_122 = arith.index_cast %scan3A_109 : i32 to index
      %swap3A_123 = arith.constant 64 : index
      %swap3A_124 = tpu.vector_load %arg12[%swap3A_122, %swap3A_123] {strides = array<i32>} : memref<96x128xf32, #tpu.memory_space<vmem>>, vector<16xf32>,
      tpu.vector_store %arg12[%swap3A_122, %swap3A_123], %broadcast_in_dim3A_1 {strides = array<i32>} : memref<96x128xf32, #tpu.memory_space<vmem>>, vector<16xf32>,
      %swap3A_125 = arith.index_cast %scan3A_109 : i32 to index
      %swap3A_126 = arith.constant 80 : index
      %swap3A_127 = tpu.vector_load %arg12[%swap3A_125, %swap3A_126] {strides = array<i32>} : memref<96x128xf32, #tpu.memory_space<vmem>>, vector<16xf32>,
      tpu.vector_store %arg12[%swap3A_125, %swap3A_126], %broadcast_in_dim3A_1 {strides = array<i32>} : memref<96x128xf32, #tpu.memory_space<vmem>>, vector<16xf32>,
      %swap3A_128 = arith.index_cast %scan3A_109 : i32 to index
      %swap3A_129 = arith.constant 96 : index
      %swap3A_130 = tpu.vector_load %arg12[%swap3A_128, %swap3A_129] {strides = array<i32>} : memref<96x128xf32, #tpu.memory_space<vmem>>, vector<16xf32>,
      tpu.vector_store %arg12[%swap3A_128, %swap3A_129], %broadcast_in_dim3A_1 {strides = array<i32>} : memref<96x128xf32, #tpu.memory_space<vmem>>, vector<16xf32>,
      %swap3A_131 = arith.index_cast %scan3A_109 : i32 to index
      %swap3A_132 = arith.constant 112 : index
      %swap3A_133 = tpu.vector_load %arg12[%swap3A_131, %swap3A_132] {strides = array<i32>} : memref<96x128xf32, #tpu.memory_space<vmem>>, vector<16xf32>,
      tpu.vector_store %arg12[%swap3A_131, %swap3A_132], %broadcast_in_dim3A_1 {strides = array<i32>} : memref<96x128xf32, #tpu.memory_space<vmem>>, vector<16xf32>,
      %scan3A_134 = arith.constant 0 : i32
      scf.yield %scan3A_134 : i32
    }
    %scan3A_7 = arith.constant 96 : i32
    %mul3A_8 = arith.constant 632 : i32
    %mul3A_9 = arith.muli %arg1, %mul3A_8 : i32
    %add3A_10 = arith.constant 0 : i32
    %add3A_11 = arith.addi %mul3A_9, %add3A_10 : i32
    "tpu.region"() ({
      %run_scoped3A = tpu.sem_alloc : memref<!tpu.dma_semaphore, #tpu.memory_space<semaphore_mem>>
      %dma_start3A_109 = arith.constant 0 : i32
      %dma_start3A_110 = arith.constant 0 : i32
      %dma_start3A_111 = tpu.memref_slice %arg12[%dma_start3A_109, %dma_start3A_110] : memref<96x128xf32, #tpu.memory_space<vmem>> -> memref<96x128xf32, #tpu.memory_space<vmem>>
      %dma_start3A_112 = arith.constant 0 : i32
      %dma_start3A_113 = tpu.memref_slice %arg5[%add3A_11, %dma_start3A_112] : memref<10112x128xf32, #tpu.memory_space<vmem_shared>> -> memref<96x128xf32, #tpu.memory_space<vmem_shared>>
      %dma_start3A_114 = arith.constant 0 : i32
      %dma_start3A_115 = tpu.memref_slice %arg5[%add3A_11, %dma_start3A_114] : memref<10112x128xf32, #tpu.memory_space<vmem_shared>> -> memref<96x128xf32, #tpu.memory_space<vmem_shared>>
      %dma_start3A_116 = arith.constant 0 : i32
      %dma_start3A_117 = arith.constant 0 : i32
      %dma_start3A_118 = tpu.memref_slice %arg12[%dma_start3A_116, %dma_start3A_117] : memref<96x128xf32, #tpu.memory_space<vmem>> -> memref<96x128xf32, #tpu.memory_space<vmem>>
      tpu.enqueue_dma source(%dma_start3A_118 : memref<96x128xf32, #tpu.memory_space<vmem>>) target(%dma_start3A_115 : memref<96x128xf32, #tpu.memory_space<vmem_shared>>) target_semaphore(%run_scoped3A : memref<!tpu.dma_semaphore, #tpu.memory_space<semaphore_mem>>)
      %dma_wait3A_119 = arith.constant 0 : i32
      %dma_wait3A_120 = arith.constant 0 : i32
      %dma_wait3A_121 = tpu.memref_slice %arg12[%dma_wait3A_119, %dma_wait3A_120] : memref<96x128xf32, #tpu.memory_space<vmem>> -> memref<96x128xf32, #tpu.memory_space<vmem>>
      %dma_wait3A_122 = arith.constant 0 : i32
      %dma_wait3A_123 = tpu.memref_slice %arg5[%add3A_11, %dma_wait3A_122] : memref<10112x128xf32, #tpu.memory_space<vmem_shared>> -> memref<96x128xf32, #tpu.memory_space<vmem_shared>>
      %dma_wait3A_124 = arith.constant 0 : i32
      %dma_wait3A_125 = tpu.memref_slice %arg5[%add3A_11, %dma_wait3A_124] : memref<10112x128xf32, #tpu.memory_space<vmem_shared>> -> memref<96x128xf32, #tpu.memory_space<vmem_shared>>
      %dma_wait3A_126 = arith.constant 0 : i32
      %dma_wait3A_127 = arith.constant 0 : i32
      %dma_wait3A_128 = tpu.memref_slice %arg12[%dma_wait3A_126, %dma_wait3A_127] : memref<96x128xf32, #tpu.memory_space<vmem>> -> memref<96x128xf32, #tpu.memory_space<vmem>>
      tpu.wait_dma2 semaphore(%run_scoped3A : memref<!tpu.dma_semaphore, #tpu.memory_space<semaphore_mem>>) src(%dma_wait3A_128 : memref<96x128xf32, #tpu.memory_space<vmem>>) dst(%dma_wait3A_125 : memref<96x128xf32, #tpu.memory_space<vmem_shared>>)
      tpu.yield
    }) : () -> ()
    %mul3A_12 = arith.constant 632 : i32
    %mul3A_13 = arith.muli %arg1, %mul3A_12 : i32
    %add3A_14 = arith.constant 96 : i32
    %add3A_15 = arith.addi %mul3A_13, %add3A_14 : i32
    "tpu.region"() ({
      %run_scoped3A = tpu.sem_alloc : memref<!tpu.dma_semaphore, #tpu.memory_space<semaphore_mem>>
      %dma_start3A_109 = arith.constant 0 : i32
      %dma_start3A_110 = arith.constant 0 : i32
      %dma_start3A_111 = tpu.memref_slice %arg12[%dma_start3A_109, %dma_start3A_110] : memref<96x128xf32, #tpu.memory_space<vmem>> -> memref<96x128xf32, #tpu.memory_space<vmem>>
      %dma_start3A_112 = arith.constant 0 : i32
      %dma_start3A_113 = tpu.memref_slice %arg5[%add3A_15, %dma_start3A_112] : memref<10112x128xf32, #tpu.memory_space<vmem_shared>> -> memref<96x128xf32, #tpu.memory_space<vmem_shared>>
      %dma_start3A_114 = arith.constant 0 : i32
      %dma_start3A_115 = tpu.memref_slice %arg5[%add3A_15, %dma_start3A_114] : memref<10112x128xf32, #tpu.memory_space<vmem_shared>> -> memref<96x128xf32, #tpu.memory_space<vmem_shared>>
      %dma_start3A_116 = arith.constant 0 : i32
      %dma_start3A_117 = arith.constant 0 : i32
      %dma_start3A_118 = tpu.memref_slice %arg12[%dma_start3A_116, %dma_start3A_117] : memref<96x128xf32, #tpu.memory_space<vmem>> -> memref<96x128xf32, #tpu.memory_space<vmem>>
      tpu.enqueue_dma source(%dma_start3A_118 : memref<96x128xf32, #tpu.memory_space<vmem>>) target(%dma_start3A_115 : memref<96x128xf32, #tpu.memory_space<vmem_shared>>) target_semaphore(%run_scoped3A : memref<!tpu.dma_semaphore, #tpu.memory_space<semaphore_mem>>)
      %dma_wait3A_119 = arith.constant 0 : i32
      %dma_wait3A_120 = arith.constant 0 : i32
      %dma_wait3A_121 = tpu.memref_slice %arg12[%dma_wait3A_119, %dma_wait3A_120] : memref<96x128xf32, #tpu.memory_space<vmem>> -> memref<96x128xf32, #tpu.memory_space<vmem>>
      %dma_wait3A_122 = arith.constant 0 : i32
      %dma_wait3A_123 = tpu.memref_slice %arg5[%add3A_15, %dma_wait3A_122] : memref<10112x128xf32, #tpu.memory_space<vmem_shared>> -> memref<96x128xf32, #tpu.memory_space<vmem_shared>>
      %dma_wait3A_124 = arith.constant 0 : i32
      %dma_wait3A_125 = tpu.memref_slice %arg5[%add3A_15, %dma_wait3A_124] : memref<10112x128xf32, #tpu.memory_space<vmem_shared>> -> memref<96x128xf32, #tpu.memory_space<vmem_shared>>
      %dma_wait3A_126 = arith.constant 0 : i32
      %dma_wait3A_127 = arith.constant 0 : i32
      %dma_wait3A_128 = tpu.memref_slice %arg12[%dma_wait3A_126, %dma_wait3A_127] : memref<96x128xf32, #tpu.memory_space<vmem>> -> memref<96x128xf32, #tpu.memory_space<vmem>>
      tpu.wait_dma2 semaphore(%run_scoped3A : memref<!tpu.dma_semaphore, #tpu.memory_space<semaphore_mem>>) src(%dma_wait3A_128 : memref<96x128xf32, #tpu.memory_space<vmem>>) dst(%dma_wait3A_125 : memref<96x128xf32, #tpu.memory_space<vmem_shared>>)
      tpu.yield
    }) : () -> ()
    %mul3A_16 = arith.constant 632 : i32
    %mul3A_17 = arith.muli %arg1, %mul3A_16 : i32
    %add3A_18 = arith.constant 192 : i32
    %add3A_19 = arith.addi %mul3A_17, %add3A_18 : i32
    "tpu.region"() ({
      %run_scoped3A = tpu.sem_alloc : memref<!tpu.dma_semaphore, #tpu.memory_space<semaphore_mem>>
      %dma_start3A_109 = arith.constant 0 : i32
      %dma_start3A_110 = arith.constant 0 : i32
      %dma_start3A_111 = tpu.memref_slice %arg12[%dma_start3A_109, %dma_start3A_110] : memref<96x128xf32, #tpu.memory_space<vmem>> -> memref<96x128xf32, #tpu.memory_space<vmem>>
      %dma_start3A_112 = arith.constant 0 : i32
      %dma_start3A_113 = tpu.memref_slice %arg5[%add3A_19, %dma_start3A_112] : memref<10112x128xf32, #tpu.memory_space<vmem_shared>> -> memref<96x128xf32, #tpu.memory_space<vmem_shared>>
      %dma_start3A_114 = arith.constant 0 : i32
      %dma_start3A_115 = tpu.memref_slice %arg5[%add3A_19, %dma_start3A_114] : memref<10112x128xf32, #tpu.memory_space<vmem_shared>> -> memref<96x128xf32, #tpu.memory_space<vmem_shared>>
      %dma_start3A_116 = arith.constant 0 : i32
      %dma_start3A_117 = arith.constant 0 : i32
      %dma_start3A_118 = tpu.memref_slice %arg12[%dma_start3A_116, %dma_start3A_117] : memref<96x128xf32, #tpu.memory_space<vmem>> -> memref<96x128xf32, #tpu.memory_space<vmem>>
      tpu.enqueue_dma source(%dma_start3A_118 : memref<96x128xf32, #tpu.memory_space<vmem>>) target(%dma_start3A_115 : memref<96x128xf32, #tpu.memory_space<vmem_shared>>) target_semaphore(%run_scoped3A : memref<!tpu.dma_semaphore, #tpu.memory_space<semaphore_mem>>)
      %dma_wait3A_119 = arith.constant 0 : i32
      %dma_wait3A_120 = arith.constant 0 : i32
      %dma_wait3A_121 = tpu.memref_slice %arg12[%dma_wait3A_119, %dma_wait3A_120] : memref<96x128xf32, #tpu.memory_space<vmem>> -> memref<96x128xf32, #tpu.memory_space<vmem>>
      %dma_wait3A_122 = arith.constant 0 : i32
      %dma_wait3A_123 = tpu.memref_slice %arg5[%add3A_19, %dma_wait3A_122] : memref<10112x128xf32, #tpu.memory_space<vmem_shared>> -> memref<96x128xf32, #tpu.memory_space<vmem_shared>>
      %dma_wait3A_124 = arith.constant 0 : i32
      %dma_wait3A_125 = tpu.memref_slice %arg5[%add3A_19, %dma_wait3A_124] : memref<10112x128xf32, #tpu.memory_space<vmem_shared>> -> memref<96x128xf32, #tpu.memory_space<vmem_shared>>
      %dma_wait3A_126 = arith.constant 0 : i32
      %dma_wait3A_127 = arith.constant 0 : i32
      %dma_wait3A_128 = tpu.memref_slice %arg12[%dma_wait3A_126, %dma_wait3A_127] : memref<96x128xf32, #tpu.memory_space<vmem>> -> memref<96x128xf32, #tpu.memory_space<vmem>>
      tpu.wait_dma2 semaphore(%run_scoped3A : memref<!tpu.dma_semaphore, #tpu.memory_space<semaphore_mem>>) src(%dma_wait3A_128 : memref<96x128xf32, #tpu.memory_space<vmem>>) dst(%dma_wait3A_125 : memref<96x128xf32, #tpu.memory_space<vmem_shared>>)
      tpu.yield
    }) : () -> ()
    %mul3A_20 = arith.constant 632 : i32
    %mul3A_21 = arith.muli %arg1, %mul3A_20 : i32
    %add3A_22 = arith.constant 288 : i32
    %add3A_23 = arith.addi %mul3A_21, %add3A_22 : i32
    "tpu.region"() ({
      %run_scoped3A = tpu.sem_alloc : memref<!tpu.dma_semaphore, #tpu.memory_space<semaphore_mem>>
      %dma_start3A_109 = arith.constant 0 : i32
      %dma_start3A_110 = arith.constant 0 : i32
      %dma_start3A_111 = tpu.memref_slice %arg12[%dma_start3A_109, %dma_start3A_110] : memref<96x128xf32, #tpu.memory_space<vmem>> -> memref<96x128xf32, #tpu.memory_space<vmem>>
      %dma_start3A_112 = arith.constant 0 : i32
      %dma_start3A_113 = tpu.memref_slice %arg5[%add3A_23, %dma_start3A_112] : memref<10112x128xf32, #tpu.memory_space<vmem_shared>> -> memref<96x128xf32, #tpu.memory_space<vmem_shared>>
      %dma_start3A_114 = arith.constant 0 : i32
      %dma_start3A_115 = tpu.memref_slice %arg5[%add3A_23, %dma_start3A_114] : memref<10112x128xf32, #tpu.memory_space<vmem_shared>> -> memref<96x128xf32, #tpu.memory_space<vmem_shared>>
      %dma_start3A_116 = arith.constant 0 : i32
      %dma_start3A_117 = arith.constant 0 : i32
      %dma_start3A_118 = tpu.memref_slice %arg12[%dma_start3A_116, %dma_start3A_117] : memref<96x128xf32, #tpu.memory_space<vmem>> -> memref<96x128xf32, #tpu.memory_space<vmem>>
      tpu.enqueue_dma source(%dma_start3A_118 : memref<96x128xf32, #tpu.memory_space<vmem>>) target(%dma_start3A_115 : memref<96x128xf32, #tpu.memory_space<vmem_shared>>) target_semaphore(%run_scoped3A : memref<!tpu.dma_semaphore, #tpu.memory_space<semaphore_mem>>)
      %dma_wait3A_119 = arith.constant 0 : i32
      %dma_wait3A_120 = arith.constant 0 : i32
      %dma_wait3A_121 = tpu.memref_slice %arg12[%dma_wait3A_119, %dma_wait3A_120] : memref<96x128xf32, #tpu.memory_space<vmem>> -> memref<96x128xf32, #tpu.memory_space<vmem>>
      %dma_wait3A_122 = arith.constant 0 : i32
      %dma_wait3A_123 = tpu.memref_slice %arg5[%add3A_23, %dma_wait3A_122] : memref<10112x128xf32, #tpu.memory_space<vmem_shared>> -> memref<96x128xf32, #tpu.memory_space<vmem_shared>>
      %dma_wait3A_124 = arith.constant 0 : i32
      %dma_wait3A_125 = tpu.memref_slice %arg5[%add3A_23, %dma_wait3A_124] : memref<10112x128xf32, #tpu.memory_space<vmem_shared>> -> memref<96x128xf32, #tpu.memory_space<vmem_shared>>
      %dma_wait3A_126 = arith.constant 0 : i32
      %dma_wait3A_127 = arith.constant 0 : i32
      %dma_wait3A_128 = tpu.memref_slice %arg12[%dma_wait3A_126, %dma_wait3A_127] : memref<96x128xf32, #tpu.memory_space<vmem>> -> memref<96x128xf32, #tpu.memory_space<vmem>>
      tpu.wait_dma2 semaphore(%run_scoped3A : memref<!tpu.dma_semaphore, #tpu.memory_space<semaphore_mem>>) src(%dma_wait3A_128 : memref<96x128xf32, #tpu.memory_space<vmem>>) dst(%dma_wait3A_125 : memref<96x128xf32, #tpu.memory_space<vmem_shared>>)
      tpu.yield
    }) : () -> ()
    %mul3A_24 = arith.constant 632 : i32
    %mul3A_25 = arith.muli %arg1, %mul3A_24 : i32
    %add3A_26 = arith.constant 384 : i32
    %add3A_27 = arith.addi %mul3A_25, %add3A_26 : i32
    "tpu.region"() ({
      %run_scoped3A = tpu.sem_alloc : memref<!tpu.dma_semaphore, #tpu.memory_space<semaphore_mem>>
      %dma_start3A_109 = arith.constant 0 : i32
      %dma_start3A_110 = arith.constant 0 : i32
      %dma_start3A_111 = tpu.memref_slice %arg12[%dma_start3A_109, %dma_start3A_110] : memref<96x128xf32, #tpu.memory_space<vmem>> -> memref<96x128xf32, #tpu.memory_space<vmem>>
      %dma_start3A_112 = arith.constant 0 : i32
      %dma_start3A_113 = tpu.memref_slice %arg5[%add3A_27, %dma_start3A_112] : memref<10112x128xf32, #tpu.memory_space<vmem_shared>> -> memref<96x128xf32, #tpu.memory_space<vmem_shared>>
      %dma_start3A_114 = arith.constant 0 : i32
      %dma_start3A_115 = tpu.memref_slice %arg5[%add3A_27, %dma_start3A_114] : memref<10112x128xf32, #tpu.memory_space<vmem_shared>> -> memref<96x128xf32, #tpu.memory_space<vmem_shared>>
      %dma_start3A_116 = arith.constant 0 : i32
      %dma_start3A_117 = arith.constant 0 : i32
      %dma_start3A_118 = tpu.memref_slice %arg12[%dma_start3A_116, %dma_start3A_117] : memref<96x128xf32, #tpu.memory_space<vmem>> -> memref<96x128xf32, #tpu.memory_space<vmem>>
      tpu.enqueue_dma source(%dma_start3A_118 : memref<96x128xf32, #tpu.memory_space<vmem>>) target(%dma_start3A_115 : memref<96x128xf32, #tpu.memory_space<vmem_shared>>) target_semaphore(%run_scoped3A : memref<!tpu.dma_semaphore, #tpu.memory_space<semaphore_mem>>)
      %dma_wait3A_119 = arith.constant 0 : i32
      %dma_wait3A_120 = arith.constant 0 : i32
      %dma_wait3A_121 = tpu.memref_slice %arg12[%dma_wait3A_119, %dma_wait3A_120] : memref<96x128xf32, #tpu.memory_space<vmem>> -> memref<96x128xf32, #tpu.memory_space<vmem>>
      %dma_wait3A_122 = arith.constant 0 : i32
      %dma_wait3A_123 = tpu.memref_slice %arg5[%add3A_27, %dma_wait3A_122] : memref<10112x128xf32, #tpu.memory_space<vmem_shared>> -> memref<96x128xf32, #tpu.memory_space<vmem_shared>>
      %dma_wait3A_124 = arith.constant 0 : i32
      %dma_wait3A_125 = tpu.memref_slice %arg5[%add3A_27, %dma_wait3A_124] : memref<10112x128xf32, #tpu.memory_space<vmem_shared>> -> memref<96x128xf32, #tpu.memory_space<vmem_shared>>
      %dma_wait3A_126 = arith.constant 0 : i32
      %dma_wait3A_127 = arith.constant 0 : i32
      %dma_wait3A_128 = tpu.memref_slice %arg12[%dma_wait3A_126, %dma_wait3A_127] : memref<96x128xf32, #tpu.memory_space<vmem>> -> memref<96x128xf32, #tpu.memory_space<vmem>>
      tpu.wait_dma2 semaphore(%run_scoped3A : memref<!tpu.dma_semaphore, #tpu.memory_space<semaphore_mem>>) src(%dma_wait3A_128 : memref<96x128xf32, #tpu.memory_space<vmem>>) dst(%dma_wait3A_125 : memref<96x128xf32, #tpu.memory_space<vmem_shared>>)
      tpu.yield
    }) : () -> ()
    %mul3A_28 = arith.constant 632 : i32
    %mul3A_29 = arith.muli %arg1, %mul3A_28 : i32
    %add3A_30 = arith.constant 480 : i32
    %add3A_31 = arith.addi %mul3A_29, %add3A_30 : i32
    "tpu.region"() ({
      %run_scoped3A = tpu.sem_alloc : memref<!tpu.dma_semaphore, #tpu.memory_space<semaphore_mem>>
      %dma_start3A_109 = arith.constant 0 : i32
      %dma_start3A_110 = arith.constant 0 : i32
      %dma_start3A_111 = tpu.memref_slice %arg12[%dma_start3A_109, %dma_start3A_110] : memref<96x128xf32, #tpu.memory_space<vmem>> -> memref<96x128xf32, #tpu.memory_space<vmem>>
      %dma_start3A_112 = arith.constant 0 : i32
      %dma_start3A_113 = tpu.memref_slice %arg5[%add3A_31, %dma_start3A_112] : memref<10112x128xf32, #tpu.memory_space<vmem_shared>> -> memref<96x128xf32, #tpu.memory_space<vmem_shared>>
      %dma_start3A_114 = arith.constant 0 : i32
      %dma_start3A_115 = tpu.memref_slice %arg5[%add3A_31, %dma_start3A_114] : memref<10112x128xf32, #tpu.memory_space<vmem_shared>> -> memref<96x128xf32, #tpu.memory_space<vmem_shared>>
      %dma_start3A_116 = arith.constant 0 : i32
      %dma_start3A_117 = arith.constant 0 : i32
      %dma_start3A_118 = tpu.memref_slice %arg12[%dma_start3A_116, %dma_start3A_117] : memref<96x128xf32, #tpu.memory_space<vmem>> -> memref<96x128xf32, #tpu.memory_space<vmem>>
      tpu.enqueue_dma source(%dma_start3A_118 : memref<96x128xf32, #tpu.memory_space<vmem>>) target(%dma_start3A_115 : memref<96x128xf32, #tpu.memory_space<vmem_shared>>) target_semaphore(%run_scoped3A : memref<!tpu.dma_semaphore, #tpu.memory_space<semaphore_mem>>)
      %dma_wait3A_119 = arith.constant 0 : i32
      %dma_wait3A_120 = arith.constant 0 : i32
      %dma_wait3A_121 = tpu.memref_slice %arg12[%dma_wait3A_119, %dma_wait3A_120] : memref<96x128xf32, #tpu.memory_space<vmem>> -> memref<96x128xf32, #tpu.memory_space<vmem>>
      %dma_wait3A_122 = arith.constant 0 : i32
      %dma_wait3A_123 = tpu.memref_slice %arg5[%add3A_31, %dma_wait3A_122] : memref<10112x128xf32, #tpu.memory_space<vmem_shared>> -> memref<96x128xf32, #tpu.memory_space<vmem_shared>>
      %dma_wait3A_124 = arith.constant 0 : i32
      %dma_wait3A_125 = tpu.memref_slice %arg5[%add3A_31, %dma_wait3A_124] : memref<10112x128xf32, #tpu.memory_space<vmem_shared>> -> memref<96x128xf32, #tpu.memory_space<vmem_shared>>
      %dma_wait3A_126 = arith.constant 0 : i32
      %dma_wait3A_127 = arith.constant 0 : i32
      %dma_wait3A_128 = tpu.memref_slice %arg12[%dma_wait3A_126, %dma_wait3A_127] : memref<96x128xf32, #tpu.memory_space<vmem>> -> memref<96x128xf32, #tpu.memory_space<vmem>>
      tpu.wait_dma2 semaphore(%run_scoped3A : memref<!tpu.dma_semaphore, #tpu.memory_space<semaphore_mem>>) src(%dma_wait3A_128 : memref<96x128xf32, #tpu.memory_space<vmem>>) dst(%dma_wait3A_125 : memref<96x128xf32, #tpu.memory_space<vmem_shared>>)
      tpu.yield
    }) : () -> ()
    %mul3A_32 = arith.constant 632 : i32
    %mul3A_33 = arith.muli %arg1, %mul3A_32 : i32
    %add3A_34 = arith.constant 576 : i32
    %add3A_35 = arith.addi %mul3A_33, %add3A_34 : i32
    "tpu.region"() ({
      %run_scoped3A = tpu.sem_alloc : memref<!tpu.dma_semaphore, #tpu.memory_space<semaphore_mem>>
      %dma_start3A_109 = arith.constant 0 : i32
      %dma_start3A_110 = arith.constant 0 : i32
      %dma_start3A_111 = tpu.memref_slice %arg12[%dma_start3A_109, %dma_start3A_110] : memref<96x128xf32, #tpu.memory_space<vmem>> -> memref<56x128xf32, #tpu.memory_space<vmem>>
      %dma_start3A_112 = arith.constant 0 : i32
      %dma_start3A_113 = tpu.memref_slice %arg5[%add3A_35, %dma_start3A_112] : memref<10112x128xf32, #tpu.memory_space<vmem_shared>> -> memref<56x128xf32, #tpu.memory_space<vmem_shared>>
      %dma_start3A_114 = arith.constant 0 : i32
      %dma_start3A_115 = tpu.memref_slice %arg5[%add3A_35, %dma_start3A_114] : memref<10112x128xf32, #tpu.memory_space<vmem_shared>> -> memref<56x128xf32, #tpu.memory_space<vmem_shared>>
      %dma_start3A_116 = arith.constant 0 : i32
      %dma_start3A_117 = arith.constant 0 : i32
      %dma_start3A_118 = tpu.memref_slice %arg12[%dma_start3A_116, %dma_start3A_117] : memref<96x128xf32, #tpu.memory_space<vmem>> -> memref<56x128xf32, #tpu.memory_space<vmem>>
      tpu.enqueue_dma source(%dma_start3A_118 : memref<56x128xf32, #tpu.memory_space<vmem>>) target(%dma_start3A_115 : memref<56x128xf32, #tpu.memory_space<vmem_shared>>) target_semaphore(%run_scoped3A : memref<!tpu.dma_semaphore, #tpu.memory_space<semaphore_mem>>)
      %dma_wait3A_119 = arith.constant 0 : i32
      %dma_wait3A_120 = arith.constant 0 : i32
      %dma_wait3A_121 = tpu.memref_slice %arg12[%dma_wait3A_119, %dma_wait3A_120] : memref<96x128xf32, #tpu.memory_space<vmem>> -> memref<56x128xf32, #tpu.memory_space<vmem>>
      %dma_wait3A_122 = arith.constant 0 : i32
      %dma_wait3A_123 = tpu.memref_slice %arg5[%add3A_35, %dma_wait3A_122] : memref<10112x128xf32, #tpu.memory_space<vmem_shared>> -> memref<56x128xf32, #tpu.memory_space<vmem_shared>>
      %dma_wait3A_124 = arith.constant 0 : i32
      %dma_wait3A_125 = tpu.memref_slice %arg5[%add3A_35, %dma_wait3A_124] : memref<10112x128xf32, #tpu.memory_space<vmem_shared>> -> memref<56x128xf32, #tpu.memory_space<vmem_shared>>
      %dma_wait3A_126 = arith.constant 0 : i32
      %dma_wait3A_127 = arith.constant 0 : i32
      %dma_wait3A_128 = tpu.memref_slice %arg12[%dma_wait3A_126, %dma_wait3A_127] : memref<96x128xf32, #tpu.memory_space<vmem>> -> memref<56x128xf32, #tpu.memory_space<vmem>>
      tpu.wait_dma2 semaphore(%run_scoped3A : memref<!tpu.dma_semaphore, #tpu.memory_space<semaphore_mem>>) src(%dma_wait3A_128 : memref<56x128xf32, #tpu.memory_space<vmem>>) dst(%dma_wait3A_125 : memref<56x128xf32, #tpu.memory_space<vmem_shared>>)
      tpu.yield
    }) : () -> ()
    %barrier3A = arith.constant 0 : index
    tpu.barrier barrier_id(%barrier3A)
    %dma_start3A = arith.constant 0 : i32
    %dma_start3A_36 = arith.constant 0 : i32
    %dma_start3A_37 = arith.constant 0 : i32
    %dma_start3A_38 = tpu.memref_slice %arg3[%add3A, %dma_start3A, %dma_start3A_36, %dma_start3A_37] : memref<32x105x2x96xi32, #tpu.memory_space<hbm>> -> memref<1x1x1x96xi32, #tpu.memory_space<hbm>>
    %dma_start3A_39 = tpu.memref_squeeze %dma_start3A_38 : memref<1x1x1x96xi32, #tpu.memory_space<hbm>> -> memref<96xi32, #tpu.memory_space<hbm>>
    %dma_start3A_40 = arith.constant 0 : i32
    %dma_start3A_41 = tpu.memref_slice %arg3[%add3A, %dma_start3A, %dma_start3A_36, %dma_start3A_40] : memref<32x105x2x96xi32, #tpu.memory_space<hbm>> -> memref<1x1x1x96xi32, #tpu.memory_space<hbm>>
    %dma_start3A_42 = tpu.memref_squeeze %dma_start3A_41 : memref<1x1x1x96xi32, #tpu.memory_space<hbm>> -> memref<96xi32, #tpu.memory_space<hbm>>
    tpu.enqueue_dma source(%dma_start3A_42 : memref<96xi32, #tpu.memory_space<hbm>>) target(%arg6 : memref<96xi32, #tpu.memory_space<vmem>>) target_semaphore(%arg18 : memref<!tpu.dma_semaphore, #tpu.memory_space<semaphore_mem>>)
    %dma_start3A_43 = arith.constant 1 : i32
    %dma_start3A_44 = arith.constant 0 : i32
    %dma_start3A_45 = arith.constant 0 : i32
    %dma_start3A_46 = tpu.memref_slice %arg3[%add3A, %dma_start3A_43, %dma_start3A_44, %dma_start3A_45] : memref<32x105x2x96xi32, #tpu.memory_space<hbm>> -> memref<1x1x1x96xi32, #tpu.memory_space<hbm>>
    %dma_start3A_47 = tpu.memref_squeeze %dma_start3A_46 : memref<1x1x1x96xi32, #tpu.memory_space<hbm>> -> memref<96xi32, #tpu.memory_space<hbm>>
    %dma_start3A_48 = arith.constant 0 : i32
    %dma_start3A_49 = tpu.memref_slice %arg3[%add3A, %dma_start3A_43, %dma_start3A_44, %dma_start3A_48] : memref<32x105x2x96xi32, #tpu.memory_space<hbm>> -> memref<1x1x1x96xi32, #tpu.memory_space<hbm>>
    %dma_start3A_50 = tpu.memref_squeeze %dma_start3A_49 : memref<1x1x1x96xi32, #tpu.memory_space<hbm>> -> memref<96xi32, #tpu.memory_space<hbm>>
    tpu.enqueue_dma source(%dma_start3A_50 : memref<96xi32, #tpu.memory_space<hbm>>) target(%arg7 : memref<96xi32, #tpu.memory_space<vmem>>) target_semaphore(%arg19 : memref<!tpu.dma_semaphore, #tpu.memory_space<semaphore_mem>>)
    %dma_start3A_51 = arith.constant 2 : i32
    %dma_start3A_52 = arith.constant 0 : i32
    %dma_start3A_53 = arith.constant 0 : i32
    %dma_start3A_54 = tpu.memref_slice %arg3[%add3A, %dma_start3A_51, %dma_start3A_52, %dma_start3A_53] : memref<32x105x2x96xi32, #tpu.memory_space<hbm>> -> memref<1x1x1x96xi32, #tpu.memory_space<hbm>>
    %dma_start3A_55 = tpu.memref_squeeze %dma_start3A_54 : memref<1x1x1x96xi32, #tpu.memory_space<hbm>> -> memref<96xi32, #tpu.memory_space<hbm>>
    %dma_start3A_56 = arith.constant 0 : i32
    %dma_start3A_57 = tpu.memref_slice %arg3[%add3A, %dma_start3A_51, %dma_start3A_52, %dma_start3A_56] : memref<32x105x2x96xi32, #tpu.memory_space<hbm>> -> memref<1x1x1x96xi32, #tpu.memory_space<hbm>>
    %dma_start3A_58 = tpu.memref_squeeze %dma_start3A_57 : memref<1x1x1x96xi32, #tpu.memory_space<hbm>> -> memref<96xi32, #tpu.memory_space<hbm>>
    tpu.enqueue_dma source(%dma_start3A_58 : memref<96xi32, #tpu.memory_space<hbm>>) target(%arg8 : memref<96xi32, #tpu.memory_space<vmem>>) target_semaphore(%arg20 : memref<!tpu.dma_semaphore, #tpu.memory_space<semaphore_mem>>)
    %dma_start3A_59 = arith.constant 0 : i32
    %dma_start3A_60 = arith.constant 1 : i32
    %dma_start3A_61 = arith.constant 0 : i32
    %dma_start3A_62 = tpu.memref_slice %arg3[%add3A, %dma_start3A_59, %dma_start3A_60, %dma_start3A_61] : memref<32x105x2x96xi32, #tpu.memory_space<hbm>> -> memref<1x1x1x96xi32, #tpu.memory_space<hbm>>
    %dma_start3A_63 = tpu.memref_squeeze %dma_start3A_62 : memref<1x1x1x96xi32, #tpu.memory_space<hbm>> -> memref<96xi32, #tpu.memory_space<hbm>>
    %dma_start3A_64 = arith.constant 0 : i32
    %dma_start3A_65 = tpu.memref_slice %arg3[%add3A, %dma_start3A_59, %dma_start3A_60, %dma_start3A_64] : memref<32x105x2x96xi32, #tpu.memory_space<hbm>> -> memref<1x1x1x96xi32, #tpu.memory_space<hbm>>
    %dma_start3A_66 = tpu.memref_squeeze %dma_start3A_65 : memref<1x1x1x96xi32, #tpu.memory_space<hbm>> -> memref<96xi32, #tpu.memory_space<hbm>>
    tpu.enqueue_dma source(%dma_start3A_66 : memref<96xi32, #tpu.memory_space<hbm>>) target(%arg9 : memref<96xi32, #tpu.memory_space<vmem>>) target_semaphore(%arg24 : memref<!tpu.dma_semaphore, #tpu.memory_space<semaphore_mem>>)
    %dma_start3A_67 = arith.constant 1 : i32
    %dma_start3A_68 = arith.constant 1 : i32
    %dma_start3A_69 = arith.constant 0 : i32
    %dma_start3A_70 = tpu.memref_slice %arg3[%add3A, %dma_start3A_67, %dma_start3A_68, %dma_start3A_69] : memref<32x105x2x96xi32, #tpu.memory_space<hbm>> -> memref<1x1x1x96xi32, #tpu.memory_space<hbm>>
    %dma_start3A_71 = tpu.memref_squeeze %dma_start3A_70 : memref<1x1x1x96xi32, #tpu.memory_space<hbm>> -> memref<96xi32, #tpu.memory_space<hbm>>
    %dma_start3A_72 = arith.constant 0 : i32
    %dma_start3A_73 = tpu.memref_slice %arg3[%add3A, %dma_start3A_67, %dma_start3A_68, %dma_start3A_72] : memref<32x105x2x96xi32, #tpu.memory_space<hbm>> -> memref<1x1x1x96xi32, #tpu.memory_space<hbm>>
    %dma_start3A_74 = tpu.memref_squeeze %dma_start3A_73 : memref<1x1x1x96xi32, #tpu.memory_space<hbm>> -> memref<96xi32, #tpu.memory_space<hbm>>
    tpu.enqueue_dma source(%dma_start3A_74 : memref<96xi32, #tpu.memory_space<hbm>>) target(%arg10 : memref<96xi32, #tpu.memory_space<vmem>>) target_semaphore(%arg25 : memref<!tpu.dma_semaphore, #tpu.memory_space<semaphore_mem>>)
    %dma_wait3A = arith.constant 0 : i32
    %dma_wait3A_75 = arith.constant 0 : i32
    %dma_wait3A_76 = arith.constant 0 : i32
    %dma_wait3A_77 = tpu.memref_slice %arg3[%add3A, %dma_wait3A, %dma_wait3A_75, %dma_wait3A_76] : memref<32x105x2x96xi32, #tpu.memory_space<hbm>> -> memref<1x1x1x96xi32, #tpu.memory_space<hbm>>
    %dma_wait3A_78 = tpu.memref_squeeze %dma_wait3A_77 : memref<1x1x1x96xi32, #tpu.memory_space<hbm>> -> memref<96xi32, #tpu.memory_space<hbm>>
    %dma_wait3A_79 = arith.constant 0 : i32
    %dma_wait3A_80 = tpu.memref_slice %arg3[%add3A, %dma_wait3A, %dma_wait3A_75, %dma_wait3A_79] : memref<32x105x2x96xi32, #tpu.memory_space<hbm>> -> memref<1x1x1x96xi32, #tpu.memory_space<hbm>>
    %dma_wait3A_81 = tpu.memref_squeeze %dma_wait3A_80 : memref<1x1x1x96xi32, #tpu.memory_space<hbm>> -> memref<96xi32, #tpu.memory_space<hbm>>
    tpu.wait_dma2 semaphore(%arg18 : memref<!tpu.dma_semaphore, #tpu.memory_space<semaphore_mem>>) src(%dma_wait3A_81 : memref<96xi32, #tpu.memory_space<hbm>>) dst(%arg6 : memref<96xi32, #tpu.memory_space<vmem>>)
    %dma_start3A_82 = arith.constant 0 : i32
    %dma_start3A_83 = arith.constant 0 : i32
    %dma_start3A_84 = tpu.memref_slice %arg2[%dma_start3A_82, %dma_start3A_83] : memref<10240x128xf32, #tpu.memory_space<hbm>> -> memref<10240x128xf32, #tpu.memory_space<hbm>>
    tpu.enqueue_indirect_dma source(%dma_start3A_84 : memref<10240x128xf32, #tpu.memory_space<hbm>>) target(%arg12 : memref<96x128xf32, #tpu.memory_space<vmem>>) offsets(%arg6 : memref<96xi32, #tpu.memory_space<vmem>>) semaphore(%arg15 : memref<!tpu.dma_semaphore, #tpu.memory_space<semaphore_mem>>)
    %dma_wait3A_85 = arith.constant 1 : i32
    %dma_wait3A_86 = arith.constant 0 : i32
    %dma_wait3A_87 = arith.constant 0 : i32
    %dma_wait3A_88 = tpu.memref_slice %arg3[%add3A, %dma_wait3A_85, %dma_wait3A_86, %dma_wait3A_87] : memref<32x105x2x96xi32, #tpu.memory_space<hbm>> -> memref<1x1x1x96xi32, #tpu.memory_space<hbm>>
    %dma_wait3A_89 = tpu.memref_squeeze %dma_wait3A_88 : memref<1x1x1x96xi32, #tpu.memory_space<hbm>> -> memref<96xi32, #tpu.memory_space<hbm>>
    %dma_wait3A_90 = arith.constant 0 : i32
    %dma_wait3A_91 = tpu.memref_slice %arg3[%add3A, %dma_wait3A_85, %dma_wait3A_86, %dma_wait3A_90] : memref<32x105x2x96xi32, #tpu.memory_space<hbm>> -> memref<1x1x1x96xi32, #tpu.memory_space<hbm>>
    %dma_wait3A_92 = tpu.memref_squeeze %dma_wait3A_91 : memref<1x1x1x96xi32, #tpu.memory_space<hbm>> -> memref<96xi32, #tpu.memory_space<hbm>>
    tpu.wait_dma2 semaphore(%arg19 : memref<!tpu.dma_semaphore, #tpu.memory_space<semaphore_mem>>) src(%dma_wait3A_92 : memref<96xi32, #tpu.memory_space<hbm>>) dst(%arg7 : memref<96xi32, #tpu.memory_space<vmem>>)
    %dma_start3A_93 = arith.constant 0 : i32
    %dma_start3A_94 = arith.constant 0 : i32
    %dma_start3A_95 = tpu.memref_slice %arg2[%dma_start3A_93, %dma_start3A_94] : memref<10240x128xf32, #tpu.memory_space<hbm>> -> memref<10240x128xf32, #tpu.memory_space<hbm>>
    tpu.enqueue_indirect_dma source(%dma_start3A_95 : memref<10240x128xf32, #tpu.memory_space<hbm>>) target(%arg13 : memref<96x128xf32, #tpu.memory_space<vmem>>) offsets(%arg7 : memref<96xi32, #tpu.memory_space<vmem>>) semaphore(%arg16 : memref<!tpu.dma_semaphore, #tpu.memory_space<semaphore_mem>>)
    %scan3A_96 = arith.constant 0 : i32
    %scan3A_97 = arith.constant 0 : i32
    %scan3A_98 = arith.constant 35 : i32
    %scan3A_99 = arith.addi %scan3A_97, %scan3A_98 : i32
    %scan3A_100 = arith.constant 1 : i32
    %scan3A_101 = scf.for %scan3A_109 = %scan3A_97 to %scan3A_99 step %scan3A_100 iter_args(%scan3A_110 = %scan3A_96) -> (i32)  : i32 {
      %mul3A_111 = arith.constant 3 : i32
      %mul3A_112 = arith.muli %mul3A_111, %scan3A_109 : i32
      %add3A_113 = arith.constant 0 : i32
      %add3A_114 = arith.addi %mul3A_112, %add3A_113 : i32
      %dma_wait3A_115 = arith.constant 0 : i32
      %dma_wait3A_116 = arith.constant 0 : i32
      %dma_wait3A_117 = tpu.memref_slice %arg2[%dma_wait3A_115, %dma_wait3A_116] : memref<10240x128xf32, #tpu.memory_space<hbm>> -> memref<10240x128xf32, #tpu.memory_space<hbm>>
      tpu.wait_indirect_dma semaphore(%arg15 : memref<!tpu.dma_semaphore, #tpu.memory_space<semaphore_mem>>) src(%dma_wait3A_117 : memref<10240x128xf32, #tpu.memory_space<hbm>>) dst(%arg12 : memref<96x128xf32, #tpu.memory_space<vmem>>)
      %dma_wait3A_118 = arith.constant 1 : i32
      %dma_wait3A_119 = arith.constant 0 : i32
      %dma_wait3A_120 = tpu.memref_slice %arg3[%add3A, %add3A_114, %dma_wait3A_118, %dma_wait3A_119] : memref<32x105x2x96xi32, #tpu.memory_space<hbm>> -> memref<1x1x1x96xi32, #tpu.memory_space<hbm>>
      %dma_wait3A_121 = tpu.memref_squeeze %dma_wait3A_120 : memref<1x1x1x96xi32, #tpu.memory_space<hbm>> -> memref<96xi32, #tpu.memory_space<hbm>>
      %dma_wait3A_122 = arith.constant 0 : i32
      %dma_wait3A_123 = tpu.memref_slice %arg3[%add3A, %add3A_114, %dma_wait3A_118, %dma_wait3A_122] : memref<32x105x2x96xi32, #tpu.memory_space<hbm>> -> memref<1x1x1x96xi32, #tpu.memory_space<hbm>>
      %dma_wait3A_124 = tpu.memref_squeeze %dma_wait3A_123 : memref<1x1x1x96xi32, #tpu.memory_space<hbm>> -> memref<96xi32, #tpu.memory_space<hbm>>
      tpu.wait_dma2 semaphore(%arg24 : memref<!tpu.dma_semaphore, #tpu.memory_space<semaphore_mem>>) src(%dma_wait3A_124 : memref<96xi32, #tpu.memory_space<hbm>>) dst(%arg9 : memref<96xi32, #tpu.memory_space<vmem>>)
      %dma_start3A_125 = arith.constant 0 : i32
      %dma_start3A_126 = arith.constant 0 : i32
      %dma_start3A_127 = tpu.memref_slice %arg5[%dma_start3A_125, %dma_start3A_126] : memref<10112x128xf32, #tpu.memory_space<vmem_shared>> -> memref<10112x128xf32, #tpu.memory_space<vmem_shared>>
      tpu.enqueue_indirect_dma source(%arg12 : memref<96x128xf32, #tpu.memory_space<vmem>>) target(%dma_start3A_127 : memref<10112x128xf32, #tpu.memory_space<vmem_shared>>) offsets(%arg9 : memref<96xi32, #tpu.memory_space<vmem>>) semaphore(%arg21 : memref<!tpu.dma_semaphore, #tpu.memory_space<semaphore_mem>>) {add = true}
      %ge3A = arith.constant 1 : i32
      %ge3A_128 = arith.cmpi sge, %add3A_114, %ge3A : i32
      %convert_element_type3A = arith.extui %ge3A_128 : i1 to i32
      %cond3A = arith.constant 0 : i32
      %cond3A_129 = arith.cmpi ne, %convert_element_type3A, %cond3A : i32
      scf.if %cond3A_129 {
        %dma_wait3A_216 = arith.constant 0 : i32
        %dma_wait3A_217 = arith.constant 0 : i32
        %dma_wait3A_218 = tpu.memref_slice %arg5[%dma_wait3A_216, %dma_wait3A_217] : memref<10112x128xf32, #tpu.memory_space<vmem_shared>> -> memref<10112x128xf32, #tpu.memory_space<vmem_shared>>
        tpu.wait_indirect_dma semaphore(%arg23 : memref<!tpu.dma_semaphore, #tpu.memory_space<semaphore_mem>>) src(%arg14 : memref<96x128xf32, #tpu.memory_space<vmem>>) dst(%dma_wait3A_218 : memref<10112x128xf32, #tpu.memory_space<vmem_shared>>)
      } else {
      }
      %add3A_130 = arith.constant 2 : i32
      %add3A_131 = arith.addi %add3A_114, %add3A_130 : i32
      %lt3A = arith.constant 105 : i32
      %lt3A_132 = arith.cmpi slt, %add3A_131, %lt3A : i32
      %convert_element_type3A_133 = arith.extui %lt3A_132 : i1 to i32
      %cond3A_134 = arith.constant 0 : i32
      %cond3A_135 = arith.cmpi ne, %convert_element_type3A_133, %cond3A_134 : i32
      scf.if %cond3A_135 {
        %add3A_216 = arith.constant 2 : i32
        %add3A_217 = arith.addi %add3A_114, %add3A_216 : i32
        %dma_start3A_218 = arith.constant 1 : i32
        %dma_start3A_219 = arith.constant 0 : i32
        %dma_start3A_220 = tpu.memref_slice %arg3[%add3A, %add3A_217, %dma_start3A_218, %dma_start3A_219] : memref<32x105x2x96xi32, #tpu.memory_space<hbm>> -> memref<1x1x1x96xi32, #tpu.memory_space<hbm>>
        %dma_start3A_221 = tpu.memref_squeeze %dma_start3A_220 : memref<1x1x1x96xi32, #tpu.memory_space<hbm>> -> memref<96xi32, #tpu.memory_space<hbm>>
        %dma_start3A_222 = arith.constant 0 : i32
        %dma_start3A_223 = tpu.memref_slice %arg3[%add3A, %add3A_217, %dma_start3A_218, %dma_start3A_222] : memref<32x105x2x96xi32, #tpu.memory_space<hbm>> -> memref<1x1x1x96xi32, #tpu.memory_space<hbm>>
        %dma_start3A_224 = tpu.memref_squeeze %dma_start3A_223 : memref<1x1x1x96xi32, #tpu.memory_space<hbm>> -> memref<96xi32, #tpu.memory_space<hbm>>
        tpu.enqueue_dma source(%dma_start3A_224 : memref<96xi32, #tpu.memory_space<hbm>>) target(%arg11 : memref<96xi32, #tpu.memory_space<vmem>>) target_semaphore(%arg26 : memref<!tpu.dma_semaphore, #tpu.memory_space<semaphore_mem>>)
        %add3A_225 = arith.constant 2 : i32
        %add3A_226 = arith.addi %add3A_114, %add3A_225 : i32
        %dma_wait3A_227 = arith.constant 0 : i32
        %dma_wait3A_228 = arith.constant 0 : i32
        %dma_wait3A_229 = tpu.memref_slice %arg3[%add3A, %add3A_226, %dma_wait3A_227, %dma_wait3A_228] : memref<32x105x2x96xi32, #tpu.memory_space<hbm>> -> memref<1x1x1x96xi32, #tpu.memory_space<hbm>>
        %dma_wait3A_230 = tpu.memref_squeeze %dma_wait3A_229 : memref<1x1x1x96xi32, #tpu.memory_space<hbm>> -> memref<96xi32, #tpu.memory_space<hbm>>
        %dma_wait3A_231 = arith.constant 0 : i32
        %dma_wait3A_232 = tpu.memref_slice %arg3[%add3A, %add3A_226, %dma_wait3A_227, %dma_wait3A_231] : memref<32x105x2x96xi32, #tpu.memory_space<hbm>> -> memref<1x1x1x96xi32, #tpu.memory_space<hbm>>
        %dma_wait3A_233 = tpu.memref_squeeze %dma_wait3A_232 : memref<1x1x1x96xi32, #tpu.memory_space<hbm>> -> memref<96xi32, #tpu.memory_space<hbm>>
        tpu.wait_dma2 semaphore(%arg20 : memref<!tpu.dma_semaphore, #tpu.memory_space<semaphore_mem>>) src(%dma_wait3A_233 : memref<96xi32, #tpu.memory_space<hbm>>) dst(%arg8 : memref<96xi32, #tpu.memory_space<vmem>>)
        %dma_start3A_234 = arith.constant 0 : i32
        %dma_start3A_235 = arith.constant 0 : i32
        %dma_start3A_236 = tpu.memref_slice %arg2[%dma_start3A_234, %dma_start3A_235] : memref<10240x128xf32, #tpu.memory_space<hbm>> -> memref<10240x128xf32, #tpu.memory_space<hbm>>
        tpu.enqueue_indirect_dma source(%dma_start3A_236 : memref<10240x128xf32, #tpu.memory_space<hbm>>) target(%arg14 : memref<96x128xf32, #tpu.memory_space<vmem>>) offsets(%arg8 : memref<96xi32, #tpu.memory_space<vmem>>) semaphore(%arg17 : memref<!tpu.dma_semaphore, #tpu.memory_space<semaphore_mem>>)
      } else {
      }
      %add3A_136 = arith.constant 3 : i32
      %add3A_137 = arith.addi %add3A_114, %add3A_136 : i32
      %lt3A_138 = arith.constant 105 : i32
      %lt3A_139 = arith.cmpi slt, %add3A_137, %lt3A_138 : i32
      %convert_element_type3A_140 = arith.extui %lt3A_139 : i1 to i32
      %cond3A_141 = arith.constant 0 : i32
      %cond3A_142 = arith.cmpi ne, %convert_element_type3A_140, %cond3A_141 : i32
      scf.if %cond3A_142 {
        %add3A_216 = arith.constant 3 : i32
        %add3A_217 = arith.addi %add3A_114, %add3A_216 : i32
        %dma_start3A_218 = arith.constant 0 : i32
        %dma_start3A_219 = arith.constant 0 : i32
        %dma_start3A_220 = tpu.memref_slice %arg3[%add3A, %add3A_217, %dma_start3A_218, %dma_start3A_219] : memref<32x105x2x96xi32, #tpu.memory_space<hbm>> -> memref<1x1x1x96xi32, #tpu.memory_space<hbm>>
        %dma_start3A_221 = tpu.memref_squeeze %dma_start3A_220 : memref<1x1x1x96xi32, #tpu.memory_space<hbm>> -> memref<96xi32, #tpu.memory_space<hbm>>
        %dma_start3A_222 = arith.constant 0 : i32
        %dma_start3A_223 = tpu.memref_slice %arg3[%add3A, %add3A_217, %dma_start3A_218, %dma_start3A_222] : memref<32x105x2x96xi32, #tpu.memory_space<hbm>> -> memref<1x1x1x96xi32, #tpu.memory_space<hbm>>
        %dma_start3A_224 = tpu.memref_squeeze %dma_start3A_223 : memref<1x1x1x96xi32, #tpu.memory_space<hbm>> -> memref<96xi32, #tpu.memory_space<hbm>>
        tpu.enqueue_dma source(%dma_start3A_224 : memref<96xi32, #tpu.memory_space<hbm>>) target(%arg6 : memref<96xi32, #tpu.memory_space<vmem>>) target_semaphore(%arg18 : memref<!tpu.dma_semaphore, #tpu.memory_space<semaphore_mem>>)
      } else {
      }
      %mul3A_143 = arith.constant 3 : i32
      %mul3A_144 = arith.muli %mul3A_143, %scan3A_109 : i32
      %add3A_145 = arith.constant 1 : i32
      %add3A_146 = arith.addi %mul3A_144, %add3A_145 : i32
      %dma_wait3A_147 = arith.constant 0 : i32
      %dma_wait3A_148 = arith.constant 0 : i32
      %dma_wait3A_149 = tpu.memref_slice %arg2[%dma_wait3A_147, %dma_wait3A_148] : memref<10240x128xf32, #tpu.memory_space<hbm>> -> memref<10240x128xf32, #tpu.memory_space<hbm>>
      tpu.wait_indirect_dma semaphore(%arg16 : memref<!tpu.dma_semaphore, #tpu.memory_space<semaphore_mem>>) src(%dma_wait3A_149 : memref<10240x128xf32, #tpu.memory_space<hbm>>) dst(%arg13 : memref<96x128xf32, #tpu.memory_space<vmem>>)
      %dma_wait3A_150 = arith.constant 1 : i32
      %dma_wait3A_151 = arith.constant 0 : i32
      %dma_wait3A_152 = tpu.memref_slice %arg3[%add3A, %add3A_146, %dma_wait3A_150, %dma_wait3A_151] : memref<32x105x2x96xi32, #tpu.memory_space<hbm>> -> memref<1x1x1x96xi32, #tpu.memory_space<hbm>>
      %dma_wait3A_153 = tpu.memref_squeeze %dma_wait3A_152 : memref<1x1x1x96xi32, #tpu.memory_space<hbm>> -> memref<96xi32, #tpu.memory_space<hbm>>
      %dma_wait3A_154 = arith.constant 0 : i32
      %dma_wait3A_155 = tpu.memref_slice %arg3[%add3A, %add3A_146, %dma_wait3A_150, %dma_wait3A_154] : memref<32x105x2x96xi32, #tpu.memory_space<hbm>> -> memref<1x1x1x96xi32, #tpu.memory_space<hbm>>
      %dma_wait3A_156 = tpu.memref_squeeze %dma_wait3A_155 : memref<1x1x1x96xi32, #tpu.memory_space<hbm>> -> memref<96xi32, #tpu.memory_space<hbm>>
      tpu.wait_dma2 semaphore(%arg25 : memref<!tpu.dma_semaphore, #tpu.memory_space<semaphore_mem>>) src(%dma_wait3A_156 : memref<96xi32, #tpu.memory_space<hbm>>) dst(%arg10 : memref<96xi32, #tpu.memory_space<vmem>>)
      %dma_start3A_157 = arith.constant 0 : i32
      %dma_start3A_158 = arith.constant 0 : i32
      %dma_start3A_159 = tpu.memref_slice %arg5[%dma_start3A_157, %dma_start3A_158] : memref<10112x128xf32, #tpu.memory_space<vmem_shared>> -> memref<10112x128xf32, #tpu.memory_space<vmem_shared>>
      tpu.enqueue_indirect_dma source(%arg13 : memref<96x128xf32, #tpu.memory_space<vmem>>) target(%dma_start3A_159 : memref<10112x128xf32, #tpu.memory_space<vmem_shared>>) offsets(%arg10 : memref<96xi32, #tpu.memory_space<vmem>>) semaphore(%arg22 : memref<!tpu.dma_semaphore, #tpu.memory_space<semaphore_mem>>) {add = true}
      %ge3A_160 = arith.constant 1 : i32
      %ge3A_161 = arith.cmpi sge, %add3A_146, %ge3A_160 : i32
      %convert_element_type3A_162 = arith.extui %ge3A_161 : i1 to i32
      %cond3A_163 = arith.constant 0 : i32
      %cond3A_164 = arith.cmpi ne, %convert_element_type3A_162, %cond3A_163 : i32
      scf.if %cond3A_164 {
        %dma_wait3A_216 = arith.constant 0 : i32
        %dma_wait3A_217 = arith.constant 0 : i32
        %dma_wait3A_218 = tpu.memref_slice %arg5[%dma_wait3A_216, %dma_wait3A_217] : memref<10112x128xf32, #tpu.memory_space<vmem_shared>> -> memref<10112x128xf32, #tpu.memory_space<vmem_shared>>
        tpu.wait_indirect_dma semaphore(%arg21 : memref<!tpu.dma_semaphore, #tpu.memory_space<semaphore_mem>>) src(%arg12 : memref<96x128xf32, #tpu.memory_space<vmem>>) dst(%dma_wait3A_218 : memref<10112x128xf32, #tpu.memory_space<vmem_shared>>)
      } else {
      }
      %add3A_165 = arith.constant 2 : i32
      %add3A_166 = arith.addi %add3A_146, %add3A_165 : i32
      %lt3A_167 = arith.constant 105 : i32
      %lt3A_168 = arith.cmpi slt, %add3A_166, %lt3A_167 : i32
      %convert_element_type3A_169 = arith.extui %lt3A_168 : i1 to i32
      %cond3A_170 = arith.constant 0 : i32
      %cond3A_171 = arith.cmpi ne, %convert_element_type3A_169, %cond3A_170 : i32
      scf.if %cond3A_171 {
        %add3A_216 = arith.constant 2 : i32
        %add3A_217 = arith.addi %add3A_146, %add3A_216 : i32
        %dma_start3A_218 = arith.constant 1 : i32
        %dma_start3A_219 = arith.constant 0 : i32
        %dma_start3A_220 = tpu.memref_slice %arg3[%add3A, %add3A_217, %dma_start3A_218, %dma_start3A_219] : memref<32x105x2x96xi32, #tpu.memory_space<hbm>> -> memref<1x1x1x96xi32, #tpu.memory_space<hbm>>
        %dma_start3A_221 = tpu.memref_squeeze %dma_start3A_220 : memref<1x1x1x96xi32, #tpu.memory_space<hbm>> -> memref<96xi32, #tpu.memory_space<hbm>>
        %dma_start3A_222 = arith.constant 0 : i32
        %dma_start3A_223 = tpu.memref_slice %arg3[%add3A, %add3A_217, %dma_start3A_218, %dma_start3A_222] : memref<32x105x2x96xi32, #tpu.memory_space<hbm>> -> memref<1x1x1x96xi32, #tpu.memory_space<hbm>>
        %dma_start3A_224 = tpu.memref_squeeze %dma_start3A_223 : memref<1x1x1x96xi32, #tpu.memory_space<hbm>> -> memref<96xi32, #tpu.memory_space<hbm>>
        tpu.enqueue_dma source(%dma_start3A_224 : memref<96xi32, #tpu.memory_space<hbm>>) target(%arg9 : memref<96xi32, #tpu.memory_space<vmem>>) target_semaphore(%arg24 : memref<!tpu.dma_semaphore, #tpu.memory_space<semaphore_mem>>)
        %add3A_225 = arith.constant 2 : i32
        %add3A_226 = arith.addi %add3A_146, %add3A_225 : i32
        %dma_wait3A_227 = arith.constant 0 : i32
        %dma_wait3A_228 = arith.constant 0 : i32
        %dma_wait3A_229 = tpu.memref_slice %arg3[%add3A, %add3A_226, %dma_wait3A_227, %dma_wait3A_228] : memref<32x105x2x96xi32, #tpu.memory_space<hbm>> -> memref<1x1x1x96xi32, #tpu.memory_space<hbm>>
        %dma_wait3A_230 = tpu.memref_squeeze %dma_wait3A_229 : memref<1x1x1x96xi32, #tpu.memory_space<hbm>> -> memref<96xi32, #tpu.memory_space<hbm>>
        %dma_wait3A_231 = arith.constant 0 : i32
        %dma_wait3A_232 = tpu.memref_slice %arg3[%add3A, %add3A_226, %dma_wait3A_227, %dma_wait3A_231] : memref<32x105x2x96xi32, #tpu.memory_space<hbm>> -> memref<1x1x1x96xi32, #tpu.memory_space<hbm>>
        %dma_wait3A_233 = tpu.memref_squeeze %dma_wait3A_232 : memref<1x1x1x96xi32, #tpu.memory_space<hbm>> -> memref<96xi32, #tpu.memory_space<hbm>>
        tpu.wait_dma2 semaphore(%arg18 : memref<!tpu.dma_semaphore, #tpu.memory_space<semaphore_mem>>) src(%dma_wait3A_233 : memref<96xi32, #tpu.memory_space<hbm>>) dst(%arg6 : memref<96xi32, #tpu.memory_space<vmem>>)
        %dma_start3A_234 = arith.constant 0 : i32
        %dma_start3A_235 = arith.constant 0 : i32
        %dma_start3A_236 = tpu.memref_slice %arg2[%dma_start3A_234, %dma_start3A_235] : memref<10240x128xf32, #tpu.memory_space<hbm>> -> memref<10240x128xf32, #tpu.memory_space<hbm>>
        tpu.enqueue_indirect_dma source(%dma_start3A_236 : memref<10240x128xf32, #tpu.memory_space<hbm>>) target(%arg12 : memref<96x128xf32, #tpu.memory_space<vmem>>) offsets(%arg6 : memref<96xi32, #tpu.memory_space<vmem>>) semaphore(%arg15 : memref<!tpu.dma_semaphore, #tpu.memory_space<semaphore_mem>>)
      } else {
      }
      %add3A_172 = arith.constant 3 : i32
      %add3A_173 = arith.addi %add3A_146, %add3A_172 : i32
      %lt3A_174 = arith.constant 105 : i32
      %lt3A_175 = arith.cmpi slt, %add3A_173, %lt3A_174 : i32
      %convert_element_type3A_176 = arith.extui %lt3A_175 : i1 to i32
      %cond3A_177 = arith.constant 0 : i32
      %cond3A_178 = arith.cmpi ne, %convert_element_type3A_176, %cond3A_177 : i32
      scf.if %cond3A_178 {
        %add3A_216 = arith.constant 3 : i32
        %add3A_217 = arith.addi %add3A_146, %add3A_216 : i32
        %dma_start3A_218 = arith.constant 0 : i32
        %dma_start3A_219 = arith.constant 0 : i32
        %dma_start3A_220 = tpu.memref_slice %arg3[%add3A, %add3A_217, %dma_start3A_218, %dma_start3A_219] : memref<32x105x2x96xi32, #tpu.memory_space<hbm>> -> memref<1x1x1x96xi32, #tpu.memory_space<hbm>>
        %dma_start3A_221 = tpu.memref_squeeze %dma_start3A_220 : memref<1x1x1x96xi32, #tpu.memory_space<hbm>> -> memref<96xi32, #tpu.memory_space<hbm>>
        %dma_start3A_222 = arith.constant 0 : i32
        %dma_start3A_223 = tpu.memref_slice %arg3[%add3A, %add3A_217, %dma_start3A_218, %dma_start3A_222] : memref<32x105x2x96xi32, #tpu.memory_space<hbm>> -> memref<1x1x1x96xi32, #tpu.memory_space<hbm>>
        %dma_start3A_224 = tpu.memref_squeeze %dma_start3A_223 : memref<1x1x1x96xi32, #tpu.memory_space<hbm>> -> memref<96xi32, #tpu.memory_space<hbm>>
        tpu.enqueue_dma source(%dma_start3A_224 : memref<96xi32, #tpu.memory_space<hbm>>) target(%arg7 : memref<96xi32, #tpu.memory_space<vmem>>) target_semaphore(%arg19 : memref<!tpu.dma_semaphore, #tpu.memory_space<semaphore_mem>>)
      } else {
      }
      %mul3A_179 = arith.constant 3 : i32
      %mul3A_180 = arith.muli %mul3A_179, %scan3A_109 : i32
      %add3A_181 = arith.constant 2 : i32
      %add3A_182 = arith.addi %mul3A_180, %add3A_181 : i32
      %dma_wait3A_183 = arith.constant 0 : i32
      %dma_wait3A_184 = arith.constant 0 : i32
      %dma_wait3A_185 = tpu.memref_slice %arg2[%dma_wait3A_183, %dma_wait3A_184] : memref<10240x128xf32, #tpu.memory_space<hbm>> -> memref<10240x128xf32, #tpu.memory_space<hbm>>
      tpu.wait_indirect_dma semaphore(%arg17 : memref<!tpu.dma_semaphore, #tpu.memory_space<semaphore_mem>>) src(%dma_wait3A_185 : memref<10240x128xf32, #tpu.memory_space<hbm>>) dst(%arg14 : memref<96x128xf32, #tpu.memory_space<vmem>>)
      %dma_wait3A_186 = arith.constant 1 : i32
      %dma_wait3A_187 = arith.constant 0 : i32
      %dma_wait3A_188 = tpu.memref_slice %arg3[%add3A, %add3A_182, %dma_wait3A_186, %dma_wait3A_187] : memref<32x105x2x96xi32, #tpu.memory_space<hbm>> -> memref<1x1x1x96xi32, #tpu.memory_space<hbm>>
      %dma_wait3A_189 = tpu.memref_squeeze %dma_wait3A_188 : memref<1x1x1x96xi32, #tpu.memory_space<hbm>> -> memref<96xi32, #tpu.memory_space<hbm>>
      %dma_wait3A_190 = arith.constant 0 : i32
      %dma_wait3A_191 = tpu.memref_slice %arg3[%add3A, %add3A_182, %dma_wait3A_186, %dma_wait3A_190] : memref<32x105x2x96xi32, #tpu.memory_space<hbm>> -> memref<1x1x1x96xi32, #tpu.memory_space<hbm>>
      %dma_wait3A_192 = tpu.memref_squeeze %dma_wait3A_191 : memref<1x1x1x96xi32, #tpu.memory_space<hbm>> -> memref<96xi32, #tpu.memory_space<hbm>>
      tpu.wait_dma2 semaphore(%arg26 : memref<!tpu.dma_semaphore, #tpu.memory_space<semaphore_mem>>) src(%dma_wait3A_192 : memref<96xi32, #tpu.memory_space<hbm>>) dst(%arg11 : memref<96xi32, #tpu.memory_space<vmem>>)
      %dma_start3A_193 = arith.constant 0 : i32
      %dma_start3A_194 = arith.constant 0 : i32
      %dma_start3A_195 = tpu.memref_slice %arg5[%dma_start3A_193, %dma_start3A_194] : memref<10112x128xf32, #tpu.memory_space<vmem_shared>> -> memref<10112x128xf32, #tpu.memory_space<vmem_shared>>
      tpu.enqueue_indirect_dma source(%arg14 : memref<96x128xf32, #tpu.memory_space<vmem>>) target(%dma_start3A_195 : memref<10112x128xf32, #tpu.memory_space<vmem_shared>>) offsets(%arg11 : memref<96xi32, #tpu.memory_space<vmem>>) semaphore(%arg23 : memref<!tpu.dma_semaphore, #tpu.memory_space<semaphore_mem>>) {add = true}
      %ge3A_196 = arith.constant 1 : i32
      %ge3A_197 = arith.cmpi sge, %add3A_182, %ge3A_196 : i32
      %convert_element_type3A_198 = arith.extui %ge3A_197 : i1 to i32
      %cond3A_199 = arith.constant 0 : i32
      %cond3A_200 = arith.cmpi ne, %convert_element_type3A_198, %cond3A_199 : i32
      scf.if %cond3A_200 {
        %dma_wait3A_216 = arith.constant 0 : i32
        %dma_wait3A_217 = arith.constant 0 : i32
        %dma_wait3A_218 = tpu.memref_slice %arg5[%dma_wait3A_216, %dma_wait3A_217] : memref<10112x128xf32, #tpu.memory_space<vmem_shared>> -> memref<10112x128xf32, #tpu.memory_space<vmem_shared>>
        tpu.wait_indirect_dma semaphore(%arg22 : memref<!tpu.dma_semaphore, #tpu.memory_space<semaphore_mem>>) src(%arg13 : memref<96x128xf32, #tpu.memory_space<vmem>>) dst(%dma_wait3A_218 : memref<10112x128xf32, #tpu.memory_space<vmem_shared>>)
      } else {
      }
      %add3A_201 = arith.constant 2 : i32
      %add3A_202 = arith.addi %add3A_182, %add3A_201 : i32
      %lt3A_203 = arith.constant 105 : i32
      %lt3A_204 = arith.cmpi slt, %add3A_202, %lt3A_203 : i32
      %convert_element_type3A_205 = arith.extui %lt3A_204 : i1 to i32
      %cond3A_206 = arith.constant 0 : i32
      %cond3A_207 = arith.cmpi ne, %convert_element_type3A_205, %cond3A_206 : i32
      scf.if %cond3A_207 {
        %add3A_216 = arith.constant 2 : i32
        %add3A_217 = arith.addi %add3A_182, %add3A_216 : i32
        %dma_start3A_218 = arith.constant 1 : i32
        %dma_start3A_219 = arith.constant 0 : i32
        %dma_start3A_220 = tpu.memref_slice %arg3[%add3A, %add3A_217, %dma_start3A_218, %dma_start3A_219] : memref<32x105x2x96xi32, #tpu.memory_space<hbm>> -> memref<1x1x1x96xi32, #tpu.memory_space<hbm>>
        %dma_start3A_221 = tpu.memref_squeeze %dma_start3A_220 : memref<1x1x1x96xi32, #tpu.memory_space<hbm>> -> memref<96xi32, #tpu.memory_space<hbm>>
        %dma_start3A_222 = arith.constant 0 : i32
        %dma_start3A_223 = tpu.memref_slice %arg3[%add3A, %add3A_217, %dma_start3A_218, %dma_start3A_222] : memref<32x105x2x96xi32, #tpu.memory_space<hbm>> -> memref<1x1x1x96xi32, #tpu.memory_space<hbm>>
        %dma_start3A_224 = tpu.memref_squeeze %dma_start3A_223 : memref<1x1x1x96xi32, #tpu.memory_space<hbm>> -> memref<96xi32, #tpu.memory_space<hbm>>
        tpu.enqueue_dma source(%dma_start3A_224 : memref<96xi32, #tpu.memory_space<hbm>>) target(%arg10 : memref<96xi32, #tpu.memory_space<vmem>>) target_semaphore(%arg25 : memref<!tpu.dma_semaphore, #tpu.memory_space<semaphore_mem>>)
        %add3A_225 = arith.constant 2 : i32
        %add3A_226 = arith.addi %add3A_182, %add3A_225 : i32
        %dma_wait3A_227 = arith.constant 0 : i32
        %dma_wait3A_228 = arith.constant 0 : i32
        %dma_wait3A_229 = tpu.memref_slice %arg3[%add3A, %add3A_226, %dma_wait3A_227, %dma_wait3A_228] : memref<32x105x2x96xi32, #tpu.memory_space<hbm>> -> memref<1x1x1x96xi32, #tpu.memory_space<hbm>>
        %dma_wait3A_230 = tpu.memref_squeeze %dma_wait3A_229 : memref<1x1x1x96xi32, #tpu.memory_space<hbm>> -> memref<96xi32, #tpu.memory_space<hbm>>
        %dma_wait3A_231 = arith.constant 0 : i32
        %dma_wait3A_232 = tpu.memref_slice %arg3[%add3A, %add3A_226, %dma_wait3A_227, %dma_wait3A_231] : memref<32x105x2x96xi32, #tpu.memory_space<hbm>> -> memref<1x1x1x96xi32, #tpu.memory_space<hbm>>
        %dma_wait3A_233 = tpu.memref_squeeze %dma_wait3A_232 : memref<1x1x1x96xi32, #tpu.memory_space<hbm>> -> memref<96xi32, #tpu.memory_space<hbm>>
        tpu.wait_dma2 semaphore(%arg19 : memref<!tpu.dma_semaphore, #tpu.memory_space<semaphore_mem>>) src(%dma_wait3A_233 : memref<96xi32, #tpu.memory_space<hbm>>) dst(%arg7 : memref<96xi32, #tpu.memory_space<vmem>>)
        %dma_start3A_234 = arith.constant 0 : i32
        %dma_start3A_235 = arith.constant 0 : i32
        %dma_start3A_236 = tpu.memref_slice %arg2[%dma_start3A_234, %dma_start3A_235] : memref<10240x128xf32, #tpu.memory_space<hbm>> -> memref<10240x128xf32, #tpu.memory_space<hbm>>
        tpu.enqueue_indirect_dma source(%dma_start3A_236 : memref<10240x128xf32, #tpu.memory_space<hbm>>) target(%arg13 : memref<96x128xf32, #tpu.memory_space<vmem>>) offsets(%arg7 : memref<96xi32, #tpu.memory_space<vmem>>) semaphore(%arg16 : memref<!tpu.dma_semaphore, #tpu.memory_space<semaphore_mem>>)
      } else {
      }
      %add3A_208 = arith.constant 3 : i32
      %add3A_209 = arith.addi %add3A_182, %add3A_208 : i32
      %lt3A_210 = arith.constant 105 : i32
      %lt3A_211 = arith.cmpi slt, %add3A_209, %lt3A_210 : i32
      %convert_element_type3A_212 = arith.extui %lt3A_211 : i1 to i32
      %cond3A_213 = arith.constant 0 : i32
      %cond3A_214 = arith.cmpi ne, %convert_element_type3A_212, %cond3A_213 : i32
      scf.if %cond3A_214 {
        %add3A_216 = arith.constant 3 : i32
        %add3A_217 = arith.addi %add3A_182, %add3A_216 : i32
        %dma_start3A_218 = arith.constant 0 : i32
        %dma_start3A_219 = arith.constant 0 : i32
        %dma_start3A_220 = tpu.memref_slice %arg3[%add3A, %add3A_217, %dma_start3A_218, %dma_start3A_219] : memref<32x105x2x96xi32, #tpu.memory_space<hbm>> -> memref<1x1x1x96xi32, #tpu.memory_space<hbm>>
        %dma_start3A_221 = tpu.memref_squeeze %dma_start3A_220 : memref<1x1x1x96xi32, #tpu.memory_space<hbm>> -> memref<96xi32, #tpu.memory_space<hbm>>
        %dma_start3A_222 = arith.constant 0 : i32
        %dma_start3A_223 = tpu.memref_slice %arg3[%add3A, %add3A_217, %dma_start3A_218, %dma_start3A_222] : memref<32x105x2x96xi32, #tpu.memory_space<hbm>> -> memref<1x1x1x96xi32, #tpu.memory_space<hbm>>
        %dma_start3A_224 = tpu.memref_squeeze %dma_start3A_223 : memref<1x1x1x96xi32, #tpu.memory_space<hbm>> -> memref<96xi32, #tpu.memory_space<hbm>>
        tpu.enqueue_dma source(%dma_start3A_224 : memref<96xi32, #tpu.memory_space<hbm>>) target(%arg8 : memref<96xi32, #tpu.memory_space<vmem>>) target_semaphore(%arg20 : memref<!tpu.dma_semaphore, #tpu.memory_space<semaphore_mem>>)
      } else {
      }
      %scan3A_215 = arith.constant 0 : i32
      scf.yield %scan3A_215 : i32
    }
    %scan3A_102 = arith.constant 35 : i32
    %dma_wait3A_103 = arith.constant 0 : i32
    %dma_wait3A_104 = arith.constant 0 : i32
    %dma_wait3A_105 = tpu.memref_slice %arg5[%dma_wait3A_103, %dma_wait3A_104] : memref<10112x128xf32, #tpu.memory_space<vmem_shared>> -> memref<10112x128xf32, #tpu.memory_space<vmem_shared>>
    tpu.wait_indirect_dma semaphore(%arg23 : memref<!tpu.dma_semaphore, #tpu.memory_space<semaphore_mem>>) src(%arg14 : memref<96x128xf32, #tpu.memory_space<vmem>>) dst(%dma_wait3A_105 : memref<10112x128xf32, #tpu.memory_space<vmem_shared>>)
    %barrier3A_106 = arith.constant 0 : index
    tpu.barrier barrier_id(%barrier3A_106)
    %mul3A_107 = arith.constant 632 : i32
    %mul3A_108 = arith.muli %arg1, %mul3A_107 : i32
    "tpu.region"() ({
      %run_scoped3A = tpu.sem_alloc : memref<!tpu.dma_semaphore, #tpu.memory_space<semaphore_mem>>
      %dma_start3A_109 = arith.constant 0 : i32
      %dma_start3A_110 = tpu.memref_slice %arg4[%arg0, %mul3A_108, %dma_start3A_109] : memref<2x10240x128xf32, #tpu.memory_space<hbm>> -> memref<1x632x128xf32, #tpu.memory_space<hbm>>
      %dma_start3A_111 = tpu.memref_squeeze %dma_start3A_110 : memref<1x632x128xf32, #tpu.memory_space<hbm>> -> memref<632x128xf32, #tpu.memory_space<hbm>>
      %dma_start3A_112 = arith.constant 0 : i32
      %dma_start3A_113 = tpu.memref_slice %arg5[%mul3A_108, %dma_start3A_112] : memref<10112x128xf32, #tpu.memory_space<vmem_shared>> -> memref<632x128xf32, #tpu.memory_space<vmem_shared>>
      tpu.enqueue_dma source(%dma_start3A_113 : memref<632x128xf32, #tpu.memory_space<vmem_shared>>) target(%dma_start3A_111 : memref<632x128xf32, #tpu.memory_space<hbm>>) target_semaphore(%run_scoped3A : memref<!tpu.dma_semaphore, #tpu.memory_space<semaphore_mem>>)
      %dma_wait3A_114 = arith.constant 0 : i32
      %dma_wait3A_115 = tpu.memref_slice %arg4[%arg0, %mul3A_108, %dma_wait3A_114] : memref<2x10240x128xf32, #tpu.memory_space<hbm>> -> memref<1x632x128xf32, #tpu.memory_space<hbm>>
      %dma_wait3A_116 = tpu.memref_squeeze %dma_wait3A_115 : memref<1x632x128xf32, #tpu.memory_space<hbm>> -> memref<632x128xf32, #tpu.memory_space<hbm>>
      %dma_wait3A_117 = arith.constant 0 : i32
      %dma_wait3A_118 = tpu.memref_slice %arg5[%mul3A_108, %dma_wait3A_117] : memref<10112x128xf32, #tpu.memory_space<vmem_shared>> -> memref<632x128xf32, #tpu.memory_space<vmem_shared>>
      tpu.wait_dma2 semaphore(%run_scoped3A : memref<!tpu.dma_semaphore, #tpu.memory_space<semaphore_mem>>) src(%dma_wait3A_118 : memref<632x128xf32, #tpu.memory_space<vmem_shared>>) dst(%dma_wait3A_116 : memref<632x128xf32, #tpu.memory_space<hbm>>)
      tpu.yield
    }) : () -> ()
    return
  }
}

#map = affine_map<(d0, d1) -> (0, 0)>
#map1 = affine_map<(d0, d1) -> (0, 0, 0, 0)>
#map2 = affine_map<(d0, d1) -> (0, 0, 0)>
module attributes {stable_mosaic.version = 14 : i64} {
  func.func @_msg_kernel(%arg0: i32, %arg1: i32, %arg2: memref<10240x128xf32, #tpu.memory_space<hbm>>, %arg3: memref<32x105x2x96xi32, #tpu.memory_space<hbm>>, %arg4: memref<2x10240x128xf32, #tpu.memory_space<hbm>>, %arg5: memref<10112x128xf32, #tpu.memory_space<vmem_shared>>, %arg6: memref<96xi32, #tpu.memory_space<vmem>>, %arg7: memref<96xi32, #tpu.memory_space<vmem>>, %arg8: memref<96xi32, #tpu.memory_space<vmem>>, %arg9: memref<96xi32, #tpu.memory_space<vmem>>, %arg10: memref<96xi32, #tpu.memory_space<vmem>>, %arg11: memref<96xi32, #tpu.memory_space<vmem>>, %arg12: memref<96x128xf32, #tpu.memory_space<vmem>>, %arg13: memref<96x128xf32, #tpu.memory_space<vmem>>, %arg14: memref<96x128xf32, #tpu.memory_space<vmem>>, %arg15: memref<!tpu.dma_semaphore, #tpu.memory_space<semaphore_mem>>, %arg16: memref<!tpu.dma_semaphore, #tpu.memory_space<semaphore_mem>>, %arg17: memref<!tpu.dma_semaphore, #tpu.memory_space<semaphore_mem>>, %arg18: memref<!tpu.dma_semaphore, #tpu.memory_space<semaphore_mem>>, %arg19: memref<!tpu.dma_semaphore, #tpu.memory_space<semaphore_mem>>, %arg20: memref<!tpu.dma_semaphore, #tpu.memory_space<semaphore_mem>>, %arg21: memref<!tpu.dma_semaphore, #tpu.memory_space<semaphore_mem>>, %arg22: memref<!tpu.dma_semaphore, #tpu.memory_space<semaphore_mem>>, %arg23: memref<!tpu.dma_semaphore, #tpu.memory_space<semaphore_mem>>, %arg24: memref<!tpu.dma_semaphore, #tpu.memory_space<semaphore_mem>>, %arg25: memref<!tpu.dma_semaphore, #tpu.memory_space<semaphore_mem>>, %arg26: memref<!tpu.dma_semaphore, #tpu.memory_space<semaphore_mem>>) attributes {dimension_semantics = [#tpu.dimension_semantics<core_parallel>, #tpu.dimension_semantics<subcore_parallel>], iteration_bounds = array<i64: 2, 16>, scalar_prefetch = 0 : i64, scratch_operands = 22 : i64, tpu.core_type = #tpu.core_type<sc_vector_subcore>, window_params = [{transform_indices = #map}, {transform_indices = #map1}, {transform_indices = #map2}]} {
    %mul3A = arith.constant 16 : i32
    %mul3A_0 = arith.muli %arg0, %mul3A : i32
    %add3A = arith.addi %mul3A_0, %arg1 : i32
    %broadcast_in_dim3A = arith.constant 0.000000e+00 : f32
    %broadcast_in_dim3A_1 = vector.broadcast %broadcast_in_dim3A : f32 to vector<16xf32>
    %scan3A = arith.constant 0 : i32
    %scan3A_2 = arith.constant 0 : i32
    %scan3A_3 = arith.constant 96 : i32
    %scan3A_4 = arith.addi %scan3A_2, %scan3A_3 : i32
    %scan3A_5 = arith.constant 1 : i32
    %scan3A_6 = scf.for %scan3A_109 = %scan3A_2 to %scan3A_4 step %scan3A_5 iter_args(%scan3A_110 = %scan3A) -> (i32)  : i32 {
      %swap3A = arith.index_cast %scan3A_109 : i32 to index
      %swap3A_111 = arith.constant 0 : index
      %swap3A_112 = tpu.vector_load %arg12[%swap3A, %swap3A_111] {strides = array<i32>} : memref<96x128xf32, #tpu.memory_space<vmem>>, vector<16xf32>,
      tpu.vector_store %arg12[%swap3A, %swap3A_111], %broadcast_in_dim3A_1 {strides = array<i32>} : memref<96x128xf32, #tpu.memory_space<vmem>>, vector<16xf32>,
      %swap3A_113 = arith.index_cast %scan3A_109 : i32 to index
      %swap3A_114 = arith.constant 16 : index
      %swap3A_115 = tpu.vector_load %arg12[%swap3A_113, %swap3A_114] {strides = array<i32>} : memref<96x128xf32, #tpu.memory_space<vmem>>, vector<16xf32>,
      tpu.vector_store %arg12[%swap3A_113, %swap3A_114], %broadcast_in_dim3A_1 {strides = array<i32>} : memref<96x128xf32, #tpu.memory_space<vmem>>, vector<16xf32>,
      %swap3A_116 = arith.index_cast %scan3A_109 : i32 to index
      %swap3A_117 = arith.constant 32 : index
      %swap3A_118 = tpu.vector_load %arg12[%swap3A_116, %swap3A_117] {strides = array<i32>} : memref<96x128xf32, #tpu.memory_space<vmem>>, vector<16xf32>,
      tpu.vector_store %arg12[%swap3A_116, %swap3A_117], %broadcast_in_dim3A_1 {strides = array<i32>} : memref<96x128xf32, #tpu.memory_space<vmem>>, vector<16xf32>,
      %swap3A_119 = arith.index_cast %scan3A_109 : i32 to index
      %swap3A_120 = arith.constant 48 : index
      %swap3A_121 = tpu.vector_load %arg12[%swap3A_119, %swap3A_120] {strides = array<i32>} : memref<96x128xf32, #tpu.memory_space<vmem>>, vector<16xf32>,
      tpu.vector_store %arg12[%swap3A_119, %swap3A_120], %broadcast_in_dim3A_1 {strides = array<i32>} : memref<96x128xf32, #tpu.memory_space<vmem>>, vector<16xf32>,
      %swap3A_122 = arith.index_cast %scan3A_109 : i32 to index
      %swap3A_123 = arith.constant 64 : index
      %swap3A_124 = tpu.vector_load %arg12[%swap3A_122, %swap3A_123] {strides = array<i32>} : memref<96x128xf32, #tpu.memory_space<vmem>>, vector<16xf32>,
      tpu.vector_store %arg12[%swap3A_122, %swap3A_123], %broadcast_in_dim3A_1 {strides = array<i32>} : memref<96x128xf32, #tpu.memory_space<vmem>>, vector<16xf32>,
      %swap3A_125 = arith.index_cast %scan3A_109 : i32 to index
      %swap3A_126 = arith.constant 80 : index
      %swap3A_127 = tpu.vector_load %arg12[%swap3A_125, %swap3A_126] {strides = array<i32>} : memref<96x128xf32, #tpu.memory_space<vmem>>, vector<16xf32>,
      tpu.vector_store %arg12[%swap3A_125, %swap3A_126], %broadcast_in_dim3A_1 {strides = array<i32>} : memref<96x128xf32, #tpu.memory_space<vmem>>, vector<16xf32>,
      %swap3A_128 = arith.index_cast %scan3A_109 : i32 to index
      %swap3A_129 = arith.constant 96 : index
      %swap3A_130 = tpu.vector_load %arg12[%swap3A_128, %swap3A_129] {strides = array<i32>} : memref<96x128xf32, #tpu.memory_space<vmem>>, vector<16xf32>,
      tpu.vector_store %arg12[%swap3A_128, %swap3A_129], %broadcast_in_dim3A_1 {strides = array<i32>} : memref<96x128xf32, #tpu.memory_space<vmem>>, vector<16xf32>,
      %swap3A_131 = arith.index_cast %scan3A_109 : i32 to index
      %swap3A_132 = arith.constant 112 : index
      %swap3A_133 = tpu.vector_load %arg12[%swap3A_131, %swap3A_132] {strides = array<i32>} : memref<96x128xf32, #tpu.memory_space<vmem>>, vector<16xf32>,
      tpu.vector_store %arg12[%swap3A_131, %swap3A_132], %broadcast_in_dim3A_1 {strides = array<i32>} : memref<96x128xf32, #tpu.memory_space<vmem>>, vector<16xf32>,
      %scan3A_134 = arith.constant 0 : i32
      scf.yield %scan3A_134 : i32
    }
    %scan3A_7 = arith.constant 96 : i32
    %mul3A_8 = arith.constant 632 : i32
    %mul3A_9 = arith.muli %arg1, %mul3A_8 : i32
    %add3A_10 = arith.constant 0 : i32
    %add3A_11 = arith.addi %mul3A_9, %add3A_10 : i32
    "tpu.region"() ({
      %run_scoped3A = tpu.sem_alloc : memref<!tpu.dma_semaphore, #tpu.memory_space<semaphore_mem>>
      %dma_start3A_109 = arith.constant 0 : i32
      %dma_start3A_110 = arith.constant 0 : i32
      %dma_start3A_111 = tpu.memref_slice %arg12[%dma_start3A_109, %dma_start3A_110] : memref<96x128xf32, #tpu.memory_space<vmem>> -> memref<96x128xf32, #tpu.memory_space<vmem>>
      %dma_start3A_112 = arith.constant 0 : i32
      %dma_start3A_113 = tpu.memref_slice %arg5[%add3A_11, %dma_start3A_112] : memref<10112x128xf32, #tpu.memory_space<vmem_shared>> -> memref<96x128xf32, #tpu.memory_space<vmem_shared>>
      %dma_start3A_114 = arith.constant 0 : i32
      %dma_start3A_115 = tpu.memref_slice %arg5[%add3A_11, %dma_start3A_114] : memref<10112x128xf32, #tpu.memory_space<vmem_shared>> -> memref<96x128xf32, #tpu.memory_space<vmem_shared>>
      %dma_start3A_116 = arith.constant 0 : i32
      %dma_start3A_117 = arith.constant 0 : i32
      %dma_start3A_118 = tpu.memref_slice %arg12[%dma_start3A_116, %dma_start3A_117] : memref<96x128xf32, #tpu.memory_space<vmem>> -> memref<96x128xf32, #tpu.memory_space<vmem>>
      tpu.enqueue_dma source(%dma_start3A_118 : memref<96x128xf32, #tpu.memory_space<vmem>>) target(%dma_start3A_115 : memref<96x128xf32, #tpu.memory_space<vmem_shared>>) target_semaphore(%run_scoped3A : memref<!tpu.dma_semaphore, #tpu.memory_space<semaphore_mem>>)
      %dma_wait3A_119 = arith.constant 0 : i32
      %dma_wait3A_120 = arith.constant 0 : i32
      %dma_wait3A_121 = tpu.memref_slice %arg12[%dma_wait3A_119, %dma_wait3A_120] : memref<96x128xf32, #tpu.memory_space<vmem>> -> memref<96x128xf32, #tpu.memory_space<vmem>>
      %dma_wait3A_122 = arith.constant 0 : i32
      %dma_wait3A_123 = tpu.memref_slice %arg5[%add3A_11, %dma_wait3A_122] : memref<10112x128xf32, #tpu.memory_space<vmem_shared>> -> memref<96x128xf32, #tpu.memory_space<vmem_shared>>
      %dma_wait3A_124 = arith.constant 0 : i32
      %dma_wait3A_125 = tpu.memref_slice %arg5[%add3A_11, %dma_wait3A_124] : memref<10112x128xf32, #tpu.memory_space<vmem_shared>> -> memref<96x128xf32, #tpu.memory_space<vmem_shared>>
      %dma_wait3A_126 = arith.constant 0 : i32
      %dma_wait3A_127 = arith.constant 0 : i32
      %dma_wait3A_128 = tpu.memref_slice %arg12[%dma_wait3A_126, %dma_wait3A_127] : memref<96x128xf32, #tpu.memory_space<vmem>> -> memref<96x128xf32, #tpu.memory_space<vmem>>
      tpu.wait_dma2 semaphore(%run_scoped3A : memref<!tpu.dma_semaphore, #tpu.memory_space<semaphore_mem>>) src(%dma_wait3A_128 : memref<96x128xf32, #tpu.memory_space<vmem>>) dst(%dma_wait3A_125 : memref<96x128xf32, #tpu.memory_space<vmem_shared>>)
      tpu.yield
    }) : () -> ()
    %mul3A_12 = arith.constant 632 : i32
    %mul3A_13 = arith.muli %arg1, %mul3A_12 : i32
    %add3A_14 = arith.constant 96 : i32
    %add3A_15 = arith.addi %mul3A_13, %add3A_14 : i32
    "tpu.region"() ({
      %run_scoped3A = tpu.sem_alloc : memref<!tpu.dma_semaphore, #tpu.memory_space<semaphore_mem>>
      %dma_start3A_109 = arith.constant 0 : i32
      %dma_start3A_110 = arith.constant 0 : i32
      %dma_start3A_111 = tpu.memref_slice %arg12[%dma_start3A_109, %dma_start3A_110] : memref<96x128xf32, #tpu.memory_space<vmem>> -> memref<96x128xf32, #tpu.memory_space<vmem>>
      %dma_start3A_112 = arith.constant 0 : i32
      %dma_start3A_113 = tpu.memref_slice %arg5[%add3A_15, %dma_start3A_112] : memref<10112x128xf32, #tpu.memory_space<vmem_shared>> -> memref<96x128xf32, #tpu.memory_space<vmem_shared>>
      %dma_start3A_114 = arith.constant 0 : i32
      %dma_start3A_115 = tpu.memref_slice %arg5[%add3A_15, %dma_start3A_114] : memref<10112x128xf32, #tpu.memory_space<vmem_shared>> -> memref<96x128xf32, #tpu.memory_space<vmem_shared>>
      %dma_start3A_116 = arith.constant 0 : i32
      %dma_start3A_117 = arith.constant 0 : i32
      %dma_start3A_118 = tpu.memref_slice %arg12[%dma_start3A_116, %dma_start3A_117] : memref<96x128xf32, #tpu.memory_space<vmem>> -> memref<96x128xf32, #tpu.memory_space<vmem>>
      tpu.enqueue_dma source(%dma_start3A_118 : memref<96x128xf32, #tpu.memory_space<vmem>>) target(%dma_start3A_115 : memref<96x128xf32, #tpu.memory_space<vmem_shared>>) target_semaphore(%run_scoped3A : memref<!tpu.dma_semaphore, #tpu.memory_space<semaphore_mem>>)
      %dma_wait3A_119 = arith.constant 0 : i32
      %dma_wait3A_120 = arith.constant 0 : i32
      %dma_wait3A_121 = tpu.memref_slice %arg12[%dma_wait3A_119, %dma_wait3A_120] : memref<96x128xf32, #tpu.memory_space<vmem>> -> memref<96x128xf32, #tpu.memory_space<vmem>>
      %dma_wait3A_122 = arith.constant 0 : i32
      %dma_wait3A_123 = tpu.memref_slice %arg5[%add3A_15, %dma_wait3A_122] : memref<10112x128xf32, #tpu.memory_space<vmem_shared>> -> memref<96x128xf32, #tpu.memory_space<vmem_shared>>
      %dma_wait3A_124 = arith.constant 0 : i32
      %dma_wait3A_125 = tpu.memref_slice %arg5[%add3A_15, %dma_wait3A_124] : memref<10112x128xf32, #tpu.memory_space<vmem_shared>> -> memref<96x128xf32, #tpu.memory_space<vmem_shared>>
      %dma_wait3A_126 = arith.constant 0 : i32
      %dma_wait3A_127 = arith.constant 0 : i32
      %dma_wait3A_128 = tpu.memref_slice %arg12[%dma_wait3A_126, %dma_wait3A_127] : memref<96x128xf32, #tpu.memory_space<vmem>> -> memref<96x128xf32, #tpu.memory_space<vmem>>
      tpu.wait_dma2 semaphore(%run_scoped3A : memref<!tpu.dma_semaphore, #tpu.memory_space<semaphore_mem>>) src(%dma_wait3A_128 : memref<96x128xf32, #tpu.memory_space<vmem>>) dst(%dma_wait3A_125 : memref<96x128xf32, #tpu.memory_space<vmem_shared>>)
      tpu.yield
    }) : () -> ()
    %mul3A_16 = arith.constant 632 : i32
    %mul3A_17 = arith.muli %arg1, %mul3A_16 : i32
    %add3A_18 = arith.constant 192 : i32
    %add3A_19 = arith.addi %mul3A_17, %add3A_18 : i32
    "tpu.region"() ({
      %run_scoped3A = tpu.sem_alloc : memref<!tpu.dma_semaphore, #tpu.memory_space<semaphore_mem>>
      %dma_start3A_109 = arith.constant 0 : i32
      %dma_start3A_110 = arith.constant 0 : i32
      %dma_start3A_111 = tpu.memref_slice %arg12[%dma_start3A_109, %dma_start3A_110] : memref<96x128xf32, #tpu.memory_space<vmem>> -> memref<96x128xf32, #tpu.memory_space<vmem>>
      %dma_start3A_112 = arith.constant 0 : i32
      %dma_start3A_113 = tpu.memref_slice %arg5[%add3A_19, %dma_start3A_112] : memref<10112x128xf32, #tpu.memory_space<vmem_shared>> -> memref<96x128xf32, #tpu.memory_space<vmem_shared>>
      %dma_start3A_114 = arith.constant 0 : i32
      %dma_start3A_115 = tpu.memref_slice %arg5[%add3A_19, %dma_start3A_114] : memref<10112x128xf32, #tpu.memory_space<vmem_shared>> -> memref<96x128xf32, #tpu.memory_space<vmem_shared>>
      %dma_start3A_116 = arith.constant 0 : i32
      %dma_start3A_117 = arith.constant 0 : i32
      %dma_start3A_118 = tpu.memref_slice %arg12[%dma_start3A_116, %dma_start3A_117] : memref<96x128xf32, #tpu.memory_space<vmem>> -> memref<96x128xf32, #tpu.memory_space<vmem>>
      tpu.enqueue_dma source(%dma_start3A_118 : memref<96x128xf32, #tpu.memory_space<vmem>>) target(%dma_start3A_115 : memref<96x128xf32, #tpu.memory_space<vmem_shared>>) target_semaphore(%run_scoped3A : memref<!tpu.dma_semaphore, #tpu.memory_space<semaphore_mem>>)
      %dma_wait3A_119 = arith.constant 0 : i32
      %dma_wait3A_120 = arith.constant 0 : i32
      %dma_wait3A_121 = tpu.memref_slice %arg12[%dma_wait3A_119, %dma_wait3A_120] : memref<96x128xf32, #tpu.memory_space<vmem>> -> memref<96x128xf32, #tpu.memory_space<vmem>>
      %dma_wait3A_122 = arith.constant 0 : i32
      %dma_wait3A_123 = tpu.memref_slice %arg5[%add3A_19, %dma_wait3A_122] : memref<10112x128xf32, #tpu.memory_space<vmem_shared>> -> memref<96x128xf32, #tpu.memory_space<vmem_shared>>
      %dma_wait3A_124 = arith.constant 0 : i32
      %dma_wait3A_125 = tpu.memref_slice %arg5[%add3A_19, %dma_wait3A_124] : memref<10112x128xf32, #tpu.memory_space<vmem_shared>> -> memref<96x128xf32, #tpu.memory_space<vmem_shared>>
      %dma_wait3A_126 = arith.constant 0 : i32
      %dma_wait3A_127 = arith.constant 0 : i32
      %dma_wait3A_128 = tpu.memref_slice %arg12[%dma_wait3A_126, %dma_wait3A_127] : memref<96x128xf32, #tpu.memory_space<vmem>> -> memref<96x128xf32, #tpu.memory_space<vmem>>
      tpu.wait_dma2 semaphore(%run_scoped3A : memref<!tpu.dma_semaphore, #tpu.memory_space<semaphore_mem>>) src(%dma_wait3A_128 : memref<96x128xf32, #tpu.memory_space<vmem>>) dst(%dma_wait3A_125 : memref<96x128xf32, #tpu.memory_space<vmem_shared>>)
      tpu.yield
    }) : () -> ()
    %mul3A_20 = arith.constant 632 : i32
    %mul3A_21 = arith.muli %arg1, %mul3A_20 : i32
    %add3A_22 = arith.constant 288 : i32
    %add3A_23 = arith.addi %mul3A_21, %add3A_22 : i32
    "tpu.region"() ({
      %run_scoped3A = tpu.sem_alloc : memref<!tpu.dma_semaphore, #tpu.memory_space<semaphore_mem>>
      %dma_start3A_109 = arith.constant 0 : i32
      %dma_start3A_110 = arith.constant 0 : i32
      %dma_start3A_111 = tpu.memref_slice %arg12[%dma_start3A_109, %dma_start3A_110] : memref<96x128xf32, #tpu.memory_space<vmem>> -> memref<96x128xf32, #tpu.memory_space<vmem>>
      %dma_start3A_112 = arith.constant 0 : i32
      %dma_start3A_113 = tpu.memref_slice %arg5[%add3A_23, %dma_start3A_112] : memref<10112x128xf32, #tpu.memory_space<vmem_shared>> -> memref<96x128xf32, #tpu.memory_space<vmem_shared>>
      %dma_start3A_114 = arith.constant 0 : i32
      %dma_start3A_115 = tpu.memref_slice %arg5[%add3A_23, %dma_start3A_114] : memref<10112x128xf32, #tpu.memory_space<vmem_shared>> -> memref<96x128xf32, #tpu.memory_space<vmem_shared>>
      %dma_start3A_116 = arith.constant 0 : i32
      %dma_start3A_117 = arith.constant 0 : i32
      %dma_start3A_118 = tpu.memref_slice %arg12[%dma_start3A_116, %dma_start3A_117] : memref<96x128xf32, #tpu.memory_space<vmem>> -> memref<96x128xf32, #tpu.memory_space<vmem>>
      tpu.enqueue_dma source(%dma_start3A_118 : memref<96x128xf32, #tpu.memory_space<vmem>>) target(%dma_start3A_115 : memref<96x128xf32, #tpu.memory_space<vmem_shared>>) target_semaphore(%run_scoped3A : memref<!tpu.dma_semaphore, #tpu.memory_space<semaphore_mem>>)
      %dma_wait3A_119 = arith.constant 0 : i32
      %dma_wait3A_120 = arith.constant 0 : i32
      %dma_wait3A_121 = tpu.memref_slice %arg12[%dma_wait3A_119, %dma_wait3A_120] : memref<96x128xf32, #tpu.memory_space<vmem>> -> memref<96x128xf32, #tpu.memory_space<vmem>>
      %dma_wait3A_122 = arith.constant 0 : i32
      %dma_wait3A_123 = tpu.memref_slice %arg5[%add3A_23, %dma_wait3A_122] : memref<10112x128xf32, #tpu.memory_space<vmem_shared>> -> memref<96x128xf32, #tpu.memory_space<vmem_shared>>
      %dma_wait3A_124 = arith.constant 0 : i32
      %dma_wait3A_125 = tpu.memref_slice %arg5[%add3A_23, %dma_wait3A_124] : memref<10112x128xf32, #tpu.memory_space<vmem_shared>> -> memref<96x128xf32, #tpu.memory_space<vmem_shared>>
      %dma_wait3A_126 = arith.constant 0 : i32
      %dma_wait3A_127 = arith.constant 0 : i32
      %dma_wait3A_128 = tpu.memref_slice %arg12[%dma_wait3A_126, %dma_wait3A_127] : memref<96x128xf32, #tpu.memory_space<vmem>> -> memref<96x128xf32, #tpu.memory_space<vmem>>
      tpu.wait_dma2 semaphore(%run_scoped3A : memref<!tpu.dma_semaphore, #tpu.memory_space<semaphore_mem>>) src(%dma_wait3A_128 : memref<96x128xf32, #tpu.memory_space<vmem>>) dst(%dma_wait3A_125 : memref<96x128xf32, #tpu.memory_space<vmem_shared>>)
      tpu.yield
    }) : () -> ()
    %mul3A_24 = arith.constant 632 : i32
    %mul3A_25 = arith.muli %arg1, %mul3A_24 : i32
    %add3A_26 = arith.constant 384 : i32
    %add3A_27 = arith.addi %mul3A_25, %add3A_26 : i32
    "tpu.region"() ({
      %run_scoped3A = tpu.sem_alloc : memref<!tpu.dma_semaphore, #tpu.memory_space<semaphore_mem>>
      %dma_start3A_109 = arith.constant 0 : i32
      %dma_start3A_110 = arith.constant 0 : i32
      %dma_start3A_111 = tpu.memref_slice %arg12[%dma_start3A_109, %dma_start3A_110] : memref<96x128xf32, #tpu.memory_space<vmem>> -> memref<96x128xf32, #tpu.memory_space<vmem>>
      %dma_start3A_112 = arith.constant 0 : i32
      %dma_start3A_113 = tpu.memref_slice %arg5[%add3A_27, %dma_start3A_112] : memref<10112x128xf32, #tpu.memory_space<vmem_shared>> -> memref<96x128xf32, #tpu.memory_space<vmem_shared>>
      %dma_start3A_114 = arith.constant 0 : i32
      %dma_start3A_115 = tpu.memref_slice %arg5[%add3A_27, %dma_start3A_114] : memref<10112x128xf32, #tpu.memory_space<vmem_shared>> -> memref<96x128xf32, #tpu.memory_space<vmem_shared>>
      %dma_start3A_116 = arith.constant 0 : i32
      %dma_start3A_117 = arith.constant 0 : i32
      %dma_start3A_118 = tpu.memref_slice %arg12[%dma_start3A_116, %dma_start3A_117] : memref<96x128xf32, #tpu.memory_space<vmem>> -> memref<96x128xf32, #tpu.memory_space<vmem>>
      tpu.enqueue_dma source(%dma_start3A_118 : memref<96x128xf32, #tpu.memory_space<vmem>>) target(%dma_start3A_115 : memref<96x128xf32, #tpu.memory_space<vmem_shared>>) target_semaphore(%run_scoped3A : memref<!tpu.dma_semaphore, #tpu.memory_space<semaphore_mem>>)
      %dma_wait3A_119 = arith.constant 0 : i32
      %dma_wait3A_120 = arith.constant 0 : i32
      %dma_wait3A_121 = tpu.memref_slice %arg12[%dma_wait3A_119, %dma_wait3A_120] : memref<96x128xf32, #tpu.memory_space<vmem>> -> memref<96x128xf32, #tpu.memory_space<vmem>>
      %dma_wait3A_122 = arith.constant 0 : i32
      %dma_wait3A_123 = tpu.memref_slice %arg5[%add3A_27, %dma_wait3A_122] : memref<10112x128xf32, #tpu.memory_space<vmem_shared>> -> memref<96x128xf32, #tpu.memory_space<vmem_shared>>
      %dma_wait3A_124 = arith.constant 0 : i32
      %dma_wait3A_125 = tpu.memref_slice %arg5[%add3A_27, %dma_wait3A_124] : memref<10112x128xf32, #tpu.memory_space<vmem_shared>> -> memref<96x128xf32, #tpu.memory_space<vmem_shared>>
      %dma_wait3A_126 = arith.constant 0 : i32
      %dma_wait3A_127 = arith.constant 0 : i32
      %dma_wait3A_128 = tpu.memref_slice %arg12[%dma_wait3A_126, %dma_wait3A_127] : memref<96x128xf32, #tpu.memory_space<vmem>> -> memref<96x128xf32, #tpu.memory_space<vmem>>
      tpu.wait_dma2 semaphore(%run_scoped3A : memref<!tpu.dma_semaphore, #tpu.memory_space<semaphore_mem>>) src(%dma_wait3A_128 : memref<96x128xf32, #tpu.memory_space<vmem>>) dst(%dma_wait3A_125 : memref<96x128xf32, #tpu.memory_space<vmem_shared>>)
      tpu.yield
    }) : () -> ()
    %mul3A_28 = arith.constant 632 : i32
    %mul3A_29 = arith.muli %arg1, %mul3A_28 : i32
    %add3A_30 = arith.constant 480 : i32
    %add3A_31 = arith.addi %mul3A_29, %add3A_30 : i32
    "tpu.region"() ({
      %run_scoped3A = tpu.sem_alloc : memref<!tpu.dma_semaphore, #tpu.memory_space<semaphore_mem>>
      %dma_start3A_109 = arith.constant 0 : i32
      %dma_start3A_110 = arith.constant 0 : i32
      %dma_start3A_111 = tpu.memref_slice %arg12[%dma_start3A_109, %dma_start3A_110] : memref<96x128xf32, #tpu.memory_space<vmem>> -> memref<96x128xf32, #tpu.memory_space<vmem>>
      %dma_start3A_112 = arith.constant 0 : i32
      %dma_start3A_113 = tpu.memref_slice %arg5[%add3A_31, %dma_start3A_112] : memref<10112x128xf32, #tpu.memory_space<vmem_shared>> -> memref<96x128xf32, #tpu.memory_space<vmem_shared>>
      %dma_start3A_114 = arith.constant 0 : i32
      %dma_start3A_115 = tpu.memref_slice %arg5[%add3A_31, %dma_start3A_114] : memref<10112x128xf32, #tpu.memory_space<vmem_shared>> -> memref<96x128xf32, #tpu.memory_space<vmem_shared>>
      %dma_start3A_116 = arith.constant 0 : i32
      %dma_start3A_117 = arith.constant 0 : i32
      %dma_start3A_118 = tpu.memref_slice %arg12[%dma_start3A_116, %dma_start3A_117] : memref<96x128xf32, #tpu.memory_space<vmem>> -> memref<96x128xf32, #tpu.memory_space<vmem>>
      tpu.enqueue_dma source(%dma_start3A_118 : memref<96x128xf32, #tpu.memory_space<vmem>>) target(%dma_start3A_115 : memref<96x128xf32, #tpu.memory_space<vmem_shared>>) target_semaphore(%run_scoped3A : memref<!tpu.dma_semaphore, #tpu.memory_space<semaphore_mem>>)
      %dma_wait3A_119 = arith.constant 0 : i32
      %dma_wait3A_120 = arith.constant 0 : i32
      %dma_wait3A_121 = tpu.memref_slice %arg12[%dma_wait3A_119, %dma_wait3A_120] : memref<96x128xf32, #tpu.memory_space<vmem>> -> memref<96x128xf32, #tpu.memory_space<vmem>>
      %dma_wait3A_122 = arith.constant 0 : i32
      %dma_wait3A_123 = tpu.memref_slice %arg5[%add3A_31, %dma_wait3A_122] : memref<10112x128xf32, #tpu.memory_space<vmem_shared>> -> memref<96x128xf32, #tpu.memory_space<vmem_shared>>
      %dma_wait3A_124 = arith.constant 0 : i32
      %dma_wait3A_125 = tpu.memref_slice %arg5[%add3A_31, %dma_wait3A_124] : memref<10112x128xf32, #tpu.memory_space<vmem_shared>> -> memref<96x128xf32, #tpu.memory_space<vmem_shared>>
      %dma_wait3A_126 = arith.constant 0 : i32
      %dma_wait3A_127 = arith.constant 0 : i32
      %dma_wait3A_128 = tpu.memref_slice %arg12[%dma_wait3A_126, %dma_wait3A_127] : memref<96x128xf32, #tpu.memory_space<vmem>> -> memref<96x128xf32, #tpu.memory_space<vmem>>
      tpu.wait_dma2 semaphore(%run_scoped3A : memref<!tpu.dma_semaphore, #tpu.memory_space<semaphore_mem>>) src(%dma_wait3A_128 : memref<96x128xf32, #tpu.memory_space<vmem>>) dst(%dma_wait3A_125 : memref<96x128xf32, #tpu.memory_space<vmem_shared>>)
      tpu.yield
    }) : () -> ()
    %mul3A_32 = arith.constant 632 : i32
    %mul3A_33 = arith.muli %arg1, %mul3A_32 : i32
    %add3A_34 = arith.constant 576 : i32
    %add3A_35 = arith.addi %mul3A_33, %add3A_34 : i32
    "tpu.region"() ({
      %run_scoped3A = tpu.sem_alloc : memref<!tpu.dma_semaphore, #tpu.memory_space<semaphore_mem>>
      %dma_start3A_109 = arith.constant 0 : i32
      %dma_start3A_110 = arith.constant 0 : i32
      %dma_start3A_111 = tpu.memref_slice %arg12[%dma_start3A_109, %dma_start3A_110] : memref<96x128xf32, #tpu.memory_space<vmem>> -> memref<56x128xf32, #tpu.memory_space<vmem>>
      %dma_start3A_112 = arith.constant 0 : i32
      %dma_start3A_113 = tpu.memref_slice %arg5[%add3A_35, %dma_start3A_112] : memref<10112x128xf32, #tpu.memory_space<vmem_shared>> -> memref<56x128xf32, #tpu.memory_space<vmem_shared>>
      %dma_start3A_114 = arith.constant 0 : i32
      %dma_start3A_115 = tpu.memref_slice %arg5[%add3A_35, %dma_start3A_114] : memref<10112x128xf32, #tpu.memory_space<vmem_shared>> -> memref<56x128xf32, #tpu.memory_space<vmem_shared>>
      %dma_start3A_116 = arith.constant 0 : i32
      %dma_start3A_117 = arith.constant 0 : i32
      %dma_start3A_118 = tpu.memref_slice %arg12[%dma_start3A_116, %dma_start3A_117] : memref<96x128xf32, #tpu.memory_space<vmem>> -> memref<56x128xf32, #tpu.memory_space<vmem>>
      tpu.enqueue_dma source(%dma_start3A_118 : memref<56x128xf32, #tpu.memory_space<vmem>>) target(%dma_start3A_115 : memref<56x128xf32, #tpu.memory_space<vmem_shared>>) target_semaphore(%run_scoped3A : memref<!tpu.dma_semaphore, #tpu.memory_space<semaphore_mem>>)
      %dma_wait3A_119 = arith.constant 0 : i32
      %dma_wait3A_120 = arith.constant 0 : i32
      %dma_wait3A_121 = tpu.memref_slice %arg12[%dma_wait3A_119, %dma_wait3A_120] : memref<96x128xf32, #tpu.memory_space<vmem>> -> memref<56x128xf32, #tpu.memory_space<vmem>>
      %dma_wait3A_122 = arith.constant 0 : i32
      %dma_wait3A_123 = tpu.memref_slice %arg5[%add3A_35, %dma_wait3A_122] : memref<10112x128xf32, #tpu.memory_space<vmem_shared>> -> memref<56x128xf32, #tpu.memory_space<vmem_shared>>
      %dma_wait3A_124 = arith.constant 0 : i32
      %dma_wait3A_125 = tpu.memref_slice %arg5[%add3A_35, %dma_wait3A_124] : memref<10112x128xf32, #tpu.memory_space<vmem_shared>> -> memref<56x128xf32, #tpu.memory_space<vmem_shared>>
      %dma_wait3A_126 = arith.constant 0 : i32
      %dma_wait3A_127 = arith.constant 0 : i32
      %dma_wait3A_128 = tpu.memref_slice %arg12[%dma_wait3A_126, %dma_wait3A_127] : memref<96x128xf32, #tpu.memory_space<vmem>> -> memref<56x128xf32, #tpu.memory_space<vmem>>
      tpu.wait_dma2 semaphore(%run_scoped3A : memref<!tpu.dma_semaphore, #tpu.memory_space<semaphore_mem>>) src(%dma_wait3A_128 : memref<56x128xf32, #tpu.memory_space<vmem>>) dst(%dma_wait3A_125 : memref<56x128xf32, #tpu.memory_space<vmem_shared>>)
      tpu.yield
    }) : () -> ()
    %barrier3A = arith.constant 0 : index
    tpu.barrier barrier_id(%barrier3A)
    %dma_start3A = arith.constant 0 : i32
    %dma_start3A_36 = arith.constant 0 : i32
    %dma_start3A_37 = arith.constant 0 : i32
    %dma_start3A_38 = tpu.memref_slice %arg3[%add3A, %dma_start3A, %dma_start3A_36, %dma_start3A_37] : memref<32x105x2x96xi32, #tpu.memory_space<hbm>> -> memref<1x1x1x96xi32, #tpu.memory_space<hbm>>
    %dma_start3A_39 = tpu.memref_squeeze %dma_start3A_38 : memref<1x1x1x96xi32, #tpu.memory_space<hbm>> -> memref<96xi32, #tpu.memory_space<hbm>>
    %dma_start3A_40 = arith.constant 0 : i32
    %dma_start3A_41 = tpu.memref_slice %arg3[%add3A, %dma_start3A, %dma_start3A_36, %dma_start3A_40] : memref<32x105x2x96xi32, #tpu.memory_space<hbm>> -> memref<1x1x1x96xi32, #tpu.memory_space<hbm>>
    %dma_start3A_42 = tpu.memref_squeeze %dma_start3A_41 : memref<1x1x1x96xi32, #tpu.memory_space<hbm>> -> memref<96xi32, #tpu.memory_space<hbm>>
    tpu.enqueue_dma source(%dma_start3A_42 : memref<96xi32, #tpu.memory_space<hbm>>) target(%arg6 : memref<96xi32, #tpu.memory_space<vmem>>) target_semaphore(%arg18 : memref<!tpu.dma_semaphore, #tpu.memory_space<semaphore_mem>>)
    %dma_start3A_43 = arith.constant 1 : i32
    %dma_start3A_44 = arith.constant 0 : i32
    %dma_start3A_45 = arith.constant 0 : i32
    %dma_start3A_46 = tpu.memref_slice %arg3[%add3A, %dma_start3A_43, %dma_start3A_44, %dma_start3A_45] : memref<32x105x2x96xi32, #tpu.memory_space<hbm>> -> memref<1x1x1x96xi32, #tpu.memory_space<hbm>>
    %dma_start3A_47 = tpu.memref_squeeze %dma_start3A_46 : memref<1x1x1x96xi32, #tpu.memory_space<hbm>> -> memref<96xi32, #tpu.memory_space<hbm>>
    %dma_start3A_48 = arith.constant 0 : i32
    %dma_start3A_49 = tpu.memref_slice %arg3[%add3A, %dma_start3A_43, %dma_start3A_44, %dma_start3A_48] : memref<32x105x2x96xi32, #tpu.memory_space<hbm>> -> memref<1x1x1x96xi32, #tpu.memory_space<hbm>>
    %dma_start3A_50 = tpu.memref_squeeze %dma_start3A_49 : memref<1x1x1x96xi32, #tpu.memory_space<hbm>> -> memref<96xi32, #tpu.memory_space<hbm>>
    tpu.enqueue_dma source(%dma_start3A_50 : memref<96xi32, #tpu.memory_space<hbm>>) target(%arg7 : memref<96xi32, #tpu.memory_space<vmem>>) target_semaphore(%arg19 : memref<!tpu.dma_semaphore, #tpu.memory_space<semaphore_mem>>)
    %dma_start3A_51 = arith.constant 2 : i32
    %dma_start3A_52 = arith.constant 0 : i32
    %dma_start3A_53 = arith.constant 0 : i32
    %dma_start3A_54 = tpu.memref_slice %arg3[%add3A, %dma_start3A_51, %dma_start3A_52, %dma_start3A_53] : memref<32x105x2x96xi32, #tpu.memory_space<hbm>> -> memref<1x1x1x96xi32, #tpu.memory_space<hbm>>
    %dma_start3A_55 = tpu.memref_squeeze %dma_start3A_54 : memref<1x1x1x96xi32, #tpu.memory_space<hbm>> -> memref<96xi32, #tpu.memory_space<hbm>>
    %dma_start3A_56 = arith.constant 0 : i32
    %dma_start3A_57 = tpu.memref_slice %arg3[%add3A, %dma_start3A_51, %dma_start3A_52, %dma_start3A_56] : memref<32x105x2x96xi32, #tpu.memory_space<hbm>> -> memref<1x1x1x96xi32, #tpu.memory_space<hbm>>
    %dma_start3A_58 = tpu.memref_squeeze %dma_start3A_57 : memref<1x1x1x96xi32, #tpu.memory_space<hbm>> -> memref<96xi32, #tpu.memory_space<hbm>>
    tpu.enqueue_dma source(%dma_start3A_58 : memref<96xi32, #tpu.memory_space<hbm>>) target(%arg8 : memref<96xi32, #tpu.memory_space<vmem>>) target_semaphore(%arg20 : memref<!tpu.dma_semaphore, #tpu.memory_space<semaphore_mem>>)
    %dma_start3A_59 = arith.constant 0 : i32
    %dma_start3A_60 = arith.constant 1 : i32
    %dma_start3A_61 = arith.constant 0 : i32
    %dma_start3A_62 = tpu.memref_slice %arg3[%add3A, %dma_start3A_59, %dma_start3A_60, %dma_start3A_61] : memref<32x105x2x96xi32, #tpu.memory_space<hbm>> -> memref<1x1x1x96xi32, #tpu.memory_space<hbm>>
    %dma_start3A_63 = tpu.memref_squeeze %dma_start3A_62 : memref<1x1x1x96xi32, #tpu.memory_space<hbm>> -> memref<96xi32, #tpu.memory_space<hbm>>
    %dma_start3A_64 = arith.constant 0 : i32
    %dma_start3A_65 = tpu.memref_slice %arg3[%add3A, %dma_start3A_59, %dma_start3A_60, %dma_start3A_64] : memref<32x105x2x96xi32, #tpu.memory_space<hbm>> -> memref<1x1x1x96xi32, #tpu.memory_space<hbm>>
    %dma_start3A_66 = tpu.memref_squeeze %dma_start3A_65 : memref<1x1x1x96xi32, #tpu.memory_space<hbm>> -> memref<96xi32, #tpu.memory_space<hbm>>
    tpu.enqueue_dma source(%dma_start3A_66 : memref<96xi32, #tpu.memory_space<hbm>>) target(%arg9 : memref<96xi32, #tpu.memory_space<vmem>>) target_semaphore(%arg24 : memref<!tpu.dma_semaphore, #tpu.memory_space<semaphore_mem>>)
    %dma_start3A_67 = arith.constant 1 : i32
    %dma_start3A_68 = arith.constant 1 : i32
    %dma_start3A_69 = arith.constant 0 : i32
    %dma_start3A_70 = tpu.memref_slice %arg3[%add3A, %dma_start3A_67, %dma_start3A_68, %dma_start3A_69] : memref<32x105x2x96xi32, #tpu.memory_space<hbm>> -> memref<1x1x1x96xi32, #tpu.memory_space<hbm>>
    %dma_start3A_71 = tpu.memref_squeeze %dma_start3A_70 : memref<1x1x1x96xi32, #tpu.memory_space<hbm>> -> memref<96xi32, #tpu.memory_space<hbm>>
    %dma_start3A_72 = arith.constant 0 : i32
    %dma_start3A_73 = tpu.memref_slice %arg3[%add3A, %dma_start3A_67, %dma_start3A_68, %dma_start3A_72] : memref<32x105x2x96xi32, #tpu.memory_space<hbm>> -> memref<1x1x1x96xi32, #tpu.memory_space<hbm>>
    %dma_start3A_74 = tpu.memref_squeeze %dma_start3A_73 : memref<1x1x1x96xi32, #tpu.memory_space<hbm>> -> memref<96xi32, #tpu.memory_space<hbm>>
    tpu.enqueue_dma source(%dma_start3A_74 : memref<96xi32, #tpu.memory_space<hbm>>) target(%arg10 : memref<96xi32, #tpu.memory_space<vmem>>) target_semaphore(%arg25 : memref<!tpu.dma_semaphore, #tpu.memory_space<semaphore_mem>>)
    %dma_wait3A = arith.constant 0 : i32
    %dma_wait3A_75 = arith.constant 0 : i32
    %dma_wait3A_76 = arith.constant 0 : i32
    %dma_wait3A_77 = tpu.memref_slice %arg3[%add3A, %dma_wait3A, %dma_wait3A_75, %dma_wait3A_76] : memref<32x105x2x96xi32, #tpu.memory_space<hbm>> -> memref<1x1x1x96xi32, #tpu.memory_space<hbm>>
    %dma_wait3A_78 = tpu.memref_squeeze %dma_wait3A_77 : memref<1x1x1x96xi32, #tpu.memory_space<hbm>> -> memref<96xi32, #tpu.memory_space<hbm>>
    %dma_wait3A_79 = arith.constant 0 : i32
    %dma_wait3A_80 = tpu.memref_slice %arg3[%add3A, %dma_wait3A, %dma_wait3A_75, %dma_wait3A_79] : memref<32x105x2x96xi32, #tpu.memory_space<hbm>> -> memref<1x1x1x96xi32, #tpu.memory_space<hbm>>
    %dma_wait3A_81 = tpu.memref_squeeze %dma_wait3A_80 : memref<1x1x1x96xi32, #tpu.memory_space<hbm>> -> memref<96xi32, #tpu.memory_space<hbm>>
    tpu.wait_dma2 semaphore(%arg18 : memref<!tpu.dma_semaphore, #tpu.memory_space<semaphore_mem>>) src(%dma_wait3A_81 : memref<96xi32, #tpu.memory_space<hbm>>) dst(%arg6 : memref<96xi32, #tpu.memory_space<vmem>>)
    %dma_start3A_82 = arith.constant 0 : i32
    %dma_start3A_83 = arith.constant 0 : i32
    %dma_start3A_84 = tpu.memref_slice %arg2[%dma_start3A_82, %dma_start3A_83] : memref<10240x128xf32, #tpu.memory_space<hbm>> -> memref<10240x128xf32, #tpu.memory_space<hbm>>
    tpu.enqueue_indirect_dma source(%dma_start3A_84 : memref<10240x128xf32, #tpu.memory_space<hbm>>) target(%arg12 : memref<96x128xf32, #tpu.memory_space<vmem>>) offsets(%arg6 : memref<96xi32, #tpu.memory_space<vmem>>) semaphore(%arg15 : memref<!tpu.dma_semaphore, #tpu.memory_space<semaphore_mem>>)
    %dma_wait3A_85 = arith.constant 1 : i32
    %dma_wait3A_86 = arith.constant 0 : i32
    %dma_wait3A_87 = arith.constant 0 : i32
    %dma_wait3A_88 = tpu.memref_slice %arg3[%add3A, %dma_wait3A_85, %dma_wait3A_86, %dma_wait3A_87] : memref<32x105x2x96xi32, #tpu.memory_space<hbm>> -> memref<1x1x1x96xi32, #tpu.memory_space<hbm>>
    %dma_wait3A_89 = tpu.memref_squeeze %dma_wait3A_88 : memref<1x1x1x96xi32, #tpu.memory_space<hbm>> -> memref<96xi32, #tpu.memory_space<hbm>>
    %dma_wait3A_90 = arith.constant 0 : i32
    %dma_wait3A_91 = tpu.memref_slice %arg3[%add3A, %dma_wait3A_85, %dma_wait3A_86, %dma_wait3A_90] : memref<32x105x2x96xi32, #tpu.memory_space<hbm>> -> memref<1x1x1x96xi32, #tpu.memory_space<hbm>>
    %dma_wait3A_92 = tpu.memref_squeeze %dma_wait3A_91 : memref<1x1x1x96xi32, #tpu.memory_space<hbm>> -> memref<96xi32, #tpu.memory_space<hbm>>
    tpu.wait_dma2 semaphore(%arg19 : memref<!tpu.dma_semaphore, #tpu.memory_space<semaphore_mem>>) src(%dma_wait3A_92 : memref<96xi32, #tpu.memory_space<hbm>>) dst(%arg7 : memref<96xi32, #tpu.memory_space<vmem>>)
    %dma_start3A_93 = arith.constant 0 : i32
    %dma_start3A_94 = arith.constant 0 : i32
    %dma_start3A_95 = tpu.memref_slice %arg2[%dma_start3A_93, %dma_start3A_94] : memref<10240x128xf32, #tpu.memory_space<hbm>> -> memref<10240x128xf32, #tpu.memory_space<hbm>>
    tpu.enqueue_indirect_dma source(%dma_start3A_95 : memref<10240x128xf32, #tpu.memory_space<hbm>>) target(%arg13 : memref<96x128xf32, #tpu.memory_space<vmem>>) offsets(%arg7 : memref<96xi32, #tpu.memory_space<vmem>>) semaphore(%arg16 : memref<!tpu.dma_semaphore, #tpu.memory_space<semaphore_mem>>)
    %scan3A_96 = arith.constant 0 : i32
    %scan3A_97 = arith.constant 0 : i32
    %scan3A_98 = arith.constant 35 : i32
    %scan3A_99 = arith.addi %scan3A_97, %scan3A_98 : i32
    %scan3A_100 = arith.constant 1 : i32
    %scan3A_101 = scf.for %scan3A_109 = %scan3A_97 to %scan3A_99 step %scan3A_100 iter_args(%scan3A_110 = %scan3A_96) -> (i32)  : i32 {
      %mul3A_111 = arith.constant 3 : i32
      %mul3A_112 = arith.muli %mul3A_111, %scan3A_109 : i32
      %add3A_113 = arith.constant 0 : i32
      %add3A_114 = arith.addi %mul3A_112, %add3A_113 : i32
      %dma_wait3A_115 = arith.constant 0 : i32
      %dma_wait3A_116 = arith.constant 0 : i32
      %dma_wait3A_117 = tpu.memref_slice %arg2[%dma_wait3A_115, %dma_wait3A_116] : memref<10240x128xf32, #tpu.memory_space<hbm>> -> memref<10240x128xf32, #tpu.memory_space<hbm>>
      tpu.wait_indirect_dma semaphore(%arg15 : memref<!tpu.dma_semaphore, #tpu.memory_space<semaphore_mem>>) src(%dma_wait3A_117 : memref<10240x128xf32, #tpu.memory_space<hbm>>) dst(%arg12 : memref<96x128xf32, #tpu.memory_space<vmem>>)
      %dma_wait3A_118 = arith.constant 1 : i32
      %dma_wait3A_119 = arith.constant 0 : i32
      %dma_wait3A_120 = tpu.memref_slice %arg3[%add3A, %add3A_114, %dma_wait3A_118, %dma_wait3A_119] : memref<32x105x2x96xi32, #tpu.memory_space<hbm>> -> memref<1x1x1x96xi32, #tpu.memory_space<hbm>>
      %dma_wait3A_121 = tpu.memref_squeeze %dma_wait3A_120 : memref<1x1x1x96xi32, #tpu.memory_space<hbm>> -> memref<96xi32, #tpu.memory_space<hbm>>
      %dma_wait3A_122 = arith.constant 0 : i32
      %dma_wait3A_123 = tpu.memref_slice %arg3[%add3A, %add3A_114, %dma_wait3A_118, %dma_wait3A_122] : memref<32x105x2x96xi32, #tpu.memory_space<hbm>> -> memref<1x1x1x96xi32, #tpu.memory_space<hbm>>
      %dma_wait3A_124 = tpu.memref_squeeze %dma_wait3A_123 : memref<1x1x1x96xi32, #tpu.memory_space<hbm>> -> memref<96xi32, #tpu.memory_space<hbm>>
      tpu.wait_dma2 semaphore(%arg24 : memref<!tpu.dma_semaphore, #tpu.memory_space<semaphore_mem>>) src(%dma_wait3A_124 : memref<96xi32, #tpu.memory_space<hbm>>) dst(%arg9 : memref<96xi32, #tpu.memory_space<vmem>>)
      %dma_start3A_125 = arith.constant 0 : i32
      %dma_start3A_126 = arith.constant 0 : i32
      %dma_start3A_127 = tpu.memref_slice %arg5[%dma_start3A_125, %dma_start3A_126] : memref<10112x128xf32, #tpu.memory_space<vmem_shared>> -> memref<10112x128xf32, #tpu.memory_space<vmem_shared>>
      tpu.enqueue_indirect_dma source(%arg12 : memref<96x128xf32, #tpu.memory_space<vmem>>) target(%dma_start3A_127 : memref<10112x128xf32, #tpu.memory_space<vmem_shared>>) offsets(%arg9 : memref<96xi32, #tpu.memory_space<vmem>>) semaphore(%arg21 : memref<!tpu.dma_semaphore, #tpu.memory_space<semaphore_mem>>) {add = true}
      %ge3A = arith.constant 1 : i32
      %ge3A_128 = arith.cmpi sge, %add3A_114, %ge3A : i32
      %convert_element_type3A = arith.extui %ge3A_128 : i1 to i32
      %cond3A = arith.constant 0 : i32
      %cond3A_129 = arith.cmpi ne, %convert_element_type3A, %cond3A : i32
      scf.if %cond3A_129 {
        %dma_wait3A_216 = arith.constant 0 : i32
        %dma_wait3A_217 = arith.constant 0 : i32
        %dma_wait3A_218 = tpu.memref_slice %arg5[%dma_wait3A_216, %dma_wait3A_217] : memref<10112x128xf32, #tpu.memory_space<vmem_shared>> -> memref<10112x128xf32, #tpu.memory_space<vmem_shared>>
        tpu.wait_indirect_dma semaphore(%arg23 : memref<!tpu.dma_semaphore, #tpu.memory_space<semaphore_mem>>) src(%arg14 : memref<96x128xf32, #tpu.memory_space<vmem>>) dst(%dma_wait3A_218 : memref<10112x128xf32, #tpu.memory_space<vmem_shared>>)
      } else {
      }
      %add3A_130 = arith.constant 2 : i32
      %add3A_131 = arith.addi %add3A_114, %add3A_130 : i32
      %lt3A = arith.constant 105 : i32
      %lt3A_132 = arith.cmpi slt, %add3A_131, %lt3A : i32
      %convert_element_type3A_133 = arith.extui %lt3A_132 : i1 to i32
      %cond3A_134 = arith.constant 0 : i32
      %cond3A_135 = arith.cmpi ne, %convert_element_type3A_133, %cond3A_134 : i32
      scf.if %cond3A_135 {
        %add3A_216 = arith.constant 2 : i32
        %add3A_217 = arith.addi %add3A_114, %add3A_216 : i32
        %dma_start3A_218 = arith.constant 1 : i32
        %dma_start3A_219 = arith.constant 0 : i32
        %dma_start3A_220 = tpu.memref_slice %arg3[%add3A, %add3A_217, %dma_start3A_218, %dma_start3A_219] : memref<32x105x2x96xi32, #tpu.memory_space<hbm>> -> memref<1x1x1x96xi32, #tpu.memory_space<hbm>>
        %dma_start3A_221 = tpu.memref_squeeze %dma_start3A_220 : memref<1x1x1x96xi32, #tpu.memory_space<hbm>> -> memref<96xi32, #tpu.memory_space<hbm>>
        %dma_start3A_222 = arith.constant 0 : i32
        %dma_start3A_223 = tpu.memref_slice %arg3[%add3A, %add3A_217, %dma_start3A_218, %dma_start3A_222] : memref<32x105x2x96xi32, #tpu.memory_space<hbm>> -> memref<1x1x1x96xi32, #tpu.memory_space<hbm>>
        %dma_start3A_224 = tpu.memref_squeeze %dma_start3A_223 : memref<1x1x1x96xi32, #tpu.memory_space<hbm>> -> memref<96xi32, #tpu.memory_space<hbm>>
        tpu.enqueue_dma source(%dma_start3A_224 : memref<96xi32, #tpu.memory_space<hbm>>) target(%arg11 : memref<96xi32, #tpu.memory_space<vmem>>) target_semaphore(%arg26 : memref<!tpu.dma_semaphore, #tpu.memory_space<semaphore_mem>>)
        %add3A_225 = arith.constant 2 : i32
        %add3A_226 = arith.addi %add3A_114, %add3A_225 : i32
        %dma_wait3A_227 = arith.constant 0 : i32
        %dma_wait3A_228 = arith.constant 0 : i32
        %dma_wait3A_229 = tpu.memref_slice %arg3[%add3A, %add3A_226, %dma_wait3A_227, %dma_wait3A_228] : memref<32x105x2x96xi32, #tpu.memory_space<hbm>> -> memref<1x1x1x96xi32, #tpu.memory_space<hbm>>
        %dma_wait3A_230 = tpu.memref_squeeze %dma_wait3A_229 : memref<1x1x1x96xi32, #tpu.memory_space<hbm>> -> memref<96xi32, #tpu.memory_space<hbm>>
        %dma_wait3A_231 = arith.constant 0 : i32
        %dma_wait3A_232 = tpu.memref_slice %arg3[%add3A, %add3A_226, %dma_wait3A_227, %dma_wait3A_231] : memref<32x105x2x96xi32, #tpu.memory_space<hbm>> -> memref<1x1x1x96xi32, #tpu.memory_space<hbm>>
        %dma_wait3A_233 = tpu.memref_squeeze %dma_wait3A_232 : memref<1x1x1x96xi32, #tpu.memory_space<hbm>> -> memref<96xi32, #tpu.memory_space<hbm>>
        tpu.wait_dma2 semaphore(%arg20 : memref<!tpu.dma_semaphore, #tpu.memory_space<semaphore_mem>>) src(%dma_wait3A_233 : memref<96xi32, #tpu.memory_space<hbm>>) dst(%arg8 : memref<96xi32, #tpu.memory_space<vmem>>)
        %dma_start3A_234 = arith.constant 0 : i32
        %dma_start3A_235 = arith.constant 0 : i32
        %dma_start3A_236 = tpu.memref_slice %arg2[%dma_start3A_234, %dma_start3A_235] : memref<10240x128xf32, #tpu.memory_space<hbm>> -> memref<10240x128xf32, #tpu.memory_space<hbm>>
        tpu.enqueue_indirect_dma source(%dma_start3A_236 : memref<10240x128xf32, #tpu.memory_space<hbm>>) target(%arg14 : memref<96x128xf32, #tpu.memory_space<vmem>>) offsets(%arg8 : memref<96xi32, #tpu.memory_space<vmem>>) semaphore(%arg17 : memref<!tpu.dma_semaphore, #tpu.memory_space<semaphore_mem>>)
      } else {
      }
      %add3A_136 = arith.constant 3 : i32
      %add3A_137 = arith.addi %add3A_114, %add3A_136 : i32
      %lt3A_138 = arith.constant 105 : i32
      %lt3A_139 = arith.cmpi slt, %add3A_137, %lt3A_138 : i32
      %convert_element_type3A_140 = arith.extui %lt3A_139 : i1 to i32
      %cond3A_141 = arith.constant 0 : i32
      %cond3A_142 = arith.cmpi ne, %convert_element_type3A_140, %cond3A_141 : i32
      scf.if %cond3A_142 {
        %add3A_216 = arith.constant 3 : i32
        %add3A_217 = arith.addi %add3A_114, %add3A_216 : i32
        %dma_start3A_218 = arith.constant 0 : i32
        %dma_start3A_219 = arith.constant 0 : i32
        %dma_start3A_220 = tpu.memref_slice %arg3[%add3A, %add3A_217, %dma_start3A_218, %dma_start3A_219] : memref<32x105x2x96xi32, #tpu.memory_space<hbm>> -> memref<1x1x1x96xi32, #tpu.memory_space<hbm>>
        %dma_start3A_221 = tpu.memref_squeeze %dma_start3A_220 : memref<1x1x1x96xi32, #tpu.memory_space<hbm>> -> memref<96xi32, #tpu.memory_space<hbm>>
        %dma_start3A_222 = arith.constant 0 : i32
        %dma_start3A_223 = tpu.memref_slice %arg3[%add3A, %add3A_217, %dma_start3A_218, %dma_start3A_222] : memref<32x105x2x96xi32, #tpu.memory_space<hbm>> -> memref<1x1x1x96xi32, #tpu.memory_space<hbm>>
        %dma_start3A_224 = tpu.memref_squeeze %dma_start3A_223 : memref<1x1x1x96xi32, #tpu.memory_space<hbm>> -> memref<96xi32, #tpu.memory_space<hbm>>
        tpu.enqueue_dma source(%dma_start3A_224 : memref<96xi32, #tpu.memory_space<hbm>>) target(%arg6 : memref<96xi32, #tpu.memory_space<vmem>>) target_semaphore(%arg18 : memref<!tpu.dma_semaphore, #tpu.memory_space<semaphore_mem>>)
      } else {
      }
      %mul3A_143 = arith.constant 3 : i32
      %mul3A_144 = arith.muli %mul3A_143, %scan3A_109 : i32
      %add3A_145 = arith.constant 1 : i32
      %add3A_146 = arith.addi %mul3A_144, %add3A_145 : i32
      %dma_wait3A_147 = arith.constant 0 : i32
      %dma_wait3A_148 = arith.constant 0 : i32
      %dma_wait3A_149 = tpu.memref_slice %arg2[%dma_wait3A_147, %dma_wait3A_148] : memref<10240x128xf32, #tpu.memory_space<hbm>> -> memref<10240x128xf32, #tpu.memory_space<hbm>>
      tpu.wait_indirect_dma semaphore(%arg16 : memref<!tpu.dma_semaphore, #tpu.memory_space<semaphore_mem>>) src(%dma_wait3A_149 : memref<10240x128xf32, #tpu.memory_space<hbm>>) dst(%arg13 : memref<96x128xf32, #tpu.memory_space<vmem>>)
      %dma_wait3A_150 = arith.constant 1 : i32
      %dma_wait3A_151 = arith.constant 0 : i32
      %dma_wait3A_152 = tpu.memref_slice %arg3[%add3A, %add3A_146, %dma_wait3A_150, %dma_wait3A_151] : memref<32x105x2x96xi32, #tpu.memory_space<hbm>> -> memref<1x1x1x96xi32, #tpu.memory_space<hbm>>
      %dma_wait3A_153 = tpu.memref_squeeze %dma_wait3A_152 : memref<1x1x1x96xi32, #tpu.memory_space<hbm>> -> memref<96xi32, #tpu.memory_space<hbm>>
      %dma_wait3A_154 = arith.constant 0 : i32
      %dma_wait3A_155 = tpu.memref_slice %arg3[%add3A, %add3A_146, %dma_wait3A_150, %dma_wait3A_154] : memref<32x105x2x96xi32, #tpu.memory_space<hbm>> -> memref<1x1x1x96xi32, #tpu.memory_space<hbm>>
      %dma_wait3A_156 = tpu.memref_squeeze %dma_wait3A_155 : memref<1x1x1x96xi32, #tpu.memory_space<hbm>> -> memref<96xi32, #tpu.memory_space<hbm>>
      tpu.wait_dma2 semaphore(%arg25 : memref<!tpu.dma_semaphore, #tpu.memory_space<semaphore_mem>>) src(%dma_wait3A_156 : memref<96xi32, #tpu.memory_space<hbm>>) dst(%arg10 : memref<96xi32, #tpu.memory_space<vmem>>)
      %dma_start3A_157 = arith.constant 0 : i32
      %dma_start3A_158 = arith.constant 0 : i32
      %dma_start3A_159 = tpu.memref_slice %arg5[%dma_start3A_157, %dma_start3A_158] : memref<10112x128xf32, #tpu.memory_space<vmem_shared>> -> memref<10112x128xf32, #tpu.memory_space<vmem_shared>>
      tpu.enqueue_indirect_dma source(%arg13 : memref<96x128xf32, #tpu.memory_space<vmem>>) target(%dma_start3A_159 : memref<10112x128xf32, #tpu.memory_space<vmem_shared>>) offsets(%arg10 : memref<96xi32, #tpu.memory_space<vmem>>) semaphore(%arg22 : memref<!tpu.dma_semaphore, #tpu.memory_space<semaphore_mem>>) {add = true}
      %ge3A_160 = arith.constant 1 : i32
      %ge3A_161 = arith.cmpi sge, %add3A_146, %ge3A_160 : i32
      %convert_element_type3A_162 = arith.extui %ge3A_161 : i1 to i32
      %cond3A_163 = arith.constant 0 : i32
      %cond3A_164 = arith.cmpi ne, %convert_element_type3A_162, %cond3A_163 : i32
      scf.if %cond3A_164 {
        %dma_wait3A_216 = arith.constant 0 : i32
        %dma_wait3A_217 = arith.constant 0 : i32
        %dma_wait3A_218 = tpu.memref_slice %arg5[%dma_wait3A_216, %dma_wait3A_217] : memref<10112x128xf32, #tpu.memory_space<vmem_shared>> -> memref<10112x128xf32, #tpu.memory_space<vmem_shared>>
        tpu.wait_indirect_dma semaphore(%arg21 : memref<!tpu.dma_semaphore, #tpu.memory_space<semaphore_mem>>) src(%arg12 : memref<96x128xf32, #tpu.memory_space<vmem>>) dst(%dma_wait3A_218 : memref<10112x128xf32, #tpu.memory_space<vmem_shared>>)
      } else {
      }
      %add3A_165 = arith.constant 2 : i32
      %add3A_166 = arith.addi %add3A_146, %add3A_165 : i32
      %lt3A_167 = arith.constant 105 : i32
      %lt3A_168 = arith.cmpi slt, %add3A_166, %lt3A_167 : i32
      %convert_element_type3A_169 = arith.extui %lt3A_168 : i1 to i32
      %cond3A_170 = arith.constant 0 : i32
      %cond3A_171 = arith.cmpi ne, %convert_element_type3A_169, %cond3A_170 : i32
      scf.if %cond3A_171 {
        %add3A_216 = arith.constant 2 : i32
        %add3A_217 = arith.addi %add3A_146, %add3A_216 : i32
        %dma_start3A_218 = arith.constant 1 : i32
        %dma_start3A_219 = arith.constant 0 : i32
        %dma_start3A_220 = tpu.memref_slice %arg3[%add3A, %add3A_217, %dma_start3A_218, %dma_start3A_219] : memref<32x105x2x96xi32, #tpu.memory_space<hbm>> -> memref<1x1x1x96xi32, #tpu.memory_space<hbm>>
        %dma_start3A_221 = tpu.memref_squeeze %dma_start3A_220 : memref<1x1x1x96xi32, #tpu.memory_space<hbm>> -> memref<96xi32, #tpu.memory_space<hbm>>
        %dma_start3A_222 = arith.constant 0 : i32
        %dma_start3A_223 = tpu.memref_slice %arg3[%add3A, %add3A_217, %dma_start3A_218, %dma_start3A_222] : memref<32x105x2x96xi32, #tpu.memory_space<hbm>> -> memref<1x1x1x96xi32, #tpu.memory_space<hbm>>
        %dma_start3A_224 = tpu.memref_squeeze %dma_start3A_223 : memref<1x1x1x96xi32, #tpu.memory_space<hbm>> -> memref<96xi32, #tpu.memory_space<hbm>>
        tpu.enqueue_dma source(%dma_start3A_224 : memref<96xi32, #tpu.memory_space<hbm>>) target(%arg9 : memref<96xi32, #tpu.memory_space<vmem>>) target_semaphore(%arg24 : memref<!tpu.dma_semaphore, #tpu.memory_space<semaphore_mem>>)
        %add3A_225 = arith.constant 2 : i32
        %add3A_226 = arith.addi %add3A_146, %add3A_225 : i32
        %dma_wait3A_227 = arith.constant 0 : i32
        %dma_wait3A_228 = arith.constant 0 : i32
        %dma_wait3A_229 = tpu.memref_slice %arg3[%add3A, %add3A_226, %dma_wait3A_227, %dma_wait3A_228] : memref<32x105x2x96xi32, #tpu.memory_space<hbm>> -> memref<1x1x1x96xi32, #tpu.memory_space<hbm>>
        %dma_wait3A_230 = tpu.memref_squeeze %dma_wait3A_229 : memref<1x1x1x96xi32, #tpu.memory_space<hbm>> -> memref<96xi32, #tpu.memory_space<hbm>>
        %dma_wait3A_231 = arith.constant 0 : i32
        %dma_wait3A_232 = tpu.memref_slice %arg3[%add3A, %add3A_226, %dma_wait3A_227, %dma_wait3A_231] : memref<32x105x2x96xi32, #tpu.memory_space<hbm>> -> memref<1x1x1x96xi32, #tpu.memory_space<hbm>>
        %dma_wait3A_233 = tpu.memref_squeeze %dma_wait3A_232 : memref<1x1x1x96xi32, #tpu.memory_space<hbm>> -> memref<96xi32, #tpu.memory_space<hbm>>
        tpu.wait_dma2 semaphore(%arg18 : memref<!tpu.dma_semaphore, #tpu.memory_space<semaphore_mem>>) src(%dma_wait3A_233 : memref<96xi32, #tpu.memory_space<hbm>>) dst(%arg6 : memref<96xi32, #tpu.memory_space<vmem>>)
        %dma_start3A_234 = arith.constant 0 : i32
        %dma_start3A_235 = arith.constant 0 : i32
        %dma_start3A_236 = tpu.memref_slice %arg2[%dma_start3A_234, %dma_start3A_235] : memref<10240x128xf32, #tpu.memory_space<hbm>> -> memref<10240x128xf32, #tpu.memory_space<hbm>>
        tpu.enqueue_indirect_dma source(%dma_start3A_236 : memref<10240x128xf32, #tpu.memory_space<hbm>>) target(%arg12 : memref<96x128xf32, #tpu.memory_space<vmem>>) offsets(%arg6 : memref<96xi32, #tpu.memory_space<vmem>>) semaphore(%arg15 : memref<!tpu.dma_semaphore, #tpu.memory_space<semaphore_mem>>)
      } else {
      }
      %add3A_172 = arith.constant 3 : i32
      %add3A_173 = arith.addi %add3A_146, %add3A_172 : i32
      %lt3A_174 = arith.constant 105 : i32
      %lt3A_175 = arith.cmpi slt, %add3A_173, %lt3A_174 : i32
      %convert_element_type3A_176 = arith.extui %lt3A_175 : i1 to i32
      %cond3A_177 = arith.constant 0 : i32
      %cond3A_178 = arith.cmpi ne, %convert_element_type3A_176, %cond3A_177 : i32
      scf.if %cond3A_178 {
        %add3A_216 = arith.constant 3 : i32
        %add3A_217 = arith.addi %add3A_146, %add3A_216 : i32
        %dma_start3A_218 = arith.constant 0 : i32
        %dma_start3A_219 = arith.constant 0 : i32
        %dma_start3A_220 = tpu.memref_slice %arg3[%add3A, %add3A_217, %dma_start3A_218, %dma_start3A_219] : memref<32x105x2x96xi32, #tpu.memory_space<hbm>> -> memref<1x1x1x96xi32, #tpu.memory_space<hbm>>
        %dma_start3A_221 = tpu.memref_squeeze %dma_start3A_220 : memref<1x1x1x96xi32, #tpu.memory_space<hbm>> -> memref<96xi32, #tpu.memory_space<hbm>>
        %dma_start3A_222 = arith.constant 0 : i32
        %dma_start3A_223 = tpu.memref_slice %arg3[%add3A, %add3A_217, %dma_start3A_218, %dma_start3A_222] : memref<32x105x2x96xi32, #tpu.memory_space<hbm>> -> memref<1x1x1x96xi32, #tpu.memory_space<hbm>>
        %dma_start3A_224 = tpu.memref_squeeze %dma_start3A_223 : memref<1x1x1x96xi32, #tpu.memory_space<hbm>> -> memref<96xi32, #tpu.memory_space<hbm>>
        tpu.enqueue_dma source(%dma_start3A_224 : memref<96xi32, #tpu.memory_space<hbm>>) target(%arg7 : memref<96xi32, #tpu.memory_space<vmem>>) target_semaphore(%arg19 : memref<!tpu.dma_semaphore, #tpu.memory_space<semaphore_mem>>)
      } else {
      }
      %mul3A_179 = arith.constant 3 : i32
      %mul3A_180 = arith.muli %mul3A_179, %scan3A_109 : i32
      %add3A_181 = arith.constant 2 : i32
      %add3A_182 = arith.addi %mul3A_180, %add3A_181 : i32
      %dma_wait3A_183 = arith.constant 0 : i32
      %dma_wait3A_184 = arith.constant 0 : i32
      %dma_wait3A_185 = tpu.memref_slice %arg2[%dma_wait3A_183, %dma_wait3A_184] : memref<10240x128xf32, #tpu.memory_space<hbm>> -> memref<10240x128xf32, #tpu.memory_space<hbm>>
      tpu.wait_indirect_dma semaphore(%arg17 : memref<!tpu.dma_semaphore, #tpu.memory_space<semaphore_mem>>) src(%dma_wait3A_185 : memref<10240x128xf32, #tpu.memory_space<hbm>>) dst(%arg14 : memref<96x128xf32, #tpu.memory_space<vmem>>)
      %dma_wait3A_186 = arith.constant 1 : i32
      %dma_wait3A_187 = arith.constant 0 : i32
      %dma_wait3A_188 = tpu.memref_slice %arg3[%add3A, %add3A_182, %dma_wait3A_186, %dma_wait3A_187] : memref<32x105x2x96xi32, #tpu.memory_space<hbm>> -> memref<1x1x1x96xi32, #tpu.memory_space<hbm>>
      %dma_wait3A_189 = tpu.memref_squeeze %dma_wait3A_188 : memref<1x1x1x96xi32, #tpu.memory_space<hbm>> -> memref<96xi32, #tpu.memory_space<hbm>>
      %dma_wait3A_190 = arith.constant 0 : i32
      %dma_wait3A_191 = tpu.memref_slice %arg3[%add3A, %add3A_182, %dma_wait3A_186, %dma_wait3A_190] : memref<32x105x2x96xi32, #tpu.memory_space<hbm>> -> memref<1x1x1x96xi32, #tpu.memory_space<hbm>>
      %dma_wait3A_192 = tpu.memref_squeeze %dma_wait3A_191 : memref<1x1x1x96xi32, #tpu.memory_space<hbm>> -> memref<96xi32, #tpu.memory_space<hbm>>
      tpu.wait_dma2 semaphore(%arg26 : memref<!tpu.dma_semaphore, #tpu.memory_space<semaphore_mem>>) src(%dma_wait3A_192 : memref<96xi32, #tpu.memory_space<hbm>>) dst(%arg11 : memref<96xi32, #tpu.memory_space<vmem>>)
      %dma_start3A_193 = arith.constant 0 : i32
      %dma_start3A_194 = arith.constant 0 : i32
      %dma_start3A_195 = tpu.memref_slice %arg5[%dma_start3A_193, %dma_start3A_194] : memref<10112x128xf32, #tpu.memory_space<vmem_shared>> -> memref<10112x128xf32, #tpu.memory_space<vmem_shared>>
      tpu.enqueue_indirect_dma source(%arg14 : memref<96x128xf32, #tpu.memory_space<vmem>>) target(%dma_start3A_195 : memref<10112x128xf32, #tpu.memory_space<vmem_shared>>) offsets(%arg11 : memref<96xi32, #tpu.memory_space<vmem>>) semaphore(%arg23 : memref<!tpu.dma_semaphore, #tpu.memory_space<semaphore_mem>>) {add = true}
      %ge3A_196 = arith.constant 1 : i32
      %ge3A_197 = arith.cmpi sge, %add3A_182, %ge3A_196 : i32
      %convert_element_type3A_198 = arith.extui %ge3A_197 : i1 to i32
      %cond3A_199 = arith.constant 0 : i32
      %cond3A_200 = arith.cmpi ne, %convert_element_type3A_198, %cond3A_199 : i32
      scf.if %cond3A_200 {
        %dma_wait3A_216 = arith.constant 0 : i32
        %dma_wait3A_217 = arith.constant 0 : i32
        %dma_wait3A_218 = tpu.memref_slice %arg5[%dma_wait3A_216, %dma_wait3A_217] : memref<10112x128xf32, #tpu.memory_space<vmem_shared>> -> memref<10112x128xf32, #tpu.memory_space<vmem_shared>>
        tpu.wait_indirect_dma semaphore(%arg22 : memref<!tpu.dma_semaphore, #tpu.memory_space<semaphore_mem>>) src(%arg13 : memref<96x128xf32, #tpu.memory_space<vmem>>) dst(%dma_wait3A_218 : memref<10112x128xf32, #tpu.memory_space<vmem_shared>>)
      } else {
      }
      %add3A_201 = arith.constant 2 : i32
      %add3A_202 = arith.addi %add3A_182, %add3A_201 : i32
      %lt3A_203 = arith.constant 105 : i32
      %lt3A_204 = arith.cmpi slt, %add3A_202, %lt3A_203 : i32
      %convert_element_type3A_205 = arith.extui %lt3A_204 : i1 to i32
      %cond3A_206 = arith.constant 0 : i32
      %cond3A_207 = arith.cmpi ne, %convert_element_type3A_205, %cond3A_206 : i32
      scf.if %cond3A_207 {
        %add3A_216 = arith.constant 2 : i32
        %add3A_217 = arith.addi %add3A_182, %add3A_216 : i32
        %dma_start3A_218 = arith.constant 1 : i32
        %dma_start3A_219 = arith.constant 0 : i32
        %dma_start3A_220 = tpu.memref_slice %arg3[%add3A, %add3A_217, %dma_start3A_218, %dma_start3A_219] : memref<32x105x2x96xi32, #tpu.memory_space<hbm>> -> memref<1x1x1x96xi32, #tpu.memory_space<hbm>>
        %dma_start3A_221 = tpu.memref_squeeze %dma_start3A_220 : memref<1x1x1x96xi32, #tpu.memory_space<hbm>> -> memref<96xi32, #tpu.memory_space<hbm>>
        %dma_start3A_222 = arith.constant 0 : i32
        %dma_start3A_223 = tpu.memref_slice %arg3[%add3A, %add3A_217, %dma_start3A_218, %dma_start3A_222] : memref<32x105x2x96xi32, #tpu.memory_space<hbm>> -> memref<1x1x1x96xi32, #tpu.memory_space<hbm>>
        %dma_start3A_224 = tpu.memref_squeeze %dma_start3A_223 : memref<1x1x1x96xi32, #tpu.memory_space<hbm>> -> memref<96xi32, #tpu.memory_space<hbm>>
        tpu.enqueue_dma source(%dma_start3A_224 : memref<96xi32, #tpu.memory_space<hbm>>) target(%arg10 : memref<96xi32, #tpu.memory_space<vmem>>) target_semaphore(%arg25 : memref<!tpu.dma_semaphore, #tpu.memory_space<semaphore_mem>>)
        %add3A_225 = arith.constant 2 : i32
        %add3A_226 = arith.addi %add3A_182, %add3A_225 : i32
        %dma_wait3A_227 = arith.constant 0 : i32
        %dma_wait3A_228 = arith.constant 0 : i32
        %dma_wait3A_229 = tpu.memref_slice %arg3[%add3A, %add3A_226, %dma_wait3A_227, %dma_wait3A_228] : memref<32x105x2x96xi32, #tpu.memory_space<hbm>> -> memref<1x1x1x96xi32, #tpu.memory_space<hbm>>
        %dma_wait3A_230 = tpu.memref_squeeze %dma_wait3A_229 : memref<1x1x1x96xi32, #tpu.memory_space<hbm>> -> memref<96xi32, #tpu.memory_space<hbm>>
        %dma_wait3A_231 = arith.constant 0 : i32
        %dma_wait3A_232 = tpu.memref_slice %arg3[%add3A, %add3A_226, %dma_wait3A_227, %dma_wait3A_231] : memref<32x105x2x96xi32, #tpu.memory_space<hbm>> -> memref<1x1x1x96xi32, #tpu.memory_space<hbm>>
        %dma_wait3A_233 = tpu.memref_squeeze %dma_wait3A_232 : memref<1x1x1x96xi32, #tpu.memory_space<hbm>> -> memref<96xi32, #tpu.memory_space<hbm>>
        tpu.wait_dma2 semaphore(%arg19 : memref<!tpu.dma_semaphore, #tpu.memory_space<semaphore_mem>>) src(%dma_wait3A_233 : memref<96xi32, #tpu.memory_space<hbm>>) dst(%arg7 : memref<96xi32, #tpu.memory_space<vmem>>)
        %dma_start3A_234 = arith.constant 0 : i32
        %dma_start3A_235 = arith.constant 0 : i32
        %dma_start3A_236 = tpu.memref_slice %arg2[%dma_start3A_234, %dma_start3A_235] : memref<10240x128xf32, #tpu.memory_space<hbm>> -> memref<10240x128xf32, #tpu.memory_space<hbm>>
        tpu.enqueue_indirect_dma source(%dma_start3A_236 : memref<10240x128xf32, #tpu.memory_space<hbm>>) target(%arg13 : memref<96x128xf32, #tpu.memory_space<vmem>>) offsets(%arg7 : memref<96xi32, #tpu.memory_space<vmem>>) semaphore(%arg16 : memref<!tpu.dma_semaphore, #tpu.memory_space<semaphore_mem>>)
      } else {
      }
      %add3A_208 = arith.constant 3 : i32
      %add3A_209 = arith.addi %add3A_182, %add3A_208 : i32
      %lt3A_210 = arith.constant 105 : i32
      %lt3A_211 = arith.cmpi slt, %add3A_209, %lt3A_210 : i32
      %convert_element_type3A_212 = arith.extui %lt3A_211 : i1 to i32
      %cond3A_213 = arith.constant 0 : i32
      %cond3A_214 = arith.cmpi ne, %convert_element_type3A_212, %cond3A_213 : i32
      scf.if %cond3A_214 {
        %add3A_216 = arith.constant 3 : i32
        %add3A_217 = arith.addi %add3A_182, %add3A_216 : i32
        %dma_start3A_218 = arith.constant 0 : i32
        %dma_start3A_219 = arith.constant 0 : i32
        %dma_start3A_220 = tpu.memref_slice %arg3[%add3A, %add3A_217, %dma_start3A_218, %dma_start3A_219] : memref<32x105x2x96xi32, #tpu.memory_space<hbm>> -> memref<1x1x1x96xi32, #tpu.memory_space<hbm>>
        %dma_start3A_221 = tpu.memref_squeeze %dma_start3A_220 : memref<1x1x1x96xi32, #tpu.memory_space<hbm>> -> memref<96xi32, #tpu.memory_space<hbm>>
        %dma_start3A_222 = arith.constant 0 : i32
        %dma_start3A_223 = tpu.memref_slice %arg3[%add3A, %add3A_217, %dma_start3A_218, %dma_start3A_222] : memref<32x105x2x96xi32, #tpu.memory_space<hbm>> -> memref<1x1x1x96xi32, #tpu.memory_space<hbm>>
        %dma_start3A_224 = tpu.memref_squeeze %dma_start3A_223 : memref<1x1x1x96xi32, #tpu.memory_space<hbm>> -> memref<96xi32, #tpu.memory_space<hbm>>
        tpu.enqueue_dma source(%dma_start3A_224 : memref<96xi32, #tpu.memory_space<hbm>>) target(%arg8 : memref<96xi32, #tpu.memory_space<vmem>>) target_semaphore(%arg20 : memref<!tpu.dma_semaphore, #tpu.memory_space<semaphore_mem>>)
      } else {
      }
      %scan3A_215 = arith.constant 0 : i32
      scf.yield %scan3A_215 : i32
    }
    %scan3A_102 = arith.constant 35 : i32
    %dma_wait3A_103 = arith.constant 0 : i32
    %dma_wait3A_104 = arith.constant 0 : i32
    %dma_wait3A_105 = tpu.memref_slice %arg5[%dma_wait3A_103, %dma_wait3A_104] : memref<10112x128xf32, #tpu.memory_space<vmem_shared>> -> memref<10112x128xf32, #tpu.memory_space<vmem_shared>>
    tpu.wait_indirect_dma semaphore(%arg23 : memref<!tpu.dma_semaphore, #tpu.memory_space<semaphore_mem>>) src(%arg14 : memref<96x128xf32, #tpu.memory_space<vmem>>) dst(%dma_wait3A_105 : memref<10112x128xf32, #tpu.memory_space<vmem_shared>>)
    %barrier3A_106 = arith.constant 0 : index
    tpu.barrier barrier_id(%barrier3A_106)
    %mul3A_107 = arith.constant 632 : i32
    %mul3A_108 = arith.muli %arg1, %mul3A_107 : i32
    "tpu.region"() ({
      %run_scoped3A = tpu.sem_alloc : memref<!tpu.dma_semaphore, #tpu.memory_space<semaphore_mem>>
      %dma_start3A_109 = arith.constant 0 : i32
      %dma_start3A_110 = tpu.memref_slice %arg4[%arg0, %mul3A_108, %dma_start3A_109] : memref<2x10240x128xf32, #tpu.memory_space<hbm>> -> memref<1x632x128xf32, #tpu.memory_space<hbm>>
      %dma_start3A_111 = tpu.memref_squeeze %dma_start3A_110 : memref<1x632x128xf32, #tpu.memory_space<hbm>> -> memref<632x128xf32, #tpu.memory_space<hbm>>
      %dma_start3A_112 = arith.constant 0 : i32
      %dma_start3A_113 = tpu.memref_slice %arg5[%mul3A_108, %dma_start3A_112] : memref<10112x128xf32, #tpu.memory_space<vmem_shared>> -> memref<632x128xf32, #tpu.memory_space<vmem_shared>>
      tpu.enqueue_dma source(%dma_start3A_113 : memref<632x128xf32, #tpu.memory_space<vmem_shared>>) target(%dma_start3A_111 : memref<632x128xf32, #tpu.memory_space<hbm>>) target_semaphore(%run_scoped3A : memref<!tpu.dma_semaphore, #tpu.memory_space<semaphore_mem>>)
      %dma_wait3A_114 = arith.constant 0 : i32
      %dma_wait3A_115 = tpu.memref_slice %arg4[%arg0, %mul3A_108, %dma_wait3A_114] : memref<2x10240x128xf32, #tpu.memory_space<hbm>> -> memref<1x632x128xf32, #tpu.memory_space<hbm>>
      %dma_wait3A_116 = tpu.memref_squeeze %dma_wait3A_115 : memref<1x632x128xf32, #tpu.memory_space<hbm>> -> memref<632x128xf32, #tpu.memory_space<hbm>>
      %dma_wait3A_117 = arith.constant 0 : i32
      %dma_wait3A_118 = tpu.memref_slice %arg5[%mul3A_108, %dma_wait3A_117] : memref<10112x128xf32, #tpu.memory_space<vmem_shared>> -> memref<632x128xf32, #tpu.memory_space<vmem_shared>>
      tpu.wait_dma2 semaphore(%run_scoped3A : memref<!tpu.dma_semaphore, #tpu.memory_space<semaphore_mem>>) src(%dma_wait3A_118 : memref<632x128xf32, #tpu.memory_space<vmem_shared>>) dst(%dma_wait3A_116 : memref<632x128xf32, #tpu.memory_space<hbm>>)
      tpu.yield
    }) : () -> ()
    return
  }
}

#map = affine_map<(d0, d1) -> (0, 0, 0, 0)>
#map1 = affine_map<(d0, d1) -> (0, 0, 0)>
module attributes {stable_mosaic.version = 14 : i64} {
  func.func @_deg_kernel(%arg0: i32, %arg1: i32, %arg2: memref<32x105x2x96xi32, #tpu.memory_space<hbm>>, %arg3: memref<2x32x10240xf32, #tpu.memory_space<hbm>>, %arg4: memref<10240xf32, #tpu.memory_space<vmem>>, %arg5: memref<10240xf32, #tpu.memory_space<vmem>>, %arg6: memref<105x2x96xi32, #tpu.memory_space<vmem>>) attributes {dimension_semantics = [#tpu.dimension_semantics<core_parallel>, #tpu.dimension_semantics<subcore_parallel>], iteration_bounds = array<i64: 2, 16>, scalar_prefetch = 0 : i64, scratch_operands = 3 : i64, tpu.core_type = #tpu.core_type<sc_vector_subcore>, window_params = [{transform_indices = #map}, {transform_indices = #map1}]} {
    %mul3A = arith.constant 16 : i32
    %mul3A_0 = arith.muli %arg0, %mul3A : i32
    %add3A = arith.addi %mul3A_0, %arg1 : i32
    "tpu.region"() ({
      %run_scoped3A_27 = tpu.sem_alloc : memref<!tpu.dma_semaphore, #tpu.memory_space<semaphore_mem>>
      %dma_start3A = arith.constant 0 : i32
      %dma_start3A_28 = arith.constant 0 : i32
      %dma_start3A_29 = arith.constant 0 : i32
      %dma_start3A_30 = tpu.memref_slice %arg2[%add3A, %dma_start3A, %dma_start3A_28, %dma_start3A_29] : memref<32x105x2x96xi32, #tpu.memory_space<hbm>> -> memref<1x105x2x96xi32, #tpu.memory_space<hbm>>
      %dma_start3A_31 = tpu.memref_squeeze %dma_start3A_30 : memref<1x105x2x96xi32, #tpu.memory_space<hbm>> -> memref<105x2x96xi32, #tpu.memory_space<hbm>>
      %dma_start3A_32 = arith.constant 0 : i32
      %dma_start3A_33 = arith.constant 0 : i32
      %dma_start3A_34 = arith.constant 0 : i32
      %dma_start3A_35 = tpu.memref_slice %arg2[%add3A, %dma_start3A_32, %dma_start3A_33, %dma_start3A_34] : memref<32x105x2x96xi32, #tpu.memory_space<hbm>> -> memref<1x105x2x96xi32, #tpu.memory_space<hbm>>
      %dma_start3A_36 = tpu.memref_squeeze %dma_start3A_35 : memref<1x105x2x96xi32, #tpu.memory_space<hbm>> -> memref<105x2x96xi32, #tpu.memory_space<hbm>>
      tpu.enqueue_dma source(%dma_start3A_36 : memref<105x2x96xi32, #tpu.memory_space<hbm>>) target(%arg6 : memref<105x2x96xi32, #tpu.memory_space<vmem>>) target_semaphore(%run_scoped3A_27 : memref<!tpu.dma_semaphore, #tpu.memory_space<semaphore_mem>>)
      %dma_wait3A = arith.constant 0 : i32
      %dma_wait3A_37 = arith.constant 0 : i32
      %dma_wait3A_38 = arith.constant 0 : i32
      %dma_wait3A_39 = tpu.memref_slice %arg2[%add3A, %dma_wait3A, %dma_wait3A_37, %dma_wait3A_38] : memref<32x105x2x96xi32, #tpu.memory_space<hbm>> -> memref<1x105x2x96xi32, #tpu.memory_space<hbm>>
      %dma_wait3A_40 = tpu.memref_squeeze %dma_wait3A_39 : memref<1x105x2x96xi32, #tpu.memory_space<hbm>> -> memref<105x2x96xi32, #tpu.memory_space<hbm>>
      %dma_wait3A_41 = arith.constant 0 : i32
      %dma_wait3A_42 = arith.constant 0 : i32
      %dma_wait3A_43 = arith.constant 0 : i32
      %dma_wait3A_44 = tpu.memref_slice %arg2[%add3A, %dma_wait3A_41, %dma_wait3A_42, %dma_wait3A_43] : memref<32x105x2x96xi32, #tpu.memory_space<hbm>> -> memref<1x105x2x96xi32, #tpu.memory_space<hbm>>
      %dma_wait3A_45 = tpu.memref_squeeze %dma_wait3A_44 : memref<1x105x2x96xi32, #tpu.memory_space<hbm>> -> memref<105x2x96xi32, #tpu.memory_space<hbm>>
      tpu.wait_dma2 semaphore(%run_scoped3A_27 : memref<!tpu.dma_semaphore, #tpu.memory_space<semaphore_mem>>) src(%dma_wait3A_45 : memref<105x2x96xi32, #tpu.memory_space<hbm>>) dst(%arg6 : memref<105x2x96xi32, #tpu.memory_space<vmem>>)
      tpu.yield
    }) : () -> ()
    %broadcast_in_dim3A = arith.constant 0.000000e+00 : f32
    %broadcast_in_dim3A_1 = vector.broadcast %broadcast_in_dim3A : f32 to vector<16xf32>
    %scan3A = arith.constant 0 : i32
    %scan3A_2 = arith.constant 0 : i32
    %scan3A_3 = arith.constant 80 : i32
    %scan3A_4 = arith.addi %scan3A_2, %scan3A_3 : i32
    %scan3A_5 = arith.constant 1 : i32
    %scan3A_6 = scf.for %scan3A_27 = %scan3A_2 to %scan3A_4 step %scan3A_5 iter_args(%scan3A_28 = %scan3A) -> (i32)  : i32 {
      %mul3A_29 = arith.constant 128 : i32
      %mul3A_30 = arith.muli %scan3A_27, %mul3A_29 : i32
      %add3A_31 = arith.constant 0 : i32
      %add3A_32 = arith.addi %mul3A_30, %add3A_31 : i32
      %swap3A = arith.index_cast %add3A_32 : i32 to index
      %swap3A_33 = tpu.vector_load %arg4[%swap3A] {strides = array<i32>} : memref<10240xf32, #tpu.memory_space<vmem>>, vector<16xf32>,
      tpu.vector_store %arg4[%swap3A], %broadcast_in_dim3A_1 {strides = array<i32>} : memref<10240xf32, #tpu.memory_space<vmem>>, vector<16xf32>,
      %mul3A_34 = arith.constant 128 : i32
      %mul3A_35 = arith.muli %scan3A_27, %mul3A_34 : i32
      %add3A_36 = arith.constant 16 : i32
      %add3A_37 = arith.addi %mul3A_35, %add3A_36 : i32
      %swap3A_38 = arith.index_cast %add3A_37 : i32 to index
      %swap3A_39 = tpu.vector_load %arg4[%swap3A_38] {strides = array<i32>} : memref<10240xf32, #tpu.memory_space<vmem>>, vector<16xf32>,
      tpu.vector_store %arg4[%swap3A_38], %broadcast_in_dim3A_1 {strides = array<i32>} : memref<10240xf32, #tpu.memory_space<vmem>>, vector<16xf32>,
      %mul3A_40 = arith.constant 128 : i32
      %mul3A_41 = arith.muli %scan3A_27, %mul3A_40 : i32
      %add3A_42 = arith.constant 32 : i32
      %add3A_43 = arith.addi %mul3A_41, %add3A_42 : i32
      %swap3A_44 = arith.index_cast %add3A_43 : i32 to index
      %swap3A_45 = tpu.vector_load %arg4[%swap3A_44] {strides = array<i32>} : memref<10240xf32, #tpu.memory_space<vmem>>, vector<16xf32>,
      tpu.vector_store %arg4[%swap3A_44], %broadcast_in_dim3A_1 {strides = array<i32>} : memref<10240xf32, #tpu.memory_space<vmem>>, vector<16xf32>,
      %mul3A_46 = arith.constant 128 : i32
      %mul3A_47 = arith.muli %scan3A_27, %mul3A_46 : i32
      %add3A_48 = arith.constant 48 : i32
      %add3A_49 = arith.addi %mul3A_47, %add3A_48 : i32
      %swap3A_50 = arith.index_cast %add3A_49 : i32 to index
      %swap3A_51 = tpu.vector_load %arg4[%swap3A_50] {strides = array<i32>} : memref<10240xf32, #tpu.memory_space<vmem>>, vector<16xf32>,
      tpu.vector_store %arg4[%swap3A_50], %broadcast_in_dim3A_1 {strides = array<i32>} : memref<10240xf32, #tpu.memory_space<vmem>>, vector<16xf32>,
      %mul3A_52 = arith.constant 128 : i32
      %mul3A_53 = arith.muli %scan3A_27, %mul3A_52 : i32
      %add3A_54 = arith.constant 64 : i32
      %add3A_55 = arith.addi %mul3A_53, %add3A_54 : i32
      %swap3A_56 = arith.index_cast %add3A_55 : i32 to index
      %swap3A_57 = tpu.vector_load %arg4[%swap3A_56] {strides = array<i32>} : memref<10240xf32, #tpu.memory_space<vmem>>, vector<16xf32>,
      tpu.vector_store %arg4[%swap3A_56], %broadcast_in_dim3A_1 {strides = array<i32>} : memref<10240xf32, #tpu.memory_space<vmem>>, vector<16xf32>,
      %mul3A_58 = arith.constant 128 : i32
      %mul3A_59 = arith.muli %scan3A_27, %mul3A_58 : i32
      %add3A_60 = arith.constant 80 : i32
      %add3A_61 = arith.addi %mul3A_59, %add3A_60 : i32
      %swap3A_62 = arith.index_cast %add3A_61 : i32 to index
      %swap3A_63 = tpu.vector_load %arg4[%swap3A_62] {strides = array<i32>} : memref<10240xf32, #tpu.memory_space<vmem>>, vector<16xf32>,
      tpu.vector_store %arg4[%swap3A_62], %broadcast_in_dim3A_1 {strides = array<i32>} : memref<10240xf32, #tpu.memory_space<vmem>>, vector<16xf32>,
      %mul3A_64 = arith.constant 128 : i32
      %mul3A_65 = arith.muli %scan3A_27, %mul3A_64 : i32
      %add3A_66 = arith.constant 96 : i32
      %add3A_67 = arith.addi %mul3A_65, %add3A_66 : i32
      %swap3A_68 = arith.index_cast %add3A_67 : i32 to index
      %swap3A_69 = tpu.vector_load %arg4[%swap3A_68] {strides = array<i32>} : memref<10240xf32, #tpu.memory_space<vmem>>, vector<16xf32>,
      tpu.vector_store %arg4[%swap3A_68], %broadcast_in_dim3A_1 {strides = array<i32>} : memref<10240xf32, #tpu.memory_space<vmem>>, vector<16xf32>,
      %mul3A_70 = arith.constant 128 : i32
      %mul3A_71 = arith.muli %scan3A_27, %mul3A_70 : i32
      %add3A_72 = arith.constant 112 : i32
      %add3A_73 = arith.addi %mul3A_71, %add3A_72 : i32
      %swap3A_74 = arith.index_cast %add3A_73 : i32 to index
      %swap3A_75 = tpu.vector_load %arg4[%swap3A_74] {strides = array<i32>} : memref<10240xf32, #tpu.memory_space<vmem>>, vector<16xf32>,
      tpu.vector_store %arg4[%swap3A_74], %broadcast_in_dim3A_1 {strides = array<i32>} : memref<10240xf32, #tpu.memory_space<vmem>>, vector<16xf32>,
      %scan3A_76 = arith.constant 0 : i32
      scf.yield %scan3A_76 : i32
    }
    %scan3A_7 = arith.constant 80 : i32
    %broadcast_in_dim3A_8 = arith.constant 0.000000e+00 : f32
    %broadcast_in_dim3A_9 = vector.broadcast %broadcast_in_dim3A_8 : f32 to vector<16xf32>
    %scan3A_10 = arith.constant 0 : i32
    %scan3A_11 = arith.constant 0 : i32
    %scan3A_12 = arith.constant 80 : i32
    %scan3A_13 = arith.addi %scan3A_11, %scan3A_12 : i32
    %scan3A_14 = arith.constant 1 : i32
    %scan3A_15 = scf.for %scan3A_27 = %scan3A_11 to %scan3A_13 step %scan3A_14 iter_args(%scan3A_28 = %scan3A_10) -> (i32)  : i32 {
      %mul3A_29 = arith.constant 128 : i32
      %mul3A_30 = arith.muli %scan3A_27, %mul3A_29 : i32
      %add3A_31 = arith.constant 0 : i32
      %add3A_32 = arith.addi %mul3A_30, %add3A_31 : i32
      %swap3A = arith.index_cast %add3A_32 : i32 to index
      %swap3A_33 = tpu.vector_load %arg5[%swap3A] {strides = array<i32>} : memref<10240xf32, #tpu.memory_space<vmem>>, vector<16xf32>,
      tpu.vector_store %arg5[%swap3A], %broadcast_in_dim3A_9 {strides = array<i32>} : memref<10240xf32, #tpu.memory_space<vmem>>, vector<16xf32>,
      %mul3A_34 = arith.constant 128 : i32
      %mul3A_35 = arith.muli %scan3A_27, %mul3A_34 : i32
      %add3A_36 = arith.constant 16 : i32
      %add3A_37 = arith.addi %mul3A_35, %add3A_36 : i32
      %swap3A_38 = arith.index_cast %add3A_37 : i32 to index
      %swap3A_39 = tpu.vector_load %arg5[%swap3A_38] {strides = array<i32>} : memref<10240xf32, #tpu.memory_space<vmem>>, vector<16xf32>,
      tpu.vector_store %arg5[%swap3A_38], %broadcast_in_dim3A_9 {strides = array<i32>} : memref<10240xf32, #tpu.memory_space<vmem>>, vector<16xf32>,
      %mul3A_40 = arith.constant 128 : i32
      %mul3A_41 = arith.muli %scan3A_27, %mul3A_40 : i32
      %add3A_42 = arith.constant 32 : i32
      %add3A_43 = arith.addi %mul3A_41, %add3A_42 : i32
      %swap3A_44 = arith.index_cast %add3A_43 : i32 to index
      %swap3A_45 = tpu.vector_load %arg5[%swap3A_44] {strides = array<i32>} : memref<10240xf32, #tpu.memory_space<vmem>>, vector<16xf32>,
      tpu.vector_store %arg5[%swap3A_44], %broadcast_in_dim3A_9 {strides = array<i32>} : memref<10240xf32, #tpu.memory_space<vmem>>, vector<16xf32>,
      %mul3A_46 = arith.constant 128 : i32
      %mul3A_47 = arith.muli %scan3A_27, %mul3A_46 : i32
      %add3A_48 = arith.constant 48 : i32
      %add3A_49 = arith.addi %mul3A_47, %add3A_48 : i32
      %swap3A_50 = arith.index_cast %add3A_49 : i32 to index
      %swap3A_51 = tpu.vector_load %arg5[%swap3A_50] {strides = array<i32>} : memref<10240xf32, #tpu.memory_space<vmem>>, vector<16xf32>,
      tpu.vector_store %arg5[%swap3A_50], %broadcast_in_dim3A_9 {strides = array<i32>} : memref<10240xf32, #tpu.memory_space<vmem>>, vector<16xf32>,
      %mul3A_52 = arith.constant 128 : i32
      %mul3A_53 = arith.muli %scan3A_27, %mul3A_52 : i32
      %add3A_54 = arith.constant 64 : i32
      %add3A_55 = arith.addi %mul3A_53, %add3A_54 : i32
      %swap3A_56 = arith.index_cast %add3A_55 : i32 to index
      %swap3A_57 = tpu.vector_load %arg5[%swap3A_56] {strides = array<i32>} : memref<10240xf32, #tpu.memory_space<vmem>>, vector<16xf32>,
      tpu.vector_store %arg5[%swap3A_56], %broadcast_in_dim3A_9 {strides = array<i32>} : memref<10240xf32, #tpu.memory_space<vmem>>, vector<16xf32>,
      %mul3A_58 = arith.constant 128 : i32
      %mul3A_59 = arith.muli %scan3A_27, %mul3A_58 : i32
      %add3A_60 = arith.constant 80 : i32
      %add3A_61 = arith.addi %mul3A_59, %add3A_60 : i32
      %swap3A_62 = arith.index_cast %add3A_61 : i32 to index
      %swap3A_63 = tpu.vector_load %arg5[%swap3A_62] {strides = array<i32>} : memref<10240xf32, #tpu.memory_space<vmem>>, vector<16xf32>,
      tpu.vector_store %arg5[%swap3A_62], %broadcast_in_dim3A_9 {strides = array<i32>} : memref<10240xf32, #tpu.memory_space<vmem>>, vector<16xf32>,
      %mul3A_64 = arith.constant 128 : i32
      %mul3A_65 = arith.muli %scan3A_27, %mul3A_64 : i32
      %add3A_66 = arith.constant 96 : i32
      %add3A_67 = arith.addi %mul3A_65, %add3A_66 : i32
      %swap3A_68 = arith.index_cast %add3A_67 : i32 to index
      %swap3A_69 = tpu.vector_load %arg5[%swap3A_68] {strides = array<i32>} : memref<10240xf32, #tpu.memory_space<vmem>>, vector<16xf32>,
      tpu.vector_store %arg5[%swap3A_68], %broadcast_in_dim3A_9 {strides = array<i32>} : memref<10240xf32, #tpu.memory_space<vmem>>, vector<16xf32>,
      %mul3A_70 = arith.constant 128 : i32
      %mul3A_71 = arith.muli %scan3A_27, %mul3A_70 : i32
      %add3A_72 = arith.constant 112 : i32
      %add3A_73 = arith.addi %mul3A_71, %add3A_72 : i32
      %swap3A_74 = arith.index_cast %add3A_73 : i32 to index
      %swap3A_75 = tpu.vector_load %arg5[%swap3A_74] {strides = array<i32>} : memref<10240xf32, #tpu.memory_space<vmem>>, vector<16xf32>,
      tpu.vector_store %arg5[%swap3A_74], %broadcast_in_dim3A_9 {strides = array<i32>} : memref<10240xf32, #tpu.memory_space<vmem>>, vector<16xf32>,
      %scan3A_76 = arith.constant 0 : i32
      scf.yield %scan3A_76 : i32
    }
    %scan3A_16 = arith.constant 80 : i32
    %broadcast_in_dim3A_17 = arith.constant 1.000000e+00 : f32
    %broadcast_in_dim3A_18 = vector.broadcast %broadcast_in_dim3A_17 : f32 to vector<16xf32>
    %scan3A_19 = arith.constant 0 : i32
    %scan3A_20 = arith.constant 0 : i32
    %scan3A_21 = arith.constant 105 : i32
    %scan3A_22 = arith.addi %scan3A_20, %scan3A_21 : i32
    %scan3A_23 = arith.constant 1 : i32
    %scan3A_24 = scf.for %scan3A_27 = %scan3A_20 to %scan3A_22 step %scan3A_23 iter_args(%scan3A_28 = %scan3A_19) -> (i32)  : i32 {
      %get3A = arith.constant 0 : i32
      %get3A_29 = arith.index_cast %scan3A_27 : i32 to index
      %get3A_30 = arith.index_cast %get3A : i32 to index
      %get3A_31 = arith.constant 0 : index
      %get3A_32 = tpu.vector_load %arg6[%get3A_29, %get3A_30, %get3A_31] {strides = array<i32>} : memref<105x2x96xi32, #tpu.memory_space<vmem>>, vector<16xi32>,
      tpu.vector_store_idx %arg4[%get3A_32], %broadcast_in_dim3A_18 {add = true} : memref<10240xf32, #tpu.memory_space<vmem>>[vector<16xi32>], vector<16xf32>,
      %get3A_33 = arith.constant 1 : i32
      %get3A_34 = arith.index_cast %scan3A_27 : i32 to index
      %get3A_35 = arith.index_cast %get3A_33 : i32 to index
      %get3A_36 = arith.constant 0 : index
      %get3A_37 = tpu.vector_load %arg6[%get3A_34, %get3A_35, %get3A_36] {strides = array<i32>} : memref<105x2x96xi32, #tpu.memory_space<vmem>>, vector<16xi32>,
      tpu.vector_store_idx %arg5[%get3A_37], %broadcast_in_dim3A_18 {add = true} : memref<10240xf32, #tpu.memory_space<vmem>>[vector<16xi32>], vector<16xf32>,
      %get3A_38 = arith.constant 0 : i32
      %get3A_39 = arith.index_cast %scan3A_27 : i32 to index
      %get3A_40 = arith.index_cast %get3A_38 : i32 to index
      %get3A_41 = arith.constant 16 : index
      %get3A_42 = tpu.vector_load %arg6[%get3A_39, %get3A_40, %get3A_41] {strides = array<i32>} : memref<105x2x96xi32, #tpu.memory_space<vmem>>, vector<16xi32>,
      tpu.vector_store_idx %arg4[%get3A_42], %broadcast_in_dim3A_18 {add = true} : memref<10240xf32, #tpu.memory_space<vmem>>[vector<16xi32>], vector<16xf32>,
      %get3A_43 = arith.constant 1 : i32
      %get3A_44 = arith.index_cast %scan3A_27 : i32 to index
      %get3A_45 = arith.index_cast %get3A_43 : i32 to index
      %get3A_46 = arith.constant 16 : index
      %get3A_47 = tpu.vector_load %arg6[%get3A_44, %get3A_45, %get3A_46] {strides = array<i32>} : memref<105x2x96xi32, #tpu.memory_space<vmem>>, vector<16xi32>,
      tpu.vector_store_idx %arg5[%get3A_47], %broadcast_in_dim3A_18 {add = true} : memref<10240xf32, #tpu.memory_space<vmem>>[vector<16xi32>], vector<16xf32>,
      %get3A_48 = arith.constant 0 : i32
      %get3A_49 = arith.index_cast %scan3A_27 : i32 to index
      %get3A_50 = arith.index_cast %get3A_48 : i32 to index
      %get3A_51 = arith.constant 32 : index
      %get3A_52 = tpu.vector_load %arg6[%get3A_49, %get3A_50, %get3A_51] {strides = array<i32>} : memref<105x2x96xi32, #tpu.memory_space<vmem>>, vector<16xi32>,
      tpu.vector_store_idx %arg4[%get3A_52], %broadcast_in_dim3A_18 {add = true} : memref<10240xf32, #tpu.memory_space<vmem>>[vector<16xi32>], vector<16xf32>,
      %get3A_53 = arith.constant 1 : i32
      %get3A_54 = arith.index_cast %scan3A_27 : i32 to index
      %get3A_55 = arith.index_cast %get3A_53 : i32 to index
      %get3A_56 = arith.constant 32 : index
      %get3A_57 = tpu.vector_load %arg6[%get3A_54, %get3A_55, %get3A_56] {strides = array<i32>} : memref<105x2x96xi32, #tpu.memory_space<vmem>>, vector<16xi32>,
      tpu.vector_store_idx %arg5[%get3A_57], %broadcast_in_dim3A_18 {add = true} : memref<10240xf32, #tpu.memory_space<vmem>>[vector<16xi32>], vector<16xf32>,
      %get3A_58 = arith.constant 0 : i32
      %get3A_59 = arith.index_cast %scan3A_27 : i32 to index
      %get3A_60 = arith.index_cast %get3A_58 : i32 to index
      %get3A_61 = arith.constant 48 : index
      %get3A_62 = tpu.vector_load %arg6[%get3A_59, %get3A_60, %get3A_61] {strides = array<i32>} : memref<105x2x96xi32, #tpu.memory_space<vmem>>, vector<16xi32>,
      tpu.vector_store_idx %arg4[%get3A_62], %broadcast_in_dim3A_18 {add = true} : memref<10240xf32, #tpu.memory_space<vmem>>[vector<16xi32>], vector<16xf32>,
      %get3A_63 = arith.constant 1 : i32
      %get3A_64 = arith.index_cast %scan3A_27 : i32 to index
      %get3A_65 = arith.index_cast %get3A_63 : i32 to index
      %get3A_66 = arith.constant 48 : index
      %get3A_67 = tpu.vector_load %arg6[%get3A_64, %get3A_65, %get3A_66] {strides = array<i32>} : memref<105x2x96xi32, #tpu.memory_space<vmem>>, vector<16xi32>,
      tpu.vector_store_idx %arg5[%get3A_67], %broadcast_in_dim3A_18 {add = true} : memref<10240xf32, #tpu.memory_space<vmem>>[vector<16xi32>], vector<16xf32>,
      %get3A_68 = arith.constant 0 : i32
      %get3A_69 = arith.index_cast %scan3A_27 : i32 to index
      %get3A_70 = arith.index_cast %get3A_68 : i32 to index
      %get3A_71 = arith.constant 64 : index
      %get3A_72 = tpu.vector_load %arg6[%get3A_69, %get3A_70, %get3A_71] {strides = array<i32>} : memref<105x2x96xi32, #tpu.memory_space<vmem>>, vector<16xi32>,
      tpu.vector_store_idx %arg4[%get3A_72], %broadcast_in_dim3A_18 {add = true} : memref<10240xf32, #tpu.memory_space<vmem>>[vector<16xi32>], vector<16xf32>,
      %get3A_73 = arith.constant 1 : i32
      %get3A_74 = arith.index_cast %scan3A_27 : i32 to index
      %get3A_75 = arith.index_cast %get3A_73 : i32 to index
      %get3A_76 = arith.constant 64 : index
      %get3A_77 = tpu.vector_load %arg6[%get3A_74, %get3A_75, %get3A_76] {strides = array<i32>} : memref<105x2x96xi32, #tpu.memory_space<vmem>>, vector<16xi32>,
      tpu.vector_store_idx %arg5[%get3A_77], %broadcast_in_dim3A_18 {add = true} : memref<10240xf32, #tpu.memory_space<vmem>>[vector<16xi32>], vector<16xf32>,
      %get3A_78 = arith.constant 0 : i32
      %get3A_79 = arith.index_cast %scan3A_27 : i32 to index
      %get3A_80 = arith.index_cast %get3A_78 : i32 to index
      %get3A_81 = arith.constant 80 : index
      %get3A_82 = tpu.vector_load %arg6[%get3A_79, %get3A_80, %get3A_81] {strides = array<i32>} : memref<105x2x96xi32, #tpu.memory_space<vmem>>, vector<16xi32>,
      tpu.vector_store_idx %arg4[%get3A_82], %broadcast_in_dim3A_18 {add = true} : memref<10240xf32, #tpu.memory_space<vmem>>[vector<16xi32>], vector<16xf32>,
      %get3A_83 = arith.constant 1 : i32
      %get3A_84 = arith.index_cast %scan3A_27 : i32 to index
      %get3A_85 = arith.index_cast %get3A_83 : i32 to index
      %get3A_86 = arith.constant 80 : index
      %get3A_87 = tpu.vector_load %arg6[%get3A_84, %get3A_85, %get3A_86] {strides = array<i32>} : memref<105x2x96xi32, #tpu.memory_space<vmem>>, vector<16xi32>,
      tpu.vector_store_idx %arg5[%get3A_87], %broadcast_in_dim3A_18 {add = true} : memref<10240xf32, #tpu.memory_space<vmem>>[vector<16xi32>], vector<16xf32>,
      %scan3A_88 = arith.constant 0 : i32
      scf.yield %scan3A_88 : i32
    }
    %scan3A_25 = arith.constant 105 : i32
    %run_scoped3A = arith.constant 0 : i32
    "tpu.region"() ({
      %run_scoped3A_27 = tpu.sem_alloc : memref<!tpu.dma_semaphore, #tpu.memory_space<semaphore_mem>>
      %dma_start3A = arith.constant 0 : i32
      %dma_start3A_28 = tpu.memref_slice %arg3[%run_scoped3A, %add3A, %dma_start3A] : memref<2x32x10240xf32, #tpu.memory_space<hbm>> -> memref<1x1x10240xf32, #tpu.memory_space<hbm>>
      %dma_start3A_29 = tpu.memref_squeeze %dma_start3A_28 : memref<1x1x10240xf32, #tpu.memory_space<hbm>> -> memref<10240xf32, #tpu.memory_space<hbm>>
      %dma_start3A_30 = arith.constant 0 : i32
      %dma_start3A_31 = tpu.memref_slice %arg3[%run_scoped3A, %add3A, %dma_start3A_30] : memref<2x32x10240xf32, #tpu.memory_space<hbm>> -> memref<1x1x10240xf32, #tpu.memory_space<hbm>>
      %dma_start3A_32 = tpu.memref_squeeze %dma_start3A_31 : memref<1x1x10240xf32, #tpu.memory_space<hbm>> -> memref<10240xf32, #tpu.memory_space<hbm>>
      tpu.enqueue_dma source(%arg4 : memref<10240xf32, #tpu.memory_space<vmem>>) target(%dma_start3A_32 : memref<10240xf32, #tpu.memory_space<hbm>>) target_semaphore(%run_scoped3A_27 : memref<!tpu.dma_semaphore, #tpu.memory_space<semaphore_mem>>)
      %dma_wait3A = arith.constant 0 : i32
      %dma_wait3A_33 = tpu.memref_slice %arg3[%run_scoped3A, %add3A, %dma_wait3A] : memref<2x32x10240xf32, #tpu.memory_space<hbm>> -> memref<1x1x10240xf32, #tpu.memory_space<hbm>>
      %dma_wait3A_34 = tpu.memref_squeeze %dma_wait3A_33 : memref<1x1x10240xf32, #tpu.memory_space<hbm>> -> memref<10240xf32, #tpu.memory_space<hbm>>
      %dma_wait3A_35 = arith.constant 0 : i32
      %dma_wait3A_36 = tpu.memref_slice %arg3[%run_scoped3A, %add3A, %dma_wait3A_35] : memref<2x32x10240xf32, #tpu.memory_space<hbm>> -> memref<1x1x10240xf32, #tpu.memory_space<hbm>>
      %dma_wait3A_37 = tpu.memref_squeeze %dma_wait3A_36 : memref<1x1x10240xf32, #tpu.memory_space<hbm>> -> memref<10240xf32, #tpu.memory_space<hbm>>
      tpu.wait_dma2 semaphore(%run_scoped3A_27 : memref<!tpu.dma_semaphore, #tpu.memory_space<semaphore_mem>>) src(%arg4 : memref<10240xf32, #tpu.memory_space<vmem>>) dst(%dma_wait3A_37 : memref<10240xf32, #tpu.memory_space<hbm>>)
      tpu.yield
    }) : () -> ()
    %run_scoped3A_26 = arith.constant 1 : i32
    "tpu.region"() ({
      %run_scoped3A_27 = tpu.sem_alloc : memref<!tpu.dma_semaphore, #tpu.memory_space<semaphore_mem>>
      %dma_start3A = arith.constant 0 : i32
      %dma_start3A_28 = tpu.memref_slice %arg3[%run_scoped3A_26, %add3A, %dma_start3A] : memref<2x32x10240xf32, #tpu.memory_space<hbm>> -> memref<1x1x10240xf32, #tpu.memory_space<hbm>>
      %dma_start3A_29 = tpu.memref_squeeze %dma_start3A_28 : memref<1x1x10240xf32, #tpu.memory_space<hbm>> -> memref<10240xf32, #tpu.memory_space<hbm>>
      %dma_start3A_30 = arith.constant 0 : i32
      %dma_start3A_31 = tpu.memref_slice %arg3[%run_scoped3A_26, %add3A, %dma_start3A_30] : memref<2x32x10240xf32, #tpu.memory_space<hbm>> -> memref<1x1x10240xf32, #tpu.memory_space<hbm>>
      %dma_start3A_32 = tpu.memref_squeeze %dma_start3A_31 : memref<1x1x10240xf32, #tpu.memory_space<hbm>> -> memref<10240xf32, #tpu.memory_space<hbm>>
      tpu.enqueue_dma source(%arg5 : memref<10240xf32, #tpu.memory_space<vmem>>) target(%dma_start3A_32 : memref<10240xf32, #tpu.memory_space<hbm>>) target_semaphore(%run_scoped3A_27 : memref<!tpu.dma_semaphore, #tpu.memory_space<semaphore_mem>>)
      %dma_wait3A = arith.constant 0 : i32
      %dma_wait3A_33 = tpu.memref_slice %arg3[%run_scoped3A_26, %add3A, %dma_wait3A] : memref<2x32x10240xf32, #tpu.memory_space<hbm>> -> memref<1x1x10240xf32, #tpu.memory_space<hbm>>
      %dma_wait3A_34 = tpu.memref_squeeze %dma_wait3A_33 : memref<1x1x10240xf32, #tpu.memory_space<hbm>> -> memref<10240xf32, #tpu.memory_space<hbm>>
      %dma_wait3A_35 = arith.constant 0 : i32
      %dma_wait3A_36 = tpu.memref_slice %arg3[%run_scoped3A_26, %add3A, %dma_wait3A_35] : memref<2x32x10240xf32, #tpu.memory_space<hbm>> -> memref<1x1x10240xf32, #tpu.memory_space<hbm>>
      %dma_wait3A_37 = tpu.memref_squeeze %dma_wait3A_36 : memref<1x1x10240xf32, #tpu.memory_space<hbm>> -> memref<10240xf32, #tpu.memory_space<hbm>>
      tpu.wait_dma2 semaphore(%run_scoped3A_27 : memref<!tpu.dma_semaphore, #tpu.memory_space<semaphore_mem>>) src(%arg5 : memref<10240xf32, #tpu.memory_space<vmem>>) dst(%dma_wait3A_37 : memref<10240xf32, #tpu.memory_space<hbm>>)
      tpu.yield
    }) : () -> ()
    return
  }
}

#map = affine_map<(d0, d1) -> (0, 0)>
#map1 = affine_map<(d0, d1) -> (0, 0, 0, 0)>
#map2 = affine_map<(d0, d1) -> (0, 0, 0)>
module attributes {stable_mosaic.version = 14 : i64} {
  func.func @_msg_kernel(%arg0: i32, %arg1: i32, %arg2: memref<10240x128xf32, #tpu.memory_space<hbm>>, %arg3: memref<32x105x2x96xi32, #tpu.memory_space<hbm>>, %arg4: memref<2x10240x128xf32, #tpu.memory_space<hbm>>, %arg5: memref<10112x128xf32, #tpu.memory_space<vmem_shared>>, %arg6: memref<96xi32, #tpu.memory_space<vmem>>, %arg7: memref<96xi32, #tpu.memory_space<vmem>>, %arg8: memref<96xi32, #tpu.memory_space<vmem>>, %arg9: memref<96xi32, #tpu.memory_space<vmem>>, %arg10: memref<96xi32, #tpu.memory_space<vmem>>, %arg11: memref<96xi32, #tpu.memory_space<vmem>>, %arg12: memref<96x128xf32, #tpu.memory_space<vmem>>, %arg13: memref<96x128xf32, #tpu.memory_space<vmem>>, %arg14: memref<96x128xf32, #tpu.memory_space<vmem>>, %arg15: memref<!tpu.dma_semaphore, #tpu.memory_space<semaphore_mem>>, %arg16: memref<!tpu.dma_semaphore, #tpu.memory_space<semaphore_mem>>, %arg17: memref<!tpu.dma_semaphore, #tpu.memory_space<semaphore_mem>>, %arg18: memref<!tpu.dma_semaphore, #tpu.memory_space<semaphore_mem>>, %arg19: memref<!tpu.dma_semaphore, #tpu.memory_space<semaphore_mem>>, %arg20: memref<!tpu.dma_semaphore, #tpu.memory_space<semaphore_mem>>, %arg21: memref<!tpu.dma_semaphore, #tpu.memory_space<semaphore_mem>>, %arg22: memref<!tpu.dma_semaphore, #tpu.memory_space<semaphore_mem>>, %arg23: memref<!tpu.dma_semaphore, #tpu.memory_space<semaphore_mem>>, %arg24: memref<!tpu.dma_semaphore, #tpu.memory_space<semaphore_mem>>, %arg25: memref<!tpu.dma_semaphore, #tpu.memory_space<semaphore_mem>>, %arg26: memref<!tpu.dma_semaphore, #tpu.memory_space<semaphore_mem>>) attributes {dimension_semantics = [#tpu.dimension_semantics<core_parallel>, #tpu.dimension_semantics<subcore_parallel>], iteration_bounds = array<i64: 2, 16>, scalar_prefetch = 0 : i64, scratch_operands = 22 : i64, tpu.core_type = #tpu.core_type<sc_vector_subcore>, window_params = [{transform_indices = #map}, {transform_indices = #map1}, {transform_indices = #map2}]} {
    %mul3A = arith.constant 16 : i32
    %mul3A_0 = arith.muli %arg0, %mul3A : i32
    %add3A = arith.addi %mul3A_0, %arg1 : i32
    %broadcast_in_dim3A = arith.constant 0.000000e+00 : f32
    %broadcast_in_dim3A_1 = vector.broadcast %broadcast_in_dim3A : f32 to vector<16xf32>
    %scan3A = arith.constant 0 : i32
    %scan3A_2 = arith.constant 0 : i32
    %scan3A_3 = arith.constant 96 : i32
    %scan3A_4 = arith.addi %scan3A_2, %scan3A_3 : i32
    %scan3A_5 = arith.constant 1 : i32
    %scan3A_6 = scf.for %scan3A_109 = %scan3A_2 to %scan3A_4 step %scan3A_5 iter_args(%scan3A_110 = %scan3A) -> (i32)  : i32 {
      %swap3A = arith.index_cast %scan3A_109 : i32 to index
      %swap3A_111 = arith.constant 0 : index
      %swap3A_112 = tpu.vector_load %arg12[%swap3A, %swap3A_111] {strides = array<i32>} : memref<96x128xf32, #tpu.memory_space<vmem>>, vector<16xf32>,
      tpu.vector_store %arg12[%swap3A, %swap3A_111], %broadcast_in_dim3A_1 {strides = array<i32>} : memref<96x128xf32, #tpu.memory_space<vmem>>, vector<16xf32>,
      %swap3A_113 = arith.index_cast %scan3A_109 : i32 to index
      %swap3A_114 = arith.constant 16 : index
      %swap3A_115 = tpu.vector_load %arg12[%swap3A_113, %swap3A_114] {strides = array<i32>} : memref<96x128xf32, #tpu.memory_space<vmem>>, vector<16xf32>,
      tpu.vector_store %arg12[%swap3A_113, %swap3A_114], %broadcast_in_dim3A_1 {strides = array<i32>} : memref<96x128xf32, #tpu.memory_space<vmem>>, vector<16xf32>,
      %swap3A_116 = arith.index_cast %scan3A_109 : i32 to index
      %swap3A_117 = arith.constant 32 : index
      %swap3A_118 = tpu.vector_load %arg12[%swap3A_116, %swap3A_117] {strides = array<i32>} : memref<96x128xf32, #tpu.memory_space<vmem>>, vector<16xf32>,
      tpu.vector_store %arg12[%swap3A_116, %swap3A_117], %broadcast_in_dim3A_1 {strides = array<i32>} : memref<96x128xf32, #tpu.memory_space<vmem>>, vector<16xf32>,
      %swap3A_119 = arith.index_cast %scan3A_109 : i32 to index
      %swap3A_120 = arith.constant 48 : index
      %swap3A_121 = tpu.vector_load %arg12[%swap3A_119, %swap3A_120] {strides = array<i32>} : memref<96x128xf32, #tpu.memory_space<vmem>>, vector<16xf32>,
      tpu.vector_store %arg12[%swap3A_119, %swap3A_120], %broadcast_in_dim3A_1 {strides = array<i32>} : memref<96x128xf32, #tpu.memory_space<vmem>>, vector<16xf32>,
      %swap3A_122 = arith.index_cast %scan3A_109 : i32 to index
      %swap3A_123 = arith.constant 64 : index
      %swap3A_124 = tpu.vector_load %arg12[%swap3A_122, %swap3A_123] {strides = array<i32>} : memref<96x128xf32, #tpu.memory_space<vmem>>, vector<16xf32>,
      tpu.vector_store %arg12[%swap3A_122, %swap3A_123], %broadcast_in_dim3A_1 {strides = array<i32>} : memref<96x128xf32, #tpu.memory_space<vmem>>, vector<16xf32>,
      %swap3A_125 = arith.index_cast %scan3A_109 : i32 to index
      %swap3A_126 = arith.constant 80 : index
      %swap3A_127 = tpu.vector_load %arg12[%swap3A_125, %swap3A_126] {strides = array<i32>} : memref<96x128xf32, #tpu.memory_space<vmem>>, vector<16xf32>,
      tpu.vector_store %arg12[%swap3A_125, %swap3A_126], %broadcast_in_dim3A_1 {strides = array<i32>} : memref<96x128xf32, #tpu.memory_space<vmem>>, vector<16xf32>,
      %swap3A_128 = arith.index_cast %scan3A_109 : i32 to index
      %swap3A_129 = arith.constant 96 : index
      %swap3A_130 = tpu.vector_load %arg12[%swap3A_128, %swap3A_129] {strides = array<i32>} : memref<96x128xf32, #tpu.memory_space<vmem>>, vector<16xf32>,
      tpu.vector_store %arg12[%swap3A_128, %swap3A_129], %broadcast_in_dim3A_1 {strides = array<i32>} : memref<96x128xf32, #tpu.memory_space<vmem>>, vector<16xf32>,
      %swap3A_131 = arith.index_cast %scan3A_109 : i32 to index
      %swap3A_132 = arith.constant 112 : index
      %swap3A_133 = tpu.vector_load %arg12[%swap3A_131, %swap3A_132] {strides = array<i32>} : memref<96x128xf32, #tpu.memory_space<vmem>>, vector<16xf32>,
      tpu.vector_store %arg12[%swap3A_131, %swap3A_132], %broadcast_in_dim3A_1 {strides = array<i32>} : memref<96x128xf32, #tpu.memory_space<vmem>>, vector<16xf32>,
      %scan3A_134 = arith.constant 0 : i32
      scf.yield %scan3A_134 : i32
    }
    %scan3A_7 = arith.constant 96 : i32
    %mul3A_8 = arith.constant 632 : i32
    %mul3A_9 = arith.muli %arg1, %mul3A_8 : i32
    %add3A_10 = arith.constant 0 : i32
    %add3A_11 = arith.addi %mul3A_9, %add3A_10 : i32
    "tpu.region"() ({
      %run_scoped3A = tpu.sem_alloc : memref<!tpu.dma_semaphore, #tpu.memory_space<semaphore_mem>>
      %dma_start3A_109 = arith.constant 0 : i32
      %dma_start3A_110 = arith.constant 0 : i32
      %dma_start3A_111 = tpu.memref_slice %arg12[%dma_start3A_109, %dma_start3A_110] : memref<96x128xf32, #tpu.memory_space<vmem>> -> memref<96x128xf32, #tpu.memory_space<vmem>>
      %dma_start3A_112 = arith.constant 0 : i32
      %dma_start3A_113 = tpu.memref_slice %arg5[%add3A_11, %dma_start3A_112] : memref<10112x128xf32, #tpu.memory_space<vmem_shared>> -> memref<96x128xf32, #tpu.memory_space<vmem_shared>>
      %dma_start3A_114 = arith.constant 0 : i32
      %dma_start3A_115 = tpu.memref_slice %arg5[%add3A_11, %dma_start3A_114] : memref<10112x128xf32, #tpu.memory_space<vmem_shared>> -> memref<96x128xf32, #tpu.memory_space<vmem_shared>>
      %dma_start3A_116 = arith.constant 0 : i32
      %dma_start3A_117 = arith.constant 0 : i32
      %dma_start3A_118 = tpu.memref_slice %arg12[%dma_start3A_116, %dma_start3A_117] : memref<96x128xf32, #tpu.memory_space<vmem>> -> memref<96x128xf32, #tpu.memory_space<vmem>>
      tpu.enqueue_dma source(%dma_start3A_118 : memref<96x128xf32, #tpu.memory_space<vmem>>) target(%dma_start3A_115 : memref<96x128xf32, #tpu.memory_space<vmem_shared>>) target_semaphore(%run_scoped3A : memref<!tpu.dma_semaphore, #tpu.memory_space<semaphore_mem>>)
      %dma_wait3A_119 = arith.constant 0 : i32
      %dma_wait3A_120 = arith.constant 0 : i32
      %dma_wait3A_121 = tpu.memref_slice %arg12[%dma_wait3A_119, %dma_wait3A_120] : memref<96x128xf32, #tpu.memory_space<vmem>> -> memref<96x128xf32, #tpu.memory_space<vmem>>
      %dma_wait3A_122 = arith.constant 0 : i32
      %dma_wait3A_123 = tpu.memref_slice %arg5[%add3A_11, %dma_wait3A_122] : memref<10112x128xf32, #tpu.memory_space<vmem_shared>> -> memref<96x128xf32, #tpu.memory_space<vmem_shared>>
      %dma_wait3A_124 = arith.constant 0 : i32
      %dma_wait3A_125 = tpu.memref_slice %arg5[%add3A_11, %dma_wait3A_124] : memref<10112x128xf32, #tpu.memory_space<vmem_shared>> -> memref<96x128xf32, #tpu.memory_space<vmem_shared>>
      %dma_wait3A_126 = arith.constant 0 : i32
      %dma_wait3A_127 = arith.constant 0 : i32
      %dma_wait3A_128 = tpu.memref_slice %arg12[%dma_wait3A_126, %dma_wait3A_127] : memref<96x128xf32, #tpu.memory_space<vmem>> -> memref<96x128xf32, #tpu.memory_space<vmem>>
      tpu.wait_dma2 semaphore(%run_scoped3A : memref<!tpu.dma_semaphore, #tpu.memory_space<semaphore_mem>>) src(%dma_wait3A_128 : memref<96x128xf32, #tpu.memory_space<vmem>>) dst(%dma_wait3A_125 : memref<96x128xf32, #tpu.memory_space<vmem_shared>>)
      tpu.yield
    }) : () -> ()
    %mul3A_12 = arith.constant 632 : i32
    %mul3A_13 = arith.muli %arg1, %mul3A_12 : i32
    %add3A_14 = arith.constant 96 : i32
    %add3A_15 = arith.addi %mul3A_13, %add3A_14 : i32
    "tpu.region"() ({
      %run_scoped3A = tpu.sem_alloc : memref<!tpu.dma_semaphore, #tpu.memory_space<semaphore_mem>>
      %dma_start3A_109 = arith.constant 0 : i32
      %dma_start3A_110 = arith.constant 0 : i32
      %dma_start3A_111 = tpu.memref_slice %arg12[%dma_start3A_109, %dma_start3A_110] : memref<96x128xf32, #tpu.memory_space<vmem>> -> memref<96x128xf32, #tpu.memory_space<vmem>>
      %dma_start3A_112 = arith.constant 0 : i32
      %dma_start3A_113 = tpu.memref_slice %arg5[%add3A_15, %dma_start3A_112] : memref<10112x128xf32, #tpu.memory_space<vmem_shared>> -> memref<96x128xf32, #tpu.memory_space<vmem_shared>>
      %dma_start3A_114 = arith.constant 0 : i32
      %dma_start3A_115 = tpu.memref_slice %arg5[%add3A_15, %dma_start3A_114] : memref<10112x128xf32, #tpu.memory_space<vmem_shared>> -> memref<96x128xf32, #tpu.memory_space<vmem_shared>>
      %dma_start3A_116 = arith.constant 0 : i32
      %dma_start3A_117 = arith.constant 0 : i32
      %dma_start3A_118 = tpu.memref_slice %arg12[%dma_start3A_116, %dma_start3A_117] : memref<96x128xf32, #tpu.memory_space<vmem>> -> memref<96x128xf32, #tpu.memory_space<vmem>>
      tpu.enqueue_dma source(%dma_start3A_118 : memref<96x128xf32, #tpu.memory_space<vmem>>) target(%dma_start3A_115 : memref<96x128xf32, #tpu.memory_space<vmem_shared>>) target_semaphore(%run_scoped3A : memref<!tpu.dma_semaphore, #tpu.memory_space<semaphore_mem>>)
      %dma_wait3A_119 = arith.constant 0 : i32
      %dma_wait3A_120 = arith.constant 0 : i32
      %dma_wait3A_121 = tpu.memref_slice %arg12[%dma_wait3A_119, %dma_wait3A_120] : memref<96x128xf32, #tpu.memory_space<vmem>> -> memref<96x128xf32, #tpu.memory_space<vmem>>
      %dma_wait3A_122 = arith.constant 0 : i32
      %dma_wait3A_123 = tpu.memref_slice %arg5[%add3A_15, %dma_wait3A_122] : memref<10112x128xf32, #tpu.memory_space<vmem_shared>> -> memref<96x128xf32, #tpu.memory_space<vmem_shared>>
      %dma_wait3A_124 = arith.constant 0 : i32
      %dma_wait3A_125 = tpu.memref_slice %arg5[%add3A_15, %dma_wait3A_124] : memref<10112x128xf32, #tpu.memory_space<vmem_shared>> -> memref<96x128xf32, #tpu.memory_space<vmem_shared>>
      %dma_wait3A_126 = arith.constant 0 : i32
      %dma_wait3A_127 = arith.constant 0 : i32
      %dma_wait3A_128 = tpu.memref_slice %arg12[%dma_wait3A_126, %dma_wait3A_127] : memref<96x128xf32, #tpu.memory_space<vmem>> -> memref<96x128xf32, #tpu.memory_space<vmem>>
      tpu.wait_dma2 semaphore(%run_scoped3A : memref<!tpu.dma_semaphore, #tpu.memory_space<semaphore_mem>>) src(%dma_wait3A_128 : memref<96x128xf32, #tpu.memory_space<vmem>>) dst(%dma_wait3A_125 : memref<96x128xf32, #tpu.memory_space<vmem_shared>>)
      tpu.yield
    }) : () -> ()
    %mul3A_16 = arith.constant 632 : i32
    %mul3A_17 = arith.muli %arg1, %mul3A_16 : i32
    %add3A_18 = arith.constant 192 : i32
    %add3A_19 = arith.addi %mul3A_17, %add3A_18 : i32
    "tpu.region"() ({
      %run_scoped3A = tpu.sem_alloc : memref<!tpu.dma_semaphore, #tpu.memory_space<semaphore_mem>>
      %dma_start3A_109 = arith.constant 0 : i32
      %dma_start3A_110 = arith.constant 0 : i32
      %dma_start3A_111 = tpu.memref_slice %arg12[%dma_start3A_109, %dma_start3A_110] : memref<96x128xf32, #tpu.memory_space<vmem>> -> memref<96x128xf32, #tpu.memory_space<vmem>>
      %dma_start3A_112 = arith.constant 0 : i32
      %dma_start3A_113 = tpu.memref_slice %arg5[%add3A_19, %dma_start3A_112] : memref<10112x128xf32, #tpu.memory_space<vmem_shared>> -> memref<96x128xf32, #tpu.memory_space<vmem_shared>>
      %dma_start3A_114 = arith.constant 0 : i32
      %dma_start3A_115 = tpu.memref_slice %arg5[%add3A_19, %dma_start3A_114] : memref<10112x128xf32, #tpu.memory_space<vmem_shared>> -> memref<96x128xf32, #tpu.memory_space<vmem_shared>>
      %dma_start3A_116 = arith.constant 0 : i32
      %dma_start3A_117 = arith.constant 0 : i32
      %dma_start3A_118 = tpu.memref_slice %arg12[%dma_start3A_116, %dma_start3A_117] : memref<96x128xf32, #tpu.memory_space<vmem>> -> memref<96x128xf32, #tpu.memory_space<vmem>>
      tpu.enqueue_dma source(%dma_start3A_118 : memref<96x128xf32, #tpu.memory_space<vmem>>) target(%dma_start3A_115 : memref<96x128xf32, #tpu.memory_space<vmem_shared>>) target_semaphore(%run_scoped3A : memref<!tpu.dma_semaphore, #tpu.memory_space<semaphore_mem>>)
      %dma_wait3A_119 = arith.constant 0 : i32
      %dma_wait3A_120 = arith.constant 0 : i32
      %dma_wait3A_121 = tpu.memref_slice %arg12[%dma_wait3A_119, %dma_wait3A_120] : memref<96x128xf32, #tpu.memory_space<vmem>> -> memref<96x128xf32, #tpu.memory_space<vmem>>
      %dma_wait3A_122 = arith.constant 0 : i32
      %dma_wait3A_123 = tpu.memref_slice %arg5[%add3A_19, %dma_wait3A_122] : memref<10112x128xf32, #tpu.memory_space<vmem_shared>> -> memref<96x128xf32, #tpu.memory_space<vmem_shared>>
      %dma_wait3A_124 = arith.constant 0 : i32
      %dma_wait3A_125 = tpu.memref_slice %arg5[%add3A_19, %dma_wait3A_124] : memref<10112x128xf32, #tpu.memory_space<vmem_shared>> -> memref<96x128xf32, #tpu.memory_space<vmem_shared>>
      %dma_wait3A_126 = arith.constant 0 : i32
      %dma_wait3A_127 = arith.constant 0 : i32
      %dma_wait3A_128 = tpu.memref_slice %arg12[%dma_wait3A_126, %dma_wait3A_127] : memref<96x128xf32, #tpu.memory_space<vmem>> -> memref<96x128xf32, #tpu.memory_space<vmem>>
      tpu.wait_dma2 semaphore(%run_scoped3A : memref<!tpu.dma_semaphore, #tpu.memory_space<semaphore_mem>>) src(%dma_wait3A_128 : memref<96x128xf32, #tpu.memory_space<vmem>>) dst(%dma_wait3A_125 : memref<96x128xf32, #tpu.memory_space<vmem_shared>>)
      tpu.yield
    }) : () -> ()
    %mul3A_20 = arith.constant 632 : i32
    %mul3A_21 = arith.muli %arg1, %mul3A_20 : i32
    %add3A_22 = arith.constant 288 : i32
    %add3A_23 = arith.addi %mul3A_21, %add3A_22 : i32
    "tpu.region"() ({
      %run_scoped3A = tpu.sem_alloc : memref<!tpu.dma_semaphore, #tpu.memory_space<semaphore_mem>>
      %dma_start3A_109 = arith.constant 0 : i32
      %dma_start3A_110 = arith.constant 0 : i32
      %dma_start3A_111 = tpu.memref_slice %arg12[%dma_start3A_109, %dma_start3A_110] : memref<96x128xf32, #tpu.memory_space<vmem>> -> memref<96x128xf32, #tpu.memory_space<vmem>>
      %dma_start3A_112 = arith.constant 0 : i32
      %dma_start3A_113 = tpu.memref_slice %arg5[%add3A_23, %dma_start3A_112] : memref<10112x128xf32, #tpu.memory_space<vmem_shared>> -> memref<96x128xf32, #tpu.memory_space<vmem_shared>>
      %dma_start3A_114 = arith.constant 0 : i32
      %dma_start3A_115 = tpu.memref_slice %arg5[%add3A_23, %dma_start3A_114] : memref<10112x128xf32, #tpu.memory_space<vmem_shared>> -> memref<96x128xf32, #tpu.memory_space<vmem_shared>>
      %dma_start3A_116 = arith.constant 0 : i32
      %dma_start3A_117 = arith.constant 0 : i32
      %dma_start3A_118 = tpu.memref_slice %arg12[%dma_start3A_116, %dma_start3A_117] : memref<96x128xf32, #tpu.memory_space<vmem>> -> memref<96x128xf32, #tpu.memory_space<vmem>>
      tpu.enqueue_dma source(%dma_start3A_118 : memref<96x128xf32, #tpu.memory_space<vmem>>) target(%dma_start3A_115 : memref<96x128xf32, #tpu.memory_space<vmem_shared>>) target_semaphore(%run_scoped3A : memref<!tpu.dma_semaphore, #tpu.memory_space<semaphore_mem>>)
      %dma_wait3A_119 = arith.constant 0 : i32
      %dma_wait3A_120 = arith.constant 0 : i32
      %dma_wait3A_121 = tpu.memref_slice %arg12[%dma_wait3A_119, %dma_wait3A_120] : memref<96x128xf32, #tpu.memory_space<vmem>> -> memref<96x128xf32, #tpu.memory_space<vmem>>
      %dma_wait3A_122 = arith.constant 0 : i32
      %dma_wait3A_123 = tpu.memref_slice %arg5[%add3A_23, %dma_wait3A_122] : memref<10112x128xf32, #tpu.memory_space<vmem_shared>> -> memref<96x128xf32, #tpu.memory_space<vmem_shared>>
      %dma_wait3A_124 = arith.constant 0 : i32
      %dma_wait3A_125 = tpu.memref_slice %arg5[%add3A_23, %dma_wait3A_124] : memref<10112x128xf32, #tpu.memory_space<vmem_shared>> -> memref<96x128xf32, #tpu.memory_space<vmem_shared>>
      %dma_wait3A_126 = arith.constant 0 : i32
      %dma_wait3A_127 = arith.constant 0 : i32
      %dma_wait3A_128 = tpu.memref_slice %arg12[%dma_wait3A_126, %dma_wait3A_127] : memref<96x128xf32, #tpu.memory_space<vmem>> -> memref<96x128xf32, #tpu.memory_space<vmem>>
      tpu.wait_dma2 semaphore(%run_scoped3A : memref<!tpu.dma_semaphore, #tpu.memory_space<semaphore_mem>>) src(%dma_wait3A_128 : memref<96x128xf32, #tpu.memory_space<vmem>>) dst(%dma_wait3A_125 : memref<96x128xf32, #tpu.memory_space<vmem_shared>>)
      tpu.yield
    }) : () -> ()
    %mul3A_24 = arith.constant 632 : i32
    %mul3A_25 = arith.muli %arg1, %mul3A_24 : i32
    %add3A_26 = arith.constant 384 : i32
    %add3A_27 = arith.addi %mul3A_25, %add3A_26 : i32
    "tpu.region"() ({
      %run_scoped3A = tpu.sem_alloc : memref<!tpu.dma_semaphore, #tpu.memory_space<semaphore_mem>>
      %dma_start3A_109 = arith.constant 0 : i32
      %dma_start3A_110 = arith.constant 0 : i32
      %dma_start3A_111 = tpu.memref_slice %arg12[%dma_start3A_109, %dma_start3A_110] : memref<96x128xf32, #tpu.memory_space<vmem>> -> memref<96x128xf32, #tpu.memory_space<vmem>>
      %dma_start3A_112 = arith.constant 0 : i32
      %dma_start3A_113 = tpu.memref_slice %arg5[%add3A_27, %dma_start3A_112] : memref<10112x128xf32, #tpu.memory_space<vmem_shared>> -> memref<96x128xf32, #tpu.memory_space<vmem_shared>>
      %dma_start3A_114 = arith.constant 0 : i32
      %dma_start3A_115 = tpu.memref_slice %arg5[%add3A_27, %dma_start3A_114] : memref<10112x128xf32, #tpu.memory_space<vmem_shared>> -> memref<96x128xf32, #tpu.memory_space<vmem_shared>>
      %dma_start3A_116 = arith.constant 0 : i32
      %dma_start3A_117 = arith.constant 0 : i32
      %dma_start3A_118 = tpu.memref_slice %arg12[%dma_start3A_116, %dma_start3A_117] : memref<96x128xf32, #tpu.memory_space<vmem>> -> memref<96x128xf32, #tpu.memory_space<vmem>>
      tpu.enqueue_dma source(%dma_start3A_118 : memref<96x128xf32, #tpu.memory_space<vmem>>) target(%dma_start3A_115 : memref<96x128xf32, #tpu.memory_space<vmem_shared>>) target_semaphore(%run_scoped3A : memref<!tpu.dma_semaphore, #tpu.memory_space<semaphore_mem>>)
      %dma_wait3A_119 = arith.constant 0 : i32
      %dma_wait3A_120 = arith.constant 0 : i32
      %dma_wait3A_121 = tpu.memref_slice %arg12[%dma_wait3A_119, %dma_wait3A_120] : memref<96x128xf32, #tpu.memory_space<vmem>> -> memref<96x128xf32, #tpu.memory_space<vmem>>
      %dma_wait3A_122 = arith.constant 0 : i32
      %dma_wait3A_123 = tpu.memref_slice %arg5[%add3A_27, %dma_wait3A_122] : memref<10112x128xf32, #tpu.memory_space<vmem_shared>> -> memref<96x128xf32, #tpu.memory_space<vmem_shared>>
      %dma_wait3A_124 = arith.constant 0 : i32
      %dma_wait3A_125 = tpu.memref_slice %arg5[%add3A_27, %dma_wait3A_124] : memref<10112x128xf32, #tpu.memory_space<vmem_shared>> -> memref<96x128xf32, #tpu.memory_space<vmem_shared>>
      %dma_wait3A_126 = arith.constant 0 : i32
      %dma_wait3A_127 = arith.constant 0 : i32
      %dma_wait3A_128 = tpu.memref_slice %arg12[%dma_wait3A_126, %dma_wait3A_127] : memref<96x128xf32, #tpu.memory_space<vmem>> -> memref<96x128xf32, #tpu.memory_space<vmem>>
      tpu.wait_dma2 semaphore(%run_scoped3A : memref<!tpu.dma_semaphore, #tpu.memory_space<semaphore_mem>>) src(%dma_wait3A_128 : memref<96x128xf32, #tpu.memory_space<vmem>>) dst(%dma_wait3A_125 : memref<96x128xf32, #tpu.memory_space<vmem_shared>>)
      tpu.yield
    }) : () -> ()
    %mul3A_28 = arith.constant 632 : i32
    %mul3A_29 = arith.muli %arg1, %mul3A_28 : i32
    %add3A_30 = arith.constant 480 : i32
    %add3A_31 = arith.addi %mul3A_29, %add3A_30 : i32
    "tpu.region"() ({
      %run_scoped3A = tpu.sem_alloc : memref<!tpu.dma_semaphore, #tpu.memory_space<semaphore_mem>>
      %dma_start3A_109 = arith.constant 0 : i32
      %dma_start3A_110 = arith.constant 0 : i32
      %dma_start3A_111 = tpu.memref_slice %arg12[%dma_start3A_109, %dma_start3A_110] : memref<96x128xf32, #tpu.memory_space<vmem>> -> memref<96x128xf32, #tpu.memory_space<vmem>>
      %dma_start3A_112 = arith.constant 0 : i32
      %dma_start3A_113 = tpu.memref_slice %arg5[%add3A_31, %dma_start3A_112] : memref<10112x128xf32, #tpu.memory_space<vmem_shared>> -> memref<96x128xf32, #tpu.memory_space<vmem_shared>>
      %dma_start3A_114 = arith.constant 0 : i32
      %dma_start3A_115 = tpu.memref_slice %arg5[%add3A_31, %dma_start3A_114] : memref<10112x128xf32, #tpu.memory_space<vmem_shared>> -> memref<96x128xf32, #tpu.memory_space<vmem_shared>>
      %dma_start3A_116 = arith.constant 0 : i32
      %dma_start3A_117 = arith.constant 0 : i32
      %dma_start3A_118 = tpu.memref_slice %arg12[%dma_start3A_116, %dma_start3A_117] : memref<96x128xf32, #tpu.memory_space<vmem>> -> memref<96x128xf32, #tpu.memory_space<vmem>>
      tpu.enqueue_dma source(%dma_start3A_118 : memref<96x128xf32, #tpu.memory_space<vmem>>) target(%dma_start3A_115 : memref<96x128xf32, #tpu.memory_space<vmem_shared>>) target_semaphore(%run_scoped3A : memref<!tpu.dma_semaphore, #tpu.memory_space<semaphore_mem>>)
      %dma_wait3A_119 = arith.constant 0 : i32
      %dma_wait3A_120 = arith.constant 0 : i32
      %dma_wait3A_121 = tpu.memref_slice %arg12[%dma_wait3A_119, %dma_wait3A_120] : memref<96x128xf32, #tpu.memory_space<vmem>> -> memref<96x128xf32, #tpu.memory_space<vmem>>
      %dma_wait3A_122 = arith.constant 0 : i32
      %dma_wait3A_123 = tpu.memref_slice %arg5[%add3A_31, %dma_wait3A_122] : memref<10112x128xf32, #tpu.memory_space<vmem_shared>> -> memref<96x128xf32, #tpu.memory_space<vmem_shared>>
      %dma_wait3A_124 = arith.constant 0 : i32
      %dma_wait3A_125 = tpu.memref_slice %arg5[%add3A_31, %dma_wait3A_124] : memref<10112x128xf32, #tpu.memory_space<vmem_shared>> -> memref<96x128xf32, #tpu.memory_space<vmem_shared>>
      %dma_wait3A_126 = arith.constant 0 : i32
      %dma_wait3A_127 = arith.constant 0 : i32
      %dma_wait3A_128 = tpu.memref_slice %arg12[%dma_wait3A_126, %dma_wait3A_127] : memref<96x128xf32, #tpu.memory_space<vmem>> -> memref<96x128xf32, #tpu.memory_space<vmem>>
      tpu.wait_dma2 semaphore(%run_scoped3A : memref<!tpu.dma_semaphore, #tpu.memory_space<semaphore_mem>>) src(%dma_wait3A_128 : memref<96x128xf32, #tpu.memory_space<vmem>>) dst(%dma_wait3A_125 : memref<96x128xf32, #tpu.memory_space<vmem_shared>>)
      tpu.yield
    }) : () -> ()
    %mul3A_32 = arith.constant 632 : i32
    %mul3A_33 = arith.muli %arg1, %mul3A_32 : i32
    %add3A_34 = arith.constant 576 : i32
    %add3A_35 = arith.addi %mul3A_33, %add3A_34 : i32
    "tpu.region"() ({
      %run_scoped3A = tpu.sem_alloc : memref<!tpu.dma_semaphore, #tpu.memory_space<semaphore_mem>>
      %dma_start3A_109 = arith.constant 0 : i32
      %dma_start3A_110 = arith.constant 0 : i32
      %dma_start3A_111 = tpu.memref_slice %arg12[%dma_start3A_109, %dma_start3A_110] : memref<96x128xf32, #tpu.memory_space<vmem>> -> memref<56x128xf32, #tpu.memory_space<vmem>>
      %dma_start3A_112 = arith.constant 0 : i32
      %dma_start3A_113 = tpu.memref_slice %arg5[%add3A_35, %dma_start3A_112] : memref<10112x128xf32, #tpu.memory_space<vmem_shared>> -> memref<56x128xf32, #tpu.memory_space<vmem_shared>>
      %dma_start3A_114 = arith.constant 0 : i32
      %dma_start3A_115 = tpu.memref_slice %arg5[%add3A_35, %dma_start3A_114] : memref<10112x128xf32, #tpu.memory_space<vmem_shared>> -> memref<56x128xf32, #tpu.memory_space<vmem_shared>>
      %dma_start3A_116 = arith.constant 0 : i32
      %dma_start3A_117 = arith.constant 0 : i32
      %dma_start3A_118 = tpu.memref_slice %arg12[%dma_start3A_116, %dma_start3A_117] : memref<96x128xf32, #tpu.memory_space<vmem>> -> memref<56x128xf32, #tpu.memory_space<vmem>>
      tpu.enqueue_dma source(%dma_start3A_118 : memref<56x128xf32, #tpu.memory_space<vmem>>) target(%dma_start3A_115 : memref<56x128xf32, #tpu.memory_space<vmem_shared>>) target_semaphore(%run_scoped3A : memref<!tpu.dma_semaphore, #tpu.memory_space<semaphore_mem>>)
      %dma_wait3A_119 = arith.constant 0 : i32
      %dma_wait3A_120 = arith.constant 0 : i32
      %dma_wait3A_121 = tpu.memref_slice %arg12[%dma_wait3A_119, %dma_wait3A_120] : memref<96x128xf32, #tpu.memory_space<vmem>> -> memref<56x128xf32, #tpu.memory_space<vmem>>
      %dma_wait3A_122 = arith.constant 0 : i32
      %dma_wait3A_123 = tpu.memref_slice %arg5[%add3A_35, %dma_wait3A_122] : memref<10112x128xf32, #tpu.memory_space<vmem_shared>> -> memref<56x128xf32, #tpu.memory_space<vmem_shared>>
      %dma_wait3A_124 = arith.constant 0 : i32
      %dma_wait3A_125 = tpu.memref_slice %arg5[%add3A_35, %dma_wait3A_124] : memref<10112x128xf32, #tpu.memory_space<vmem_shared>> -> memref<56x128xf32, #tpu.memory_space<vmem_shared>>
      %dma_wait3A_126 = arith.constant 0 : i32
      %dma_wait3A_127 = arith.constant 0 : i32
      %dma_wait3A_128 = tpu.memref_slice %arg12[%dma_wait3A_126, %dma_wait3A_127] : memref<96x128xf32, #tpu.memory_space<vmem>> -> memref<56x128xf32, #tpu.memory_space<vmem>>
      tpu.wait_dma2 semaphore(%run_scoped3A : memref<!tpu.dma_semaphore, #tpu.memory_space<semaphore_mem>>) src(%dma_wait3A_128 : memref<56x128xf32, #tpu.memory_space<vmem>>) dst(%dma_wait3A_125 : memref<56x128xf32, #tpu.memory_space<vmem_shared>>)
      tpu.yield
    }) : () -> ()
    %barrier3A = arith.constant 0 : index
    tpu.barrier barrier_id(%barrier3A)
    %dma_start3A = arith.constant 0 : i32
    %dma_start3A_36 = arith.constant 0 : i32
    %dma_start3A_37 = arith.constant 0 : i32
    %dma_start3A_38 = tpu.memref_slice %arg3[%add3A, %dma_start3A, %dma_start3A_36, %dma_start3A_37] : memref<32x105x2x96xi32, #tpu.memory_space<hbm>> -> memref<1x1x1x96xi32, #tpu.memory_space<hbm>>
    %dma_start3A_39 = tpu.memref_squeeze %dma_start3A_38 : memref<1x1x1x96xi32, #tpu.memory_space<hbm>> -> memref<96xi32, #tpu.memory_space<hbm>>
    %dma_start3A_40 = arith.constant 0 : i32
    %dma_start3A_41 = tpu.memref_slice %arg3[%add3A, %dma_start3A, %dma_start3A_36, %dma_start3A_40] : memref<32x105x2x96xi32, #tpu.memory_space<hbm>> -> memref<1x1x1x96xi32, #tpu.memory_space<hbm>>
    %dma_start3A_42 = tpu.memref_squeeze %dma_start3A_41 : memref<1x1x1x96xi32, #tpu.memory_space<hbm>> -> memref<96xi32, #tpu.memory_space<hbm>>
    tpu.enqueue_dma source(%dma_start3A_42 : memref<96xi32, #tpu.memory_space<hbm>>) target(%arg6 : memref<96xi32, #tpu.memory_space<vmem>>) target_semaphore(%arg18 : memref<!tpu.dma_semaphore, #tpu.memory_space<semaphore_mem>>)
    %dma_start3A_43 = arith.constant 1 : i32
    %dma_start3A_44 = arith.constant 0 : i32
    %dma_start3A_45 = arith.constant 0 : i32
    %dma_start3A_46 = tpu.memref_slice %arg3[%add3A, %dma_start3A_43, %dma_start3A_44, %dma_start3A_45] : memref<32x105x2x96xi32, #tpu.memory_space<hbm>> -> memref<1x1x1x96xi32, #tpu.memory_space<hbm>>
    %dma_start3A_47 = tpu.memref_squeeze %dma_start3A_46 : memref<1x1x1x96xi32, #tpu.memory_space<hbm>> -> memref<96xi32, #tpu.memory_space<hbm>>
    %dma_start3A_48 = arith.constant 0 : i32
    %dma_start3A_49 = tpu.memref_slice %arg3[%add3A, %dma_start3A_43, %dma_start3A_44, %dma_start3A_48] : memref<32x105x2x96xi32, #tpu.memory_space<hbm>> -> memref<1x1x1x96xi32, #tpu.memory_space<hbm>>
    %dma_start3A_50 = tpu.memref_squeeze %dma_start3A_49 : memref<1x1x1x96xi32, #tpu.memory_space<hbm>> -> memref<96xi32, #tpu.memory_space<hbm>>
    tpu.enqueue_dma source(%dma_start3A_50 : memref<96xi32, #tpu.memory_space<hbm>>) target(%arg7 : memref<96xi32, #tpu.memory_space<vmem>>) target_semaphore(%arg19 : memref<!tpu.dma_semaphore, #tpu.memory_space<semaphore_mem>>)
    %dma_start3A_51 = arith.constant 2 : i32
    %dma_start3A_52 = arith.constant 0 : i32
    %dma_start3A_53 = arith.constant 0 : i32
    %dma_start3A_54 = tpu.memref_slice %arg3[%add3A, %dma_start3A_51, %dma_start3A_52, %dma_start3A_53] : memref<32x105x2x96xi32, #tpu.memory_space<hbm>> -> memref<1x1x1x96xi32, #tpu.memory_space<hbm>>
    %dma_start3A_55 = tpu.memref_squeeze %dma_start3A_54 : memref<1x1x1x96xi32, #tpu.memory_space<hbm>> -> memref<96xi32, #tpu.memory_space<hbm>>
    %dma_start3A_56 = arith.constant 0 : i32
    %dma_start3A_57 = tpu.memref_slice %arg3[%add3A, %dma_start3A_51, %dma_start3A_52, %dma_start3A_56] : memref<32x105x2x96xi32, #tpu.memory_space<hbm>> -> memref<1x1x1x96xi32, #tpu.memory_space<hbm>>
    %dma_start3A_58 = tpu.memref_squeeze %dma_start3A_57 : memref<1x1x1x96xi32, #tpu.memory_space<hbm>> -> memref<96xi32, #tpu.memory_space<hbm>>
    tpu.enqueue_dma source(%dma_start3A_58 : memref<96xi32, #tpu.memory_space<hbm>>) target(%arg8 : memref<96xi32, #tpu.memory_space<vmem>>) target_semaphore(%arg20 : memref<!tpu.dma_semaphore, #tpu.memory_space<semaphore_mem>>)
    %dma_start3A_59 = arith.constant 0 : i32
    %dma_start3A_60 = arith.constant 1 : i32
    %dma_start3A_61 = arith.constant 0 : i32
    %dma_start3A_62 = tpu.memref_slice %arg3[%add3A, %dma_start3A_59, %dma_start3A_60, %dma_start3A_61] : memref<32x105x2x96xi32, #tpu.memory_space<hbm>> -> memref<1x1x1x96xi32, #tpu.memory_space<hbm>>
    %dma_start3A_63 = tpu.memref_squeeze %dma_start3A_62 : memref<1x1x1x96xi32, #tpu.memory_space<hbm>> -> memref<96xi32, #tpu.memory_space<hbm>>
    %dma_start3A_64 = arith.constant 0 : i32
    %dma_start3A_65 = tpu.memref_slice %arg3[%add3A, %dma_start3A_59, %dma_start3A_60, %dma_start3A_64] : memref<32x105x2x96xi32, #tpu.memory_space<hbm>> -> memref<1x1x1x96xi32, #tpu.memory_space<hbm>>
    %dma_start3A_66 = tpu.memref_squeeze %dma_start3A_65 : memref<1x1x1x96xi32, #tpu.memory_space<hbm>> -> memref<96xi32, #tpu.memory_space<hbm>>
    tpu.enqueue_dma source(%dma_start3A_66 : memref<96xi32, #tpu.memory_space<hbm>>) target(%arg9 : memref<96xi32, #tpu.memory_space<vmem>>) target_semaphore(%arg24 : memref<!tpu.dma_semaphore, #tpu.memory_space<semaphore_mem>>)
    %dma_start3A_67 = arith.constant 1 : i32
    %dma_start3A_68 = arith.constant 1 : i32
    %dma_start3A_69 = arith.constant 0 : i32
    %dma_start3A_70 = tpu.memref_slice %arg3[%add3A, %dma_start3A_67, %dma_start3A_68, %dma_start3A_69] : memref<32x105x2x96xi32, #tpu.memory_space<hbm>> -> memref<1x1x1x96xi32, #tpu.memory_space<hbm>>
    %dma_start3A_71 = tpu.memref_squeeze %dma_start3A_70 : memref<1x1x1x96xi32, #tpu.memory_space<hbm>> -> memref<96xi32, #tpu.memory_space<hbm>>
    %dma_start3A_72 = arith.constant 0 : i32
    %dma_start3A_73 = tpu.memref_slice %arg3[%add3A, %dma_start3A_67, %dma_start3A_68, %dma_start3A_72] : memref<32x105x2x96xi32, #tpu.memory_space<hbm>> -> memref<1x1x1x96xi32, #tpu.memory_space<hbm>>
    %dma_start3A_74 = tpu.memref_squeeze %dma_start3A_73 : memref<1x1x1x96xi32, #tpu.memory_space<hbm>> -> memref<96xi32, #tpu.memory_space<hbm>>
    tpu.enqueue_dma source(%dma_start3A_74 : memref<96xi32, #tpu.memory_space<hbm>>) target(%arg10 : memref<96xi32, #tpu.memory_space<vmem>>) target_semaphore(%arg25 : memref<!tpu.dma_semaphore, #tpu.memory_space<semaphore_mem>>)
    %dma_wait3A = arith.constant 0 : i32
    %dma_wait3A_75 = arith.constant 0 : i32
    %dma_wait3A_76 = arith.constant 0 : i32
    %dma_wait3A_77 = tpu.memref_slice %arg3[%add3A, %dma_wait3A, %dma_wait3A_75, %dma_wait3A_76] : memref<32x105x2x96xi32, #tpu.memory_space<hbm>> -> memref<1x1x1x96xi32, #tpu.memory_space<hbm>>
    %dma_wait3A_78 = tpu.memref_squeeze %dma_wait3A_77 : memref<1x1x1x96xi32, #tpu.memory_space<hbm>> -> memref<96xi32, #tpu.memory_space<hbm>>
    %dma_wait3A_79 = arith.constant 0 : i32
    %dma_wait3A_80 = tpu.memref_slice %arg3[%add3A, %dma_wait3A, %dma_wait3A_75, %dma_wait3A_79] : memref<32x105x2x96xi32, #tpu.memory_space<hbm>> -> memref<1x1x1x96xi32, #tpu.memory_space<hbm>>
    %dma_wait3A_81 = tpu.memref_squeeze %dma_wait3A_80 : memref<1x1x1x96xi32, #tpu.memory_space<hbm>> -> memref<96xi32, #tpu.memory_space<hbm>>
    tpu.wait_dma2 semaphore(%arg18 : memref<!tpu.dma_semaphore, #tpu.memory_space<semaphore_mem>>) src(%dma_wait3A_81 : memref<96xi32, #tpu.memory_space<hbm>>) dst(%arg6 : memref<96xi32, #tpu.memory_space<vmem>>)
    %dma_start3A_82 = arith.constant 0 : i32
    %dma_start3A_83 = arith.constant 0 : i32
    %dma_start3A_84 = tpu.memref_slice %arg2[%dma_start3A_82, %dma_start3A_83] : memref<10240x128xf32, #tpu.memory_space<hbm>> -> memref<10240x128xf32, #tpu.memory_space<hbm>>
    tpu.enqueue_indirect_dma source(%dma_start3A_84 : memref<10240x128xf32, #tpu.memory_space<hbm>>) target(%arg12 : memref<96x128xf32, #tpu.memory_space<vmem>>) offsets(%arg6 : memref<96xi32, #tpu.memory_space<vmem>>) semaphore(%arg15 : memref<!tpu.dma_semaphore, #tpu.memory_space<semaphore_mem>>)
    %dma_wait3A_85 = arith.constant 1 : i32
    %dma_wait3A_86 = arith.constant 0 : i32
    %dma_wait3A_87 = arith.constant 0 : i32
    %dma_wait3A_88 = tpu.memref_slice %arg3[%add3A, %dma_wait3A_85, %dma_wait3A_86, %dma_wait3A_87] : memref<32x105x2x96xi32, #tpu.memory_space<hbm>> -> memref<1x1x1x96xi32, #tpu.memory_space<hbm>>
    %dma_wait3A_89 = tpu.memref_squeeze %dma_wait3A_88 : memref<1x1x1x96xi32, #tpu.memory_space<hbm>> -> memref<96xi32, #tpu.memory_space<hbm>>
    %dma_wait3A_90 = arith.constant 0 : i32
    %dma_wait3A_91 = tpu.memref_slice %arg3[%add3A, %dma_wait3A_85, %dma_wait3A_86, %dma_wait3A_90] : memref<32x105x2x96xi32, #tpu.memory_space<hbm>> -> memref<1x1x1x96xi32, #tpu.memory_space<hbm>>
    %dma_wait3A_92 = tpu.memref_squeeze %dma_wait3A_91 : memref<1x1x1x96xi32, #tpu.memory_space<hbm>> -> memref<96xi32, #tpu.memory_space<hbm>>
    tpu.wait_dma2 semaphore(%arg19 : memref<!tpu.dma_semaphore, #tpu.memory_space<semaphore_mem>>) src(%dma_wait3A_92 : memref<96xi32, #tpu.memory_space<hbm>>) dst(%arg7 : memref<96xi32, #tpu.memory_space<vmem>>)
    %dma_start3A_93 = arith.constant 0 : i32
    %dma_start3A_94 = arith.constant 0 : i32
    %dma_start3A_95 = tpu.memref_slice %arg2[%dma_start3A_93, %dma_start3A_94] : memref<10240x128xf32, #tpu.memory_space<hbm>> -> memref<10240x128xf32, #tpu.memory_space<hbm>>
    tpu.enqueue_indirect_dma source(%dma_start3A_95 : memref<10240x128xf32, #tpu.memory_space<hbm>>) target(%arg13 : memref<96x128xf32, #tpu.memory_space<vmem>>) offsets(%arg7 : memref<96xi32, #tpu.memory_space<vmem>>) semaphore(%arg16 : memref<!tpu.dma_semaphore, #tpu.memory_space<semaphore_mem>>)
    %scan3A_96 = arith.constant 0 : i32
    %scan3A_97 = arith.constant 0 : i32
    %scan3A_98 = arith.constant 35 : i32
    %scan3A_99 = arith.addi %scan3A_97, %scan3A_98 : i32
    %scan3A_100 = arith.constant 1 : i32
    %scan3A_101 = scf.for %scan3A_109 = %scan3A_97 to %scan3A_99 step %scan3A_100 iter_args(%scan3A_110 = %scan3A_96) -> (i32)  : i32 {
      %mul3A_111 = arith.constant 3 : i32
      %mul3A_112 = arith.muli %mul3A_111, %scan3A_109 : i32
      %add3A_113 = arith.constant 0 : i32
      %add3A_114 = arith.addi %mul3A_112, %add3A_113 : i32
      %dma_wait3A_115 = arith.constant 0 : i32
      %dma_wait3A_116 = arith.constant 0 : i32
      %dma_wait3A_117 = tpu.memref_slice %arg2[%dma_wait3A_115, %dma_wait3A_116] : memref<10240x128xf32, #tpu.memory_space<hbm>> -> memref<10240x128xf32, #tpu.memory_space<hbm>>
      tpu.wait_indirect_dma semaphore(%arg15 : memref<!tpu.dma_semaphore, #tpu.memory_space<semaphore_mem>>) src(%dma_wait3A_117 : memref<10240x128xf32, #tpu.memory_space<hbm>>) dst(%arg12 : memref<96x128xf32, #tpu.memory_space<vmem>>)
      %dma_wait3A_118 = arith.constant 1 : i32
      %dma_wait3A_119 = arith.constant 0 : i32
      %dma_wait3A_120 = tpu.memref_slice %arg3[%add3A, %add3A_114, %dma_wait3A_118, %dma_wait3A_119] : memref<32x105x2x96xi32, #tpu.memory_space<hbm>> -> memref<1x1x1x96xi32, #tpu.memory_space<hbm>>
      %dma_wait3A_121 = tpu.memref_squeeze %dma_wait3A_120 : memref<1x1x1x96xi32, #tpu.memory_space<hbm>> -> memref<96xi32, #tpu.memory_space<hbm>>
      %dma_wait3A_122 = arith.constant 0 : i32
      %dma_wait3A_123 = tpu.memref_slice %arg3[%add3A, %add3A_114, %dma_wait3A_118, %dma_wait3A_122] : memref<32x105x2x96xi32, #tpu.memory_space<hbm>> -> memref<1x1x1x96xi32, #tpu.memory_space<hbm>>
      %dma_wait3A_124 = tpu.memref_squeeze %dma_wait3A_123 : memref<1x1x1x96xi32, #tpu.memory_space<hbm>> -> memref<96xi32, #tpu.memory_space<hbm>>
      tpu.wait_dma2 semaphore(%arg24 : memref<!tpu.dma_semaphore, #tpu.memory_space<semaphore_mem>>) src(%dma_wait3A_124 : memref<96xi32, #tpu.memory_space<hbm>>) dst(%arg9 : memref<96xi32, #tpu.memory_space<vmem>>)
      %dma_start3A_125 = arith.constant 0 : i32
      %dma_start3A_126 = arith.constant 0 : i32
      %dma_start3A_127 = tpu.memref_slice %arg5[%dma_start3A_125, %dma_start3A_126] : memref<10112x128xf32, #tpu.memory_space<vmem_shared>> -> memref<10112x128xf32, #tpu.memory_space<vmem_shared>>
      tpu.enqueue_indirect_dma source(%arg12 : memref<96x128xf32, #tpu.memory_space<vmem>>) target(%dma_start3A_127 : memref<10112x128xf32, #tpu.memory_space<vmem_shared>>) offsets(%arg9 : memref<96xi32, #tpu.memory_space<vmem>>) semaphore(%arg21 : memref<!tpu.dma_semaphore, #tpu.memory_space<semaphore_mem>>) {add = true}
      %ge3A = arith.constant 1 : i32
      %ge3A_128 = arith.cmpi sge, %add3A_114, %ge3A : i32
      %convert_element_type3A = arith.extui %ge3A_128 : i1 to i32
      %cond3A = arith.constant 0 : i32
      %cond3A_129 = arith.cmpi ne, %convert_element_type3A, %cond3A : i32
      scf.if %cond3A_129 {
        %dma_wait3A_216 = arith.constant 0 : i32
        %dma_wait3A_217 = arith.constant 0 : i32
        %dma_wait3A_218 = tpu.memref_slice %arg5[%dma_wait3A_216, %dma_wait3A_217] : memref<10112x128xf32, #tpu.memory_space<vmem_shared>> -> memref<10112x128xf32, #tpu.memory_space<vmem_shared>>
        tpu.wait_indirect_dma semaphore(%arg23 : memref<!tpu.dma_semaphore, #tpu.memory_space<semaphore_mem>>) src(%arg14 : memref<96x128xf32, #tpu.memory_space<vmem>>) dst(%dma_wait3A_218 : memref<10112x128xf32, #tpu.memory_space<vmem_shared>>)
      } else {
      }
      %add3A_130 = arith.constant 2 : i32
      %add3A_131 = arith.addi %add3A_114, %add3A_130 : i32
      %lt3A = arith.constant 105 : i32
      %lt3A_132 = arith.cmpi slt, %add3A_131, %lt3A : i32
      %convert_element_type3A_133 = arith.extui %lt3A_132 : i1 to i32
      %cond3A_134 = arith.constant 0 : i32
      %cond3A_135 = arith.cmpi ne, %convert_element_type3A_133, %cond3A_134 : i32
      scf.if %cond3A_135 {
        %add3A_216 = arith.constant 2 : i32
        %add3A_217 = arith.addi %add3A_114, %add3A_216 : i32
        %dma_start3A_218 = arith.constant 1 : i32
        %dma_start3A_219 = arith.constant 0 : i32
        %dma_start3A_220 = tpu.memref_slice %arg3[%add3A, %add3A_217, %dma_start3A_218, %dma_start3A_219] : memref<32x105x2x96xi32, #tpu.memory_space<hbm>> -> memref<1x1x1x96xi32, #tpu.memory_space<hbm>>
        %dma_start3A_221 = tpu.memref_squeeze %dma_start3A_220 : memref<1x1x1x96xi32, #tpu.memory_space<hbm>> -> memref<96xi32, #tpu.memory_space<hbm>>
        %dma_start3A_222 = arith.constant 0 : i32
        %dma_start3A_223 = tpu.memref_slice %arg3[%add3A, %add3A_217, %dma_start3A_218, %dma_start3A_222] : memref<32x105x2x96xi32, #tpu.memory_space<hbm>> -> memref<1x1x1x96xi32, #tpu.memory_space<hbm>>
        %dma_start3A_224 = tpu.memref_squeeze %dma_start3A_223 : memref<1x1x1x96xi32, #tpu.memory_space<hbm>> -> memref<96xi32, #tpu.memory_space<hbm>>
        tpu.enqueue_dma source(%dma_start3A_224 : memref<96xi32, #tpu.memory_space<hbm>>) target(%arg11 : memref<96xi32, #tpu.memory_space<vmem>>) target_semaphore(%arg26 : memref<!tpu.dma_semaphore, #tpu.memory_space<semaphore_mem>>)
        %add3A_225 = arith.constant 2 : i32
        %add3A_226 = arith.addi %add3A_114, %add3A_225 : i32
        %dma_wait3A_227 = arith.constant 0 : i32
        %dma_wait3A_228 = arith.constant 0 : i32
        %dma_wait3A_229 = tpu.memref_slice %arg3[%add3A, %add3A_226, %dma_wait3A_227, %dma_wait3A_228] : memref<32x105x2x96xi32, #tpu.memory_space<hbm>> -> memref<1x1x1x96xi32, #tpu.memory_space<hbm>>
        %dma_wait3A_230 = tpu.memref_squeeze %dma_wait3A_229 : memref<1x1x1x96xi32, #tpu.memory_space<hbm>> -> memref<96xi32, #tpu.memory_space<hbm>>
        %dma_wait3A_231 = arith.constant 0 : i32
        %dma_wait3A_232 = tpu.memref_slice %arg3[%add3A, %add3A_226, %dma_wait3A_227, %dma_wait3A_231] : memref<32x105x2x96xi32, #tpu.memory_space<hbm>> -> memref<1x1x1x96xi32, #tpu.memory_space<hbm>>
        %dma_wait3A_233 = tpu.memref_squeeze %dma_wait3A_232 : memref<1x1x1x96xi32, #tpu.memory_space<hbm>> -> memref<96xi32, #tpu.memory_space<hbm>>
        tpu.wait_dma2 semaphore(%arg20 : memref<!tpu.dma_semaphore, #tpu.memory_space<semaphore_mem>>) src(%dma_wait3A_233 : memref<96xi32, #tpu.memory_space<hbm>>) dst(%arg8 : memref<96xi32, #tpu.memory_space<vmem>>)
        %dma_start3A_234 = arith.constant 0 : i32
        %dma_start3A_235 = arith.constant 0 : i32
        %dma_start3A_236 = tpu.memref_slice %arg2[%dma_start3A_234, %dma_start3A_235] : memref<10240x128xf32, #tpu.memory_space<hbm>> -> memref<10240x128xf32, #tpu.memory_space<hbm>>
        tpu.enqueue_indirect_dma source(%dma_start3A_236 : memref<10240x128xf32, #tpu.memory_space<hbm>>) target(%arg14 : memref<96x128xf32, #tpu.memory_space<vmem>>) offsets(%arg8 : memref<96xi32, #tpu.memory_space<vmem>>) semaphore(%arg17 : memref<!tpu.dma_semaphore, #tpu.memory_space<semaphore_mem>>)
      } else {
      }
      %add3A_136 = arith.constant 3 : i32
      %add3A_137 = arith.addi %add3A_114, %add3A_136 : i32
      %lt3A_138 = arith.constant 105 : i32
      %lt3A_139 = arith.cmpi slt, %add3A_137, %lt3A_138 : i32
      %convert_element_type3A_140 = arith.extui %lt3A_139 : i1 to i32
      %cond3A_141 = arith.constant 0 : i32
      %cond3A_142 = arith.cmpi ne, %convert_element_type3A_140, %cond3A_141 : i32
      scf.if %cond3A_142 {
        %add3A_216 = arith.constant 3 : i32
        %add3A_217 = arith.addi %add3A_114, %add3A_216 : i32
        %dma_start3A_218 = arith.constant 0 : i32
        %dma_start3A_219 = arith.constant 0 : i32
        %dma_start3A_220 = tpu.memref_slice %arg3[%add3A, %add3A_217, %dma_start3A_218, %dma_start3A_219] : memref<32x105x2x96xi32, #tpu.memory_space<hbm>> -> memref<1x1x1x96xi32, #tpu.memory_space<hbm>>
        %dma_start3A_221 = tpu.memref_squeeze %dma_start3A_220 : memref<1x1x1x96xi32, #tpu.memory_space<hbm>> -> memref<96xi32, #tpu.memory_space<hbm>>
        %dma_start3A_222 = arith.constant 0 : i32
        %dma_start3A_223 = tpu.memref_slice %arg3[%add3A, %add3A_217, %dma_start3A_218, %dma_start3A_222] : memref<32x105x2x96xi32, #tpu.memory_space<hbm>> -> memref<1x1x1x96xi32, #tpu.memory_space<hbm>>
        %dma_start3A_224 = tpu.memref_squeeze %dma_start3A_223 : memref<1x1x1x96xi32, #tpu.memory_space<hbm>> -> memref<96xi32, #tpu.memory_space<hbm>>
        tpu.enqueue_dma source(%dma_start3A_224 : memref<96xi32, #tpu.memory_space<hbm>>) target(%arg6 : memref<96xi32, #tpu.memory_space<vmem>>) target_semaphore(%arg18 : memref<!tpu.dma_semaphore, #tpu.memory_space<semaphore_mem>>)
      } else {
      }
      %mul3A_143 = arith.constant 3 : i32
      %mul3A_144 = arith.muli %mul3A_143, %scan3A_109 : i32
      %add3A_145 = arith.constant 1 : i32
      %add3A_146 = arith.addi %mul3A_144, %add3A_145 : i32
      %dma_wait3A_147 = arith.constant 0 : i32
      %dma_wait3A_148 = arith.constant 0 : i32
      %dma_wait3A_149 = tpu.memref_slice %arg2[%dma_wait3A_147, %dma_wait3A_148] : memref<10240x128xf32, #tpu.memory_space<hbm>> -> memref<10240x128xf32, #tpu.memory_space<hbm>>
      tpu.wait_indirect_dma semaphore(%arg16 : memref<!tpu.dma_semaphore, #tpu.memory_space<semaphore_mem>>) src(%dma_wait3A_149 : memref<10240x128xf32, #tpu.memory_space<hbm>>) dst(%arg13 : memref<96x128xf32, #tpu.memory_space<vmem>>)
      %dma_wait3A_150 = arith.constant 1 : i32
      %dma_wait3A_151 = arith.constant 0 : i32
      %dma_wait3A_152 = tpu.memref_slice %arg3[%add3A, %add3A_146, %dma_wait3A_150, %dma_wait3A_151] : memref<32x105x2x96xi32, #tpu.memory_space<hbm>> -> memref<1x1x1x96xi32, #tpu.memory_space<hbm>>
      %dma_wait3A_153 = tpu.memref_squeeze %dma_wait3A_152 : memref<1x1x1x96xi32, #tpu.memory_space<hbm>> -> memref<96xi32, #tpu.memory_space<hbm>>
      %dma_wait3A_154 = arith.constant 0 : i32
      %dma_wait3A_155 = tpu.memref_slice %arg3[%add3A, %add3A_146, %dma_wait3A_150, %dma_wait3A_154] : memref<32x105x2x96xi32, #tpu.memory_space<hbm>> -> memref<1x1x1x96xi32, #tpu.memory_space<hbm>>
      %dma_wait3A_156 = tpu.memref_squeeze %dma_wait3A_155 : memref<1x1x1x96xi32, #tpu.memory_space<hbm>> -> memref<96xi32, #tpu.memory_space<hbm>>
      tpu.wait_dma2 semaphore(%arg25 : memref<!tpu.dma_semaphore, #tpu.memory_space<semaphore_mem>>) src(%dma_wait3A_156 : memref<96xi32, #tpu.memory_space<hbm>>) dst(%arg10 : memref<96xi32, #tpu.memory_space<vmem>>)
      %dma_start3A_157 = arith.constant 0 : i32
      %dma_start3A_158 = arith.constant 0 : i32
      %dma_start3A_159 = tpu.memref_slice %arg5[%dma_start3A_157, %dma_start3A_158] : memref<10112x128xf32, #tpu.memory_space<vmem_shared>> -> memref<10112x128xf32, #tpu.memory_space<vmem_shared>>
      tpu.enqueue_indirect_dma source(%arg13 : memref<96x128xf32, #tpu.memory_space<vmem>>) target(%dma_start3A_159 : memref<10112x128xf32, #tpu.memory_space<vmem_shared>>) offsets(%arg10 : memref<96xi32, #tpu.memory_space<vmem>>) semaphore(%arg22 : memref<!tpu.dma_semaphore, #tpu.memory_space<semaphore_mem>>) {add = true}
      %ge3A_160 = arith.constant 1 : i32
      %ge3A_161 = arith.cmpi sge, %add3A_146, %ge3A_160 : i32
      %convert_element_type3A_162 = arith.extui %ge3A_161 : i1 to i32
      %cond3A_163 = arith.constant 0 : i32
      %cond3A_164 = arith.cmpi ne, %convert_element_type3A_162, %cond3A_163 : i32
      scf.if %cond3A_164 {
        %dma_wait3A_216 = arith.constant 0 : i32
        %dma_wait3A_217 = arith.constant 0 : i32
        %dma_wait3A_218 = tpu.memref_slice %arg5[%dma_wait3A_216, %dma_wait3A_217] : memref<10112x128xf32, #tpu.memory_space<vmem_shared>> -> memref<10112x128xf32, #tpu.memory_space<vmem_shared>>
        tpu.wait_indirect_dma semaphore(%arg21 : memref<!tpu.dma_semaphore, #tpu.memory_space<semaphore_mem>>) src(%arg12 : memref<96x128xf32, #tpu.memory_space<vmem>>) dst(%dma_wait3A_218 : memref<10112x128xf32, #tpu.memory_space<vmem_shared>>)
      } else {
      }
      %add3A_165 = arith.constant 2 : i32
      %add3A_166 = arith.addi %add3A_146, %add3A_165 : i32
      %lt3A_167 = arith.constant 105 : i32
      %lt3A_168 = arith.cmpi slt, %add3A_166, %lt3A_167 : i32
      %convert_element_type3A_169 = arith.extui %lt3A_168 : i1 to i32
      %cond3A_170 = arith.constant 0 : i32
      %cond3A_171 = arith.cmpi ne, %convert_element_type3A_169, %cond3A_170 : i32
      scf.if %cond3A_171 {
        %add3A_216 = arith.constant 2 : i32
        %add3A_217 = arith.addi %add3A_146, %add3A_216 : i32
        %dma_start3A_218 = arith.constant 1 : i32
        %dma_start3A_219 = arith.constant 0 : i32
        %dma_start3A_220 = tpu.memref_slice %arg3[%add3A, %add3A_217, %dma_start3A_218, %dma_start3A_219] : memref<32x105x2x96xi32, #tpu.memory_space<hbm>> -> memref<1x1x1x96xi32, #tpu.memory_space<hbm>>
        %dma_start3A_221 = tpu.memref_squeeze %dma_start3A_220 : memref<1x1x1x96xi32, #tpu.memory_space<hbm>> -> memref<96xi32, #tpu.memory_space<hbm>>
        %dma_start3A_222 = arith.constant 0 : i32
        %dma_start3A_223 = tpu.memref_slice %arg3[%add3A, %add3A_217, %dma_start3A_218, %dma_start3A_222] : memref<32x105x2x96xi32, #tpu.memory_space<hbm>> -> memref<1x1x1x96xi32, #tpu.memory_space<hbm>>
        %dma_start3A_224 = tpu.memref_squeeze %dma_start3A_223 : memref<1x1x1x96xi32, #tpu.memory_space<hbm>> -> memref<96xi32, #tpu.memory_space<hbm>>
        tpu.enqueue_dma source(%dma_start3A_224 : memref<96xi32, #tpu.memory_space<hbm>>) target(%arg9 : memref<96xi32, #tpu.memory_space<vmem>>) target_semaphore(%arg24 : memref<!tpu.dma_semaphore, #tpu.memory_space<semaphore_mem>>)
        %add3A_225 = arith.constant 2 : i32
        %add3A_226 = arith.addi %add3A_146, %add3A_225 : i32
        %dma_wait3A_227 = arith.constant 0 : i32
        %dma_wait3A_228 = arith.constant 0 : i32
        %dma_wait3A_229 = tpu.memref_slice %arg3[%add3A, %add3A_226, %dma_wait3A_227, %dma_wait3A_228] : memref<32x105x2x96xi32, #tpu.memory_space<hbm>> -> memref<1x1x1x96xi32, #tpu.memory_space<hbm>>
        %dma_wait3A_230 = tpu.memref_squeeze %dma_wait3A_229 : memref<1x1x1x96xi32, #tpu.memory_space<hbm>> -> memref<96xi32, #tpu.memory_space<hbm>>
        %dma_wait3A_231 = arith.constant 0 : i32
        %dma_wait3A_232 = tpu.memref_slice %arg3[%add3A, %add3A_226, %dma_wait3A_227, %dma_wait3A_231] : memref<32x105x2x96xi32, #tpu.memory_space<hbm>> -> memref<1x1x1x96xi32, #tpu.memory_space<hbm>>
        %dma_wait3A_233 = tpu.memref_squeeze %dma_wait3A_232 : memref<1x1x1x96xi32, #tpu.memory_space<hbm>> -> memref<96xi32, #tpu.memory_space<hbm>>
        tpu.wait_dma2 semaphore(%arg18 : memref<!tpu.dma_semaphore, #tpu.memory_space<semaphore_mem>>) src(%dma_wait3A_233 : memref<96xi32, #tpu.memory_space<hbm>>) dst(%arg6 : memref<96xi32, #tpu.memory_space<vmem>>)
        %dma_start3A_234 = arith.constant 0 : i32
        %dma_start3A_235 = arith.constant 0 : i32
        %dma_start3A_236 = tpu.memref_slice %arg2[%dma_start3A_234, %dma_start3A_235] : memref<10240x128xf32, #tpu.memory_space<hbm>> -> memref<10240x128xf32, #tpu.memory_space<hbm>>
        tpu.enqueue_indirect_dma source(%dma_start3A_236 : memref<10240x128xf32, #tpu.memory_space<hbm>>) target(%arg12 : memref<96x128xf32, #tpu.memory_space<vmem>>) offsets(%arg6 : memref<96xi32, #tpu.memory_space<vmem>>) semaphore(%arg15 : memref<!tpu.dma_semaphore, #tpu.memory_space<semaphore_mem>>)
      } else {
      }
      %add3A_172 = arith.constant 3 : i32
      %add3A_173 = arith.addi %add3A_146, %add3A_172 : i32
      %lt3A_174 = arith.constant 105 : i32
      %lt3A_175 = arith.cmpi slt, %add3A_173, %lt3A_174 : i32
      %convert_element_type3A_176 = arith.extui %lt3A_175 : i1 to i32
      %cond3A_177 = arith.constant 0 : i32
      %cond3A_178 = arith.cmpi ne, %convert_element_type3A_176, %cond3A_177 : i32
      scf.if %cond3A_178 {
        %add3A_216 = arith.constant 3 : i32
        %add3A_217 = arith.addi %add3A_146, %add3A_216 : i32
        %dma_start3A_218 = arith.constant 0 : i32
        %dma_start3A_219 = arith.constant 0 : i32
        %dma_start3A_220 = tpu.memref_slice %arg3[%add3A, %add3A_217, %dma_start3A_218, %dma_start3A_219] : memref<32x105x2x96xi32, #tpu.memory_space<hbm>> -> memref<1x1x1x96xi32, #tpu.memory_space<hbm>>
        %dma_start3A_221 = tpu.memref_squeeze %dma_start3A_220 : memref<1x1x1x96xi32, #tpu.memory_space<hbm>> -> memref<96xi32, #tpu.memory_space<hbm>>
        %dma_start3A_222 = arith.constant 0 : i32
        %dma_start3A_223 = tpu.memref_slice %arg3[%add3A, %add3A_217, %dma_start3A_218, %dma_start3A_222] : memref<32x105x2x96xi32, #tpu.memory_space<hbm>> -> memref<1x1x1x96xi32, #tpu.memory_space<hbm>>
        %dma_start3A_224 = tpu.memref_squeeze %dma_start3A_223 : memref<1x1x1x96xi32, #tpu.memory_space<hbm>> -> memref<96xi32, #tpu.memory_space<hbm>>
        tpu.enqueue_dma source(%dma_start3A_224 : memref<96xi32, #tpu.memory_space<hbm>>) target(%arg7 : memref<96xi32, #tpu.memory_space<vmem>>) target_semaphore(%arg19 : memref<!tpu.dma_semaphore, #tpu.memory_space<semaphore_mem>>)
      } else {
      }
      %mul3A_179 = arith.constant 3 : i32
      %mul3A_180 = arith.muli %mul3A_179, %scan3A_109 : i32
      %add3A_181 = arith.constant 2 : i32
      %add3A_182 = arith.addi %mul3A_180, %add3A_181 : i32
      %dma_wait3A_183 = arith.constant 0 : i32
      %dma_wait3A_184 = arith.constant 0 : i32
      %dma_wait3A_185 = tpu.memref_slice %arg2[%dma_wait3A_183, %dma_wait3A_184] : memref<10240x128xf32, #tpu.memory_space<hbm>> -> memref<10240x128xf32, #tpu.memory_space<hbm>>
      tpu.wait_indirect_dma semaphore(%arg17 : memref<!tpu.dma_semaphore, #tpu.memory_space<semaphore_mem>>) src(%dma_wait3A_185 : memref<10240x128xf32, #tpu.memory_space<hbm>>) dst(%arg14 : memref<96x128xf32, #tpu.memory_space<vmem>>)
      %dma_wait3A_186 = arith.constant 1 : i32
      %dma_wait3A_187 = arith.constant 0 : i32
      %dma_wait3A_188 = tpu.memref_slice %arg3[%add3A, %add3A_182, %dma_wait3A_186, %dma_wait3A_187] : memref<32x105x2x96xi32, #tpu.memory_space<hbm>> -> memref<1x1x1x96xi32, #tpu.memory_space<hbm>>
      %dma_wait3A_189 = tpu.memref_squeeze %dma_wait3A_188 : memref<1x1x1x96xi32, #tpu.memory_space<hbm>> -> memref<96xi32, #tpu.memory_space<hbm>>
      %dma_wait3A_190 = arith.constant 0 : i32
      %dma_wait3A_191 = tpu.memref_slice %arg3[%add3A, %add3A_182, %dma_wait3A_186, %dma_wait3A_190] : memref<32x105x2x96xi32, #tpu.memory_space<hbm>> -> memref<1x1x1x96xi32, #tpu.memory_space<hbm>>
      %dma_wait3A_192 = tpu.memref_squeeze %dma_wait3A_191 : memref<1x1x1x96xi32, #tpu.memory_space<hbm>> -> memref<96xi32, #tpu.memory_space<hbm>>
      tpu.wait_dma2 semaphore(%arg26 : memref<!tpu.dma_semaphore, #tpu.memory_space<semaphore_mem>>) src(%dma_wait3A_192 : memref<96xi32, #tpu.memory_space<hbm>>) dst(%arg11 : memref<96xi32, #tpu.memory_space<vmem>>)
      %dma_start3A_193 = arith.constant 0 : i32
      %dma_start3A_194 = arith.constant 0 : i32
      %dma_start3A_195 = tpu.memref_slice %arg5[%dma_start3A_193, %dma_start3A_194] : memref<10112x128xf32, #tpu.memory_space<vmem_shared>> -> memref<10112x128xf32, #tpu.memory_space<vmem_shared>>
      tpu.enqueue_indirect_dma source(%arg14 : memref<96x128xf32, #tpu.memory_space<vmem>>) target(%dma_start3A_195 : memref<10112x128xf32, #tpu.memory_space<vmem_shared>>) offsets(%arg11 : memref<96xi32, #tpu.memory_space<vmem>>) semaphore(%arg23 : memref<!tpu.dma_semaphore, #tpu.memory_space<semaphore_mem>>) {add = true}
      %ge3A_196 = arith.constant 1 : i32
      %ge3A_197 = arith.cmpi sge, %add3A_182, %ge3A_196 : i32
      %convert_element_type3A_198 = arith.extui %ge3A_197 : i1 to i32
      %cond3A_199 = arith.constant 0 : i32
      %cond3A_200 = arith.cmpi ne, %convert_element_type3A_198, %cond3A_199 : i32
      scf.if %cond3A_200 {
        %dma_wait3A_216 = arith.constant 0 : i32
        %dma_wait3A_217 = arith.constant 0 : i32
        %dma_wait3A_218 = tpu.memref_slice %arg5[%dma_wait3A_216, %dma_wait3A_217] : memref<10112x128xf32, #tpu.memory_space<vmem_shared>> -> memref<10112x128xf32, #tpu.memory_space<vmem_shared>>
        tpu.wait_indirect_dma semaphore(%arg22 : memref<!tpu.dma_semaphore, #tpu.memory_space<semaphore_mem>>) src(%arg13 : memref<96x128xf32, #tpu.memory_space<vmem>>) dst(%dma_wait3A_218 : memref<10112x128xf32, #tpu.memory_space<vmem_shared>>)
      } else {
      }
      %add3A_201 = arith.constant 2 : i32
      %add3A_202 = arith.addi %add3A_182, %add3A_201 : i32
      %lt3A_203 = arith.constant 105 : i32
      %lt3A_204 = arith.cmpi slt, %add3A_202, %lt3A_203 : i32
      %convert_element_type3A_205 = arith.extui %lt3A_204 : i1 to i32
      %cond3A_206 = arith.constant 0 : i32
      %cond3A_207 = arith.cmpi ne, %convert_element_type3A_205, %cond3A_206 : i32
      scf.if %cond3A_207 {
        %add3A_216 = arith.constant 2 : i32
        %add3A_217 = arith.addi %add3A_182, %add3A_216 : i32
        %dma_start3A_218 = arith.constant 1 : i32
        %dma_start3A_219 = arith.constant 0 : i32
        %dma_start3A_220 = tpu.memref_slice %arg3[%add3A, %add3A_217, %dma_start3A_218, %dma_start3A_219] : memref<32x105x2x96xi32, #tpu.memory_space<hbm>> -> memref<1x1x1x96xi32, #tpu.memory_space<hbm>>
        %dma_start3A_221 = tpu.memref_squeeze %dma_start3A_220 : memref<1x1x1x96xi32, #tpu.memory_space<hbm>> -> memref<96xi32, #tpu.memory_space<hbm>>
        %dma_start3A_222 = arith.constant 0 : i32
        %dma_start3A_223 = tpu.memref_slice %arg3[%add3A, %add3A_217, %dma_start3A_218, %dma_start3A_222] : memref<32x105x2x96xi32, #tpu.memory_space<hbm>> -> memref<1x1x1x96xi32, #tpu.memory_space<hbm>>
        %dma_start3A_224 = tpu.memref_squeeze %dma_start3A_223 : memref<1x1x1x96xi32, #tpu.memory_space<hbm>> -> memref<96xi32, #tpu.memory_space<hbm>>
        tpu.enqueue_dma source(%dma_start3A_224 : memref<96xi32, #tpu.memory_space<hbm>>) target(%arg10 : memref<96xi32, #tpu.memory_space<vmem>>) target_semaphore(%arg25 : memref<!tpu.dma_semaphore, #tpu.memory_space<semaphore_mem>>)
        %add3A_225 = arith.constant 2 : i32
        %add3A_226 = arith.addi %add3A_182, %add3A_225 : i32
        %dma_wait3A_227 = arith.constant 0 : i32
        %dma_wait3A_228 = arith.constant 0 : i32
        %dma_wait3A_229 = tpu.memref_slice %arg3[%add3A, %add3A_226, %dma_wait3A_227, %dma_wait3A_228] : memref<32x105x2x96xi32, #tpu.memory_space<hbm>> -> memref<1x1x1x96xi32, #tpu.memory_space<hbm>>
        %dma_wait3A_230 = tpu.memref_squeeze %dma_wait3A_229 : memref<1x1x1x96xi32, #tpu.memory_space<hbm>> -> memref<96xi32, #tpu.memory_space<hbm>>
        %dma_wait3A_231 = arith.constant 0 : i32
        %dma_wait3A_232 = tpu.memref_slice %arg3[%add3A, %add3A_226, %dma_wait3A_227, %dma_wait3A_231] : memref<32x105x2x96xi32, #tpu.memory_space<hbm>> -> memref<1x1x1x96xi32, #tpu.memory_space<hbm>>
        %dma_wait3A_233 = tpu.memref_squeeze %dma_wait3A_232 : memref<1x1x1x96xi32, #tpu.memory_space<hbm>> -> memref<96xi32, #tpu.memory_space<hbm>>
        tpu.wait_dma2 semaphore(%arg19 : memref<!tpu.dma_semaphore, #tpu.memory_space<semaphore_mem>>) src(%dma_wait3A_233 : memref<96xi32, #tpu.memory_space<hbm>>) dst(%arg7 : memref<96xi32, #tpu.memory_space<vmem>>)
        %dma_start3A_234 = arith.constant 0 : i32
        %dma_start3A_235 = arith.constant 0 : i32
        %dma_start3A_236 = tpu.memref_slice %arg2[%dma_start3A_234, %dma_start3A_235] : memref<10240x128xf32, #tpu.memory_space<hbm>> -> memref<10240x128xf32, #tpu.memory_space<hbm>>
        tpu.enqueue_indirect_dma source(%dma_start3A_236 : memref<10240x128xf32, #tpu.memory_space<hbm>>) target(%arg13 : memref<96x128xf32, #tpu.memory_space<vmem>>) offsets(%arg7 : memref<96xi32, #tpu.memory_space<vmem>>) semaphore(%arg16 : memref<!tpu.dma_semaphore, #tpu.memory_space<semaphore_mem>>)
      } else {
      }
      %add3A_208 = arith.constant 3 : i32
      %add3A_209 = arith.addi %add3A_182, %add3A_208 : i32
      %lt3A_210 = arith.constant 105 : i32
      %lt3A_211 = arith.cmpi slt, %add3A_209, %lt3A_210 : i32
      %convert_element_type3A_212 = arith.extui %lt3A_211 : i1 to i32
      %cond3A_213 = arith.constant 0 : i32
      %cond3A_214 = arith.cmpi ne, %convert_element_type3A_212, %cond3A_213 : i32
      scf.if %cond3A_214 {
        %add3A_216 = arith.constant 3 : i32
        %add3A_217 = arith.addi %add3A_182, %add3A_216 : i32
        %dma_start3A_218 = arith.constant 0 : i32
        %dma_start3A_219 = arith.constant 0 : i32
        %dma_start3A_220 = tpu.memref_slice %arg3[%add3A, %add3A_217, %dma_start3A_218, %dma_start3A_219] : memref<32x105x2x96xi32, #tpu.memory_space<hbm>> -> memref<1x1x1x96xi32, #tpu.memory_space<hbm>>
        %dma_start3A_221 = tpu.memref_squeeze %dma_start3A_220 : memref<1x1x1x96xi32, #tpu.memory_space<hbm>> -> memref<96xi32, #tpu.memory_space<hbm>>
        %dma_start3A_222 = arith.constant 0 : i32
        %dma_start3A_223 = tpu.memref_slice %arg3[%add3A, %add3A_217, %dma_start3A_218, %dma_start3A_222] : memref<32x105x2x96xi32, #tpu.memory_space<hbm>> -> memref<1x1x1x96xi32, #tpu.memory_space<hbm>>
        %dma_start3A_224 = tpu.memref_squeeze %dma_start3A_223 : memref<1x1x1x96xi32, #tpu.memory_space<hbm>> -> memref<96xi32, #tpu.memory_space<hbm>>
        tpu.enqueue_dma source(%dma_start3A_224 : memref<96xi32, #tpu.memory_space<hbm>>) target(%arg8 : memref<96xi32, #tpu.memory_space<vmem>>) target_semaphore(%arg20 : memref<!tpu.dma_semaphore, #tpu.memory_space<semaphore_mem>>)
      } else {
      }
      %scan3A_215 = arith.constant 0 : i32
      scf.yield %scan3A_215 : i32
    }
    %scan3A_102 = arith.constant 35 : i32
    %dma_wait3A_103 = arith.constant 0 : i32
    %dma_wait3A_104 = arith.constant 0 : i32
    %dma_wait3A_105 = tpu.memref_slice %arg5[%dma_wait3A_103, %dma_wait3A_104] : memref<10112x128xf32, #tpu.memory_space<vmem_shared>> -> memref<10112x128xf32, #tpu.memory_space<vmem_shared>>
    tpu.wait_indirect_dma semaphore(%arg23 : memref<!tpu.dma_semaphore, #tpu.memory_space<semaphore_mem>>) src(%arg14 : memref<96x128xf32, #tpu.memory_space<vmem>>) dst(%dma_wait3A_105 : memref<10112x128xf32, #tpu.memory_space<vmem_shared>>)
    %barrier3A_106 = arith.constant 0 : index
    tpu.barrier barrier_id(%barrier3A_106)
    %mul3A_107 = arith.constant 632 : i32
    %mul3A_108 = arith.muli %arg1, %mul3A_107 : i32
    "tpu.region"() ({
      %run_scoped3A = tpu.sem_alloc : memref<!tpu.dma_semaphore, #tpu.memory_space<semaphore_mem>>
      %dma_start3A_109 = arith.constant 0 : i32
      %dma_start3A_110 = tpu.memref_slice %arg4[%arg0, %mul3A_108, %dma_start3A_109] : memref<2x10240x128xf32, #tpu.memory_space<hbm>> -> memref<1x632x128xf32, #tpu.memory_space<hbm>>
      %dma_start3A_111 = tpu.memref_squeeze %dma_start3A_110 : memref<1x632x128xf32, #tpu.memory_space<hbm>> -> memref<632x128xf32, #tpu.memory_space<hbm>>
      %dma_start3A_112 = arith.constant 0 : i32
      %dma_start3A_113 = tpu.memref_slice %arg5[%mul3A_108, %dma_start3A_112] : memref<10112x128xf32, #tpu.memory_space<vmem_shared>> -> memref<632x128xf32, #tpu.memory_space<vmem_shared>>
      tpu.enqueue_dma source(%dma_start3A_113 : memref<632x128xf32, #tpu.memory_space<vmem_shared>>) target(%dma_start3A_111 : memref<632x128xf32, #tpu.memory_space<hbm>>) target_semaphore(%run_scoped3A : memref<!tpu.dma_semaphore, #tpu.memory_space<semaphore_mem>>)
      %dma_wait3A_114 = arith.constant 0 : i32
      %dma_wait3A_115 = tpu.memref_slice %arg4[%arg0, %mul3A_108, %dma_wait3A_114] : memref<2x10240x128xf32, #tpu.memory_space<hbm>> -> memref<1x632x128xf32, #tpu.memory_space<hbm>>
      %dma_wait3A_116 = tpu.memref_squeeze %dma_wait3A_115 : memref<1x632x128xf32, #tpu.memory_space<hbm>> -> memref<632x128xf32, #tpu.memory_space<hbm>>
      %dma_wait3A_117 = arith.constant 0 : i32
      %dma_wait3A_118 = tpu.memref_slice %arg5[%mul3A_108, %dma_wait3A_117] : memref<10112x128xf32, #tpu.memory_space<vmem_shared>> -> memref<632x128xf32, #tpu.memory_space<vmem_shared>>
      tpu.wait_dma2 semaphore(%run_scoped3A : memref<!tpu.dma_semaphore, #tpu.memory_space<semaphore_mem>>) src(%dma_wait3A_118 : memref<632x128xf32, #tpu.memory_space<vmem_shared>>) dst(%dma_wait3A_116 : memref<632x128xf32, #tpu.memory_space<hbm>>)
      tpu.yield
    }) : () -> ()
    return
  }
}

module attributes {stable_mosaic.version = 14 : i64} {
  func.func @_t1_body(%arg0: i32, %arg1: memref<2048x128xf32, #tpu.memory_space<vmem>>, %arg2: memref<2x32x2048xf32, #tpu.memory_space<vmem>>, %arg3: memref<1x128xf32, #tpu.memory_space<vmem>>, %arg4: memref<1x128xf32, #tpu.memory_space<vmem>>, %arg5: memref<128x128xf32, #tpu.memory_space<vmem>>, %arg6: memref<1x128xf32, #tpu.memory_space<vmem>>, %arg7: memref<1x128xf32, #tpu.memory_space<vmem>>, %arg8: memref<1x128xf32, #tpu.memory_space<vmem>>, %arg9: memref<2048x128xf32, #tpu.memory_space<vmem>>) attributes {dimension_semantics = [#tpu.dimension_semantics<arbitrary>], iteration_bounds = array<i64: 5>, scalar_prefetch = 0 : i64, scratch_operands = 0 : i64, tpu.core_type = #tpu.core_type<tc>, window_params = [{transform_indices = @transform_0, window_bounds = array<i64: 2048, 128>}, {transform_indices = @transform_1, window_bounds = array<i64: 2, 32, 2048>}, {pipeline_mode = #tpu.pipeline_mode<synchronous>, transform_indices = @transform_2, window_bounds = array<i64: 1, 128>}, {pipeline_mode = #tpu.pipeline_mode<synchronous>, transform_indices = @transform_3, window_bounds = array<i64: 1, 128>}, {pipeline_mode = #tpu.pipeline_mode<synchronous>, transform_indices = @transform_4, window_bounds = array<i64: 128, 128>}, {pipeline_mode = #tpu.pipeline_mode<synchronous>, transform_indices = @transform_5, window_bounds = array<i64: 1, 128>}, {pipeline_mode = #tpu.pipeline_mode<synchronous>, transform_indices = @transform_6, window_bounds = array<i64: 1, 128>}, {pipeline_mode = #tpu.pipeline_mode<synchronous>, transform_indices = @transform_7, window_bounds = array<i64: 1, 128>}, {transform_indices = @transform_8, window_bounds = array<i64: 2048, 128>}]} {
    %get3A = arith.constant 0 : index
    %get3A_0 = arith.constant 0 : index
    %get3A_1 = arith.constant 0 : index
    %get3A_2 = vector.load %arg2[%get3A, %get3A_0, %get3A_1] : memref<2x32x2048xf32, #tpu.memory_space<vmem>>, vector<2x32x2048xf32>
    %reduce_sum3A = arith.constant dense<0.000000e+00> : vector<2x2048xf32>
    %reduce_sum3A_3 = vector.multi_reduction <add>, %get3A_2, %reduce_sum3A [1] : vector<2x32x2048xf32> to vector<2x2048xf32>
    %slice3A = vector.extract_strided_slice %reduce_sum3A_3 {offsets = [0, 0], sizes = [1, 2048], strides = [1, 1]} : vector<2x2048xf32> to vector<1x2048xf32>
    %squeeze3A = vector.shape_cast %slice3A : vector<1x2048xf32> to vector<2048xf32>
    %max3A = arith.constant 1.000000e+00 : f32
    %max3A_4 = vector.broadcast %max3A : f32 to vector<2048xf32>
    %max3A_5 = arith.maximumf %squeeze3A, %max3A_4 : vector<2048xf32>
    %rsqrt3A = math.rsqrt %max3A_5 : vector<2048xf32>
    %sqrt3A = arith.constant 1.000010e+00 : f32
    %sqrt3A_6 = math.sqrt %sqrt3A : f32
    %div3A = arith.constant 1.000000e+00 : f32
    %div3A_7 = arith.divf %div3A, %sqrt3A_6 : f32
    %get3A_8 = arith.constant 0 : index
    %get3A_9 = arith.constant 0 : index
    %get3A_10 = vector.load %arg1[%get3A_8, %get3A_9] : memref<2048x128xf32, #tpu.memory_space<vmem>>, vector<2048x128xf32>
    %get3A_11 = arith.constant 0 : index
    %get3A_12 = arith.constant 0 : index
    %get3A_13 = vector.load %arg3[%get3A_11, %get3A_12] : memref<1x128xf32, #tpu.memory_space<vmem>>, vector<1x128xf32>
    %mul3A = vector.broadcast %div3A_7 : f32 to vector<1x128xf32>
    %mul3A_14 = arith.mulf %get3A_13, %mul3A : vector<1x128xf32>
    %mul3A_15 = vector.broadcast %mul3A_14 : vector<1x128xf32> to vector<2048x128xf32>
    %mul3A_16 = arith.mulf %get3A_10, %mul3A_15 : vector<2048x128xf32>
    %get3A_17 = arith.constant 0 : index
    %get3A_18 = arith.constant 0 : index
    %get3A_19 = vector.load %arg4[%get3A_17, %get3A_18] : memref<1x128xf32, #tpu.memory_space<vmem>>, vector<1x128xf32>
    %add3A = vector.broadcast %get3A_19 : vector<1x128xf32> to vector<2048x128xf32>
    %add3A_20 = arith.addf %mul3A_16, %add3A : vector<2048x128xf32>
    %get3A_21 = arith.constant 0 : index
    %get3A_22 = arith.constant 0 : index
    %get3A_23 = vector.load %arg5[%get3A_21, %get3A_22] : memref<128x128xf32, #tpu.memory_space<vmem>>, vector<128x128xf32>
    %dot_general3A = arith.constant dense<0.000000e+00> : vector<2048x128xf32>
    %dot_general3A_24 = tpu.matmul %add3A_20, %get3A_23, %dot_general3A {dimension_numbers = #tpu.dot_dimension_numbers<[1], [0], [0], [1], [0, 0, 1, 1], [], []>, transpose_lhs_hint = false} : vector<2048x128xf32>, vector<128x128xf32>, vector<2048x128xf32> -> vector<2048x128xf32>
    %get3A_25 = arith.constant 0 : index
    %get3A_26 = arith.constant 0 : index
    %get3A_27 = vector.load %arg6[%get3A_25, %get3A_26] : memref<1x128xf32, #tpu.memory_space<vmem>>, vector<1x128xf32>
    %add3A_28 = vector.broadcast %get3A_27 : vector<1x128xf32> to vector<2048x128xf32>
    %add3A_29 = arith.addf %dot_general3A_24, %add3A_28 : vector<2048x128xf32>
    %max3A_30 = arith.constant 0.000000e+00 : f32
    %max3A_31 = vector.broadcast %max3A_30 : f32 to vector<2048x128xf32>
    %max3A_32 = arith.maximumf %add3A_29, %max3A_31 : vector<2048x128xf32>
    %get3A_33 = arith.constant 0 : index
    %get3A_34 = arith.constant 0 : index
    %get3A_35 = vector.load %arg7[%get3A_33, %get3A_34] : memref<1x128xf32, #tpu.memory_space<vmem>>, vector<1x128xf32>
    %mul3A_36 = vector.broadcast %div3A_7 : f32 to vector<1x128xf32>
    %mul3A_37 = arith.mulf %get3A_35, %mul3A_36 : vector<1x128xf32>
    %mul3A_38 = vector.broadcast %mul3A_37 : vector<1x128xf32> to vector<2048x128xf32>
    %mul3A_39 = arith.mulf %max3A_32, %mul3A_38 : vector<2048x128xf32>
    %get3A_40 = arith.constant 0 : index
    %get3A_41 = arith.constant 0 : index
    %get3A_42 = vector.load %arg8[%get3A_40, %get3A_41] : memref<1x128xf32, #tpu.memory_space<vmem>>, vector<1x128xf32>
    %add3A_43 = vector.broadcast %get3A_42 : vector<1x128xf32> to vector<2048x128xf32>
    %add3A_44 = arith.addf %mul3A_39, %add3A_43 : vector<2048x128xf32>
    %broadcast_in_dim3A = vector.shape_cast %rsqrt3A : vector<2048xf32> to vector<2048x1xf32>
    %mul3A_45 = vector.broadcast %broadcast_in_dim3A : vector<2048x1xf32> to vector<2048x128xf32>
    %mul3A_46 = arith.mulf %add3A_44, %mul3A_45 : vector<2048x128xf32>
    %swap3A = arith.constant 0 : index
    %swap3A_47 = arith.constant 0 : index
    %swap3A_48 = vector.load %arg9[%swap3A, %swap3A_47] : memref<2048x128xf32, #tpu.memory_space<vmem>>, vector<2048x128xf32>
    tpu.vector_store %arg9[%swap3A, %swap3A_47], %mul3A_46 {strides = array<i32>} : memref<2048x128xf32, #tpu.memory_space<vmem>>, vector<2048x128xf32>,
    return
  }
  func.func @transform_0(%arg0: i32) -> (i32, i32) {
    %c0_i32 = arith.constant 0 : i32
    %c0_i32_0 = arith.constant 0 : i32
    return %arg0, %c0_i32 : i32, i32
  }
  func.func @transform_1(%arg0: i32) -> (i32, i32, i32) {
    %c0_i32 = arith.constant 0 : i32
    %c0_i32_0 = arith.constant 0 : i32
    %c0_i32_1 = arith.constant 0 : i32
    return %c0_i32, %c0_i32_0, %arg0 : i32, i32, i32
  }
  func.func @transform_2(%arg0: i32) -> (i32, i32) {
    %c0_i32 = arith.constant 0 : i32
    %c0_i32_0 = arith.constant 0 : i32
    %c0_i32_1 = arith.constant 0 : i32
    return %c0_i32, %c0_i32_0 : i32, i32
  }
  func.func @transform_3(%arg0: i32) -> (i32, i32) {
    %c0_i32 = arith.constant 0 : i32
    %c0_i32_0 = arith.constant 0 : i32
    %c0_i32_1 = arith.constant 0 : i32
    return %c0_i32, %c0_i32_0 : i32, i32
  }
  func.func @transform_4(%arg0: i32) -> (i32, i32) {
    %c0_i32 = arith.constant 0 : i32
    %c0_i32_0 = arith.constant 0 : i32
    %c0_i32_1 = arith.constant 0 : i32
    return %c0_i32, %c0_i32_0 : i32, i32
  }
  func.func @transform_5(%arg0: i32) -> (i32, i32) {
    %c0_i32 = arith.constant 0 : i32
    %c0_i32_0 = arith.constant 0 : i32
    %c0_i32_1 = arith.constant 0 : i32
    return %c0_i32, %c0_i32_0 : i32, i32
  }
  func.func @transform_6(%arg0: i32) -> (i32, i32) {
    %c0_i32 = arith.constant 0 : i32
    %c0_i32_0 = arith.constant 0 : i32
    %c0_i32_1 = arith.constant 0 : i32
    return %c0_i32, %c0_i32_0 : i32, i32
  }
  func.func @transform_7(%arg0: i32) -> (i32, i32) {
    %c0_i32 = arith.constant 0 : i32
    %c0_i32_0 = arith.constant 0 : i32
    %c0_i32_1 = arith.constant 0 : i32
    return %c0_i32, %c0_i32_0 : i32, i32
  }
  func.func @transform_8(%arg0: i32) -> (i32, i32) {
    %c0_i32 = arith.constant 0 : i32
    %c0_i32_0 = arith.constant 0 : i32
    return %arg0, %c0_i32 : i32, i32
  }
}

module attributes {stable_mosaic.version = 14 : i64} {
  func.func @_t2_body(%arg0: i32, %arg1: memref<2x2048x128xf32, #tpu.memory_space<vmem>>, %arg2: memref<2x32x2048xf32, #tpu.memory_space<vmem>>, %arg3: memref<128x128xf32, #tpu.memory_space<vmem>>, %arg4: memref<1x128xf32, #tpu.memory_space<vmem>>, %arg5: memref<1x128xf32, #tpu.memory_space<vmem>>, %arg6: memref<1x128xf32, #tpu.memory_space<vmem>>, %arg7: memref<2048x128xf32, #tpu.memory_space<vmem>>) attributes {dimension_semantics = [#tpu.dimension_semantics<arbitrary>], iteration_bounds = array<i64: 5>, scalar_prefetch = 0 : i64, scratch_operands = 0 : i64, tpu.core_type = #tpu.core_type<tc>, window_params = [{transform_indices = @transform_0, window_bounds = array<i64: 2, 2048, 128>}, {transform_indices = @transform_1, window_bounds = array<i64: 2, 32, 2048>}, {pipeline_mode = #tpu.pipeline_mode<synchronous>, transform_indices = @transform_2, window_bounds = array<i64: 128, 128>}, {pipeline_mode = #tpu.pipeline_mode<synchronous>, transform_indices = @transform_3, window_bounds = array<i64: 1, 128>}, {pipeline_mode = #tpu.pipeline_mode<synchronous>, transform_indices = @transform_4, window_bounds = array<i64: 1, 128>}, {pipeline_mode = #tpu.pipeline_mode<synchronous>, transform_indices = @transform_5, window_bounds = array<i64: 1, 128>}, {transform_indices = @transform_6, window_bounds = array<i64: 2048, 128>}]} {
    %get3A = arith.constant 0 : index
    %get3A_0 = arith.constant 0 : index
    %get3A_1 = arith.constant 0 : index
    %get3A_2 = vector.load %arg2[%get3A, %get3A_0, %get3A_1] : memref<2x32x2048xf32, #tpu.memory_space<vmem>>, vector<2x32x2048xf32>
    %reduce_sum3A = arith.constant dense<0.000000e+00> : vector<2x2048xf32>
    %reduce_sum3A_3 = vector.multi_reduction <add>, %get3A_2, %reduce_sum3A [1] : vector<2x32x2048xf32> to vector<2x2048xf32>
    %slice3A = vector.extract_strided_slice %reduce_sum3A_3 {offsets = [0, 0], sizes = [1, 2048], strides = [1, 1]} : vector<2x2048xf32> to vector<1x2048xf32>
    %squeeze3A = vector.shape_cast %slice3A : vector<1x2048xf32> to vector<2048xf32>
    %max3A = arith.constant 1.000000e+00 : f32
    %max3A_4 = vector.broadcast %max3A : f32 to vector<2048xf32>
    %max3A_5 = arith.maximumf %squeeze3A, %max3A_4 : vector<2048xf32>
    %rsqrt3A = math.rsqrt %max3A_5 : vector<2048xf32>
    %slice3A_6 = vector.extract_strided_slice %reduce_sum3A_3 {offsets = [1, 0], sizes = [1, 2048], strides = [1, 1]} : vector<2x2048xf32> to vector<1x2048xf32>
    %squeeze3A_7 = vector.shape_cast %slice3A_6 : vector<1x2048xf32> to vector<2048xf32>
    %max3A_8 = arith.constant 1.000000e+00 : f32
    %max3A_9 = vector.broadcast %max3A_8 : f32 to vector<2048xf32>
    %max3A_10 = arith.maximumf %squeeze3A_7, %max3A_9 : vector<2048xf32>
    %rsqrt3A_11 = math.rsqrt %max3A_10 : vector<2048xf32>
    %sqrt3A = arith.constant 1.000010e+00 : f32
    %sqrt3A_12 = math.sqrt %sqrt3A : f32
    %div3A = arith.constant 1.000000e+00 : f32
    %div3A_13 = arith.divf %div3A, %sqrt3A_12 : f32
    %get3A_14 = arith.constant 0 : index
    %get3A_15 = arith.constant 0 : index
    %get3A_16 = arith.constant 0 : index
    %get3A_17 = vector.load %arg1[%get3A_14, %get3A_15, %get3A_16] : memref<2x2048x128xf32, #tpu.memory_space<vmem>>, vector<1x2048x128xf32>
    %get3A_18 = vector.shape_cast %get3A_17 : vector<1x2048x128xf32> to vector<2048x128xf32>
    %get3A_19 = arith.constant 1 : index
    %get3A_20 = arith.constant 0 : index
    %get3A_21 = arith.constant 0 : index
    %get3A_22 = vector.load %arg1[%get3A_19, %get3A_20, %get3A_21] : memref<2x2048x128xf32, #tpu.memory_space<vmem>>, vector<1x2048x128xf32>
    %get3A_23 = vector.shape_cast %get3A_22 : vector<1x2048x128xf32> to vector<2048x128xf32>
    %add3A = arith.addf %get3A_18, %get3A_23 : vector<2048x128xf32>
    %broadcast_in_dim3A = vector.shape_cast %rsqrt3A_11 : vector<2048xf32> to vector<2048x1xf32>
    %mul3A = vector.broadcast %broadcast_in_dim3A : vector<2048x1xf32> to vector<2048x128xf32>
    %mul3A_24 = arith.mulf %add3A, %mul3A : vector<2048x128xf32>
    %get3A_25 = arith.constant 0 : index
    %get3A_26 = arith.constant 0 : index
    %get3A_27 = vector.load %arg3[%get3A_25, %get3A_26] : memref<128x128xf32, #tpu.memory_space<vmem>>, vector<128x128xf32>
    %dot_general3A = arith.constant dense<0.000000e+00> : vector<2048x128xf32>
    %dot_general3A_28 = tpu.matmul %mul3A_24, %get3A_27, %dot_general3A {dimension_numbers = #tpu.dot_dimension_numbers<[1], [0], [0], [1], [0, 0, 1, 1], [], []>, transpose_lhs_hint = false} : vector<2048x128xf32>, vector<128x128xf32>, vector<2048x128xf32> -> vector<2048x128xf32>
    %get3A_29 = arith.constant 0 : index
    %get3A_30 = arith.constant 0 : index
    %get3A_31 = vector.load %arg4[%get3A_29, %get3A_30] : memref<1x128xf32, #tpu.memory_space<vmem>>, vector<1x128xf32>
    %add3A_32 = vector.broadcast %get3A_31 : vector<1x128xf32> to vector<2048x128xf32>
    %add3A_33 = arith.addf %dot_general3A_28, %add3A_32 : vector<2048x128xf32>
    %max3A_34 = arith.constant 0.000000e+00 : f32
    %max3A_35 = vector.broadcast %max3A_34 : f32 to vector<2048x128xf32>
    %max3A_36 = arith.maximumf %add3A_33, %max3A_35 : vector<2048x128xf32>
    %get3A_37 = arith.constant 0 : index
    %get3A_38 = arith.constant 0 : index
    %get3A_39 = vector.load %arg5[%get3A_37, %get3A_38] : memref<1x128xf32, #tpu.memory_space<vmem>>, vector<1x128xf32>
    %mul3A_40 = vector.broadcast %div3A_13 : f32 to vector<1x128xf32>
    %mul3A_41 = arith.mulf %get3A_39, %mul3A_40 : vector<1x128xf32>
    %mul3A_42 = vector.broadcast %mul3A_41 : vector<1x128xf32> to vector<2048x128xf32>
    %mul3A_43 = arith.mulf %max3A_36, %mul3A_42 : vector<2048x128xf32>
    %get3A_44 = arith.constant 0 : index
    %get3A_45 = arith.constant 0 : index
    %get3A_46 = vector.load %arg6[%get3A_44, %get3A_45] : memref<1x128xf32, #tpu.memory_space<vmem>>, vector<1x128xf32>
    %add3A_47 = vector.broadcast %get3A_46 : vector<1x128xf32> to vector<2048x128xf32>
    %add3A_48 = arith.addf %mul3A_43, %add3A_47 : vector<2048x128xf32>
    %broadcast_in_dim3A_49 = vector.shape_cast %rsqrt3A : vector<2048xf32> to vector<2048x1xf32>
    %mul3A_50 = vector.broadcast %broadcast_in_dim3A_49 : vector<2048x1xf32> to vector<2048x128xf32>
    %mul3A_51 = arith.mulf %add3A_48, %mul3A_50 : vector<2048x128xf32>
    %swap3A = arith.constant 0 : index
    %swap3A_52 = arith.constant 0 : index
    %swap3A_53 = vector.load %arg7[%swap3A, %swap3A_52] : memref<2048x128xf32, #tpu.memory_space<vmem>>, vector<2048x128xf32>
    tpu.vector_store %arg7[%swap3A, %swap3A_52], %mul3A_51 {strides = array<i32>} : memref<2048x128xf32, #tpu.memory_space<vmem>>, vector<2048x128xf32>,
    return
  }
  func.func @transform_0(%arg0: i32) -> (i32, i32, i32) {
    %c0_i32 = arith.constant 0 : i32
    %c0_i32_0 = arith.constant 0 : i32
    %c0_i32_1 = arith.constant 0 : i32
    return %c0_i32, %arg0, %c0_i32_0 : i32, i32, i32
  }
  func.func @transform_1(%arg0: i32) -> (i32, i32, i32) {
    %c0_i32 = arith.constant 0 : i32
    %c0_i32_0 = arith.constant 0 : i32
    %c0_i32_1 = arith.constant 0 : i32
    return %c0_i32, %c0_i32_0, %arg0 : i32, i32, i32
  }
  func.func @transform_2(%arg0: i32) -> (i32, i32) {
    %c0_i32 = arith.constant 0 : i32
    %c0_i32_0 = arith.constant 0 : i32
    %c0_i32_1 = arith.constant 0 : i32
    return %c0_i32, %c0_i32_0 : i32, i32
  }
  func.func @transform_3(%arg0: i32) -> (i32, i32) {
    %c0_i32 = arith.constant 0 : i32
    %c0_i32_0 = arith.constant 0 : i32
    %c0_i32_1 = arith.constant 0 : i32
    return %c0_i32, %c0_i32_0 : i32, i32
  }
  func.func @transform_4(%arg0: i32) -> (i32, i32) {
    %c0_i32 = arith.constant 0 : i32
    %c0_i32_0 = arith.constant 0 : i32
    %c0_i32_1 = arith.constant 0 : i32
    return %c0_i32, %c0_i32_0 : i32, i32
  }
  func.func @transform_5(%arg0: i32) -> (i32, i32) {
    %c0_i32 = arith.constant 0 : i32
    %c0_i32_0 = arith.constant 0 : i32
    %c0_i32_1 = arith.constant 0 : i32
    return %c0_i32, %c0_i32_0 : i32, i32
  }
  func.func @transform_6(%arg0: i32) -> (i32, i32) {
    %c0_i32 = arith.constant 0 : i32
    %c0_i32_0 = arith.constant 0 : i32
    return %arg0, %c0_i32 : i32, i32
  }
}

module attributes {stable_mosaic.version = 14 : i64} {
  func.func @_t3_body(%arg0: i32, %arg1: memref<2x2048x128xf32, #tpu.memory_space<vmem>>, %arg2: memref<2x32x2048xf32, #tpu.memory_space<vmem>>, %arg3: memref<128x128xf32, #tpu.memory_space<vmem>>, %arg4: memref<1x128xf32, #tpu.memory_space<vmem>>, %arg5: memref<1x128xf32, #tpu.memory_space<vmem>>, %arg6: memref<1x128xf32, #tpu.memory_space<vmem>>, %arg7: memref<128x128xf32, #tpu.memory_space<vmem>>, %arg8: memref<1x128xf32, #tpu.memory_space<vmem>>, %arg9: memref<1x128xf32, #tpu.memory_space<vmem>>, %arg10: memref<1x128xf32, #tpu.memory_space<vmem>>, %arg11: memref<1x128xf32, #tpu.memory_space<vmem>>, %arg12: memref<1x128xf32, #tpu.memory_space<vmem>>) attributes {dimension_semantics = [#tpu.dimension_semantics<arbitrary>], iteration_bounds = array<i64: 5>, scalar_prefetch = 0 : i64, scratch_operands = 1 : i64, tpu.core_type = #tpu.core_type<tc>, window_params = [{transform_indices = @transform_0, window_bounds = array<i64: 2, 2048, 128>}, {transform_indices = @transform_1, window_bounds = array<i64: 2, 32, 2048>}, {pipeline_mode = #tpu.pipeline_mode<synchronous>, transform_indices = @transform_2, window_bounds = array<i64: 128, 128>}, {pipeline_mode = #tpu.pipeline_mode<synchronous>, transform_indices = @transform_3, window_bounds = array<i64: 1, 128>}, {pipeline_mode = #tpu.pipeline_mode<synchronous>, transform_indices = @transform_4, window_bounds = array<i64: 1, 128>}, {pipeline_mode = #tpu.pipeline_mode<synchronous>, transform_indices = @transform_5, window_bounds = array<i64: 1, 128>}, {pipeline_mode = #tpu.pipeline_mode<synchronous>, transform_indices = @transform_6, window_bounds = array<i64: 128, 128>}, {pipeline_mode = #tpu.pipeline_mode<synchronous>, transform_indices = @transform_7, window_bounds = array<i64: 1, 128>}, {pipeline_mode = #tpu.pipeline_mode<synchronous>, transform_indices = @transform_8, window_bounds = array<i64: 1, 128>}, {pipeline_mode = #tpu.pipeline_mode<synchronous>, transform_indices = @transform_9, window_bounds = array<i64: 1, 128>}, {pipeline_mode = #tpu.pipeline_mode<synchronous>, transform_indices = @transform_10, window_bounds = array<i64: 1, 128>}]} {
    %get3A = arith.constant 0 : index
    %get3A_0 = arith.constant 0 : index
    %get3A_1 = arith.constant 0 : index
    %get3A_2 = vector.load %arg2[%get3A, %get3A_0, %get3A_1] : memref<2x32x2048xf32, #tpu.memory_space<vmem>>, vector<2x32x2048xf32>
    %reduce_sum3A = arith.constant dense<0.000000e+00> : vector<2x2048xf32>
    %reduce_sum3A_3 = vector.multi_reduction <add>, %get3A_2, %reduce_sum3A [1] : vector<2x32x2048xf32> to vector<2x2048xf32>
    %slice3A = vector.extract_strided_slice %reduce_sum3A_3 {offsets = [1, 0], sizes = [1, 2048], strides = [1, 1]} : vector<2x2048xf32> to vector<1x2048xf32>
    %squeeze3A = vector.shape_cast %slice3A : vector<1x2048xf32> to vector<2048xf32>
    %max3A = arith.constant 1.000000e+00 : f32
    %max3A_4 = vector.broadcast %max3A : f32 to vector<2048xf32>
    %max3A_5 = arith.maximumf %squeeze3A, %max3A_4 : vector<2048xf32>
    %rsqrt3A = math.rsqrt %max3A_5 : vector<2048xf32>
    %get3A_6 = arith.constant 0 : index
    %get3A_7 = arith.constant 0 : index
    %get3A_8 = arith.constant 0 : index
    %get3A_9 = vector.load %arg1[%get3A_6, %get3A_7, %get3A_8] : memref<2x2048x128xf32, #tpu.memory_space<vmem>>, vector<1x2048x128xf32>
    %get3A_10 = vector.shape_cast %get3A_9 : vector<1x2048x128xf32> to vector<2048x128xf32>
    %get3A_11 = arith.constant 1 : index
    %get3A_12 = arith.constant 0 : index
    %get3A_13 = arith.constant 0 : index
    %get3A_14 = vector.load %arg1[%get3A_11, %get3A_12, %get3A_13] : memref<2x2048x128xf32, #tpu.memory_space<vmem>>, vector<1x2048x128xf32>
    %get3A_15 = vector.shape_cast %get3A_14 : vector<1x2048x128xf32> to vector<2048x128xf32>
    %add3A = arith.addf %get3A_10, %get3A_15 : vector<2048x128xf32>
    %broadcast_in_dim3A = vector.shape_cast %rsqrt3A : vector<2048xf32> to vector<2048x1xf32>
    %mul3A = vector.broadcast %broadcast_in_dim3A : vector<2048x1xf32> to vector<2048x128xf32>
    %mul3A_16 = arith.mulf %add3A, %mul3A : vector<2048x128xf32>
    %get3A_17 = arith.constant 0 : index
    %get3A_18 = arith.constant 0 : index
    %get3A_19 = vector.load %arg3[%get3A_17, %get3A_18] : memref<128x128xf32, #tpu.memory_space<vmem>>, vector<128x128xf32>
    %dot_general3A = arith.constant dense<0.000000e+00> : vector<2048x128xf32>
    %dot_general3A_20 = tpu.matmul %mul3A_16, %get3A_19, %dot_general3A {dimension_numbers = #tpu.dot_dimension_numbers<[1], [0], [0], [1], [0, 0, 1, 1], [], []>, transpose_lhs_hint = false} : vector<2048x128xf32>, vector<128x128xf32>, vector<2048x128xf32> -> vector<2048x128xf32>
    %get3A_21 = arith.constant 0 : index
    %get3A_22 = arith.constant 0 : index
    %get3A_23 = vector.load %arg4[%get3A_21, %get3A_22] : memref<1x128xf32, #tpu.memory_space<vmem>>, vector<1x128xf32>
    %add3A_24 = vector.broadcast %get3A_23 : vector<1x128xf32> to vector<2048x128xf32>
    %add3A_25 = arith.addf %dot_general3A_20, %add3A_24 : vector<2048x128xf32>
    %max3A_26 = arith.constant 0.000000e+00 : f32
    %max3A_27 = vector.broadcast %max3A_26 : f32 to vector<2048x128xf32>
    %max3A_28 = arith.maximumf %add3A_25, %max3A_27 : vector<2048x128xf32>
    %mul3A_29 = arith.constant 2048 : i32
    %mul3A_30 = arith.muli %arg0, %mul3A_29 : i32
    %iota3A = tpu.iota {dimensions = array<i32: 0>} : vector<2048x1xi32>
    %add3A_31 = vector.broadcast %mul3A_30 : i32 to vector<2048x1xi32>
    %add3A_32 = arith.addi %add3A_31, %iota3A : vector<2048x1xi32>
    %lt3A = arith.constant 10000 : i32
    %lt3A_33 = vector.broadcast %lt3A : i32 to vector<2048x1xi32>
    %lt3A_34 = arith.cmpi slt, %add3A_32, %lt3A_33 : vector<2048x1xi32>
    %jit3A = arith.constant 0.000000e+00 : f32
    %broadcast_in_dim3A_35 = vector.shape_cast %lt3A_34 : vector<2048x1xi1> to vector<2048x1xi1>
    %broadcast_in_dim3A_36 = vector.broadcast %broadcast_in_dim3A_35 : vector<2048x1xi1> to vector<2048x128xi1>
    %broadcast_in_dim3A_37 = vector.broadcast %jit3A : f32 to vector<2048x128xf32>
    %select_n3A = arith.select %broadcast_in_dim3A_36, %max3A_28, %broadcast_in_dim3A_37 : vector<2048x128xi1>, vector<2048x128xf32>
    %reduce_sum3A_38 = arith.constant dense<0.000000e+00> : vector<128xf32>
    %reduce_sum3A_39 = vector.multi_reduction <add>, %select_n3A, %reduce_sum3A_38 [0] : vector<2048x128xf32> to vector<128xf32>
    %broadcast_in_dim3A_40 = vector.shape_cast %reduce_sum3A_39 : vector<128xf32> to vector<1x128xf32>
    %eq3A = arith.constant 0 : i32
    %eq3A_41 = arith.cmpi eq, %arg0, %eq3A : i32
    %convert_element_type3A = arith.extui %eq3A_41 : i1 to i32
    %cond3A = arith.constant 0 : i32
    %cond3A_42 = arith.cmpi ne, %convert_element_type3A, %cond3A : i32
    scf.if %cond3A_42 {
      %swap3A = arith.constant 0 : index
      %swap3A_52 = arith.constant 0 : index
      %swap3A_53 = vector.load %arg12[%swap3A, %swap3A_52] : memref<1x128xf32, #tpu.memory_space<vmem>>, vector<1x128xf32>
      tpu.vector_store %arg12[%swap3A, %swap3A_52], %broadcast_in_dim3A_40 {strides = array<i32>} : memref<1x128xf32, #tpu.memory_space<vmem>>, vector<1x128xf32>,
    } else {
    }
    %gt3A = arith.constant 0 : i32
    %gt3A_43 = arith.cmpi sgt, %arg0, %gt3A : i32
    %convert_element_type3A_44 = arith.extui %gt3A_43 : i1 to i32
    %cond3A_45 = arith.constant 0 : i32
    %cond3A_46 = arith.cmpi ne, %convert_element_type3A_44, %cond3A_45 : i32
    scf.if %cond3A_46 {
      %get3A_52 = arith.constant 0 : index
      %get3A_53 = arith.constant 0 : index
      %get3A_54 = vector.load %arg12[%get3A_52, %get3A_53] : memref<1x128xf32, #tpu.memory_space<vmem>>, vector<1x128xf32>
      %add3A_55 = arith.addf %get3A_54, %broadcast_in_dim3A_40 : vector<1x128xf32>
      %swap3A = arith.constant 0 : index
      %swap3A_56 = arith.constant 0 : index
      %swap3A_57 = vector.load %arg12[%swap3A, %swap3A_56] : memref<1x128xf32, #tpu.memory_space<vmem>>, vector<1x128xf32>
      tpu.vector_store %arg12[%swap3A, %swap3A_56], %add3A_55 {strides = array<i32>} : memref<1x128xf32, #tpu.memory_space<vmem>>, vector<1x128xf32>,
    } else {
    }
    %eq3A_47 = arith.constant 4 : i32
    %eq3A_48 = arith.cmpi eq, %arg0, %eq3A_47 : i32
    %convert_element_type3A_49 = arith.extui %eq3A_48 : i1 to i32
    %cond3A_50 = arith.constant 0 : i32
    %cond3A_51 = arith.cmpi ne, %convert_element_type3A_49, %cond3A_50 : i32
    scf.if %cond3A_51 {
      %sqrt3A = arith.constant 1.000010e+00 : f32
      %sqrt3A_52 = math.sqrt %sqrt3A : f32
      %div3A = arith.constant 1.000000e+00 : f32
      %div3A_53 = arith.divf %div3A, %sqrt3A_52 : f32
      %get3A_54 = arith.constant 0 : index
      %get3A_55 = arith.constant 0 : index
      %get3A_56 = vector.load %arg12[%get3A_54, %get3A_55] : memref<1x128xf32, #tpu.memory_space<vmem>>, vector<1x128xf32>
      %get3A_57 = arith.constant 0 : index
      %get3A_58 = arith.constant 0 : index
      %get3A_59 = vector.load %arg5[%get3A_57, %get3A_58] : memref<1x128xf32, #tpu.memory_space<vmem>>, vector<1x128xf32>
      %mul3A_60 = vector.broadcast %div3A_53 : f32 to vector<1x128xf32>
      %mul3A_61 = arith.mulf %get3A_59, %mul3A_60 : vector<1x128xf32>
      %mul3A_62 = arith.mulf %get3A_56, %mul3A_61 : vector<1x128xf32>
      %get3A_63 = arith.constant 0 : index
      %get3A_64 = arith.constant 0 : index
      %get3A_65 = vector.load %arg6[%get3A_63, %get3A_64] : memref<1x128xf32, #tpu.memory_space<vmem>>, vector<1x128xf32>
      %add3A_66 = arith.addf %mul3A_62, %get3A_65 : vector<1x128xf32>
      %get3A_67 = arith.constant 0 : index
      %get3A_68 = arith.constant 0 : index
      %get3A_69 = vector.load %arg7[%get3A_67, %get3A_68] : memref<128x128xf32, #tpu.memory_space<vmem>>, vector<128x128xf32>
      %dot_general3A_70 = arith.constant dense<0.000000e+00> : vector<1x128xf32>
      %dot_general3A_71 = tpu.matmul %add3A_66, %get3A_69, %dot_general3A_70 {dimension_numbers = #tpu.dot_dimension_numbers<[1], [0], [0], [1], [0, 0, 1, 1], [], []>, transpose_lhs_hint = false} : vector<1x128xf32>, vector<128x128xf32>, vector<1x128xf32> -> vector<1x128xf32>
      %get3A_72 = arith.constant 0 : index
      %get3A_73 = arith.constant 0 : index
      %get3A_74 = vector.load %arg8[%get3A_72, %get3A_73] : memref<1x128xf32, #tpu.memory_space<vmem>>, vector<1x128xf32>
      %add3A_75 = arith.addf %dot_general3A_71, %get3A_74 : vector<1x128xf32>
      %max3A_76 = arith.constant 0.000000e+00 : f32
      %max3A_77 = vector.broadcast %max3A_76 : f32 to vector<1x128xf32>
      %max3A_78 = arith.maximumf %add3A_75, %max3A_77 : vector<1x128xf32>
      %get3A_79 = arith.constant 0 : index
      %get3A_80 = arith.constant 0 : index
      %get3A_81 = vector.load %arg9[%get3A_79, %get3A_80] : memref<1x128xf32, #tpu.memory_space<vmem>>, vector<1x128xf32>
      %mul3A_82 = vector.broadcast %div3A_53 : f32 to vector<1x128xf32>
      %mul3A_83 = arith.mulf %get3A_81, %mul3A_82 : vector<1x128xf32>
      %mul3A_84 = arith.mulf %max3A_78, %mul3A_83 : vector<1x128xf32>
      %get3A_85 = arith.constant 0 : index
      %get3A_86 = arith.constant 0 : index
      %get3A_87 = vector.load %arg10[%get3A_85, %get3A_86] : memref<1x128xf32, #tpu.memory_space<vmem>>, vector<1x128xf32>
      %add3A_88 = arith.addf %mul3A_84, %get3A_87 : vector<1x128xf32>
      %swap3A = arith.constant 0 : index
      %swap3A_89 = arith.constant 0 : index
      %swap3A_90 = vector.load %arg11[%swap3A, %swap3A_89] : memref<1x128xf32, #tpu.memory_space<vmem>>, vector<1x128xf32>
      tpu.vector_store %arg11[%swap3A, %swap3A_89], %add3A_88 {strides = array<i32>} : memref<1x128xf32, #tpu.memory_space<vmem>>, vector<1x128xf32>,
    } else {
    }
    return
  }
  func.func @transform_0(%arg0: i32) -> (i32, i32, i32) {
    %c0_i32 = arith.constant 0 : i32
    %c0_i32_0 = arith.constant 0 : i32
    %c0_i32_1 = arith.constant 0 : i32
    return %c0_i32, %arg0, %c0_i32_0 : i32, i32, i32
  }
  func.func @transform_1(%arg0: i32) -> (i32, i32, i32) {
    %c0_i32 = arith.constant 0 : i32
    %c0_i32_0 = arith.constant 0 : i32
    %c0_i32_1 = arith.constant 0 : i32
    return %c0_i32, %c0_i32_0, %arg0 : i32, i32, i32
  }
  func.func @transform_2(%arg0: i32) -> (i32, i32) {
    %c0_i32 = arith.constant 0 : i32
    %c0_i32_0 = arith.constant 0 : i32
    %c0_i32_1 = arith.constant 0 : i32
    return %c0_i32, %c0_i32_0 : i32, i32
  }
  func.func @transform_3(%arg0: i32) -> (i32, i32) {
    %c0_i32 = arith.constant 0 : i32
    %c0_i32_0 = arith.constant 0 : i32
    %c0_i32_1 = arith.constant 0 : i32
    return %c0_i32, %c0_i32_0 : i32, i32
  }
  func.func @transform_4(%arg0: i32) -> (i32, i32) {
    %c0_i32 = arith.constant 0 : i32
    %c0_i32_0 = arith.constant 0 : i32
    %c0_i32_1 = arith.constant 0 : i32
    return %c0_i32, %c0_i32_0 : i32, i32
  }
  func.func @transform_5(%arg0: i32) -> (i32, i32) {
    %c0_i32 = arith.constant 0 : i32
    %c0_i32_0 = arith.constant 0 : i32
    %c0_i32_1 = arith.constant 0 : i32
    return %c0_i32, %c0_i32_0 : i32, i32
  }
  func.func @transform_6(%arg0: i32) -> (i32, i32) {
    %c0_i32 = arith.constant 0 : i32
    %c0_i32_0 = arith.constant 0 : i32
    %c0_i32_1 = arith.constant 0 : i32
    return %c0_i32, %c0_i32_0 : i32, i32
  }
  func.func @transform_7(%arg0: i32) -> (i32, i32) {
    %c0_i32 = arith.constant 0 : i32
    %c0_i32_0 = arith.constant 0 : i32
    %c0_i32_1 = arith.constant 0 : i32
    return %c0_i32, %c0_i32_0 : i32, i32
  }
  func.func @transform_8(%arg0: i32) -> (i32, i32) {
    %c0_i32 = arith.constant 0 : i32
    %c0_i32_0 = arith.constant 0 : i32
    %c0_i32_1 = arith.constant 0 : i32
    return %c0_i32, %c0_i32_0 : i32, i32
  }
  func.func @transform_9(%arg0: i32) -> (i32, i32) {
    %c0_i32 = arith.constant 0 : i32
    %c0_i32_0 = arith.constant 0 : i32
    %c0_i32_1 = arith.constant 0 : i32
    return %c0_i32, %c0_i32_0 : i32, i32
  }
  func.func @transform_10(%arg0: i32) -> (i32, i32) {
    %c0_i32 = arith.constant 0 : i32
    %c0_i32_0 = arith.constant 0 : i32
    %c0_i32_1 = arith.constant 0 : i32
    return %c0_i32, %c0_i32_0 : i32, i32
  }
}

</mosaic_0001>

<sc_bundles>
// kernel: kernel.10.cloned.1.call-start
scs
__scs_entry_jumppad:
0x0: {  	(pc) =	sbr.rel $0x88, $3  }
0x1: {  	(tag) =	ssettag $0x0;
	lr =	simm.s32 $0x1  }
0x2: {  	[smem:$0x3F89] =	sst lr;
	_ =	strace $0xD0000000  }
0x3: {  	_ = 	snop  }
0x4: {  	_ = 	snop  }
0x5: {  	_ = 	snop  }
0x6: {  	_ = 	snop  }
0x7: {  	_ = 	snop  }
__scs_overlays_trampoline_lowered:
0x8: {  	[smem:$0x3F98] =	sst s0  }
0x9: {  	[smem:$0x3F99] =	sst s1  }
0xa: {  	[smem:$0x3F9A] =	sst s2  }
0xb: {  	[smem:$0x3F9B] =	sst s3  }
0xc: {  	[smem:$0x3F9C] =	sst s4  }
0xd: {  	[smem:$0x3F9D] =	sst s5  }
0xe: {  	[smem:$0x3F9E] =	sst s6  }
0xf: {  	[smem:$0x3F9F] =	sst s7  }
0x10: {  	[smem:$0x3FA0] =	sst s8  }
0x11: {  	[smem:$0x3FA1] =	sst s9;
	s0 =	simm.s32 @!p0 $0x0  }
0x12: {  	s1 =	sld [smem:$0x3F87];
	s0 =	simm.s32 @p0 $0x1  }
0x13: {  	[smem:$0x3FA2] =	sst s0;
	s0 =	simm.s32 @!p1 $0x0  }
0x14: {  	s2 =	sld [smem:$0x3F86];
	s0 =	simm.s32 @p1 $0x1  }
0x15: {  	[smem:$0x3FA3] =	sst s0;
	s0 =	simm.s32 @!p2 $0x0  }
0x16: {  	s3 =	sld [smem:$0x3FDB];
	s0 =	simm.s32 @p2 $0x1  }
0x17: {  	s4 =	simm.s32 $0x1BF5;
	[smem:$0x3FA5] =	sst s0  }
0x18: {  	s0 =	sld [smem:$0x3F88];
	_ =	swait.ge [sflag:s4], $0x0  }
0x19: {  	s7 =	sld [smem:$0x3F89]  }
0x1a: {  	s8 =	sadd.s32 $0xFFFFE003, lr  }
0x1b: {  	s9 =	sadd.s32 $0xFFFFFEF7, lr;
	s5 =	simm.s32 $0xFFFFFFFF;
	p2 =	slt.u32 s8, $0xFFFFF086  }
0x1c: {  	p1 =	slt.u32 s9, $0xF7A;
	s5 =	simm.s32 @!p2 $0x0  }
0x1d: {  	s5 =	simm.s32 @p1 $0x1;
	p0 =	seq.s32 s7, s2  }
0x1e: {  	s7 =	smul.u32 @!p0 $0xF7A, s2;
	p2 =	seq.s32 @!p0 s5, $0x0  }
0x1f: {  	s9 =	smul.u32 $0xF7A, s1;
	s8 =	simm.s32 @!p0 $0x1BF5;
	p2 =	por !p2, p0  }
0x20: {  	[sflag:s8] =	ssyncset.s32 @!p0 $0xFFFFF086;
	s6 =	sadd.s32 @!p0 s3, s7;
	s7 =	simm.s32 @!p0 $0x108  }
0x21: {  	s3 =	sadd.s32 s3, s9;
	s6 =	sadd.s32 @!p0 $0x88, s6;
	s7 =	simm.s32 @p2 $0x1082  }
0x22: {  	[simem:s7], [sflag:s8] =	dma.local @!p0 [hbm:s6], $0xF7A  }
0x23: {  	s9 =	sor.u32 $0xD0000000, s2;
	s6 =	simm.s32 $0x108;
	_ =	swait.ge @!p0 [sflag:s8], $0x0  }
0x24: {  	s3 =	sadd.s32 $0x88, s3;
	s6 =	simm.s32 @!p1 $0x1082;
	[sflag:s4] =	ssyncset.s32 $0xFFFFF086  }
0x25: {  	[simem:s6], [sflag:s4] =	dma.local [hbm:s3], $0xF7A  }
0x26: {  	[smem:$0x3F89] =	sst s1;
	(tag) =	ssettag s2;
	_ =	strace s9  }
0x27: {  	s1 =	sld [smem:$0x3F99]  }
0x28: {  	s2 =	sld [smem:$0x3F9A]  }
0x29: {  	s4 =	sld [smem:$0x3F9C]  }
0x2a: {  	p0 =	seq.s32 s5, $0x0;
	s5 =	sld [smem:$0x3F9D]  }
0x2b: {  	s6 =	sld [smem:$0x3F9E]  }
0x2c: {  	s7 =	sld [smem:$0x3F9F]  }
0x2d: {  	s3 =	simm.s32 $0x108;
	s8 =	sld [smem:$0x3FA0]  }
0x2e: {  	s3 =	simm.s32 @!p0 $0x1082;
	s9 =	sld [smem:$0x3FA1]  }
0x2f: {  	lr =	sadd.s32 s0, s3;
	s0 =	sld [smem:$0x3F98]  }
0x30: {  	s3 =	sld [smem:$0x3F9B]  }
0x31: {  	[smem:$0x3FA4] =	sst s10  }
0x32: {  	s10 =	sld [smem:$0x3FA2];
	_ =	sdelay $0x3  }
0x33: {  	p0 =	seq.s32 s10, $0x1;
	s10 =	sld [smem:$0x3FA4];
	_ =	sdelay $0x3  }
0x34: {  	[smem:$0x3FA4] =	sst s10  }
0x35: {  	s10 =	sld [smem:$0x3FA3];
	_ =	sdelay $0x3  }
0x36: {  	p1 =	seq.s32 s10, $0x1;
	s10 =	sld [smem:$0x3FA4];
	_ =	sdelay $0x3  }
0x37: {  	[smem:$0x3FA4] =	sst s10  }
0x38: {  	s10 =	sld [smem:$0x3FA5]  }
0x39: {  	_ = 	snop;
	(pc) =	sbr.ind lr, $3  }
0x3a: {  	_ = 	snop  }
0x3b: {  	_ = 	snop  }
0x3c: {  	p2 =	seq.s32 s10, $0x1;
	s10 =	sld [smem:$0x3FA4]  }
0x3d: {  	_ =	shalt  }
0x3e: {  	_ =	shalt  }
0x3f: {  	_ =	shalt  }
0x40: {  	_ =	shalt  }
0x41: {  	_ =	shalt  }
0x42: {  	_ =	shalt  }
0x43: {  	_ =	shalt  }
0x44: {  	_ =	shalt  }
0x45: {  	_ =	shalt  }
0x46: {  	_ =	shalt  }
0x47: {  	_ =	shalt  }
0x48: {  	_ =	shalt  }
0x49: {  	_ =	shalt  }
0x4a: {  	_ =	shalt  }
0x4b: {  	_ =	shalt  }
0x4c: {  	_ =	shalt  }
0x4d: {  	_ =	shalt  }
0x4e: {  	_ =	shalt  }
0x4f: {  	_ =	shalt  }
0x50: {  	_ =	shalt  }
0x51: {  	_ =	shalt  }
0x52: {  	_ =	shalt  }
0x53: {  	_ =	shalt  }
0x54: {  	_ =	shalt  }
0x55: {  	_ =	shalt  }
0x56: {  	_ =	shalt  }
0x57: {  	_ =	shalt  }
0x58: {  	_ =	shalt  }
0x59: {  	_ =	shalt  }
0x5a: {  	_ =	shalt  }
0x5b: {  	_ =	shalt  }
0x5c: {  	_ =	shalt  }
0x5d: {  	_ =	shalt  }
0x5e: {  	_ =	shalt  }
0x5f: {  	_ =	shalt  }
0x60: {  	_ =	shalt  }
0x61: {  	_ =	shalt  }
0x62: {  	_ =	shalt  }
0x63: {  	_ =	shalt  }
0x64: {  	_ =	shalt  }
0x65: {  	_ =	shalt  }
0x66: {  	_ =	shalt  }
0x67: {  	_ =	shalt  }
0x68: {  	_ =	shalt  }
0x69: {  	_ =	shalt  }
0x6a: {  	_ =	shalt  }
0x6b: {  	_ =	shalt  }
0x6c: {  	_ =	shalt  }
0x6d: {  	_ =	shalt  }
0x6e: {  	_ =	shalt  }
0x6f: {  	_ =	shalt  }
0x70: {  	_ =	shalt  }
0x71: {  	_ =	shalt  }
0x72: {  	_ =	shalt  }
0x73: {  	_ =	shalt  }
0x74: {  	_ =	shalt  }
0x75: {  	_ =	shalt  }
0x76: {  	_ =	shalt  }
0x77: {  	_ =	shalt  }
0x78: {  	_ =	shalt  }
0x79: {  	_ =	shalt  }
0x7a: {  	_ =	shalt  }
0x7b: {  	_ =	shalt  }
0x7c: {  	_ =	shalt  }
0x7d: {  	_ =	shalt  }
0x7e: {  	_ =	shalt  }
0x7f: {  	_ =	shalt  }
0x80: {  	_ =	shalt  }
0x81: {  	_ =	shalt  }
0x82: {  	_ =	shalt  }
0x83: {  	_ =	shalt  }
0x84: {  	_ =	shalt  }
0x85: {  	_ =	shalt  }
0x86: {  	_ =	shalt  }
0x87: {  	_ =	shalt  }
.Lfunc_end0:
.L_simem_size_0:
called_computation_lowered:
.L_overlay_start_0:
0x88: {  	s2 =	sld [smem:$0x3FD9]  }
0x89: {  	s3 =	sld [smem:$0x3FFE];
	_ =	sdelay $0x1  }
0x8a: {  	s1 =	srdreg.scid  }
0x8b: {  	s0 =	sand.u32 $0x1, s1  }
0x8c: {  	s16 =	sshll.u32 s0, $0xA;
	s2 =	sadd.s32 s3, s2  }
0x8d: {  	s2 =	sadd.s32 s2, s16  }
0x8e: {  	[smem:$0x3FB0] =	sst s2  }
0x8f: {  	_ = 	snop  }
0x90: {  	(tm) =	ssettm $0x1  }
0x91: {  	s17 =	sld [smem:$0x3FFB];
	_ =	sdelay $0x3  }
0x92: {  	_ =	strace s17  }
0x93: {  	s2 =	sld [smem:$0x3FFC];
	_ =	sdelay $0x3  }
0x94: {  	_ =	strace s2  }
0x95: {  	s2 =	sld [smem:$0x3FFD];
	_ =	sdelay $0x3  }
0x96: {  	_ =	strace s2  }
0x97: {  	_ =	strace $0x8FFFFFFF  }
0x98: {  	s18 =	sld [smem:$0x3FDB];
	_ =	sdelay $0x1  }
0x99: {  	s19 =	simm.s32 $_scs_section_size  }
0x9a: {  	s4 =	simm.s32 $_size__tile_overlayer_lowered;
	s5 =	simm.s32 $_tile_overlayer_lowered  }
0x9b: {  	s22 =	simm.s32 $0x1BFF;
	s21 =	sshll.u32 s5, $0x1;
	s2 =	sadd.s32 s19, s18  }
0x9c: {  	s6 =	simm.s32 $0x0;
	s20 =	sshll.u32 s4, $0x1;
	s4 =	sadd.s32 s21, s2  }
0x9d: {  	[timem:s6], [sflag:s22] =	dma.local [hbm:s4], s20  }
0x9e: {  	_ =	swait.ge [sflag:s22], s20  }
0x9f: {  	s3 =	ssub.s32 $0x0, s20;
	[sflag:s22] =	ssyncset.done $0x0  }
0xa0: {  	[sflag:s22] =	ssyncadd.s32 s3;
	_ =	sdelay $0x1  }
0xa1: {  	s23 =	simm.s32 $0x1B8B  }
0xa2: {  	_ =	swait.ge [sflag:s23], $0x1  }
0xa3: {  	[sflag:s23] =	ssyncset.done $0x0  }
0xa4: {  	s25 =	simm.s32 $0x1B8E;
	s24 =	sld [smem:$0x3FFE];
	[sflag:s23] =	ssyncadd.s32 $0xFFFFFFFF  }
0xa5: {  	s26 =	simm.s32 $execute0_lowered;
	[smem:$0x3FD2] =	sst s25  }
0xa6: {  	s4 =	sshll.u32 s26, $0x1;
	_ =	strace $0x80000046;
	[dreg:$0x1] =	wrdreg $0xFFFFFFFF  }
0xa7: {  	s28 =	simm.s32 $_size_execute0_lowered;
	s2 =	sadd.s32 s2, s4;
	[dreg:$0x0] =	wrdreg $0x0  }
0xa8: {  	s4 =	sshll.u32 s28, $0x1;
	[dreg:$0x2] =	wrdreg s2  }
0xa9: {  	[dreg:$0x3] =	wrdreg s4  }
0xaa: {  	[dreg:$0x4] =	wrdreg $0xC0  }
0xab: {  	_ =	task [dreg:s6], $0x5FFFF  }
0xac: {  	[dreg:$0x1] =	wrdreg $0xFFFFFFFF  }
0xad: {  	[dreg:$0x0] =	wrdreg $0x60  }
0xae: {  	[dreg:$0x2] =	wrdreg s24  }
0xaf: {  	[dreg:$0x3] =	wrdreg $0x9  }
0xb0: {  	_ =	task.clear_ibuf [dreg:s6], $0x4FFFF;
	_ =	strace $0x90000046  }
0xb1: {  	s29 =	simm.s32 $0x9;
	_ =	strace $0x80000048  }
0xb2: {  	_ =	swait.ge [sflag:s29], $0x1  }
0xb3: {  	[sflag:s29] =	ssyncadd.s32 $0xFFFFFFFF  }
0xb4: {  	_ =	strace $0x90000048  }
0xb5: {  	_ =	sfence  }
0xb6: {  	s30 =	sld [smem:$0x0];
	_ =	sdelay $0x2  }
0xb7: {  	s31 =	sshll.u32 s1, $0xD;
	s1 =	sshrl.u32 s1, $0x2  }
0xb8: {  	s3 =	sand.u32 $0x4000, s31;
	s1 =	sadd.s32 s1, s30  }
0xb9: {  	s0 =	sor.u32 s3, s0;
	s1 =	sshll.u32 s1, $0x11  }
0xba: {  	s0 =	sor.u32 s1, s0  }
0xbb: {  	s0 =	sadd.s32 $0x8F2B, s0  }
0xbc: {  	[sflag:s0] =	ssyncadd.remote.s32 $0x1  }
0xbd: {  	_ =	sfence.sel $0xFFFF  }
0xbe: {  	[dreg:$0x0] =	wrdreg $0xFFFFFFFF;
	(pc) =	sbr.abs _section_cstart, $3  }
0xbf: {  	[dreg:$0x1] =	wrdreg $0xFFFFFFFF  }
0xc0: {  	_ =	task.clear_ibuf [dreg:s6], $0x2FFFF;
	_ =	strace $0x9FFFFFFF  }
0xc1: {  	(tm) =	ssettm $0x7FFFFFFF  }
tec
execute0_lowered:
.L_overlay_start_1:
0x0: {  	(tag) =	ssettag $0x1  }
0x1: {  	s0 =	srdreg.scid  }
0x2: {  	s4 =	rddreg [dreg:$0x0];
	s1 =	stileid.u32;
	s9 =	simm.s32 $0x2800  }
0x3: {  	s10 =	simm.s32 $0x80;
	s11 =	simm.s32 $0x400;
	s3 =	sand.u32 $0x1, s0  }
0x4: {  	s12 =	simm.s32 $0x0;
	s0 =	rddreg [dreg:$0x1];
	s2 =	sshll.u32 s3, $0x4  }
0x5: {  	s7 =	sshll.u32 s1, $0x7;
	s29 =	sadd.s32 $0x1F600, s4;
	s5 =	sor.u32 s1, s2  }
0x6: {  	s3 =	ssub.s32 $0x2, s3;
	s6 =	smul.u32 $0xD20, s5;
	s5 =	sshrl.u32 s5, $0x3  }
0x7: {  	s2 =	simm.s32 $0x0;
	s8 =	sshrl.u32 s3, $0x1;
	s5 =	smul.u32 $0x14000, s5  }
0x8: {  	s7 =	sand.u32 $0x380, s7;
	[smem:$0x7FF] =	sst s2;
	s8 =	ssub.s32 s3, s8  }
0x9: {  	_ =	strace $0x80000047;
	s6 =	sadd.s32 s6, s4;
	s5 =	sor.u32 s7, s5  }
0xa: {  	s3 =	sadd.s32 $0x5200, s6;
	s6 =	smax.u32 s8, $0x1;
	s30 =	sadd.s32 $0x50000, s5  }
0xb: {  	s7 =	simm.s32 $0x5000;
	s5 =	sshrl.u32 s5, $0x3;
	s31 =	sshrl.u32 s30, $0x3  }
0xc: {  	v0 =	vimm.f32 $0.0e+00;
	v1 =	vimm.f32 $1.000000000e+00;
	s8 =	simm.s32 $0x1;
	s4 =	sadd.s32 s29, s5;
	s5 =	sadd.s32 s29, s31  }
.LBB2_1:
0xd: {  	[tilespmem:s7], [sflag:$0x1] =	stream.linear.gather [hbm4b:s3+s2], $0x6900, $0x38;
	[tilespmem:$0xB900] =	vst v63  }
0xe: {  	_ =	swait.ge [sflag:s8], $0x6900  }
0xf: {  	[sflag:s8] =	ssyncset.done $0x0  }
0x10: {  	s14 =	simm.s32 $0x0;
	s13 =	simm.s32 $0x200;
	[sflag:s8] =	ssyncadd.s32 $0xFFFF9700  }
.LBB2_2:
0x11: {  	p0 =	sne.s32 s13, $0x9E00;
	[tilespmem:s14+$0x70] =	vst v0  }
0x12: {  	[tilespmem:s14+$0x0] =	vst v0  }
0x13: {  	[tilespmem:s14+$0x10] =	vst v0  }
.Ltmp0:
0x14: {  	[tilespmem:s14+$0x20] =	vst v0;
	(pc) =	sbr.rel @p0 .LBB2_2-.Ltmp0, $4  }
0x15: {  	[tilespmem:s14+$0x30] =	vst v0  }
0x16: {  	[tilespmem:s14+$0x40] =	vst v0  }
0x17: {  	[tilespmem:s14+$0x50] =	vst v0  }
0x18: {  	[tilespmem:s14+$0x60] =	vst v0;
	s14 =	sshra.s32 s13, $0x2;
	s13 =	sadd.s32 $0x200, s13  }
0x19: {  	[tilespmem:s14+$0x70] =	vst v0  }
0x1a: {  	[tilespmem:s14+$0x0] =	vst v0  }
0x1b: {  	[tilespmem:s14+$0x10] =	vst v0  }
0x1c: {  	[tilespmem:s14+$0x20] =	vst v0  }
0x1d: {  	[tilespmem:s14+$0x30] =	vst v0  }
0x1e: {  	[tilespmem:s14+$0x40] =	vst v0  }
0x1f: {  	[tilespmem:s14+$0x50] =	vst v0  }
0x20: {  	s13 =	simm.s32 $0x0;
	[tilespmem:s14+$0x60] =	vst v0;
	s14 =	simm.s32 $0x0;
	s15 =	simm.s32 $0x200  }
.LBB2_4:
0x21: {  	p0 =	sne.s32 s15, $0x9E00;
	[tilespmem:s14+$0x2870] =	vst v0  }
0x22: {  	[tilespmem:s14+$0x2800] =	vst v0  }
0x23: {  	[tilespmem:s14+$0x2810] =	vst v0  }
.Ltmp1:
0x24: {  	[tilespmem:s14+$0x2820] =	vst v0;
	(pc) =	sbr.rel @p0 .LBB2_4-.Ltmp1, $4  }
0x25: {  	[tilespmem:s14+$0x2830] =	vst v0  }
0x26: {  	[tilespmem:s14+$0x2840] =	vst v0  }
0x27: {  	[tilespmem:s14+$0x2850] =	vst v0  }
0x28: {  	[tilespmem:s14+$0x2860] =	vst v0;
	s14 =	sshra.s32 s15, $0x2;
	s15 =	sadd.s32 $0x200, s15  }
0x29: {  	[tilespmem:s14+$0x2870] =	vst v0  }
0x2a: {  	[tilespmem:s14+$0x2800] =	vst v0  }
0x2b: {  	[tilespmem:s14+$0x2810] =	vst v0  }
0x2c: {  	[tilespmem:s14+$0x2820] =	vst v0  }
0x2d: {  	[tilespmem:s14+$0x2830] =	vst v0  }
0x2e: {  	[tilespmem:s14+$0x2840] =	vst v0  }
0x2f: {  	[tilespmem:s14+$0x2850] =	vst v0  }
0x30: {  	[tilespmem:s14+$0x2860] =	vst v0  }
.LBB2_6:
0x31: {  	s14 =	sshra.s32 s13, $0x2  }
0x32: {  	v2 =	vld [tilespmem:s14+$0x5000];
	_ =	sdelay $0x7  }
0x33: {  	[tilespmem:v2+s2+$0x0] =	vst.idx.add.f32.msk $0xffff, v1  }
0x34: {  	v2 =	vld [tilespmem:s14+$0x5080];
	_ =	sdelay $0x7  }
0x35: {  	[tilespmem:v2+s9+$0x0] =	vst.idx.add.f32.msk $0xffff, v1  }
0x36: {  	v2 =	vld [tilespmem:s14+$0x5010];
	_ =	sdelay $0x7  }
0x37: {  	[tilespmem:v2+s2+$0x0] =	vst.idx.add.f32.msk $0xffff, v1  }
0x38: {  	v2 =	vld [tilespmem:s14+$0x5090];
	_ =	sdelay $0x7  }
0x39: {  	[tilespmem:v2+s9+$0x0] =	vst.idx.add.f32.msk $0xffff, v1  }
0x3a: {  	v2 =	vld [tilespmem:s14+$0x5020];
	_ =	sdelay $0x7  }
0x3b: {  	[tilespmem:v2+s2+$0x0] =	vst.idx.add.f32.msk $0xffff, v1  }
0x3c: {  	v2 =	vld [tilespmem:s14+$0x50A0];
	_ =	sdelay $0x7  }
0x3d: {  	[tilespmem:v2+s9+$0x0] =	vst.idx.add.f32.msk $0xffff, v1  }
0x3e: {  	v2 =	vld [tilespmem:s14+$0x5030];
	_ =	sdelay $0x7  }
0x3f: {  	[tilespmem:v2+s2+$0x0] =	vst.idx.add.f32.msk $0xffff, v1  }
0x40: {  	v2 =	vld [tilespmem:s14+$0x50B0];
	_ =	sdelay $0x7  }
0x41: {  	[tilespmem:v2+s9+$0x0] =	vst.idx.add.f32.msk $0xffff, v1  }
0x42: {  	v2 =	vld [tilespmem:s14+$0x5040];
	_ =	sdelay $0x7  }
0x43: {  	[tilespmem:v2+s2+$0x0] =	vst.idx.add.f32.msk $0xffff, v1  }
0x44: {  	v2 =	vld [tilespmem:s14+$0x50C0];
	_ =	sdelay $0x7  }
0x45: {  	[tilespmem:v2+s9+$0x0] =	vst.idx.add.f32.msk $0xffff, v1  }
0x46: {  	v2 =	vld [tilespmem:s14+$0x5050];
	_ =	sdelay $0x7  }
0x47: {  	[tilespmem:v2+s2+$0x0] =	vst.idx.add.f32.msk $0xffff, v1  }
0x48: {  	v2 =	vld [tilespmem:s14+$0x50D0];
	_ =	sdelay $0x2  }
0x49: {  	p0 =	sne.s32 s13, $0x1A000  }
.Ltmp2:
0x4a: {  	_ = 	snop;
	(pc) =	sbr.rel @p0 .LBB2_6-.Ltmp2, $2  }
0x4b: {  	_ =	sdelay $0x2  }
0x4c: {  	s13 =	sadd.s32 $0x400, s13;
	[tilespmem:v2+s9+$0x0] =	vst.idx.add.f32.msk $0xffff, v1  }
0x4d: {  	[hbm4b:s4+s10] =	stream.strided.scatter [tilespmem:s2], [sflag:$0x1], $0x2800, s11, s10, $0x38;
	[tilespmem:$0xB900] =	vst v63  }
0x4e: {  	s12 =	sadd.s32 $0x1, s12;
	_ =	swait.ge [sflag:s8], $0x2800  }
0x4f: {  	p0 =	sne.s32 s12, s6;
	[sflag:s8] =	ssyncset.done $0x0  }
.Ltmp3:
0x50: {  	[sflag:s8] =	ssyncadd.s32 $0xFFFFD800;
	(pc) =	sbr.rel @p0 .LBB2_1-.Ltmp3, $4  }
0x51: {  	[hbm4b:s5+s10] =	stream.strided.scatter [tilespmem:s9], [sflag:$0x1], $0x2800, s11, s10, $0x38;
	[tilespmem:$0xB900] =	vst v63  }
0x52: {  	_ =	swait.ge [sflag:s8], $0x2800  }
0x53: {  	[sflag:s8] =	ssyncset.done $0x0  }
0x54: {  	[sflag:s8] =	ssyncadd.s32 $0xFFFFD800  }
0x55: {  	_ =	sfence.sel $0x180000  }
0x56: {  	[bflag:$0x0] =	sbarrier.arrive $0xFFFF  }
0x57: {  	p0 =	sne.s32 s1, $0x0;
	_ =	strace $0x90000047  }
0x58: {  	s0 =	sadd.s32 @!p0 $0x100000, s0;
	[bflag:$0x2] =	sbarrier.arrive $0xFFFF  }
0x59: {  	[sflag:s0] =	ssyncadd.tile.s32 @!p0 $0x1;
	_ =	shalt  }
.Lfunc_end2:
_tile_overlayer_lowered:
.L_overlay_start_2:
0x5a: {  	(tag) =	ssettag $0x2  }
0x5b: {  	s0 =	rddreg [dreg:$0x0];
	s2 =	stileid.u32  }
0x5c: {  	s1 =	rddreg [dreg:$0x1];
	p0 =	sne.s32 s2, $0x0  }
0x5d: {  	s3 =	rddreg [dreg:$0x2];
	[bflag:$0x3] =	sbarrier.arrive $0xFFFF;
	s2 =	simm.s32 @!p0 $0x1C01  }
0x5e: {  	[timem:s3], [sflag:s2] =	dma.local @!p0 [hbm:s0], s1  }
0x5f: {  	s0 =	simm.s32 @!p0 $0x1  }
0x60: {  	_ =	swait.ge @!p0 [sflag:s0], s1  }
0x61: {  	s1 =	ssub.s32 @!p0 $0x0, s1;
	[sflag:s0] =	ssyncset.done @!p0 $0x0  }
0x62: {  	[sflag:s0] =	ssyncadd.s32 @!p0 s1  }
0x63: {  	[bflag:$0x3] =	sbarrier.arrive $0xFFFF  }
0x64: {  	_ =	shalt  }

// kernel: kernel.13.cloned.1.call-start
scs
__scs_entry_jumppad:
0x0: {  	(pc) =	sbr.rel $0x88, $3  }
0x1: {  	(tag) =	ssettag $0x0;
	lr =	simm.s32 $0x1  }
0x2: {  	[smem:$0x3F89] =	sst lr;
	_ =	strace $0xD0000000  }
0x3: {  	_ = 	snop  }
0x4: {  	_ = 	snop  }
0x5: {  	_ = 	snop  }
0x6: {  	_ = 	snop  }
0x7: {  	_ = 	snop  }
__scs_overlays_trampoline_lowered:
0x8: {  	[smem:$0x3F98] =	sst s0  }
0x9: {  	[smem:$0x3F99] =	sst s1  }
0xa: {  	[smem:$0x3F9A] =	sst s2  }
0xb: {  	[smem:$0x3F9B] =	sst s3  }
0xc: {  	[smem:$0x3F9C] =	sst s4  }
0xd: {  	[smem:$0x3F9D] =	sst s5  }
0xe: {  	[smem:$0x3F9E] =	sst s6  }
0xf: {  	[smem:$0x3F9F] =	sst s7  }
0x10: {  	[smem:$0x3FA0] =	sst s8  }
0x11: {  	[smem:$0x3FA1] =	sst s9;
	s0 =	simm.s32 @!p0 $0x0  }
0x12: {  	s1 =	sld [smem:$0x3F87];
	s0 =	simm.s32 @p0 $0x1  }
0x13: {  	[smem:$0x3FA2] =	sst s0;
	s0 =	simm.s32 @!p1 $0x0  }
0x14: {  	s2 =	sld [smem:$0x3F86];
	s0 =	simm.s32 @p1 $0x1  }
0x15: {  	[smem:$0x3FA3] =	sst s0;
	s0 =	simm.s32 @!p2 $0x0  }
0x16: {  	s3 =	sld [smem:$0x3FDB];
	s0 =	simm.s32 @p2 $0x1  }
0x17: {  	s4 =	simm.s32 $0x1BF5;
	[smem:$0x3FA5] =	sst s0  }
0x18: {  	s0 =	sld [smem:$0x3F88];
	_ =	swait.ge [sflag:s4], $0x0  }
0x19: {  	s7 =	sld [smem:$0x3F89]  }
0x1a: {  	s8 =	sadd.s32 $0xFFFFE003, lr  }
0x1b: {  	s9 =	sadd.s32 $0xFFFFFEF7, lr;
	s5 =	simm.s32 $0xFFFFFFFF;
	p2 =	slt.u32 s8, $0xFFFFF086  }
0x1c: {  	p1 =	slt.u32 s9, $0xF7A;
	s5 =	simm.s32 @!p2 $0x0  }
0x1d: {  	s5 =	simm.s32 @p1 $0x1;
	p0 =	seq.s32 s7, s2  }
0x1e: {  	s7 =	smul.u32 @!p0 $0xF7A, s2;
	p2 =	seq.s32 @!p0 s5, $0x0  }
0x1f: {  	s9 =	smul.u32 $0xF7A, s1;
	s8 =	simm.s32 @!p0 $0x1BF5;
	p2 =	por !p2, p0  }
0x20: {  	[sflag:s8] =	ssyncset.s32 @!p0 $0xFFFFF086;
	s6 =	sadd.s32 @!p0 s3, s7;
	s7 =	simm.s32 @!p0 $0x108  }
0x21: {  	s3 =	sadd.s32 s3, s9;
	s6 =	sadd.s32 @!p0 $0x88, s6;
	s7 =	simm.s32 @p2 $0x1082  }
0x22: {  	[simem:s7], [sflag:s8] =	dma.local @!p0 [hbm:s6], $0xF7A  }
0x23: {  	s9 =	sor.u32 $0xD0000000, s2;
	s6 =	simm.s32 $0x108;
	_ =	swait.ge @!p0 [sflag:s8], $0x0  }
0x24: {  	s3 =	sadd.s32 $0x88, s3;
	s6 =	simm.s32 @!p1 $0x1082;
	[sflag:s4] =	ssyncset.s32 $0xFFFFF086  }
0x25: {  	[simem:s6], [sflag:s4] =	dma.local [hbm:s3], $0xF7A  }
0x26: {  	[smem:$0x3F89] =	sst s1;
	(tag) =	ssettag s2;
	_ =	strace s9  }
0x27: {  	s1 =	sld [smem:$0x3F99]  }
0x28: {  	s2 =	sld [smem:$0x3F9A]  }
0x29: {  	s4 =	sld [smem:$0x3F9C]  }
0x2a: {  	p0 =	seq.s32 s5, $0x0;
	s5 =	sld [smem:$0x3F9D]  }
0x2b: {  	s6 =	sld [smem:$0x3F9E]  }
0x2c: {  	s7 =	sld [smem:$0x3F9F]  }
0x2d: {  	s3 =	simm.s32 $0x108;
	s8 =	sld [smem:$0x3FA0]  }
0x2e: {  	s3 =	simm.s32 @!p0 $0x1082;
	s9 =	sld [smem:$0x3FA1]  }
0x2f: {  	lr =	sadd.s32 s0, s3;
	s0 =	sld [smem:$0x3F98]  }
0x30: {  	s3 =	sld [smem:$0x3F9B]  }
0x31: {  	[smem:$0x3FA4] =	sst s10  }
0x32: {  	s10 =	sld [smem:$0x3FA2];
	_ =	sdelay $0x3  }
0x33: {  	p0 =	seq.s32 s10, $0x1;
	s10 =	sld [smem:$0x3FA4];
	_ =	sdelay $0x3  }
0x34: {  	[smem:$0x3FA4] =	sst s10  }
0x35: {  	s10 =	sld [smem:$0x3FA3];
	_ =	sdelay $0x3  }
0x36: {  	p1 =	seq.s32 s10, $0x1;
	s10 =	sld [smem:$0x3FA4];
	_ =	sdelay $0x3  }
0x37: {  	[smem:$0x3FA4] =	sst s10  }
0x38: {  	s10 =	sld [smem:$0x3FA5]  }
0x39: {  	_ = 	snop;
	(pc) =	sbr.ind lr, $3  }
0x3a: {  	_ = 	snop  }
0x3b: {  	_ = 	snop  }
0x3c: {  	p2 =	seq.s32 s10, $0x1;
	s10 =	sld [smem:$0x3FA4]  }
0x3d: {  	_ =	shalt  }
0x3e: {  	_ =	shalt  }
0x3f: {  	_ =	shalt  }
0x40: {  	_ =	shalt  }
0x41: {  	_ =	shalt  }
0x42: {  	_ =	shalt  }
0x43: {  	_ =	shalt  }
0x44: {  	_ =	shalt  }
0x45: {  	_ =	shalt  }
0x46: {  	_ =	shalt  }
0x47: {  	_ =	shalt  }
0x48: {  	_ =	shalt  }
0x49: {  	_ =	shalt  }
0x4a: {  	_ =	shalt  }
0x4b: {  	_ =	shalt  }
0x4c: {  	_ =	shalt  }
0x4d: {  	_ =	shalt  }
0x4e: {  	_ =	shalt  }
0x4f: {  	_ =	shalt  }
0x50: {  	_ =	shalt  }
0x51: {  	_ =	shalt  }
0x52: {  	_ =	shalt  }
0x53: {  	_ =	shalt  }
0x54: {  	_ =	shalt  }
0x55: {  	_ =	shalt  }
0x56: {  	_ =	shalt  }
0x57: {  	_ =	shalt  }
0x58: {  	_ =	shalt  }
0x59: {  	_ =	shalt  }
0x5a: {  	_ =	shalt  }
0x5b: {  	_ =	shalt  }
0x5c: {  	_ =	shalt  }
0x5d: {  	_ =	shalt  }
0x5e: {  	_ =	shalt  }
0x5f: {  	_ =	shalt  }
0x60: {  	_ =	shalt  }
0x61: {  	_ =	shalt  }
0x62: {  	_ =	shalt  }
0x63: {  	_ =	shalt  }
0x64: {  	_ =	shalt  }
0x65: {  	_ =	shalt  }
0x66: {  	_ =	shalt  }
0x67: {  	_ =	shalt  }
0x68: {  	_ =	shalt  }
0x69: {  	_ =	shalt  }
0x6a: {  	_ =	shalt  }
0x6b: {  	_ =	shalt  }
0x6c: {  	_ =	shalt  }
0x6d: {  	_ =	shalt  }
0x6e: {  	_ =	shalt  }
0x6f: {  	_ =	shalt  }
0x70: {  	_ =	shalt  }
0x71: {  	_ =	shalt  }
0x72: {  	_ =	shalt  }
0x73: {  	_ =	shalt  }
0x74: {  	_ =	shalt  }
0x75: {  	_ =	shalt  }
0x76: {  	_ =	shalt  }
0x77: {  	_ =	shalt  }
0x78: {  	_ =	shalt  }
0x79: {  	_ =	shalt  }
0x7a: {  	_ =	shalt  }
0x7b: {  	_ =	shalt  }
0x7c: {  	_ =	shalt  }
0x7d: {  	_ =	shalt  }
0x7e: {  	_ =	shalt  }
0x7f: {  	_ =	shalt  }
0x80: {  	_ =	shalt  }
0x81: {  	_ =	shalt  }
0x82: {  	_ =	shalt  }
0x83: {  	_ =	shalt  }
0x84: {  	_ =	shalt  }
0x85: {  	_ =	shalt  }
0x86: {  	_ =	shalt  }
0x87: {  	_ =	shalt  }
.Lfunc_end0:
.L_simem_size_0:
called_computation.1_lowered:
.L_overlay_start_0:
0x88: {  	s2 =	sld [smem:$0x3FD9]  }
0x89: {  	s3 =	sld [smem:$0x3FFE];
	_ =	sdelay $0x1  }
0x8a: {  	s1 =	srdreg.scid  }
0x8b: {  	s0 =	sand.u32 $0x1, s1  }
0x8c: {  	s16 =	sshll.u32 s0, $0xA;
	s2 =	sadd.s32 s3, s2  }
0x8d: {  	s2 =	sadd.s32 s2, s16  }
0x8e: {  	[smem:$0x3FB0] =	sst s2  }
0x8f: {  	_ = 	snop  }
0x90: {  	(tm) =	ssettm $0x1  }
0x91: {  	s17 =	sld [smem:$0x3FFB];
	_ =	sdelay $0x3  }
0x92: {  	_ =	strace s17  }
0x93: {  	s2 =	sld [smem:$0x3FFC];
	_ =	sdelay $0x3  }
0x94: {  	_ =	strace s2  }
0x95: {  	s2 =	sld [smem:$0x3FFD];
	_ =	sdelay $0x3  }
0x96: {  	_ =	strace s2  }
0x97: {  	_ =	strace $0x8FFFFFFF  }
0x98: {  	s18 =	sld [smem:$0x3FDB];
	_ =	sdelay $0x1  }
0x99: {  	s19 =	simm.s32 $_scs_section_size  }
0x9a: {  	s4 =	simm.s32 $_size__tile_overlayer_lowered;
	s5 =	simm.s32 $_tile_overlayer_lowered  }
0x9b: {  	s22 =	simm.s32 $0x1BFF;
	s21 =	sshll.u32 s5, $0x1;
	s2 =	sadd.s32 s19, s18  }
0x9c: {  	s6 =	simm.s32 $0x0;
	s20 =	sshll.u32 s4, $0x1;
	s4 =	sadd.s32 s21, s2  }
0x9d: {  	[timem:s6], [sflag:s22] =	dma.local [hbm:s4], s20  }
0x9e: {  	_ =	swait.ge [sflag:s22], s20  }
0x9f: {  	s3 =	ssub.s32 $0x0, s20;
	[sflag:s22] =	ssyncset.done $0x0  }
0xa0: {  	[sflag:s22] =	ssyncadd.s32 s3;
	_ =	sdelay $0x1  }
0xa1: {  	s23 =	simm.s32 $0x1B8B  }
0xa2: {  	_ =	swait.ge [sflag:s23], $0x1  }
0xa3: {  	[sflag:s23] =	ssyncset.done $0x0  }
0xa4: {  	s25 =	simm.s32 $0x1B8E;
	s24 =	sld [smem:$0x3FFE];
	[sflag:s23] =	ssyncadd.s32 $0xFFFFFFFF  }
0xa5: {  	s26 =	simm.s32 $execute0_lowered;
	[smem:$0x3FD2] =	sst s25  }
0xa6: {  	s4 =	sshll.u32 s26, $0x1;
	_ =	strace $0x80000049;
	[dreg:$0x1] =	wrdreg $0xFFFFFFFF  }
0xa7: {  	s28 =	simm.s32 $_size_execute0_lowered;
	s2 =	sadd.s32 s2, s4;
	[dreg:$0x0] =	wrdreg $0x0  }
0xa8: {  	s4 =	sshll.u32 s28, $0x1;
	[dreg:$0x2] =	wrdreg s2  }
0xa9: {  	[dreg:$0x3] =	wrdreg s4  }
0xaa: {  	[dreg:$0x4] =	wrdreg $0xC0  }
0xab: {  	_ =	task [dreg:s6], $0x5FFFF  }
0xac: {  	[dreg:$0x1] =	wrdreg $0xFFFFFFFF  }
0xad: {  	[dreg:$0x0] =	wrdreg $0x60  }
0xae: {  	[dreg:$0x2] =	wrdreg s24  }
0xaf: {  	[dreg:$0x3] =	wrdreg $0x0  }
0xb0: {  	[dreg:$0x4] =	wrdreg $0x9  }
0xb1: {  	_ =	task.clear_ibuf [dreg:s6], $0x5FFFF;
	_ =	strace $0x90000049  }
0xb2: {  	s29 =	simm.s32 $0x9;
	_ =	strace $0x8000004B  }
0xb3: {  	_ =	swait.ge [sflag:s29], $0x1  }
0xb4: {  	[sflag:s29] =	ssyncadd.s32 $0xFFFFFFFF  }
0xb5: {  	_ =	strace $0x9000004B  }
0xb6: {  	_ =	sfence  }
0xb7: {  	s30 =	sld [smem:$0x0];
	_ =	sdelay $0x2  }
0xb8: {  	s31 =	sshll.u32 s1, $0xD;
	s1 =	sshrl.u32 s1, $0x2  }
0xb9: {  	s3 =	sand.u32 $0x4000, s31;
	s1 =	sadd.s32 s1, s30  }
0xba: {  	s0 =	sor.u32 s3, s0;
	s1 =	sshll.u32 s1, $0x11  }
0xbb: {  	s0 =	sor.u32 s1, s0  }
0xbc: {  	s0 =	sadd.s32 $0x8F2B, s0  }
0xbd: {  	[sflag:s0] =	ssyncadd.remote.s32 $0x1  }
0xbe: {  	_ =	sfence.sel $0xFFFF  }
0xbf: {  	[dreg:$0x0] =	wrdreg $0xFFFFFFFF;
	(pc) =	sbr.abs _section_cstart, $3  }
0xc0: {  	[dreg:$0x1] =	wrdreg $0xFFFFFFFF  }
0xc1: {  	_ =	task.clear_ibuf [dreg:s6], $0x2FFFF;
	_ =	strace $0x9FFFFFFF  }
0xc2: {  	(tm) =	ssettm $0x7FFFFFFF  }
0xc3: {  	_ =	shalt  }
tec
execute0_lowered:
.L_overlay_start_1:
0x0: {  	(tag) =	ssettag $0x1  }
0x1: {  	s0 =	srdreg.scid;
	s1 =	rddreg [dreg:$0x0]  }
0x2: {  	s11 =	stileid.u32;
	s2 =	rddreg [dreg:$0x1];
	s3 =	simm.s32 $0x0  }
0x3: {  	s28 =	simm.s32 $0x13C00;
	s29 =	simm.s32 $0x13C80;
	s5 =	smul.u32 $0x13C00, s11  }
0x4: {  	s30 =	simm.s32 $0x13D00;
	s31 =	simm.s32 $0x13D80;
	s7 =	smul.u32 $0x4F000, s11  }
0x5: {  	s0 =	sand.u32 $0x1, s0;
	[smem:$0x7FF] =	sst s3;
	s14 =	smul.u32 $0x6900, s11  }
0x6: {  	s17 =	sadd.s32 $0x5210, s1;
	s4 =	smul.u32 $0x140000, s0;
	_ =	strace $0x8000004A  }
0x7: {  	s8 =	ssub.s32 $0x2, s0;
	s9 =	sshll.u32 s0, $0x4;
	s0 =	smul.u32 $0x69000, s0  }
0x8: {  	s7 =	sshrl.u32 s7, $0x2;
	s10 =	sshrl.u32 s8, $0x1;
	s9 =	sor.u32 s11, s9  }
0x9: {  	s11 =	simm.s32 $0xA;
	s4 =	sadd.s32 s5, s4;
	s5 =	sadd.s32 $0x5200, s1  }
0xa: {  	s12 =	sadd.s32 s7, s2;
	s21 =	ssub.s32 s8, s10;
	s23 =	smul.u32 $0x6900, s9  }
0xb: {  	s0 =	sadd.s32 s14, s0;
	s22 =	sadd.s32 $0x3000, s12;
	[dreg:$0x3] =	wrdreg s12  }
0xc: {  	s7 =	simm.s32 $0x60;
	s24 =	sadd.s32 $0x6000, s12;
	[dreg:$0x4] =	wrdreg s22  }
0xd: {  	s9 =	simm.s32 $0x16F00;
	s25 =	sadd.s32 $0x9000, s12;
	[dreg:$0x5] =	wrdreg s24  }
0xe: {  	s14 =	simm.s32 $0x6;
	s26 =	sadd.s32 $0xC000, s12;
	[dreg:$0x6] =	wrdreg s25  }
0xf: {  	s6 =	sshrl.u32 s4, $0x3;
	s10 =	sadd.s32 $0xF000, s12;
	[dreg:$0x7] =	wrdreg s26  }
0x10: {  	s4 =	sadd.s32 $0x1F600, s1;
	s12 =	sadd.s32 $0x12000, s12;
	[dreg:$0x8] =	wrdreg s10  }
0x11: {  	s20 =	smax.u32 s21, $0x1;
	s21 =	sadd.s32 $0x400, s0;
	[dreg:$0x9] =	wrdreg s12  }
0x12: {  	s6 =	sadd.s32 s6, s1;
	s8 =	sshrl.u32 s23, $0x3;
	[dreg:$0x10] =	wrdreg s20  }
0x13: {  	s22 =	sadd.s32 $0x500, s0;
	s23 =	sadd.s32 $0x200, s0;
	s0 =	sadd.s32 $0x300, s0  }
0x14: {  	s10 =	simm.s32 $0x1;
	s12 =	simm.s32 $0x13E80;
	s20 =	simm.s32 $0x3  }
0x15: {  	s13 =	sadd.s32 s5, s8;
	s1 =	sadd.s32 s8, s17;
	s19 =	sadd.s32 $0x47600, s6  }
0x16: {  	s24 =	sshrl.u32 s22, $0x3;
	s25 =	sshrl.u32 s23, $0x3;
	[dreg:$0x12] =	wrdreg s0  }
0x17: {  	s23 =	smov.u32 s17;
	s0 =	simm.s32 $0x4;
	s8 =	simm.s32 $0x5  }
0x18: {  	s22 =	simm.s32 $0xC;
	s6 =	simm.s32 $0x0;
	[dreg:$0xd] =	wrdreg s1  }
0x19: {  	s15 =	sadd.s32 $0x20, s13;
	s16 =	sadd.s32 $0x40, s13;
	[dreg:$0xa] =	wrdreg s13  }
0x1a: {  	s18 =	sadd.s32 $0x30, s13;
	[dreg:$0xf] =	wrdreg s19;
	s1 =	sshrl.u32 s21, $0x3  }
0x1b: {  	s21 =	smov.u32 s5;
	s26 =	sadd.s32 s24, s5;
	s24 =	sadd.s32 s25, s17  }
.Ltmp0:
0x1c: {  	s25 =	simm.s32 $0x13F00;
	[dreg:$0xb] =	wrdreg s15;
	(pc) =	sbr.rel .LBB2_1-.Ltmp0, $4  }
0x1d: {  	s17 =	simm.s32 $0x2;
	s19 =	simm.s32 $0x7;
	[dreg:$0xc] =	wrdreg s16  }
0x1e: {  	s13 =	simm.s32 $0x8;
	[dreg:$0xe] =	wrdreg s18;
	s1 =	sadd.s32 s1, s5  }
0x1f: {  	[dreg:$0x13] =	wrdreg s26;
	s16 =	simm.s32 $0xD;
	s15 =	simm.s32 $0x19F00  }
0x20: {  	v0 =	vimm.f32 $0.0e+00;
	s18 =	simm.s32 $0xB;
	[dreg:$0x11] =	wrdreg s1;
	s1 =	simm.s32 $0x13E00  }
.LBB2_6:
0x21: {  	_ =	swait.ge [sflag:s17], $0x3000  }
0x22: {  	[sflag:s17] =	ssyncset.done $0x0  }
0x23: {  	[sflag:s17] =	ssyncadd.s32 $0xFFFFD000  }
0x24: {  	_ =	swait.ge [sflag:s18], $0x80  }
0x25: {  	[sflag:s18] =	ssyncset.done $0x0  }
0x26: {  	[sflag:s18] =	ssyncadd.s32 $0xFFFFFF80  }
0x27: {  	[spmem:s2] =	stream.indirect.scatter.add.f32 [tilespmem:s9], [sflag:$0x8], $0x80, s1, s7, $0xb8;
	[tilespmem:$0x1CF00] =	vst v63  }
0x28: {  	_ =	swait.ge [sflag:s19], $0x3000  }
0x29: {  	[sflag:s19] =	ssyncset.done $0x0  }
0x2a: {  	[sflag:s19] =	ssyncadd.s32 $0xFFFFD000  }
0x2b: {  	_ =	swait.ge [sflag:s20], $0x3000  }
0x2c: {  	[sflag:s20] =	ssyncset.done $0x0  }
0x2d: {  	[sflag:s20] =	ssyncadd.s32 $0xFFFFD000  }
0x2e: {  	_ =	swait.ge [sflag:s22], $0x80  }
0x2f: {  	[sflag:s22] =	ssyncset.done $0x0  }
0x30: {  	[sflag:s22] =	ssyncadd.s32 $0xFFFFFF80  }
0x31: {  	[spmem:s2] =	stream.indirect.scatter.add.f32 [tilespmem:s15], [sflag:$0x9], $0x80, s12, s7, $0xb8;
	[tilespmem:$0x1CF00] =	vst v63  }
0x32: {  	_ =	swait.ge [sflag:s13], $0x3000  }
0x33: {  	[sflag:s13] =	ssyncset.done $0x0  }
0x34: {  	s5 =	simm.s32 $0x9;
	[sflag:s13] =	ssyncadd.s32 $0xFFFFD000  }
0x35: {  	_ =	swait.ge [sflag:s5], $0x3000  }
0x36: {  	[sflag:s5] =	ssyncset.done $0x0  }
0x37: {  	[sflag:s5] =	ssyncadd.s32 $0xFFFFD000  }
0x38: {  	s26 =	stileid.u32;
	[bflag:$0x0] =	sbarrier.arrive $0xFFFF  }
0x39: {  	s5 =	sshll.u32 s26, $0x6;
	s6 =	rddreg [dreg:$0x3]  }
0x3a: {  	s5 =	sor.u32 $0x1C0D, s5;
	s16 =	rddreg [dreg:$0xf];
	s6 =	sshrl.u32 s6, $0x3  }
0x3b: {  	[hbm:s16], [sflag:s5] =	dma.local [spmem:s6], $0x2780  }
0x3c: {  	s16 =	simm.s32 $0xD  }
0x3d: {  	_ =	swait.ge [sflag:s16], $0x2780  }
0x3e: {  	s5 =	rddreg [dreg:$0x14]  }
0x3f: {  	s26 =	rddreg [dreg:$0x10];
	s6 =	sadd.s32 $0x1, s5  }
0x40: {  	p0 =	sne.s32 s6, s26  }
.Ltmp1:
0x41: {  	_ = 	snop;
	(pc) =	sbr.rel @!p0 .LBB2_7-.Ltmp1, $3  }
0x42: {  	_ =	sdelay $0x1  }
0x43: {  	[sflag:s16] =	ssyncset.done $0x0  }
0x44: {  	[sflag:s16] =	ssyncadd.s32 $0xFFFFD880  }
.LBB2_1:
0x45: {  	[dreg:$0x14] =	wrdreg s6;
	s6 =	simm.s32 $0x0;
	s26 =	simm.s32 $0x200  }
.LBB2_2:
0x46: {  	p0 =	sne.s32 s26, $0xBE00;
	[tilespmem:s6+$0x13F70] =	vst v0  }
0x47: {  	[tilespmem:s6+$0x13F00] =	vst v0  }
0x48: {  	[tilespmem:s6+$0x13F10] =	vst v0  }
.Ltmp2:
0x49: {  	[tilespmem:s6+$0x13F20] =	vst v0;
	(pc) =	sbr.rel @p0 .LBB2_2-.Ltmp2, $4  }
0x4a: {  	[tilespmem:s6+$0x13F30] =	vst v0  }
0x4b: {  	[tilespmem:s6+$0x13F40] =	vst v0  }
0x4c: {  	[tilespmem:s6+$0x13F50] =	vst v0  }
0x4d: {  	[tilespmem:s6+$0x13F60] =	vst v0;
	s6 =	sshra.s32 s26, $0x2;
	s26 =	sadd.s32 $0x200, s26  }
0x4e: {  	[tilespmem:s6+$0x13F70] =	vst v0  }
0x4f: {  	[tilespmem:s6+$0x13F00] =	vst v0  }
0x50: {  	[tilespmem:s6+$0x13F10] =	vst v0  }
0x51: {  	[tilespmem:s6+$0x13F20] =	vst v0  }
0x52: {  	[tilespmem:s6+$0x13F30] =	vst v0  }
0x53: {  	[tilespmem:s6+$0x13F40] =	vst v0  }
0x54: {  	[tilespmem:s6+$0x13F50] =	vst v0  }
0x55: {  	[tilespmem:s6+$0x13F60] =	vst v0;
	s5 =	rddreg [dreg:$0x3]  }
0x56: {  	[spmem:s5] =	stream.linear.scatter [tilespmem:s25], [sflag:$0xD], $0x3000, $0x38;
	[tilespmem:$0x1CF00] =	vst v63  }
0x57: {  	_ =	swait.ge [sflag:s16], $0x3000  }
0x58: {  	[sflag:s16] =	ssyncset.done $0x0  }
0x59: {  	s26 =	rddreg [dreg:$0x4];
	[sflag:s16] =	ssyncadd.s32 $0xFFFFD000  }
0x5a: {  	[spmem:s26] =	stream.linear.scatter [tilespmem:s25], [sflag:$0xD], $0x3000, $0x38;
	[tilespmem:$0x1CF00] =	vst v63  }
0x5b: {  	_ =	swait.ge [sflag:s16], $0x3000  }
0x5c: {  	[sflag:s16] =	ssyncset.done $0x0  }
0x5d: {  	s6 =	rddreg [dreg:$0x5];
	[sflag:s16] =	ssyncadd.s32 $0xFFFFD000  }
0x5e: {  	[spmem:s6] =	stream.linear.scatter [tilespmem:s25], [sflag:$0xD], $0x3000, $0x38;
	[tilespmem:$0x1CF00] =	vst v63  }
0x5f: {  	_ =	swait.ge [sflag:s16], $0x3000  }
0x60: {  	[sflag:s16] =	ssyncset.done $0x0  }
0x61: {  	s26 =	rddreg [dreg:$0x6];
	[sflag:s16] =	ssyncadd.s32 $0xFFFFD000  }
0x62: {  	[spmem:s26] =	stream.linear.scatter [tilespmem:s25], [sflag:$0xD], $0x3000, $0x38;
	[tilespmem:$0x1CF00] =	vst v63  }
0x63: {  	_ =	swait.ge [sflag:s16], $0x3000  }
0x64: {  	[sflag:s16] =	ssyncset.done $0x0  }
0x65: {  	s6 =	rddreg [dreg:$0x7];
	[sflag:s16] =	ssyncadd.s32 $0xFFFFD000  }
0x66: {  	[spmem:s6] =	stream.linear.scatter [tilespmem:s25], [sflag:$0xD], $0x3000, $0x38;
	[tilespmem:$0x1CF00] =	vst v63  }
0x67: {  	_ =	swait.ge [sflag:s16], $0x3000  }
0x68: {  	[sflag:s16] =	ssyncset.done $0x0  }
0x69: {  	s26 =	rddreg [dreg:$0x8];
	[sflag:s16] =	ssyncadd.s32 $0xFFFFD000  }
0x6a: {  	[spmem:s26] =	stream.linear.scatter [tilespmem:s25], [sflag:$0xD], $0x3000, $0x38;
	[tilespmem:$0x1CF00] =	vst v63  }
0x6b: {  	_ =	swait.ge [sflag:s16], $0x3000  }
0x6c: {  	[sflag:s16] =	ssyncset.done $0x0  }
0x6d: {  	s6 =	rddreg [dreg:$0x9];
	[sflag:s16] =	ssyncadd.s32 $0xFFFFD000  }
0x6e: {  	[spmem:s6] =	stream.linear.scatter [tilespmem:s25], [sflag:$0xD], $0x1C00, $0x38;
	[tilespmem:$0x1CF00] =	vst v63  }
0x6f: {  	_ =	swait.ge [sflag:s16], $0x1C00  }
0x70: {  	[sflag:s16] =	ssyncset.done $0x0  }
0x71: {  	[sflag:s16] =	ssyncadd.s32 $0xFFFFE400  }
0x72: {  	[bflag:$0x0] =	sbarrier.arrive $0xFFFF  }
0x73: {  	s6 =	simm.s32 $0x0;
	s26 =	rddreg [dreg:$0xa]  }
0x74: {  	[tilespmem:s28], [sflag:$0x4] =	stream.linear.gather [hbm4b:s26+s6], $0x80, $0x38;
	[tilespmem:$0x1CF00] =	vst v63  }
0x75: {  	s16 =	rddreg [dreg:$0xb]  }
0x76: {  	[tilespmem:s29], [sflag:$0x5] =	stream.linear.gather [hbm4b:s16+s6], $0x80, $0x38;
	[tilespmem:$0x1CF00] =	vst v63  }
0x77: {  	s26 =	rddreg [dreg:$0xc]  }
0x78: {  	[tilespmem:s30], [sflag:$0x6] =	stream.linear.gather [hbm4b:s26+s6], $0x80, $0x38;
	[tilespmem:$0x1CF00] =	vst v63  }
0x79: {  	s16 =	rddreg [dreg:$0xd]  }
0x7a: {  	[tilespmem:s31], [sflag:$0xA] =	stream.linear.gather [hbm4b:s16+s6], $0x80, $0x38;
	[tilespmem:$0x1CF00] =	vst v63  }
0x7b: {  	s26 =	rddreg [dreg:$0xe]  }
0x7c: {  	[tilespmem:s1], [sflag:$0xB] =	stream.linear.gather [hbm4b:s26+s6], $0x80, $0x38;
	[tilespmem:$0x1CF00] =	vst v63  }
0x7d: {  	_ =	swait.ge [sflag:s0], $0x80  }
0x7e: {  	[sflag:s0] =	ssyncset.done $0x0  }
0x7f: {  	[sflag:s0] =	ssyncadd.s32 $0xFFFFFF80  }
0x80: {  	[tilespmem:s25], [sflag:$0x1] =	stream.indirect.gather [hbm4b:s4+s7], $0x80, s28, s7, $0xb8;
	[tilespmem:$0x1CF00] =	vst v63  }
0x81: {  	_ =	swait.ge [sflag:s8], $0x80  }
0x82: {  	[sflag:s8] =	ssyncset.done $0x0  }
0x83: {  	s26 =	rddreg [dreg:$0x12];
	[sflag:s8] =	ssyncadd.s32 $0xFFFFFF80  }
0x84: {  	[tilespmem:s9], [sflag:$0x2] =	stream.indirect.gather [hbm4b:s4+s7], $0x80, s29, s7, $0xb8;
	[tilespmem:$0x1CF00] =	vst v63  }
.LBB2_4:
0x85: {  	_ =	swait.ge [sflag:s10], $0x3000  }
0x86: {  	[sflag:s10] =	ssyncset.done $0x0  }
0x87: {  	[sflag:s10] =	ssyncadd.s32 $0xFFFFD000  }
0x88: {  	_ =	swait.ge [sflag:s11], $0x80  }
0x89: {  	p0 =	seq.s32 s6, $0x0;
	[sflag:s11] =	ssyncset.done $0x0  }
0x8a: {  	s5 =	simm.s32 @!p0 $0x9;
	[sflag:s11] =	ssyncadd.s32 $0xFFFFFF80  }
0x8b: {  	[spmem:s2] =	stream.indirect.scatter.add.f32 [tilespmem:s25], [sflag:$0x7], $0x80, s31, s7, $0xb8;
	[tilespmem:$0x1CF00] =	vst v63  }
0x8c: {  	_ =	swait.ge @!p0 [sflag:s5], $0x3000  }
0x8d: {  	[sflag:s5] =	ssyncset.done @!p0 $0x0  }
0x8e: {  	s16 =	sadd.s32 s6, s24;
	[sflag:s5] =	ssyncadd.s32 @!p0 $0xFFFFD000;
	p0 =	seq.s32 s6, $0xCC0  }
0x8f: {  	[tilespmem:s12], [sflag:$0xC] =	stream.linear.gather [hbm4b:s16+s3], $0x80, $0x38;
	[tilespmem:$0x1CF00] =	vst v63  }
.Ltmp3:
0x90: {  	_ = 	snop;
	(pc) =	sbr.rel @p0 .LBB2_6-.Ltmp3, $4  }
0x91: {  	_ =	swait.ge [sflag:s14], $0x80  }
0x92: {  	[sflag:s14] =	ssyncset.done $0x0  }
0x93: {  	[sflag:s14] =	ssyncadd.s32 $0xFFFFFF80  }
0x94: {  	[tilespmem:s15], [sflag:$0x3] =	stream.indirect.gather [hbm4b:s4+s7], $0x80, s30, s7, $0xb8;
	[tilespmem:$0x1CF00] =	vst v63  }
0x95: {  	s5 =	sshrl.u32 s26, $0x3  }
0x96: {  	s16 =	sadd.s32 s21, s5  }
0x97: {  	[tilespmem:s28], [sflag:$0x4] =	stream.linear.gather [hbm4b:s16+s3], $0x80, $0x38;
	[tilespmem:$0x1CF00] =	vst v63  }
0x98: {  	_ =	swait.ge [sflag:s17], $0x3000  }
0x99: {  	[sflag:s17] =	ssyncset.done $0x0  }
0x9a: {  	[sflag:s17] =	ssyncadd.s32 $0xFFFFD000  }
0x9b: {  	_ =	swait.ge [sflag:s18], $0x80  }
0x9c: {  	[sflag:s18] =	ssyncset.done $0x0  }
0x9d: {  	[sflag:s18] =	ssyncadd.s32 $0xFFFFFF80  }
0x9e: {  	[spmem:s2] =	stream.indirect.scatter.add.f32 [tilespmem:s9], [sflag:$0x8], $0x80, s1, s7, $0xb8;
	[tilespmem:$0x1CF00] =	vst v63  }
0x9f: {  	_ =	swait.ge [sflag:s19], $0x3000  }
0xa0: {  	[sflag:s19] =	ssyncset.done $0x0  }
0xa1: {  	s5 =	sadd.s32 s5, s23;
	[sflag:s19] =	ssyncadd.s32 $0xFFFFD000  }
0xa2: {  	[tilespmem:s31], [sflag:$0xA] =	stream.linear.gather [hbm4b:s5+s3], $0x80, $0x38;
	[tilespmem:$0x1CF00] =	vst v63  }
0xa3: {  	_ =	swait.ge [sflag:s0], $0x80  }
0xa4: {  	[sflag:s0] =	ssyncset.done $0x0  }
0xa5: {  	s16 =	rddreg [dreg:$0x11];
	[sflag:s0] =	ssyncadd.s32 $0xFFFFFF80  }
0xa6: {  	[tilespmem:s25], [sflag:$0x1] =	stream.indirect.gather [hbm4b:s4+s7], $0x80, s28, s7, $0xb8;
	[tilespmem:$0x1CF00] =	vst v63  }
0xa7: {  	s5 =	sadd.s32 s6, s16  }
0xa8: {  	[tilespmem:s29], [sflag:$0x5] =	stream.linear.gather [hbm4b:s5+s3], $0x80, $0x38;
	[tilespmem:$0x1CF00] =	vst v63  }
0xa9: {  	_ =	swait.ge [sflag:s20], $0x3000  }
0xaa: {  	[sflag:s20] =	ssyncset.done $0x0  }
0xab: {  	[sflag:s20] =	ssyncadd.s32 $0xFFFFD000  }
0xac: {  	_ =	swait.ge [sflag:s22], $0x80  }
0xad: {  	[sflag:s22] =	ssyncset.done $0x0  }
0xae: {  	[sflag:s22] =	ssyncadd.s32 $0xFFFFFF80  }
0xaf: {  	[spmem:s2] =	stream.indirect.scatter.add.f32 [tilespmem:s15], [sflag:$0x9], $0x80, s12, s7, $0xb8;
	[tilespmem:$0x1CF00] =	vst v63  }
0xb0: {  	_ =	swait.ge [sflag:s13], $0x3000  }
0xb1: {  	[sflag:s13] =	ssyncset.done $0x0  }
0xb2: {  	s5 =	sadd.s32 $0x10, s5;
	[sflag:s13] =	ssyncadd.s32 $0xFFFFD000  }
0xb3: {  	[tilespmem:s1], [sflag:$0xB] =	stream.linear.gather [hbm4b:s5+s3], $0x80, $0x38;
	[tilespmem:$0x1CF00] =	vst v63  }
0xb4: {  	_ =	swait.ge [sflag:s8], $0x80  }
.Ltmp4:
0xb5: {  	[sflag:s8] =	ssyncset.done $0x0;
	(pc) =	sbr.rel .LBB2_4-.Ltmp4, $4  }
0xb6: {  	s16 =	rddreg [dreg:$0x13];
	[sflag:s8] =	ssyncadd.s32 $0xFFFFFF80  }
0xb7: {  	[tilespmem:s9], [sflag:$0x2] =	stream.indirect.gather [hbm4b:s4+s7], $0x80, s29, s7, $0xb8;
	[tilespmem:$0x1CF00] =	vst v63  }
0xb8: {  	s26 =	sadd.s32 $0x300, s26;
	s5 =	sadd.s32 s6, s16;
	s6 =	sadd.s32 $0x60, s6  }
0xb9: {  	[tilespmem:s30], [sflag:$0x6] =	stream.linear.gather [hbm4b:s5+s3], $0x80, $0x38;
	[tilespmem:$0x1CF00] =	vst v63  }
.LBB2_7:
0xba: {  	_ =	sfence.sel $0x180000  }
0xbb: {  	[bflag:$0x0] =	sbarrier.arrive $0xFFFF  }
0xbc: {  	_ =	strace $0x9000004A  }
0xbd: {  	s0 =	stileid.u32;
	[bflag:$0x2] =	sbarrier.arrive $0xFFFF  }
0xbe: {  	p0 =	sne.s32 s0, $0x0;
	s0 =	rddreg [dreg:$0x2]  }
0xbf: {  	s0 =	sadd.s32 @!p0 $0x100000, s0  }
0xc0: {  	[sflag:s0] =	ssyncadd.tile.s32 @!p0 $0x1;
	_ =	shalt  }
.Lfunc_end2:
_tile_overlayer_lowered:
.L_overlay_start_2:
0xc1: {  	(tag) =	ssettag $0x2  }
0xc2: {  	s0 =	rddreg [dreg:$0x0];
	s2 =	stileid.u32  }
0xc3: {  	s1 =	rddreg [dreg:$0x1];
	p0 =	sne.s32 s2, $0x0  }
0xc4: {  	s3 =	rddreg [dreg:$0x2];
	[bflag:$0x3] =	sbarrier.arrive $0xFFFF;
	s2 =	simm.s32 @!p0 $0x1C0D  }
0xc5: {  	[timem:s3], [sflag:s2] =	dma.local @!p0 [hbm:s0], s1  }
0xc6: {  	s0 =	simm.s32 @!p0 $0xD  }
0xc7: {  	_ =	swait.ge @!p0 [sflag:s0], s1  }
0xc8: {  	s1 =	ssub.s32 @!p0 $0x0, s1;
	[sflag:s0] =	ssyncset.done @!p0 $0x0  }
0xc9: {  	[sflag:s0] =	ssyncadd.s32 @!p0 s1  }
0xca: {  	[bflag:$0x3] =	sbarrier.arrive $0xFFFF  }
0xcb: {  	_ =	shalt  }

// kernel: kernel.16.cloned.1.call-start
scs
__scs_entry_jumppad:
0x0: {  	(pc) =	sbr.rel $0x88, $3  }
0x1: {  	(tag) =	ssettag $0x0;
	lr =	simm.s32 $0x1  }
0x2: {  	[smem:$0x3F89] =	sst lr;
	_ =	strace $0xD0000000  }
0x3: {  	_ = 	snop  }
0x4: {  	_ = 	snop  }
0x5: {  	_ = 	snop  }
0x6: {  	_ = 	snop  }
0x7: {  	_ = 	snop  }
__scs_overlays_trampoline_lowered:
0x8: {  	[smem:$0x3F98] =	sst s0  }
0x9: {  	[smem:$0x3F99] =	sst s1  }
0xa: {  	[smem:$0x3F9A] =	sst s2  }
0xb: {  	[smem:$0x3F9B] =	sst s3  }
0xc: {  	[smem:$0x3F9C] =	sst s4  }
0xd: {  	[smem:$0x3F9D] =	sst s5  }
0xe: {  	[smem:$0x3F9E] =	sst s6  }
0xf: {  	[smem:$0x3F9F] =	sst s7  }
0x10: {  	[smem:$0x3FA0] =	sst s8  }
0x11: {  	[smem:$0x3FA1] =	sst s9;
	s0 =	simm.s32 @!p0 $0x0  }
0x12: {  	s1 =	sld [smem:$0x3F87];
	s0 =	simm.s32 @p0 $0x1  }
0x13: {  	[smem:$0x3FA2] =	sst s0;
	s0 =	simm.s32 @!p1 $0x0  }
0x14: {  	s2 =	sld [smem:$0x3F86];
	s0 =	simm.s32 @p1 $0x1  }
0x15: {  	[smem:$0x3FA3] =	sst s0;
	s0 =	simm.s32 @!p2 $0x0  }
0x16: {  	s3 =	sld [smem:$0x3FDB];
	s0 =	simm.s32 @p2 $0x1  }
0x17: {  	s4 =	simm.s32 $0x1BF5;
	[smem:$0x3FA5] =	sst s0  }
0x18: {  	s0 =	sld [smem:$0x3F88];
	_ =	swait.ge [sflag:s4], $0x0  }
0x19: {  	s7 =	sld [smem:$0x3F89]  }
0x1a: {  	s8 =	sadd.s32 $0xFFFFE003, lr  }
0x1b: {  	s9 =	sadd.s32 $0xFFFFFEF7, lr;
	s5 =	simm.s32 $0xFFFFFFFF;
	p2 =	slt.u32 s8, $0xFFFFF086  }
0x1c: {  	p1 =	slt.u32 s9, $0xF7A;
	s5 =	simm.s32 @!p2 $0x0  }
0x1d: {  	s5 =	simm.s32 @p1 $0x1;
	p0 =	seq.s32 s7, s2  }
0x1e: {  	s7 =	smul.u32 @!p0 $0xF7A, s2;
	p2 =	seq.s32 @!p0 s5, $0x0  }
0x1f: {  	s9 =	smul.u32 $0xF7A, s1;
	s8 =	simm.s32 @!p0 $0x1BF5;
	p2 =	por !p2, p0  }
0x20: {  	[sflag:s8] =	ssyncset.s32 @!p0 $0xFFFFF086;
	s6 =	sadd.s32 @!p0 s3, s7;
	s7 =	simm.s32 @!p0 $0x108  }
0x21: {  	s3 =	sadd.s32 s3, s9;
	s6 =	sadd.s32 @!p0 $0x88, s6;
	s7 =	simm.s32 @p2 $0x1082  }
0x22: {  	[simem:s7], [sflag:s8] =	dma.local @!p0 [hbm:s6], $0xF7A  }
0x23: {  	s9 =	sor.u32 $0xD0000000, s2;
	s6 =	simm.s32 $0x108;
	_ =	swait.ge @!p0 [sflag:s8], $0x0  }
0x24: {  	s3 =	sadd.s32 $0x88, s3;
	s6 =	simm.s32 @!p1 $0x1082;
	[sflag:s4] =	ssyncset.s32 $0xFFFFF086  }
0x25: {  	[simem:s6], [sflag:s4] =	dma.local [hbm:s3], $0xF7A  }
0x26: {  	[smem:$0x3F89] =	sst s1;
	(tag) =	ssettag s2;
	_ =	strace s9  }
0x27: {  	s1 =	sld [smem:$0x3F99]  }
0x28: {  	s2 =	sld [smem:$0x3F9A]  }
0x29: {  	s4 =	sld [smem:$0x3F9C]  }
0x2a: {  	p0 =	seq.s32 s5, $0x0;
	s5 =	sld [smem:$0x3F9D]  }
0x2b: {  	s6 =	sld [smem:$0x3F9E]  }
0x2c: {  	s7 =	sld [smem:$0x3F9F]  }
0x2d: {  	s3 =	simm.s32 $0x108;
	s8 =	sld [smem:$0x3FA0]  }
0x2e: {  	s3 =	simm.s32 @!p0 $0x1082;
	s9 =	sld [smem:$0x3FA1]  }
0x2f: {  	lr =	sadd.s32 s0, s3;
	s0 =	sld [smem:$0x3F98]  }
0x30: {  	s3 =	sld [smem:$0x3F9B]  }
0x31: {  	[smem:$0x3FA4] =	sst s10  }
0x32: {  	s10 =	sld [smem:$0x3FA2];
	_ =	sdelay $0x3  }
0x33: {  	p0 =	seq.s32 s10, $0x1;
	s10 =	sld [smem:$0x3FA4];
	_ =	sdelay $0x3  }
0x34: {  	[smem:$0x3FA4] =	sst s10  }
0x35: {  	s10 =	sld [smem:$0x3FA3];
	_ =	sdelay $0x3  }
0x36: {  	p1 =	seq.s32 s10, $0x1;
	s10 =	sld [smem:$0x3FA4];
	_ =	sdelay $0x3  }
0x37: {  	[smem:$0x3FA4] =	sst s10  }
0x38: {  	s10 =	sld [smem:$0x3FA5]  }
0x39: {  	_ = 	snop;
	(pc) =	sbr.ind lr, $3  }
0x3a: {  	_ = 	snop  }
0x3b: {  	_ = 	snop  }
0x3c: {  	p2 =	seq.s32 s10, $0x1;
	s10 =	sld [smem:$0x3FA4]  }
0x3d: {  	_ =	shalt  }
0x3e: {  	_ =	shalt  }
0x3f: {  	_ =	shalt  }
0x40: {  	_ =	shalt  }
0x41: {  	_ =	shalt  }
0x42: {  	_ =	shalt  }
0x43: {  	_ =	shalt  }
0x44: {  	_ =	shalt  }
0x45: {  	_ =	shalt  }
0x46: {  	_ =	shalt  }
0x47: {  	_ =	shalt  }
0x48: {  	_ =	shalt  }
0x49: {  	_ =	shalt  }
0x4a: {  	_ =	shalt  }
0x4b: {  	_ =	shalt  }
0x4c: {  	_ =	shalt  }
0x4d: {  	_ =	shalt  }
0x4e: {  	_ =	shalt  }
0x4f: {  	_ =	shalt  }
0x50: {  	_ =	shalt  }
0x51: {  	_ =	shalt  }
0x52: {  	_ =	shalt  }
0x53: {  	_ =	shalt  }
0x54: {  	_ =	shalt  }
0x55: {  	_ =	shalt  }
0x56: {  	_ =	shalt  }
0x57: {  	_ =	shalt  }
0x58: {  	_ =	shalt  }
0x59: {  	_ =	shalt  }
0x5a: {  	_ =	shalt  }
0x5b: {  	_ =	shalt  }
0x5c: {  	_ =	shalt  }
0x5d: {  	_ =	shalt  }
0x5e: {  	_ =	shalt  }
0x5f: {  	_ =	shalt  }
0x60: {  	_ =	shalt  }
0x61: {  	_ =	shalt  }
0x62: {  	_ =	shalt  }
0x63: {  	_ =	shalt  }
0x64: {  	_ =	shalt  }
0x65: {  	_ =	shalt  }
0x66: {  	_ =	shalt  }
0x67: {  	_ =	shalt  }
0x68: {  	_ =	shalt  }
0x69: {  	_ =	shalt  }
0x6a: {  	_ =	shalt  }
0x6b: {  	_ =	shalt  }
0x6c: {  	_ =	shalt  }
0x6d: {  	_ =	shalt  }
0x6e: {  	_ =	shalt  }
0x6f: {  	_ =	shalt  }
0x70: {  	_ =	shalt  }
0x71: {  	_ =	shalt  }
0x72: {  	_ =	shalt  }
0x73: {  	_ =	shalt  }
0x74: {  	_ =	shalt  }
0x75: {  	_ =	shalt  }
0x76: {  	_ =	shalt  }
0x77: {  	_ =	shalt  }
0x78: {  	_ =	shalt  }
0x79: {  	_ =	shalt  }
0x7a: {  	_ =	shalt  }
0x7b: {  	_ =	shalt  }
0x7c: {  	_ =	shalt  }
0x7d: {  	_ =	shalt  }
0x7e: {  	_ =	shalt  }
0x7f: {  	_ =	shalt  }
0x80: {  	_ =	shalt  }
0x81: {  	_ =	shalt  }
0x82: {  	_ =	shalt  }
0x83: {  	_ =	shalt  }
0x84: {  	_ =	shalt  }
0x85: {  	_ =	shalt  }
0x86: {  	_ =	shalt  }
0x87: {  	_ =	shalt  }
.Lfunc_end0:
.L_simem_size_0:
called_computation.2_lowered:
.L_overlay_start_0:
0x88: {  	s2 =	sld [smem:$0x3FD9]  }
0x89: {  	s3 =	sld [smem:$0x3FFE];
	_ =	sdelay $0x1  }
0x8a: {  	s1 =	srdreg.scid  }
0x8b: {  	s0 =	sand.u32 $0x1, s1  }
0x8c: {  	s16 =	sshll.u32 s0, $0xA;
	s2 =	sadd.s32 s3, s2  }
0x8d: {  	s2 =	sadd.s32 s2, s16  }
0x8e: {  	[smem:$0x3FB0] =	sst s2  }
0x8f: {  	_ = 	snop  }
0x90: {  	(tm) =	ssettm $0x1  }
0x91: {  	s17 =	sld [smem:$0x3FFB];
	_ =	sdelay $0x3  }
0x92: {  	_ =	strace s17  }
0x93: {  	s2 =	sld [smem:$0x3FFC];
	_ =	sdelay $0x3  }
0x94: {  	_ =	strace s2  }
0x95: {  	s2 =	sld [smem:$0x3FFD];
	_ =	sdelay $0x3  }
0x96: {  	_ =	strace s2  }
0x97: {  	_ =	strace $0x8FFFFFFF  }
0x98: {  	s18 =	sld [smem:$0x3FDB];
	_ =	sdelay $0x1  }
0x99: {  	s19 =	simm.s32 $_scs_section_size  }
0x9a: {  	s4 =	simm.s32 $_size__tile_overlayer_lowered;
	s5 =	simm.s32 $_tile_overlayer_lowered  }
0x9b: {  	s22 =	simm.s32 $0x1BFF;
	s21 =	sshll.u32 s5, $0x1;
	s2 =	sadd.s32 s19, s18  }
0x9c: {  	s6 =	simm.s32 $0x0;
	s20 =	sshll.u32 s4, $0x1;
	s4 =	sadd.s32 s21, s2  }
0x9d: {  	[timem:s6], [sflag:s22] =	dma.local [hbm:s4], s20  }
0x9e: {  	_ =	swait.ge [sflag:s22], s20  }
0x9f: {  	s3 =	ssub.s32 $0x0, s20;
	[sflag:s22] =	ssyncset.done $0x0  }
0xa0: {  	[sflag:s22] =	ssyncadd.s32 s3;
	_ =	sdelay $0x1  }
0xa1: {  	s23 =	simm.s32 $0x1B8B  }
0xa2: {  	_ =	swait.ge [sflag:s23], $0x1  }
0xa3: {  	[sflag:s23] =	ssyncset.done $0x0  }
0xa4: {  	s25 =	simm.s32 $0x1B8E;
	s24 =	sld [smem:$0x3FFE];
	[sflag:s23] =	ssyncadd.s32 $0xFFFFFFFF  }
0xa5: {  	s26 =	simm.s32 $execute0_lowered;
	[smem:$0x3FD2] =	sst s25  }
0xa6: {  	s4 =	sshll.u32 s26, $0x1;
	_ =	strace $0x8000004C;
	[dreg:$0x1] =	wrdreg $0xFFFFFFFF  }
0xa7: {  	s28 =	simm.s32 $_size_execute0_lowered;
	s2 =	sadd.s32 s2, s4;
	[dreg:$0x0] =	wrdreg $0x0  }
0xa8: {  	s4 =	sshll.u32 s28, $0x1;
	[dreg:$0x2] =	wrdreg s2  }
0xa9: {  	[dreg:$0x3] =	wrdreg s4  }
0xaa: {  	[dreg:$0x4] =	wrdreg $0xC0  }
0xab: {  	_ =	task [dreg:s6], $0x5FFFF  }
0xac: {  	[dreg:$0x1] =	wrdreg $0xFFFFFFFF  }
0xad: {  	[dreg:$0x0] =	wrdreg $0x60  }
0xae: {  	[dreg:$0x2] =	wrdreg s24  }
0xaf: {  	[dreg:$0x3] =	wrdreg $0x0  }
0xb0: {  	[dreg:$0x4] =	wrdreg $0x9  }
0xb1: {  	_ =	task.clear_ibuf [dreg:s6], $0x5FFFF;
	_ =	strace $0x9000004C  }
0xb2: {  	s29 =	simm.s32 $0x9;
	_ =	strace $0x8000004E  }
0xb3: {  	_ =	swait.ge [sflag:s29], $0x1  }
0xb4: {  	[sflag:s29] =	ssyncadd.s32 $0xFFFFFFFF  }
0xb5: {  	_ =	strace $0x9000004E  }
0xb6: {  	_ =	sfence  }
0xb7: {  	s30 =	sld [smem:$0x0];
	_ =	sdelay $0x2  }
0xb8: {  	s31 =	sshll.u32 s1, $0xD;
	s1 =	sshrl.u32 s1, $0x2  }
0xb9: {  	s3 =	sand.u32 $0x4000, s31;
	s1 =	sadd.s32 s1, s30  }
0xba: {  	s0 =	sor.u32 s3, s0;
	s1 =	sshll.u32 s1, $0x11  }
0xbb: {  	s0 =	sor.u32 s1, s0  }
0xbc: {  	s0 =	sadd.s32 $0x8F2B, s0  }
0xbd: {  	[sflag:s0] =	ssyncadd.remote.s32 $0x1  }
0xbe: {  	_ =	sfence.sel $0xFFFF  }
0xbf: {  	[dreg:$0x0] =	wrdreg $0xFFFFFFFF;
	(pc) =	sbr.abs _section_cstart, $3  }
0xc0: {  	[dreg:$0x1] =	wrdreg $0xFFFFFFFF  }
0xc1: {  	_ =	task.clear_ibuf [dreg:s6], $0x2FFFF;
	_ =	strace $0x9FFFFFFF  }
0xc2: {  	(tm) =	ssettm $0x7FFFFFFF  }
0xc3: {  	_ =	shalt  }
tec
execute0_lowered:
.L_overlay_start_1:
0x0: {  	(tag) =	ssettag $0x1  }
0x1: {  	s0 =	srdreg.scid;
	s1 =	rddreg [dreg:$0x0]  }
0x2: {  	s11 =	stileid.u32;
	s2 =	rddreg [dreg:$0x1];
	s3 =	simm.s32 $0x0  }
0x3: {  	s28 =	simm.s32 $0x13C00;
	s29 =	simm.s32 $0x13C80;
	s5 =	smul.u32 $0x13C00, s11  }
0x4: {  	s30 =	simm.s32 $0x13D00;
	s31 =	simm.s32 $0x13D80;
	s7 =	smul.u32 $0x4F000, s11  }
0x5: {  	s0 =	sand.u32 $0x1, s0;
	[smem:$0x7FF] =	sst s3;
	s14 =	smul.u32 $0x6900, s11  }
0x6: {  	s17 =	sadd.s32 $0x5210, s1;
	s4 =	smul.u32 $0x140000, s0;
	_ =	strace $0x8000004D  }
0x7: {  	s8 =	ssub.s32 $0x2, s0;
	s9 =	sshll.u32 s0, $0x4;
	s0 =	smul.u32 $0x69000, s0  }
0x8: {  	s7 =	sshrl.u32 s7, $0x2;
	s10 =	sshrl.u32 s8, $0x1;
	s9 =	sor.u32 s11, s9  }
0x9: {  	s11 =	simm.s32 $0xA;
	s4 =	sadd.s32 s5, s4;
	s5 =	sadd.s32 $0x5200, s1  }
0xa: {  	s12 =	sadd.s32 s7, s2;
	s21 =	ssub.s32 s8, s10;
	s23 =	smul.u32 $0x6900, s9  }
0xb: {  	s0 =	sadd.s32 s14, s0;
	s22 =	sadd.s32 $0x3000, s12;
	[dreg:$0x3] =	wrdreg s12  }
0xc: {  	s7 =	simm.s32 $0x60;
	s24 =	sadd.s32 $0x6000, s12;
	[dreg:$0x4] =	wrdreg s22  }
0xd: {  	s9 =	simm.s32 $0x16F00;
	s25 =	sadd.s32 $0x9000, s12;
	[dreg:$0x5] =	wrdreg s24  }
0xe: {  	s14 =	simm.s32 $0x6;
	s26 =	sadd.s32 $0xC000, s12;
	[dreg:$0x6] =	wrdreg s25  }
0xf: {  	s6 =	sshrl.u32 s4, $0x3;
	s10 =	sadd.s32 $0xF000, s12;
	[dreg:$0x7] =	wrdreg s26  }
0x10: {  	s4 =	sadd.s32 $0x1F600, s1;
	s12 =	sadd.s32 $0x12000, s12;
	[dreg:$0x8] =	wrdreg s10  }
0x11: {  	s20 =	smax.u32 s21, $0x1;
	s21 =	sadd.s32 $0x400, s0;
	[dreg:$0x9] =	wrdreg s12  }
0x12: {  	s6 =	sadd.s32 s6, s1;
	s8 =	sshrl.u32 s23, $0x3;
	[dreg:$0x10] =	wrdreg s20  }
0x13: {  	s22 =	sadd.s32 $0x500, s0;
	s23 =	sadd.s32 $0x200, s0;
	s0 =	sadd.s32 $0x300, s0  }
0x14: {  	s10 =	simm.s32 $0x1;
	s12 =	simm.s32 $0x13E80;
	s20 =	simm.s32 $0x3  }
0x15: {  	s13 =	sadd.s32 s5, s8;
	s1 =	sadd.s32 s8, s17;
	s19 =	sadd.s32 $0x47600, s6  }
0x16: {  	s24 =	sshrl.u32 s22, $0x3;
	s25 =	sshrl.u32 s23, $0x3;
	[dreg:$0x12] =	wrdreg s0  }
0x17: {  	s23 =	smov.u32 s17;
	s0 =	simm.s32 $0x4;
	s8 =	simm.s32 $0x5  }
0x18: {  	s22 =	simm.s32 $0xC;
	s6 =	simm.s32 $0x0;
	[dreg:$0xd] =	wrdreg s1  }
0x19: {  	s15 =	sadd.s32 $0x20, s13;
	s16 =	sadd.s32 $0x40, s13;
	[dreg:$0xa] =	wrdreg s13  }
0x1a: {  	s18 =	sadd.s32 $0x30, s13;
	[dreg:$0xf] =	wrdreg s19;
	s1 =	sshrl.u32 s21, $0x3  }
0x1b: {  	s21 =	smov.u32 s5;
	s26 =	sadd.s32 s24, s5;
	s24 =	sadd.s32 s25, s17  }
.Ltmp0:
0x1c: {  	s25 =	simm.s32 $0x13F00;
	[dreg:$0xb] =	wrdreg s15;
	(pc) =	sbr.rel .LBB2_1-.Ltmp0, $4  }
0x1d: {  	s17 =	simm.s32 $0x2;
	s19 =	simm.s32 $0x7;
	[dreg:$0xc] =	wrdreg s16  }
0x1e: {  	s13 =	simm.s32 $0x8;
	[dreg:$0xe] =	wrdreg s18;
	s1 =	sadd.s32 s1, s5  }
0x1f: {  	[dreg:$0x13] =	wrdreg s26;
	s16 =	simm.s32 $0xD;
	s15 =	simm.s32 $0x19F00  }
0x20: {  	v0 =	vimm.f32 $0.0e+00;
	s18 =	simm.s32 $0xB;
	[dreg:$0x11] =	wrdreg s1;
	s1 =	simm.s32 $0x13E00  }
.LBB2_6:
0x21: {  	_ =	swait.ge [sflag:s17], $0x3000  }
0x22: {  	[sflag:s17] =	ssyncset.done $0x0  }
0x23: {  	[sflag:s17] =	ssyncadd.s32 $0xFFFFD000  }
0x24: {  	_ =	swait.ge [sflag:s18], $0x80  }
0x25: {  	[sflag:s18] =	ssyncset.done $0x0  }
0x26: {  	[sflag:s18] =	ssyncadd.s32 $0xFFFFFF80  }
0x27: {  	[spmem:s2] =	stream.indirect.scatter.add.f32 [tilespmem:s9], [sflag:$0x8], $0x80, s1, s7, $0xb8;
	[tilespmem:$0x1CF00] =	vst v63  }
0x28: {  	_ =	swait.ge [sflag:s19], $0x3000  }
0x29: {  	[sflag:s19] =	ssyncset.done $0x0  }
0x2a: {  	[sflag:s19] =	ssyncadd.s32 $0xFFFFD000  }
0x2b: {  	_ =	swait.ge [sflag:s20], $0x3000  }
0x2c: {  	[sflag:s20] =	ssyncset.done $0x0  }
0x2d: {  	[sflag:s20] =	ssyncadd.s32 $0xFFFFD000  }
0x2e: {  	_ =	swait.ge [sflag:s22], $0x80  }
0x2f: {  	[sflag:s22] =	ssyncset.done $0x0  }
0x30: {  	[sflag:s22] =	ssyncadd.s32 $0xFFFFFF80  }
0x31: {  	[spmem:s2] =	stream.indirect.scatter.add.f32 [tilespmem:s15], [sflag:$0x9], $0x80, s12, s7, $0xb8;
	[tilespmem:$0x1CF00] =	vst v63  }
0x32: {  	_ =	swait.ge [sflag:s13], $0x3000  }
0x33: {  	[sflag:s13] =	ssyncset.done $0x0  }
0x34: {  	s5 =	simm.s32 $0x9;
	[sflag:s13] =	ssyncadd.s32 $0xFFFFD000  }
0x35: {  	_ =	swait.ge [sflag:s5], $0x3000  }
0x36: {  	[sflag:s5] =	ssyncset.done $0x0  }
0x37: {  	[sflag:s5] =	ssyncadd.s32 $0xFFFFD000  }
0x38: {  	s26 =	stileid.u32;
	[bflag:$0x0] =	sbarrier.arrive $0xFFFF  }
0x39: {  	s5 =	sshll.u32 s26, $0x6;
	s6 =	rddreg [dreg:$0x3]  }
0x3a: {  	s5 =	sor.u32 $0x1C0D, s5;
	s16 =	rddreg [dreg:$0xf];
	s6 =	sshrl.u32 s6, $0x3  }
0x3b: {  	[hbm:s16], [sflag:s5] =	dma.local [spmem:s6], $0x2780  }
0x3c: {  	s16 =	simm.s32 $0xD  }
0x3d: {  	_ =	swait.ge [sflag:s16], $0x2780  }
0x3e: {  	s5 =	rddreg [dreg:$0x14]  }
0x3f: {  	s26 =	rddreg [dreg:$0x10];
	s6 =	sadd.s32 $0x1, s5  }
0x40: {  	p0 =	sne.s32 s6, s26  }
.Ltmp1:
0x41: {  	_ = 	snop;
	(pc) =	sbr.rel @!p0 .LBB2_7-.Ltmp1, $3  }
0x42: {  	_ =	sdelay $0x1  }
0x43: {  	[sflag:s16] =	ssyncset.done $0x0  }
0x44: {  	[sflag:s16] =	ssyncadd.s32 $0xFFFFD880  }
.LBB2_1:
0x45: {  	[dreg:$0x14] =	wrdreg s6;
	s6 =	simm.s32 $0x0;
	s26 =	simm.s32 $0x200  }
.LBB2_2:
0x46: {  	p0 =	sne.s32 s26, $0xBE00;
	[tilespmem:s6+$0x13F70] =	vst v0  }
0x47: {  	[tilespmem:s6+$0x13F00] =	vst v0  }
0x48: {  	[tilespmem:s6+$0x13F10] =	vst v0  }
.Ltmp2:
0x49: {  	[tilespmem:s6+$0x13F20] =	vst v0;
	(pc) =	sbr.rel @p0 .LBB2_2-.Ltmp2, $4  }
0x4a: {  	[tilespmem:s6+$0x13F30] =	vst v0  }
0x4b: {  	[tilespmem:s6+$0x13F40] =	vst v0  }
0x4c: {  	[tilespmem:s6+$0x13F50] =	vst v0  }
0x4d: {  	[tilespmem:s6+$0x13F60] =	vst v0;
	s6 =	sshra.s32 s26, $0x2;
	s26 =	sadd.s32 $0x200, s26  }
0x4e: {  	[tilespmem:s6+$0x13F70] =	vst v0  }
0x4f: {  	[tilespmem:s6+$0x13F00] =	vst v0  }
0x50: {  	[tilespmem:s6+$0x13F10] =	vst v0  }
0x51: {  	[tilespmem:s6+$0x13F20] =	vst v0  }
0x52: {  	[tilespmem:s6+$0x13F30] =	vst v0  }
0x53: {  	[tilespmem:s6+$0x13F40] =	vst v0  }
0x54: {  	[tilespmem:s6+$0x13F50] =	vst v0  }
0x55: {  	[tilespmem:s6+$0x13F60] =	vst v0;
	s5 =	rddreg [dreg:$0x3]  }
0x56: {  	[spmem:s5] =	stream.linear.scatter [tilespmem:s25], [sflag:$0xD], $0x3000, $0x38;
	[tilespmem:$0x1CF00] =	vst v63  }
0x57: {  	_ =	swait.ge [sflag:s16], $0x3000  }
0x58: {  	[sflag:s16] =	ssyncset.done $0x0  }
0x59: {  	s26 =	rddreg [dreg:$0x4];
	[sflag:s16] =	ssyncadd.s32 $0xFFFFD000  }
0x5a: {  	[spmem:s26] =	stream.linear.scatter [tilespmem:s25], [sflag:$0xD], $0x3000, $0x38;
	[tilespmem:$0x1CF00] =	vst v63  }
0x5b: {  	_ =	swait.ge [sflag:s16], $0x3000  }
0x5c: {  	[sflag:s16] =	ssyncset.done $0x0  }
0x5d: {  	s6 =	rddreg [dreg:$0x5];
	[sflag:s16] =	ssyncadd.s32 $0xFFFFD000  }
0x5e: {  	[spmem:s6] =	stream.linear.scatter [tilespmem:s25], [sflag:$0xD], $0x3000, $0x38;
	[tilespmem:$0x1CF00] =	vst v63  }
0x5f: {  	_ =	swait.ge [sflag:s16], $0x3000  }
0x60: {  	[sflag:s16] =	ssyncset.done $0x0  }
0x61: {  	s26 =	rddreg [dreg:$0x6];
	[sflag:s16] =	ssyncadd.s32 $0xFFFFD000  }
0x62: {  	[spmem:s26] =	stream.linear.scatter [tilespmem:s25], [sflag:$0xD], $0x3000, $0x38;
	[tilespmem:$0x1CF00] =	vst v63  }
0x63: {  	_ =	swait.ge [sflag:s16], $0x3000  }
0x64: {  	[sflag:s16] =	ssyncset.done $0x0  }
0x65: {  	s6 =	rddreg [dreg:$0x7];
	[sflag:s16] =	ssyncadd.s32 $0xFFFFD000  }
0x66: {  	[spmem:s6] =	stream.linear.scatter [tilespmem:s25], [sflag:$0xD], $0x3000, $0x38;
	[tilespmem:$0x1CF00] =	vst v63  }
0x67: {  	_ =	swait.ge [sflag:s16], $0x3000  }
0x68: {  	[sflag:s16] =	ssyncset.done $0x0  }
0x69: {  	s26 =	rddreg [dreg:$0x8];
	[sflag:s16] =	ssyncadd.s32 $0xFFFFD000  }
0x6a: {  	[spmem:s26] =	stream.linear.scatter [tilespmem:s25], [sflag:$0xD], $0x3000, $0x38;
	[tilespmem:$0x1CF00] =	vst v63  }
0x6b: {  	_ =	swait.ge [sflag:s16], $0x3000  }
0x6c: {  	[sflag:s16] =	ssyncset.done $0x0  }
0x6d: {  	s6 =	rddreg [dreg:$0x9];
	[sflag:s16] =	ssyncadd.s32 $0xFFFFD000  }
0x6e: {  	[spmem:s6] =	stream.linear.scatter [tilespmem:s25], [sflag:$0xD], $0x1C00, $0x38;
	[tilespmem:$0x1CF00] =	vst v63  }
0x6f: {  	_ =	swait.ge [sflag:s16], $0x1C00  }
0x70: {  	[sflag:s16] =	ssyncset.done $0x0  }
0x71: {  	[sflag:s16] =	ssyncadd.s32 $0xFFFFE400  }
0x72: {  	[bflag:$0x0] =	sbarrier.arrive $0xFFFF  }
0x73: {  	s6 =	simm.s32 $0x0;
	s26 =	rddreg [dreg:$0xa]  }
0x74: {  	[tilespmem:s28], [sflag:$0x4] =	stream.linear.gather [hbm4b:s26+s6], $0x80, $0x38;
	[tilespmem:$0x1CF00] =	vst v63  }
0x75: {  	s16 =	rddreg [dreg:$0xb]  }
0x76: {  	[tilespmem:s29], [sflag:$0x5] =	stream.linear.gather [hbm4b:s16+s6], $0x80, $0x38;
	[tilespmem:$0x1CF00] =	vst v63  }
0x77: {  	s26 =	rddreg [dreg:$0xc]  }
0x78: {  	[tilespmem:s30], [sflag:$0x6] =	stream.linear.gather [hbm4b:s26+s6], $0x80, $0x38;
	[tilespmem:$0x1CF00] =	vst v63  }
0x79: {  	s16 =	rddreg [dreg:$0xd]  }
0x7a: {  	[tilespmem:s31], [sflag:$0xA] =	stream.linear.gather [hbm4b:s16+s6], $0x80, $0x38;
	[tilespmem:$0x1CF00] =	vst v63  }
0x7b: {  	s26 =	rddreg [dreg:$0xe]  }
0x7c: {  	[tilespmem:s1], [sflag:$0xB] =	stream.linear.gather [hbm4b:s26+s6], $0x80, $0x38;
	[tilespmem:$0x1CF00] =	vst v63  }
0x7d: {  	_ =	swait.ge [sflag:s0], $0x80  }
0x7e: {  	[sflag:s0] =	ssyncset.done $0x0  }
0x7f: {  	[sflag:s0] =	ssyncadd.s32 $0xFFFFFF80  }
0x80: {  	[tilespmem:s25], [sflag:$0x1] =	stream.indirect.gather [hbm4b:s4+s7], $0x80, s28, s7, $0xb8;
	[tilespmem:$0x1CF00] =	vst v63  }
0x81: {  	_ =	swait.ge [sflag:s8], $0x80  }
0x82: {  	[sflag:s8] =	ssyncset.done $0x0  }
0x83: {  	s26 =	rddreg [dreg:$0x12];
	[sflag:s8] =	ssyncadd.s32 $0xFFFFFF80  }
0x84: {  	[tilespmem:s9], [sflag:$0x2] =	stream.indirect.gather [hbm4b:s4+s7], $0x80, s29, s7, $0xb8;
	[tilespmem:$0x1CF00] =	vst v63  }
.LBB2_4:
0x85: {  	_ =	swait.ge [sflag:s10], $0x3000  }
0x86: {  	[sflag:s10] =	ssyncset.done $0x0  }
0x87: {  	[sflag:s10] =	ssyncadd.s32 $0xFFFFD000  }
0x88: {  	_ =	swait.ge [sflag:s11], $0x80  }
0x89: {  	p0 =	seq.s32 s6, $0x0;
	[sflag:s11] =	ssyncset.done $0x0  }
0x8a: {  	s5 =	simm.s32 @!p0 $0x9;
	[sflag:s11] =	ssyncadd.s32 $0xFFFFFF80  }
0x8b: {  	[spmem:s2] =	stream.indirect.scatter.add.f32 [tilespmem:s25], [sflag:$0x7], $0x80, s31, s7, $0xb8;
	[tilespmem:$0x1CF00] =	vst v63  }
0x8c: {  	_ =	swait.ge @!p0 [sflag:s5], $0x3000  }
0x8d: {  	[sflag:s5] =	ssyncset.done @!p0 $0x0  }
0x8e: {  	s16 =	sadd.s32 s6, s24;
	[sflag:s5] =	ssyncadd.s32 @!p0 $0xFFFFD000;
	p0 =	seq.s32 s6, $0xCC0  }
0x8f: {  	[tilespmem:s12], [sflag:$0xC] =	stream.linear.gather [hbm4b:s16+s3], $0x80, $0x38;
	[tilespmem:$0x1CF00] =	vst v63  }
.Ltmp3:
0x90: {  	_ = 	snop;
	(pc) =	sbr.rel @p0 .LBB2_6-.Ltmp3, $4  }
0x91: {  	_ =	swait.ge [sflag:s14], $0x80  }
0x92: {  	[sflag:s14] =	ssyncset.done $0x0  }
0x93: {  	[sflag:s14] =	ssyncadd.s32 $0xFFFFFF80  }
0x94: {  	[tilespmem:s15], [sflag:$0x3] =	stream.indirect.gather [hbm4b:s4+s7], $0x80, s30, s7, $0xb8;
	[tilespmem:$0x1CF00] =	vst v63  }
0x95: {  	s5 =	sshrl.u32 s26, $0x3  }
0x96: {  	s16 =	sadd.s32 s21, s5  }
0x97: {  	[tilespmem:s28], [sflag:$0x4] =	stream.linear.gather [hbm4b:s16+s3], $0x80, $0x38;
	[tilespmem:$0x1CF00] =	vst v63  }
0x98: {  	_ =	swait.ge [sflag:s17], $0x3000  }
0x99: {  	[sflag:s17] =	ssyncset.done $0x0  }
0x9a: {  	[sflag:s17] =	ssyncadd.s32 $0xFFFFD000  }
0x9b: {  	_ =	swait.ge [sflag:s18], $0x80  }
0x9c: {  	[sflag:s18] =	ssyncset.done $0x0  }
0x9d: {  	[sflag:s18] =	ssyncadd.s32 $0xFFFFFF80  }
0x9e: {  	[spmem:s2] =	stream.indirect.scatter.add.f32 [tilespmem:s9], [sflag:$0x8], $0x80, s1, s7, $0xb8;
	[tilespmem:$0x1CF00] =	vst v63  }
0x9f: {  	_ =	swait.ge [sflag:s19], $0x3000  }
0xa0: {  	[sflag:s19] =	ssyncset.done $0x0  }
0xa1: {  	s5 =	sadd.s32 s5, s23;
	[sflag:s19] =	ssyncadd.s32 $0xFFFFD000  }
0xa2: {  	[tilespmem:s31], [sflag:$0xA] =	stream.linear.gather [hbm4b:s5+s3], $0x80, $0x38;
	[tilespmem:$0x1CF00] =	vst v63  }
0xa3: {  	_ =	swait.ge [sflag:s0], $0x80  }
0xa4: {  	[sflag:s0] =	ssyncset.done $0x0  }
0xa5: {  	s16 =	rddreg [dreg:$0x11];
	[sflag:s0] =	ssyncadd.s32 $0xFFFFFF80  }
0xa6: {  	[tilespmem:s25], [sflag:$0x1] =	stream.indirect.gather [hbm4b:s4+s7], $0x80, s28, s7, $0xb8;
	[tilespmem:$0x1CF00] =	vst v63  }
0xa7: {  	s5 =	sadd.s32 s6, s16  }
0xa8: {  	[tilespmem:s29], [sflag:$0x5] =	stream.linear.gather [hbm4b:s5+s3], $0x80, $0x38;
	[tilespmem:$0x1CF00] =	vst v63  }
0xa9: {  	_ =	swait.ge [sflag:s20], $0x3000  }
0xaa: {  	[sflag:s20] =	ssyncset.done $0x0  }
0xab: {  	[sflag:s20] =	ssyncadd.s32 $0xFFFFD000  }
0xac: {  	_ =	swait.ge [sflag:s22], $0x80  }
0xad: {  	[sflag:s22] =	ssyncset.done $0x0  }
0xae: {  	[sflag:s22] =	ssyncadd.s32 $0xFFFFFF80  }
0xaf: {  	[spmem:s2] =	stream.indirect.scatter.add.f32 [tilespmem:s15], [sflag:$0x9], $0x80, s12, s7, $0xb8;
	[tilespmem:$0x1CF00] =	vst v63  }
0xb0: {  	_ =	swait.ge [sflag:s13], $0x3000  }
0xb1: {  	[sflag:s13] =	ssyncset.done $0x0  }
0xb2: {  	s5 =	sadd.s32 $0x10, s5;
	[sflag:s13] =	ssyncadd.s32 $0xFFFFD000  }
0xb3: {  	[tilespmem:s1], [sflag:$0xB] =	stream.linear.gather [hbm4b:s5+s3], $0x80, $0x38;
	[tilespmem:$0x1CF00] =	vst v63  }
0xb4: {  	_ =	swait.ge [sflag:s8], $0x80  }
.Ltmp4:
0xb5: {  	[sflag:s8] =	ssyncset.done $0x0;
	(pc) =	sbr.rel .LBB2_4-.Ltmp4, $4  }
0xb6: {  	s16 =	rddreg [dreg:$0x13];
	[sflag:s8] =	ssyncadd.s32 $0xFFFFFF80  }
0xb7: {  	[tilespmem:s9], [sflag:$0x2] =	stream.indirect.gather [hbm4b:s4+s7], $0x80, s29, s7, $0xb8;
	[tilespmem:$0x1CF00] =	vst v63  }
0xb8: {  	s26 =	sadd.s32 $0x300, s26;
	s5 =	sadd.s32 s6, s16;
	s6 =	sadd.s32 $0x60, s6  }
0xb9: {  	[tilespmem:s30], [sflag:$0x6] =	stream.linear.gather [hbm4b:s5+s3], $0x80, $0x38;
	[tilespmem:$0x1CF00] =	vst v63  }
.LBB2_7:
0xba: {  	_ =	sfence.sel $0x180000  }
0xbb: {  	[bflag:$0x0] =	sbarrier.arrive $0xFFFF  }
0xbc: {  	_ =	strace $0x9000004D  }
0xbd: {  	s0 =	stileid.u32;
	[bflag:$0x2] =	sbarrier.arrive $0xFFFF  }
0xbe: {  	p0 =	sne.s32 s0, $0x0;
	s0 =	rddreg [dreg:$0x2]  }
0xbf: {  	s0 =	sadd.s32 @!p0 $0x100000, s0  }
0xc0: {  	[sflag:s0] =	ssyncadd.tile.s32 @!p0 $0x1;
	_ =	shalt  }
.Lfunc_end2:
_tile_overlayer_lowered:
.L_overlay_start_2:
0xc1: {  	(tag) =	ssettag $0x2  }
0xc2: {  	s0 =	rddreg [dreg:$0x0];
	s2 =	stileid.u32  }
0xc3: {  	s1 =	rddreg [dreg:$0x1];
	p0 =	sne.s32 s2, $0x0  }
0xc4: {  	s3 =	rddreg [dreg:$0x2];
	[bflag:$0x3] =	sbarrier.arrive $0xFFFF;
	s2 =	simm.s32 @!p0 $0x1C0D  }
0xc5: {  	[timem:s3], [sflag:s2] =	dma.local @!p0 [hbm:s0], s1  }
0xc6: {  	s0 =	simm.s32 @!p0 $0xD  }
0xc7: {  	_ =	swait.ge @!p0 [sflag:s0], s1  }
0xc8: {  	s1 =	ssub.s32 @!p0 $0x0, s1;
	[sflag:s0] =	ssyncset.done @!p0 $0x0  }
0xc9: {  	[sflag:s0] =	ssyncadd.s32 @!p0 s1  }
0xca: {  	[bflag:$0x3] =	sbarrier.arrive $0xFFFF  }
0xcb: {  	_ =	shalt  }

// kernel: kernel.19.cloned.1.call-start
scs
__scs_entry_jumppad:
0x0: {  	(pc) =	sbr.rel $0x88, $3  }
0x1: {  	(tag) =	ssettag $0x0;
	lr =	simm.s32 $0x1  }
0x2: {  	[smem:$0x3F89] =	sst lr;
	_ =	strace $0xD0000000  }
0x3: {  	_ = 	snop  }
0x4: {  	_ = 	snop  }
0x5: {  	_ = 	snop  }
0x6: {  	_ = 	snop  }
0x7: {  	_ = 	snop  }
__scs_overlays_trampoline_lowered:
0x8: {  	[smem:$0x3F98] =	sst s0  }
0x9: {  	[smem:$0x3F99] =	sst s1  }
0xa: {  	[smem:$0x3F9A] =	sst s2  }
0xb: {  	[smem:$0x3F9B] =	sst s3  }
0xc: {  	[smem:$0x3F9C] =	sst s4  }
0xd: {  	[smem:$0x3F9D] =	sst s5  }
0xe: {  	[smem:$0x3F9E] =	sst s6  }
0xf: {  	[smem:$0x3F9F] =	sst s7  }
0x10: {  	[smem:$0x3FA0] =	sst s8  }
0x11: {  	[smem:$0x3FA1] =	sst s9;
	s0 =	simm.s32 @!p0 $0x0  }
0x12: {  	s1 =	sld [smem:$0x3F87];
	s0 =	simm.s32 @p0 $0x1  }
0x13: {  	[smem:$0x3FA2] =	sst s0;
	s0 =	simm.s32 @!p1 $0x0  }
0x14: {  	s2 =	sld [smem:$0x3F86];
	s0 =	simm.s32 @p1 $0x1  }
0x15: {  	[smem:$0x3FA3] =	sst s0;
	s0 =	simm.s32 @!p2 $0x0  }
0x16: {  	s3 =	sld [smem:$0x3FDB];
	s0 =	simm.s32 @p2 $0x1  }
0x17: {  	s4 =	simm.s32 $0x1BF5;
	[smem:$0x3FA5] =	sst s0  }
0x18: {  	s0 =	sld [smem:$0x3F88];
	_ =	swait.ge [sflag:s4], $0x0  }
0x19: {  	s7 =	sld [smem:$0x3F89]  }
0x1a: {  	s8 =	sadd.s32 $0xFFFFE003, lr  }
0x1b: {  	s9 =	sadd.s32 $0xFFFFFEF7, lr;
	s5 =	simm.s32 $0xFFFFFFFF;
	p2 =	slt.u32 s8, $0xFFFFF086  }
0x1c: {  	p1 =	slt.u32 s9, $0xF7A;
	s5 =	simm.s32 @!p2 $0x0  }
0x1d: {  	s5 =	simm.s32 @p1 $0x1;
	p0 =	seq.s32 s7, s2  }
0x1e: {  	s7 =	smul.u32 @!p0 $0xF7A, s2;
	p2 =	seq.s32 @!p0 s5, $0x0  }
0x1f: {  	s9 =	smul.u32 $0xF7A, s1;
	s8 =	simm.s32 @!p0 $0x1BF5;
	p2 =	por !p2, p0  }
0x20: {  	[sflag:s8] =	ssyncset.s32 @!p0 $0xFFFFF086;
	s6 =	sadd.s32 @!p0 s3, s7;
	s7 =	simm.s32 @!p0 $0x108  }
0x21: {  	s3 =	sadd.s32 s3, s9;
	s6 =	sadd.s32 @!p0 $0x88, s6;
	s7 =	simm.s32 @p2 $0x1082  }
0x22: {  	[simem:s7], [sflag:s8] =	dma.local @!p0 [hbm:s6], $0xF7A  }
0x23: {  	s9 =	sor.u32 $0xD0000000, s2;
	s6 =	simm.s32 $0x108;
	_ =	swait.ge @!p0 [sflag:s8], $0x0  }
0x24: {  	s3 =	sadd.s32 $0x88, s3;
	s6 =	simm.s32 @!p1 $0x1082;
	[sflag:s4] =	ssyncset.s32 $0xFFFFF086  }
0x25: {  	[simem:s6], [sflag:s4] =	dma.local [hbm:s3], $0xF7A  }
0x26: {  	[smem:$0x3F89] =	sst s1;
	(tag) =	ssettag s2;
	_ =	strace s9  }
0x27: {  	s1 =	sld [smem:$0x3F99]  }
0x28: {  	s2 =	sld [smem:$0x3F9A]  }
0x29: {  	s4 =	sld [smem:$0x3F9C]  }
0x2a: {  	p0 =	seq.s32 s5, $0x0;
	s5 =	sld [smem:$0x3F9D]  }
0x2b: {  	s6 =	sld [smem:$0x3F9E]  }
0x2c: {  	s7 =	sld [smem:$0x3F9F]  }
0x2d: {  	s3 =	simm.s32 $0x108;
	s8 =	sld [smem:$0x3FA0]  }
0x2e: {  	s3 =	simm.s32 @!p0 $0x1082;
	s9 =	sld [smem:$0x3FA1]  }
0x2f: {  	lr =	sadd.s32 s0, s3;
	s0 =	sld [smem:$0x3F98]  }
0x30: {  	s3 =	sld [smem:$0x3F9B]  }
0x31: {  	[smem:$0x3FA4] =	sst s10  }
0x32: {  	s10 =	sld [smem:$0x3FA2];
	_ =	sdelay $0x3  }
0x33: {  	p0 =	seq.s32 s10, $0x1;
	s10 =	sld [smem:$0x3FA4];
	_ =	sdelay $0x3  }
0x34: {  	[smem:$0x3FA4] =	sst s10  }
0x35: {  	s10 =	sld [smem:$0x3FA3];
	_ =	sdelay $0x3  }
0x36: {  	p1 =	seq.s32 s10, $0x1;
	s10 =	sld [smem:$0x3FA4];
	_ =	sdelay $0x3  }
0x37: {  	[smem:$0x3FA4] =	sst s10  }
0x38: {  	s10 =	sld [smem:$0x3FA5]  }
0x39: {  	_ = 	snop;
	(pc) =	sbr.ind lr, $3  }
0x3a: {  	_ = 	snop  }
0x3b: {  	_ = 	snop  }
0x3c: {  	p2 =	seq.s32 s10, $0x1;
	s10 =	sld [smem:$0x3FA4]  }
0x3d: {  	_ =	shalt  }
0x3e: {  	_ =	shalt  }
0x3f: {  	_ =	shalt  }
0x40: {  	_ =	shalt  }
0x41: {  	_ =	shalt  }
0x42: {  	_ =	shalt  }
0x43: {  	_ =	shalt  }
0x44: {  	_ =	shalt  }
0x45: {  	_ =	shalt  }
0x46: {  	_ =	shalt  }
0x47: {  	_ =	shalt  }
0x48: {  	_ =	shalt  }
0x49: {  	_ =	shalt  }
0x4a: {  	_ =	shalt  }
0x4b: {  	_ =	shalt  }
0x4c: {  	_ =	shalt  }
0x4d: {  	_ =	shalt  }
0x4e: {  	_ =	shalt  }
0x4f: {  	_ =	shalt  }
0x50: {  	_ =	shalt  }
0x51: {  	_ =	shalt  }
0x52: {  	_ =	shalt  }
0x53: {  	_ =	shalt  }
0x54: {  	_ =	shalt  }
0x55: {  	_ =	shalt  }
0x56: {  	_ =	shalt  }
0x57: {  	_ =	shalt  }
0x58: {  	_ =	shalt  }
0x59: {  	_ =	shalt  }
0x5a: {  	_ =	shalt  }
0x5b: {  	_ =	shalt  }
0x5c: {  	_ =	shalt  }
0x5d: {  	_ =	shalt  }
0x5e: {  	_ =	shalt  }
0x5f: {  	_ =	shalt  }
0x60: {  	_ =	shalt  }
0x61: {  	_ =	shalt  }
0x62: {  	_ =	shalt  }
0x63: {  	_ =	shalt  }
0x64: {  	_ =	shalt  }
0x65: {  	_ =	shalt  }
0x66: {  	_ =	shalt  }
0x67: {  	_ =	shalt  }
0x68: {  	_ =	shalt  }
0x69: {  	_ =	shalt  }
0x6a: {  	_ =	shalt  }
0x6b: {  	_ =	shalt  }
0x6c: {  	_ =	shalt  }
0x6d: {  	_ =	shalt  }
0x6e: {  	_ =	shalt  }
0x6f: {  	_ =	shalt  }
0x70: {  	_ =	shalt  }
0x71: {  	_ =	shalt  }
0x72: {  	_ =	shalt  }
0x73: {  	_ =	shalt  }
0x74: {  	_ =	shalt  }
0x75: {  	_ =	shalt  }
0x76: {  	_ =	shalt  }
0x77: {  	_ =	shalt  }
0x78: {  	_ =	shalt  }
0x79: {  	_ =	shalt  }
0x7a: {  	_ =	shalt  }
0x7b: {  	_ =	shalt  }
0x7c: {  	_ =	shalt  }
0x7d: {  	_ =	shalt  }
0x7e: {  	_ =	shalt  }
0x7f: {  	_ =	shalt  }
0x80: {  	_ =	shalt  }
0x81: {  	_ =	shalt  }
0x82: {  	_ =	shalt  }
0x83: {  	_ =	shalt  }
0x84: {  	_ =	shalt  }
0x85: {  	_ =	shalt  }
0x86: {  	_ =	shalt  }
0x87: {  	_ =	shalt  }
.Lfunc_end0:
.L_simem_size_0:
called_computation.3_lowered:
.L_overlay_start_0:
0x88: {  	s2 =	sld [smem:$0x3FD9]  }
0x89: {  	s3 =	sld [smem:$0x3FFE];
	_ =	sdelay $0x1  }
0x8a: {  	s1 =	srdreg.scid  }
0x8b: {  	s0 =	sand.u32 $0x1, s1  }
0x8c: {  	s16 =	sshll.u32 s0, $0xA;
	s2 =	sadd.s32 s3, s2  }
0x8d: {  	s2 =	sadd.s32 s2, s16  }
0x8e: {  	[smem:$0x3FB0] =	sst s2  }
0x8f: {  	_ = 	snop  }
0x90: {  	(tm) =	ssettm $0x1  }
0x91: {  	s17 =	sld [smem:$0x3FFB];
	_ =	sdelay $0x3  }
0x92: {  	_ =	strace s17  }
0x93: {  	s2 =	sld [smem:$0x3FFC];
	_ =	sdelay $0x3  }
0x94: {  	_ =	strace s2  }
0x95: {  	s2 =	sld [smem:$0x3FFD];
	_ =	sdelay $0x3  }
0x96: {  	_ =	strace s2  }
0x97: {  	_ =	strace $0x8FFFFFFF  }
0x98: {  	s18 =	sld [smem:$0x3FDB];
	_ =	sdelay $0x1  }
0x99: {  	s19 =	simm.s32 $_scs_section_size  }
0x9a: {  	s4 =	simm.s32 $_size__tile_overlayer_lowered;
	s5 =	simm.s32 $_tile_overlayer_lowered  }
0x9b: {  	s22 =	simm.s32 $0x1BFF;
	s21 =	sshll.u32 s5, $0x1;
	s2 =	sadd.s32 s19, s18  }
0x9c: {  	s6 =	simm.s32 $0x0;
	s20 =	sshll.u32 s4, $0x1;
	s4 =	sadd.s32 s21, s2  }
0x9d: {  	[timem:s6], [sflag:s22] =	dma.local [hbm:s4], s20  }
0x9e: {  	_ =	swait.ge [sflag:s22], s20  }
0x9f: {  	s3 =	ssub.s32 $0x0, s20;
	[sflag:s22] =	ssyncset.done $0x0  }
0xa0: {  	[sflag:s22] =	ssyncadd.s32 s3;
	_ =	sdelay $0x1  }
0xa1: {  	s23 =	simm.s32 $0x1B8B  }
0xa2: {  	_ =	swait.ge [sflag:s23], $0x1  }
0xa3: {  	[sflag:s23] =	ssyncset.done $0x0  }
0xa4: {  	s25 =	simm.s32 $0x1B8E;
	s24 =	sld [smem:$0x3FFE];
	[sflag:s23] =	ssyncadd.s32 $0xFFFFFFFF  }
0xa5: {  	s26 =	simm.s32 $execute0_lowered;
	[smem:$0x3FD2] =	sst s25  }
0xa6: {  	s4 =	sshll.u32 s26, $0x1;
	_ =	strace $0x8000004F;
	[dreg:$0x1] =	wrdreg $0xFFFFFFFF  }
0xa7: {  	s28 =	simm.s32 $_size_execute0_lowered;
	s2 =	sadd.s32 s2, s4;
	[dreg:$0x0] =	wrdreg $0x0  }
0xa8: {  	s4 =	sshll.u32 s28, $0x1;
	[dreg:$0x2] =	wrdreg s2  }
0xa9: {  	[dreg:$0x3] =	wrdreg s4  }
0xaa: {  	[dreg:$0x4] =	wrdreg $0xC0  }
0xab: {  	_ =	task [dreg:s6], $0x5FFFF  }
0xac: {  	[dreg:$0x1] =	wrdreg $0xFFFFFFFF  }
0xad: {  	[dreg:$0x0] =	wrdreg $0x60  }
0xae: {  	[dreg:$0x2] =	wrdreg s24  }
0xaf: {  	[dreg:$0x3] =	wrdreg $0x0  }
0xb0: {  	[dreg:$0x4] =	wrdreg $0x9  }
0xb1: {  	_ =	task.clear_ibuf [dreg:s6], $0x5FFFF;
	_ =	strace $0x9000004F  }
0xb2: {  	s29 =	simm.s32 $0x9;
	_ =	strace $0x80000051  }
0xb3: {  	_ =	swait.ge [sflag:s29], $0x1  }
0xb4: {  	[sflag:s29] =	ssyncadd.s32 $0xFFFFFFFF  }
0xb5: {  	_ =	strace $0x90000051  }
0xb6: {  	_ =	sfence  }
0xb7: {  	s30 =	sld [smem:$0x0];
	_ =	sdelay $0x2  }
0xb8: {  	s31 =	sshll.u32 s1, $0xD;
	s1 =	sshrl.u32 s1, $0x2  }
0xb9: {  	s3 =	sand.u32 $0x4000, s31;
	s1 =	sadd.s32 s1, s30  }
0xba: {  	s0 =	sor.u32 s3, s0;
	s1 =	sshll.u32 s1, $0x11  }
0xbb: {  	s0 =	sor.u32 s1, s0  }
0xbc: {  	s0 =	sadd.s32 $0x8F2B, s0  }
0xbd: {  	[sflag:s0] =	ssyncadd.remote.s32 $0x1  }
0xbe: {  	_ =	sfence.sel $0xFFFF  }
0xbf: {  	[dreg:$0x0] =	wrdreg $0xFFFFFFFF;
	(pc) =	sbr.abs _section_cstart, $3  }
0xc0: {  	[dreg:$0x1] =	wrdreg $0xFFFFFFFF  }
0xc1: {  	_ =	task.clear_ibuf [dreg:s6], $0x2FFFF;
	_ =	strace $0x9FFFFFFF  }
0xc2: {  	(tm) =	ssettm $0x7FFFFFFF  }
0xc3: {  	_ =	shalt  }
tec
execute0_lowered:
.L_overlay_start_1:
0x0: {  	(tag) =	ssettag $0x1  }
0x1: {  	s0 =	srdreg.scid;
	s1 =	rddreg [dreg:$0x0]  }
0x2: {  	s11 =	stileid.u32;
	s2 =	rddreg [dreg:$0x1];
	s3 =	simm.s32 $0x0  }
0x3: {  	s28 =	simm.s32 $0x13C00;
	s29 =	simm.s32 $0x13C80;
	s5 =	smul.u32 $0x13C00, s11  }
0x4: {  	s30 =	simm.s32 $0x13D00;
	s31 =	simm.s32 $0x13D80;
	s7 =	smul.u32 $0x4F000, s11  }
0x5: {  	s0 =	sand.u32 $0x1, s0;
	[smem:$0x7FF] =	sst s3;
	s14 =	smul.u32 $0x6900, s11  }
0x6: {  	s17 =	sadd.s32 $0x5210, s1;
	s4 =	smul.u32 $0x140000, s0;
	_ =	strace $0x80000050  }
0x7: {  	s8 =	ssub.s32 $0x2, s0;
	s9 =	sshll.u32 s0, $0x4;
	s0 =	smul.u32 $0x69000, s0  }
0x8: {  	s7 =	sshrl.u32 s7, $0x2;
	s10 =	sshrl.u32 s8, $0x1;
	s9 =	sor.u32 s11, s9  }
0x9: {  	s11 =	simm.s32 $0xA;
	s4 =	sadd.s32 s5, s4;
	s5 =	sadd.s32 $0x5200, s1  }
0xa: {  	s12 =	sadd.s32 s7, s2;
	s21 =	ssub.s32 s8, s10;
	s23 =	smul.u32 $0x6900, s9  }
0xb: {  	s0 =	sadd.s32 s14, s0;
	s22 =	sadd.s32 $0x3000, s12;
	[dreg:$0x3] =	wrdreg s12  }
0xc: {  	s7 =	simm.s32 $0x60;
	s24 =	sadd.s32 $0x6000, s12;
	[dreg:$0x4] =	wrdreg s22  }
0xd: {  	s9 =	simm.s32 $0x16F00;
	s25 =	sadd.s32 $0x9000, s12;
	[dreg:$0x5] =	wrdreg s24  }
0xe: {  	s14 =	simm.s32 $0x6;
	s26 =	sadd.s32 $0xC000, s12;
	[dreg:$0x6] =	wrdreg s25  }
0xf: {  	s6 =	sshrl.u32 s4, $0x3;
	s10 =	sadd.s32 $0xF000, s12;
	[dreg:$0x7] =	wrdreg s26  }
0x10: {  	s4 =	sadd.s32 $0x1F600, s1;
	s12 =	sadd.s32 $0x12000, s12;
	[dreg:$0x8] =	wrdreg s10  }
0x11: {  	s20 =	smax.u32 s21, $0x1;
	s21 =	sadd.s32 $0x400, s0;
	[dreg:$0x9] =	wrdreg s12  }
0x12: {  	s6 =	sadd.s32 s6, s1;
	s8 =	sshrl.u32 s23, $0x3;
	[dreg:$0x10] =	wrdreg s20  }
0x13: {  	s22 =	sadd.s32 $0x500, s0;
	s23 =	sadd.s32 $0x200, s0;
	s0 =	sadd.s32 $0x300, s0  }
0x14: {  	s10 =	simm.s32 $0x1;
	s12 =	simm.s32 $0x13E80;
	s20 =	simm.s32 $0x3  }
0x15: {  	s13 =	sadd.s32 s5, s8;
	s1 =	sadd.s32 s8, s17;
	s19 =	sadd.s32 $0x47600, s6  }
0x16: {  	s24 =	sshrl.u32 s22, $0x3;
	s25 =	sshrl.u32 s23, $0x3;
	[dreg:$0x12] =	wrdreg s0  }
0x17: {  	s23 =	smov.u32 s17;
	s0 =	simm.s32 $0x4;
	s8 =	simm.s32 $0x5  }
0x18: {  	s22 =	simm.s32 $0xC;
	s6 =	simm.s32 $0x0;
	[dreg:$0xd] =	wrdreg s1  }
0x19: {  	s15 =	sadd.s32 $0x20, s13;
	s16 =	sadd.s32 $0x40, s13;
	[dreg:$0xa] =	wrdreg s13  }
0x1a: {  	s18 =	sadd.s32 $0x30, s13;
	[dreg:$0xf] =	wrdreg s19;
	s1 =	sshrl.u32 s21, $0x3  }
0x1b: {  	s21 =	smov.u32 s5;
	s26 =	sadd.s32 s24, s5;
	s24 =	sadd.s32 s25, s17  }
.Ltmp0:
0x1c: {  	s25 =	simm.s32 $0x13F00;
	[dreg:$0xb] =	wrdreg s15;
	(pc) =	sbr.rel .LBB2_1-.Ltmp0, $4  }
0x1d: {  	s17 =	simm.s32 $0x2;
	s19 =	simm.s32 $0x7;
	[dreg:$0xc] =	wrdreg s16  }
0x1e: {  	s13 =	simm.s32 $0x8;
	[dreg:$0xe] =	wrdreg s18;
	s1 =	sadd.s32 s1, s5  }
0x1f: {  	[dreg:$0x13] =	wrdreg s26;
	s16 =	simm.s32 $0xD;
	s15 =	simm.s32 $0x19F00  }
0x20: {  	v0 =	vimm.f32 $0.0e+00;
	s18 =	simm.s32 $0xB;
	[dreg:$0x11] =	wrdreg s1;
	s1 =	simm.s32 $0x13E00  }
.LBB2_6:
0x21: {  	_ =	swait.ge [sflag:s17], $0x3000  }
0x22: {  	[sflag:s17] =	ssyncset.done $0x0  }
0x23: {  	[sflag:s17] =	ssyncadd.s32 $0xFFFFD000  }
0x24: {  	_ =	swait.ge [sflag:s18], $0x80  }
0x25: {  	[sflag:s18] =	ssyncset.done $0x0  }
0x26: {  	[sflag:s18] =	ssyncadd.s32 $0xFFFFFF80  }
0x27: {  	[spmem:s2] =	stream.indirect.scatter.add.f32 [tilespmem:s9], [sflag:$0x8], $0x80, s1, s7, $0xb8;
	[tilespmem:$0x1CF00] =	vst v63  }
0x28: {  	_ =	swait.ge [sflag:s19], $0x3000  }
0x29: {  	[sflag:s19] =	ssyncset.done $0x0  }
0x2a: {  	[sflag:s19] =	ssyncadd.s32 $0xFFFFD000  }
0x2b: {  	_ =	swait.ge [sflag:s20], $0x3000  }
0x2c: {  	[sflag:s20] =	ssyncset.done $0x0  }
0x2d: {  	[sflag:s20] =	ssyncadd.s32 $0xFFFFD000  }
0x2e: {  	_ =	swait.ge [sflag:s22], $0x80  }
0x2f: {  	[sflag:s22] =	ssyncset.done $0x0  }
0x30: {  	[sflag:s22] =	ssyncadd.s32 $0xFFFFFF80  }
0x31: {  	[spmem:s2] =	stream.indirect.scatter.add.f32 [tilespmem:s15], [sflag:$0x9], $0x80, s12, s7, $0xb8;
	[tilespmem:$0x1CF00] =	vst v63  }
0x32: {  	_ =	swait.ge [sflag:s13], $0x3000  }
0x33: {  	[sflag:s13] =	ssyncset.done $0x0  }
0x34: {  	s5 =	simm.s32 $0x9;
	[sflag:s13] =	ssyncadd.s32 $0xFFFFD000  }
0x35: {  	_ =	swait.ge [sflag:s5], $0x3000  }
0x36: {  	[sflag:s5] =	ssyncset.done $0x0  }
0x37: {  	[sflag:s5] =	ssyncadd.s32 $0xFFFFD000  }
0x38: {  	s26 =	stileid.u32;
	[bflag:$0x0] =	sbarrier.arrive $0xFFFF  }
0x39: {  	s5 =	sshll.u32 s26, $0x6;
	s6 =	rddreg [dreg:$0x3]  }
0x3a: {  	s5 =	sor.u32 $0x1C0D, s5;
	s16 =	rddreg [dreg:$0xf];
	s6 =	sshrl.u32 s6, $0x3  }
0x3b: {  	[hbm:s16], [sflag:s5] =	dma.local [spmem:s6], $0x2780  }
0x3c: {  	s16 =	simm.s32 $0xD  }
0x3d: {  	_ =	swait.ge [sflag:s16], $0x2780  }
0x3e: {  	s5 =	rddreg [dreg:$0x14]  }
0x3f: {  	s26 =	rddreg [dreg:$0x10];
	s6 =	sadd.s32 $0x1, s5  }
0x40: {  	p0 =	sne.s32 s6, s26  }
.Ltmp1:
0x41: {  	_ = 	snop;
	(pc) =	sbr.rel @!p0 .LBB2_7-.Ltmp1, $3  }
0x42: {  	_ =	sdelay $0x1  }
0x43: {  	[sflag:s16] =	ssyncset.done $0x0  }
0x44: {  	[sflag:s16] =	ssyncadd.s32 $0xFFFFD880  }
.LBB2_1:
0x45: {  	[dreg:$0x14] =	wrdreg s6;
	s6 =	simm.s32 $0x0;
	s26 =	simm.s32 $0x200  }
.LBB2_2:
0x46: {  	p0 =	sne.s32 s26, $0xBE00;
	[tilespmem:s6+$0x13F70] =	vst v0  }
0x47: {  	[tilespmem:s6+$0x13F00] =	vst v0  }
0x48: {  	[tilespmem:s6+$0x13F10] =	vst v0  }
.Ltmp2:
0x49: {  	[tilespmem:s6+$0x13F20] =	vst v0;
	(pc) =	sbr.rel @p0 .LBB2_2-.Ltmp2, $4  }
0x4a: {  	[tilespmem:s6+$0x13F30] =	vst v0  }
0x4b: {  	[tilespmem:s6+$0x13F40] =	vst v0  }
0x4c: {  	[tilespmem:s6+$0x13F50] =	vst v0  }
0x4d: {  	[tilespmem:s6+$0x13F60] =	vst v0;
	s6 =	sshra.s32 s26, $0x2;
	s26 =	sadd.s32 $0x200, s26  }
0x4e: {  	[tilespmem:s6+$0x13F70] =	vst v0  }
0x4f: {  	[tilespmem:s6+$0x13F00] =	vst v0  }
0x50: {  	[tilespmem:s6+$0x13F10] =	vst v0  }
0x51: {  	[tilespmem:s6+$0x13F20] =	vst v0  }
0x52: {  	[tilespmem:s6+$0x13F30] =	vst v0  }
0x53: {  	[tilespmem:s6+$0x13F40] =	vst v0  }
0x54: {  	[tilespmem:s6+$0x13F50] =	vst v0  }
0x55: {  	[tilespmem:s6+$0x13F60] =	vst v0;
	s5 =	rddreg [dreg:$0x3]  }
0x56: {  	[spmem:s5] =	stream.linear.scatter [tilespmem:s25], [sflag:$0xD], $0x3000, $0x38;
	[tilespmem:$0x1CF00] =	vst v63  }
0x57: {  	_ =	swait.ge [sflag:s16], $0x3000  }
0x58: {  	[sflag:s16] =	ssyncset.done $0x0  }
0x59: {  	s26 =	rddreg [dreg:$0x4];
	[sflag:s16] =	ssyncadd.s32 $0xFFFFD000  }
0x5a: {  	[spmem:s26] =	stream.linear.scatter [tilespmem:s25], [sflag:$0xD], $0x3000, $0x38;
	[tilespmem:$0x1CF00] =	vst v63  }
0x5b: {  	_ =	swait.ge [sflag:s16], $0x3000  }
0x5c: {  	[sflag:s16] =	ssyncset.done $0x0  }
0x5d: {  	s6 =	rddreg [dreg:$0x5];
	[sflag:s16] =	ssyncadd.s32 $0xFFFFD000  }
0x5e: {  	[spmem:s6] =	stream.linear.scatter [tilespmem:s25], [sflag:$0xD], $0x3000, $0x38;
	[tilespmem:$0x1CF00] =	vst v63  }
0x5f: {  	_ =	swait.ge [sflag:s16], $0x3000  }
0x60: {  	[sflag:s16] =	ssyncset.done $0x0  }
0x61: {  	s26 =	rddreg [dreg:$0x6];
	[sflag:s16] =	ssyncadd.s32 $0xFFFFD000  }
0x62: {  	[spmem:s26] =	stream.linear.scatter [tilespmem:s25], [sflag:$0xD], $0x3000, $0x38;
	[tilespmem:$0x1CF00] =	vst v63  }
0x63: {  	_ =	swait.ge [sflag:s16], $0x3000  }
0x64: {  	[sflag:s16] =	ssyncset.done $0x0  }
0x65: {  	s6 =	rddreg [dreg:$0x7];
	[sflag:s16] =	ssyncadd.s32 $0xFFFFD000  }
0x66: {  	[spmem:s6] =	stream.linear.scatter [tilespmem:s25], [sflag:$0xD], $0x3000, $0x38;
	[tilespmem:$0x1CF00] =	vst v63  }
0x67: {  	_ =	swait.ge [sflag:s16], $0x3000  }
0x68: {  	[sflag:s16] =	ssyncset.done $0x0  }
0x69: {  	s26 =	rddreg [dreg:$0x8];
	[sflag:s16] =	ssyncadd.s32 $0xFFFFD000  }
0x6a: {  	[spmem:s26] =	stream.linear.scatter [tilespmem:s25], [sflag:$0xD], $0x3000, $0x38;
	[tilespmem:$0x1CF00] =	vst v63  }
0x6b: {  	_ =	swait.ge [sflag:s16], $0x3000  }
0x6c: {  	[sflag:s16] =	ssyncset.done $0x0  }
0x6d: {  	s6 =	rddreg [dreg:$0x9];
	[sflag:s16] =	ssyncadd.s32 $0xFFFFD000  }
0x6e: {  	[spmem:s6] =	stream.linear.scatter [tilespmem:s25], [sflag:$0xD], $0x1C00, $0x38;
	[tilespmem:$0x1CF00] =	vst v63  }
0x6f: {  	_ =	swait.ge [sflag:s16], $0x1C00  }
0x70: {  	[sflag:s16] =	ssyncset.done $0x0  }
0x71: {  	[sflag:s16] =	ssyncadd.s32 $0xFFFFE400  }
0x72: {  	[bflag:$0x0] =	sbarrier.arrive $0xFFFF  }
0x73: {  	s6 =	simm.s32 $0x0;
	s26 =	rddreg [dreg:$0xa]  }
0x74: {  	[tilespmem:s28], [sflag:$0x4] =	stream.linear.gather [hbm4b:s26+s6], $0x80, $0x38;
	[tilespmem:$0x1CF00] =	vst v63  }
0x75: {  	s16 =	rddreg [dreg:$0xb]  }
0x76: {  	[tilespmem:s29], [sflag:$0x5] =	stream.linear.gather [hbm4b:s16+s6], $0x80, $0x38;
	[tilespmem:$0x1CF00] =	vst v63  }
0x77: {  	s26 =	rddreg [dreg:$0xc]  }
0x78: {  	[tilespmem:s30], [sflag:$0x6] =	stream.linear.gather [hbm4b:s26+s6], $0x80, $0x38;
	[tilespmem:$0x1CF00] =	vst v63  }
0x79: {  	s16 =	rddreg [dreg:$0xd]  }
0x7a: {  	[tilespmem:s31], [sflag:$0xA] =	stream.linear.gather [hbm4b:s16+s6], $0x80, $0x38;
	[tilespmem:$0x1CF00] =	vst v63  }
0x7b: {  	s26 =	rddreg [dreg:$0xe]  }
0x7c: {  	[tilespmem:s1], [sflag:$0xB] =	stream.linear.gather [hbm4b:s26+s6], $0x80, $0x38;
	[tilespmem:$0x1CF00] =	vst v63  }
0x7d: {  	_ =	swait.ge [sflag:s0], $0x80  }
0x7e: {  	[sflag:s0] =	ssyncset.done $0x0  }
0x7f: {  	[sflag:s0] =	ssyncadd.s32 $0xFFFFFF80  }
0x80: {  	[tilespmem:s25], [sflag:$0x1] =	stream.indirect.gather [hbm4b:s4+s7], $0x80, s28, s7, $0xb8;
	[tilespmem:$0x1CF00] =	vst v63  }
0x81: {  	_ =	swait.ge [sflag:s8], $0x80  }
0x82: {  	[sflag:s8] =	ssyncset.done $0x0  }
0x83: {  	s26 =	rddreg [dreg:$0x12];
	[sflag:s8] =	ssyncadd.s32 $0xFFFFFF80  }
0x84: {  	[tilespmem:s9], [sflag:$0x2] =	stream.indirect.gather [hbm4b:s4+s7], $0x80, s29, s7, $0xb8;
	[tilespmem:$0x1CF00] =	vst v63  }
.LBB2_4:
0x85: {  	_ =	swait.ge [sflag:s10], $0x3000  }
0x86: {  	[sflag:s10] =	ssyncset.done $0x0  }
0x87: {  	[sflag:s10] =	ssyncadd.s32 $0xFFFFD000  }
0x88: {  	_ =	swait.ge [sflag:s11], $0x80  }
0x89: {  	p0 =	seq.s32 s6, $0x0;
	[sflag:s11] =	ssyncset.done $0x0  }
0x8a: {  	s5 =	simm.s32 @!p0 $0x9;
	[sflag:s11] =	ssyncadd.s32 $0xFFFFFF80  }
0x8b: {  	[spmem:s2] =	stream.indirect.scatter.add.f32 [tilespmem:s25], [sflag:$0x7], $0x80, s31, s7, $0xb8;
	[tilespmem:$0x1CF00] =	vst v63  }
0x8c: {  	_ =	swait.ge @!p0 [sflag:s5], $0x3000  }
0x8d: {  	[sflag:s5] =	ssyncset.done @!p0 $0x0  }
0x8e: {  	s16 =	sadd.s32 s6, s24;
	[sflag:s5] =	ssyncadd.s32 @!p0 $0xFFFFD000;
	p0 =	seq.s32 s6, $0xCC0  }
0x8f: {  	[tilespmem:s12], [sflag:$0xC] =	stream.linear.gather [hbm4b:s16+s3], $0x80, $0x38;
	[tilespmem:$0x1CF00] =	vst v63  }
.Ltmp3:
0x90: {  	_ = 	snop;
	(pc) =	sbr.rel @p0 .LBB2_6-.Ltmp3, $4  }
0x91: {  	_ =	swait.ge [sflag:s14], $0x80  }
0x92: {  	[sflag:s14] =	ssyncset.done $0x0  }
0x93: {  	[sflag:s14] =	ssyncadd.s32 $0xFFFFFF80  }
0x94: {  	[tilespmem:s15], [sflag:$0x3] =	stream.indirect.gather [hbm4b:s4+s7], $0x80, s30, s7, $0xb8;
	[tilespmem:$0x1CF00] =	vst v63  }
0x95: {  	s5 =	sshrl.u32 s26, $0x3  }
0x96: {  	s16 =	sadd.s32 s21, s5  }
0x97: {  	[tilespmem:s28], [sflag:$0x4] =	stream.linear.gather [hbm4b:s16+s3], $0x80, $0x38;
	[tilespmem:$0x1CF00] =	vst v63  }
0x98: {  	_ =	swait.ge [sflag:s17], $0x3000  }
0x99: {  	[sflag:s17] =	ssyncset.done $0x0  }
0x9a: {  	[sflag:s17] =	ssyncadd.s32 $0xFFFFD000  }
0x9b: {  	_ =	swait.ge [sflag:s18], $0x80  }
0x9c: {  	[sflag:s18] =	ssyncset.done $0x0  }
0x9d: {  	[sflag:s18] =	ssyncadd.s32 $0xFFFFFF80  }
0x9e: {  	[spmem:s2] =	stream.indirect.scatter.add.f32 [tilespmem:s9], [sflag:$0x8], $0x80, s1, s7, $0xb8;
	[tilespmem:$0x1CF00] =	vst v63  }
0x9f: {  	_ =	swait.ge [sflag:s19], $0x3000  }
0xa0: {  	[sflag:s19] =	ssyncset.done $0x0  }
0xa1: {  	s5 =	sadd.s32 s5, s23;
	[sflag:s19] =	ssyncadd.s32 $0xFFFFD000  }
0xa2: {  	[tilespmem:s31], [sflag:$0xA] =	stream.linear.gather [hbm4b:s5+s3], $0x80, $0x38;
	[tilespmem:$0x1CF00] =	vst v63  }
0xa3: {  	_ =	swait.ge [sflag:s0], $0x80  }
0xa4: {  	[sflag:s0] =	ssyncset.done $0x0  }
0xa5: {  	s16 =	rddreg [dreg:$0x11];
	[sflag:s0] =	ssyncadd.s32 $0xFFFFFF80  }
0xa6: {  	[tilespmem:s25], [sflag:$0x1] =	stream.indirect.gather [hbm4b:s4+s7], $0x80, s28, s7, $0xb8;
	[tilespmem:$0x1CF00] =	vst v63  }
0xa7: {  	s5 =	sadd.s32 s6, s16  }
0xa8: {  	[tilespmem:s29], [sflag:$0x5] =	stream.linear.gather [hbm4b:s5+s3], $0x80, $0x38;
	[tilespmem:$0x1CF00] =	vst v63  }
0xa9: {  	_ =	swait.ge [sflag:s20], $0x3000  }
0xaa: {  	[sflag:s20] =	ssyncset.done $0x0  }
0xab: {  	[sflag:s20] =	ssyncadd.s32 $0xFFFFD000  }
0xac: {  	_ =	swait.ge [sflag:s22], $0x80  }
0xad: {  	[sflag:s22] =	ssyncset.done $0x0  }
0xae: {  	[sflag:s22] =	ssyncadd.s32 $0xFFFFFF80  }
0xaf: {  	[spmem:s2] =	stream.indirect.scatter.add.f32 [tilespmem:s15], [sflag:$0x9], $0x80, s12, s7, $0xb8;
	[tilespmem:$0x1CF00] =	vst v63  }
0xb0: {  	_ =	swait.ge [sflag:s13], $0x3000  }
0xb1: {  	[sflag:s13] =	ssyncset.done $0x0  }
0xb2: {  	s5 =	sadd.s32 $0x10, s5;
	[sflag:s13] =	ssyncadd.s32 $0xFFFFD000  }
0xb3: {  	[tilespmem:s1], [sflag:$0xB] =	stream.linear.gather [hbm4b:s5+s3], $0x80, $0x38;
	[tilespmem:$0x1CF00] =	vst v63  }
0xb4: {  	_ =	swait.ge [sflag:s8], $0x80  }
.Ltmp4:
0xb5: {  	[sflag:s8] =	ssyncset.done $0x0;
	(pc) =	sbr.rel .LBB2_4-.Ltmp4, $4  }
0xb6: {  	s16 =	rddreg [dreg:$0x13];
	[sflag:s8] =	ssyncadd.s32 $0xFFFFFF80  }
0xb7: {  	[tilespmem:s9], [sflag:$0x2] =	stream.indirect.gather [hbm4b:s4+s7], $0x80, s29, s7, $0xb8;
	[tilespmem:$0x1CF00] =	vst v63  }
0xb8: {  	s26 =	sadd.s32 $0x300, s26;
	s5 =	sadd.s32 s6, s16;
	s6 =	sadd.s32 $0x60, s6  }
0xb9: {  	[tilespmem:s30], [sflag:$0x6] =	stream.linear.gather [hbm4b:s5+s3], $0x80, $0x38;
	[tilespmem:$0x1CF00] =	vst v63  }
.LBB2_7:
0xba: {  	_ =	sfence.sel $0x180000  }
0xbb: {  	[bflag:$0x0] =	sbarrier.arrive $0xFFFF  }
0xbc: {  	_ =	strace $0x90000050  }
0xbd: {  	s0 =	stileid.u32;
	[bflag:$0x2] =	sbarrier.arrive $0xFFFF  }
0xbe: {  	p0 =	sne.s32 s0, $0x0;
	s0 =	rddreg [dreg:$0x2]  }
0xbf: {  	s0 =	sadd.s32 @!p0 $0x100000, s0  }
0xc0: {  	[sflag:s0] =	ssyncadd.tile.s32 @!p0 $0x1;
	_ =	shalt  }
.Lfunc_end2:
_tile_overlayer_lowered:
.L_overlay_start_2:
0xc1: {  	(tag) =	ssettag $0x2  }
0xc2: {  	s0 =	rddreg [dreg:$0x0];
	s2 =	stileid.u32  }
0xc3: {  	s1 =	rddreg [dreg:$0x1];
	p0 =	sne.s32 s2, $0x0  }
0xc4: {  	s3 =	rddreg [dreg:$0x2];
	[bflag:$0x3] =	sbarrier.arrive $0xFFFF;
	s2 =	simm.s32 @!p0 $0x1C0D  }
0xc5: {  	[timem:s3], [sflag:s2] =	dma.local @!p0 [hbm:s0], s1  }
0xc6: {  	s0 =	simm.s32 @!p0 $0xD  }
0xc7: {  	_ =	swait.ge @!p0 [sflag:s0], s1  }
0xc8: {  	s1 =	ssub.s32 @!p0 $0x0, s1;
	[sflag:s0] =	ssyncset.done @!p0 $0x0  }
0xc9: {  	[sflag:s0] =	ssyncadd.s32 @!p0 s1  }
0xca: {  	[bflag:$0x3] =	sbarrier.arrive $0xFFFF  }
0xcb: {  	_ =	shalt  }

</sc_bundles>
